<compile_context>
chip_gen: v7x
topology: tpu7x:2x2x1
jax: 0.10.2.dev20260603
libtpu: 0.0.44.dev20260713+nightly
codegen_flags: <defaults>
</compile_context>

<pallas_src>
import functools

import jax
import jax.numpy as jnp
from jax import lax
from jax.experimental import pallas as pl
from jax.experimental.pallas import tpu as pltpu
from jax.experimental.pallas import tpu_sc as plsc

N_ROWS = 1_000_000
EMBED_DIM = 32
BATCH = 16384
HIST = 50

NUM_CORES = 2
NUM_SUBCORES = 16
NUM_WORKERS = NUM_CORES * NUM_SUBCORES
LANES = 16

B_PER_W = BATCH // NUM_WORKERS
SUB = 16


def _make_gather():
    mesh = plsc.VectorSubcoreMesh(core_axis_name="c", subcore_axis_name="s")

    @functools.partial(
        pl.kernel,
        mesh=mesh,
        out_type=jax.ShapeDtypeStruct((HIST, EMBED_DIM, BATCH), jnp.float32),
        scratch_types=[
            pltpu.VMEM((B_PER_W, HIST), jnp.float32),
            pltpu.VMEM((HIST, B_PER_W), jnp.int32),
            pltpu.VMEM((B_PER_W, EMBED_DIM), jnp.float32),
            pltpu.VMEM((B_PER_W, EMBED_DIM), jnp.float32),
            pltpu.VMEM((EMBED_DIM, B_PER_W + 1), jnp.float32),
            pltpu.VMEM((EMBED_DIM, B_PER_W + 1), jnp.float32),
            pltpu.SemaphoreType.DMA,
            pltpu.SemaphoreType.DMA,
            pltpu.SemaphoreType.DMA,
            pltpu.SemaphoreType.DMA,
        ],
        compiler_params=pltpu.CompilerParams(
            use_tc_tiling_on_sc=False, needs_layout_passes=False,
            disable_bounds_checks=True),
    )
    def gather_kernel(x_hbm, table_hbm, out_hbm, idx_v, idxt_v, rows0, rows1,
                      trans0, trans1, g0, g1, w0, w1):
        wid = lax.axis_index("s") * NUM_CORES + lax.axis_index("c")
        b0 = wid * B_PER_W
        rows = (rows0, rows1)
        trans = (trans0, trans1)
        gsem = (g0, g1)
        wsem = (w0, w1)
        lane = lax.broadcasted_iota(jnp.int32, (LANES,), 0)

        pltpu.sync_copy(x_hbm.at[pl.ds(b0, B_PER_W), :], idx_v)

        def it_body(j, carry):
            col = jnp.full((LANES,), j, jnp.int32)
            for l0 in range(0, B_PER_W, LANES):
                v = plsc.load_gather(idx_v, [lane + l0, col])
                idxt_v[j, pl.ds(l0, LANES)] = plsc.bitcast(v, jnp.int32)
            return carry

        lax.fori_loop(0, HIST, it_body, 0, unroll=False)

        def gstart(j, b):
            pltpu.async_copy(table_hbm.at[idxt_v.at[j]], rows[b], gsem[b])

        def gwait(j, b):
            pltpu.make_async_copy(table_hbm.at[idxt_v.at[j]], rows[b],
                                  gsem[b]).wait()

        def transpose(j, b):
            def b_body(bb, carry):
                for s in range(SUB):
                    brow = bb * SUB + s
                    col = jnp.full((LANES,), brow, jnp.int32)
                    for c0 in (0, LANES):
                        v = rows[b][brow, pl.ds(c0, LANES)]
                        plsc.store_scatter(trans[b], [lane + c0, col], v)
                return carry

            lax.fori_loop(0, B_PER_W // SUB, b_body, 0, unroll=False)

        def wstart(j, b):
            pltpu.async_copy(
                trans[b].at[:, pl.ds(0, B_PER_W)],
                out_hbm.at[j, :, pl.ds(b0, B_PER_W)], wsem[b])

        def wwait(j, b):
            pltpu.make_async_copy(
                trans[b].at[:, pl.ds(0, B_PER_W)],
                out_hbm.at[j, :, pl.ds(b0, B_PER_W)], wsem[b]).wait()

        def step(j, b, nxt, prev):
            gwait(j, b)
            if nxt is not None:
                gstart(nxt, 1 - b)
            if prev is not None:
                wwait(prev, b)
            transpose(j, b)
            wstart(j, b)

        gstart(0, 0)
        step(0, 0, 1, None)
        step(1, 1, 2, None)

        def pair_body(j2, carry):
            j = 2 * j2
            step(j, 0, j + 1, j - 2)
            step(j + 1, 1, j + 2, j - 1)
            return carry

        lax.fori_loop(1, HIST // 2 - 1, pair_body, 0, unroll=False)
        step(HIST - 2, 0, HIST - 1, HIST - 4)
        step(HIST - 1, 1, None, HIST - 3)
        wwait(HIST - 2, 0)
        wwait(HIST - 1, 1)

    return gather_kernel


_gather = _make_gather()


def kernel(x, W):
    x_bits = lax.bitcast_convert_type(x.astype(jnp.int32), jnp.float32)
    out_t = _gather(x_bits, W)
    return lax.transpose(out_t, (2, 0, 1))

# --- scband reference (transcript-rebuilt; emitter-appended) ---
"""Pipeline reference for scband-euclidean-embedding-38311108280782 (READ-ONLY COPY).

The authoritative reference and input builder live on the scoring server;
editing this copy changes nothing except your own understanding.
"""

import jax, jax.numpy as jnp
import numpy as np

N_EXEMPLE = 1000000
EMBED_DIM = 32
BATCH = 16384
HIST = 50

def setup_inputs(seed: int = 0) -> dict:
    key = jax.random.key(seed)
    k_idx, k_w = jax.random.split(key)
    x = jax.random.randint(k_idx, (BATCH, HIST), 0, N_EXEMPLE, dtype=jnp.int64 if jax.config.jax_enable_x64 else jnp.int32)
    W = jax.random.normal(k_w, (N_EXEMPLE, EMBED_DIM), dtype=jnp.float32)
    return {"x": x, "W": W}

def reference(x, W):
    # EuclideanEmbedding.forward: return self.W(x) -- embedding lookup
    return jnp.take(W, x, axis=0)

if __name__ == "__main__":
    import jax
    _d = setup_inputs()
    print(jax.jit(kernel)(*tuple(_d.values())))

</pallas_src>

<mosaic_0001>
#map = affine_map<(d0, d1) -> (0, 0)>
#map1 = affine_map<(d0, d1) -> (0, 0, 0)>
module attributes {stable_mosaic.version = 14 : i64} {
  func.func @gather_kernel(%arg0: i32, %arg1: i32, %arg2: memref<16384x50xf32, #tpu.memory_space<hbm>>, %arg3: memref<1000000x32xf32, #tpu.memory_space<hbm>>, %arg4: memref<50x32x16384xf32, #tpu.memory_space<hbm>>, %arg5: memref<512x50xf32, #tpu.memory_space<vmem>>, %arg6: memref<50x512xi32, #tpu.memory_space<vmem>>, %arg7: memref<512x32xf32, #tpu.memory_space<vmem>>, %arg8: memref<512x32xf32, #tpu.memory_space<vmem>>, %arg9: memref<32x513xf32, #tpu.memory_space<vmem>>, %arg10: memref<32x513xf32, #tpu.memory_space<vmem>>, %arg11: memref<!tpu.dma_semaphore, #tpu.memory_space<semaphore_mem>>, %arg12: memref<!tpu.dma_semaphore, #tpu.memory_space<semaphore_mem>>, %arg13: memref<!tpu.dma_semaphore, #tpu.memory_space<semaphore_mem>>, %arg14: memref<!tpu.dma_semaphore, #tpu.memory_space<semaphore_mem>>) attributes {dimension_semantics = [#tpu.dimension_semantics<core_parallel>, #tpu.dimension_semantics<subcore_parallel>], iteration_bounds = array<i64: 2, 16>, scalar_prefetch = 0 : i64, scratch_operands = 10 : i64, tpu.core_type = #tpu.core_type<sc_vector_subcore>, window_params = [{transform_indices = #map}, {transform_indices = #map}, {transform_indices = #map1}]} {
    %mul3A = arith.constant 2 : i32
    %mul3A_0 = arith.muli %arg1, %mul3A : i32
    %add3A = arith.addi %mul3A_0, %arg0 : i32
    %mul3A_1 = arith.constant 512 : i32
    %mul3A_2 = arith.muli %add3A, %mul3A_1 : i32
    %iota3A = tpu.iota {dimensions = array<i32: 0>} : vector<16xi32>
    "tpu.region"() ({
      %run_scoped3A = tpu.sem_alloc : memref<!tpu.dma_semaphore, #tpu.memory_space<semaphore_mem>>
      %dma_start3A_196 = arith.constant 0 : i32
      %dma_start3A_197 = tpu.memref_slice %arg2[%mul3A_2, %dma_start3A_196] : memref<16384x50xf32, #tpu.memory_space<hbm>> -> memref<512x50xf32, #tpu.memory_space<hbm>>
      %dma_start3A_198 = arith.constant 0 : i32
      %dma_start3A_199 = tpu.memref_slice %arg2[%mul3A_2, %dma_start3A_198] : memref<16384x50xf32, #tpu.memory_space<hbm>> -> memref<512x50xf32, #tpu.memory_space<hbm>>
      tpu.enqueue_dma source(%dma_start3A_199 : memref<512x50xf32, #tpu.memory_space<hbm>>) target(%arg5 : memref<512x50xf32, #tpu.memory_space<vmem>>) target_semaphore(%run_scoped3A : memref<!tpu.dma_semaphore, #tpu.memory_space<semaphore_mem>>)
      %dma_wait3A_200 = arith.constant 0 : i32
      %dma_wait3A_201 = tpu.memref_slice %arg2[%mul3A_2, %dma_wait3A_200] : memref<16384x50xf32, #tpu.memory_space<hbm>> -> memref<512x50xf32, #tpu.memory_space<hbm>>
      %dma_wait3A_202 = arith.constant 0 : i32
      %dma_wait3A_203 = tpu.memref_slice %arg2[%mul3A_2, %dma_wait3A_202] : memref<16384x50xf32, #tpu.memory_space<hbm>> -> memref<512x50xf32, #tpu.memory_space<hbm>>
      tpu.wait_dma2 semaphore(%run_scoped3A : memref<!tpu.dma_semaphore, #tpu.memory_space<semaphore_mem>>) src(%dma_wait3A_203 : memref<512x50xf32, #tpu.memory_space<hbm>>) dst(%arg5 : memref<512x50xf32, #tpu.memory_space<vmem>>)
      tpu.yield
    }) : () -> ()
    %scan3A = arith.constant 0 : i32
    %scan3A_3 = arith.constant 0 : i32
    %scan3A_4 = arith.constant 50 : i32
    %scan3A_5 = arith.addi %scan3A_3, %scan3A_4 : i32
    %scan3A_6 = arith.constant 1 : i32
    scf.for %scan3A_196 = %scan3A_3 to %scan3A_5 step %scan3A_6  : i32 {
      %broadcast_in_dim3A = vector.broadcast %scan3A_196 : i32 to vector<16xi32>
      %add3A_197 = arith.constant 0 : i32
      %add3A_198 = vector.broadcast %add3A_197 : i32 to vector<16xi32>
      %add3A_199 = arith.addi %iota3A, %add3A_198 : vector<16xi32>
      %gather3A = tpu.vector_load_idx %arg5[%add3A_199, %broadcast_in_dim3A] : memref<512x50xf32, #tpu.memory_space<vmem>>[vector<16xi32>, vector<16xi32>], vector<16xf32>,
      %bitcast3A = vector.bitcast %gather3A : vector<16xf32> to vector<16xi32>
      %swap3A = arith.index_cast %scan3A_196 : i32 to index
      %swap3A_200 = arith.constant 0 : index
      %swap3A_201 = tpu.vector_load %arg6[%swap3A, %swap3A_200] {strides = array<i32>} : memref<50x512xi32, #tpu.memory_space<vmem>>, vector<16xi32>,
      tpu.vector_store %arg6[%swap3A, %swap3A_200], %bitcast3A {strides = array<i32>} : memref<50x512xi32, #tpu.memory_space<vmem>>, vector<16xi32>,
      %add3A_202 = arith.constant 16 : i32
      %add3A_203 = vector.broadcast %add3A_202 : i32 to vector<16xi32>
      %add3A_204 = arith.addi %iota3A, %add3A_203 : vector<16xi32>
      %gather3A_205 = tpu.vector_load_idx %arg5[%add3A_204, %broadcast_in_dim3A] : memref<512x50xf32, #tpu.memory_space<vmem>>[vector<16xi32>, vector<16xi32>], vector<16xf32>,
      %bitcast3A_206 = vector.bitcast %gather3A_205 : vector<16xf32> to vector<16xi32>
      %swap3A_207 = arith.index_cast %scan3A_196 : i32 to index
      %swap3A_208 = arith.constant 16 : index
      %swap3A_209 = tpu.vector_load %arg6[%swap3A_207, %swap3A_208] {strides = array<i32>} : memref<50x512xi32, #tpu.memory_space<vmem>>, vector<16xi32>,
      tpu.vector_store %arg6[%swap3A_207, %swap3A_208], %bitcast3A_206 {strides = array<i32>} : memref<50x512xi32, #tpu.memory_space<vmem>>, vector<16xi32>,
      %add3A_210 = arith.constant 32 : i32
      %add3A_211 = vector.broadcast %add3A_210 : i32 to vector<16xi32>
      %add3A_212 = arith.addi %iota3A, %add3A_211 : vector<16xi32>
      %gather3A_213 = tpu.vector_load_idx %arg5[%add3A_212, %broadcast_in_dim3A] : memref<512x50xf32, #tpu.memory_space<vmem>>[vector<16xi32>, vector<16xi32>], vector<16xf32>,
      %bitcast3A_214 = vector.bitcast %gather3A_213 : vector<16xf32> to vector<16xi32>
      %swap3A_215 = arith.index_cast %scan3A_196 : i32 to index
      %swap3A_216 = arith.constant 32 : index
      %swap3A_217 = tpu.vector_load %arg6[%swap3A_215, %swap3A_216] {strides = array<i32>} : memref<50x512xi32, #tpu.memory_space<vmem>>, vector<16xi32>,
      tpu.vector_store %arg6[%swap3A_215, %swap3A_216], %bitcast3A_214 {strides = array<i32>} : memref<50x512xi32, #tpu.memory_space<vmem>>, vector<16xi32>,
      %add3A_218 = arith.constant 48 : i32
      %add3A_219 = vector.broadcast %add3A_218 : i32 to vector<16xi32>
      %add3A_220 = arith.addi %iota3A, %add3A_219 : vector<16xi32>
      %gather3A_221 = tpu.vector_load_idx %arg5[%add3A_220, %broadcast_in_dim3A] : memref<512x50xf32, #tpu.memory_space<vmem>>[vector<16xi32>, vector<16xi32>], vector<16xf32>,
      %bitcast3A_222 = vector.bitcast %gather3A_221 : vector<16xf32> to vector<16xi32>
      %swap3A_223 = arith.index_cast %scan3A_196 : i32 to index
      %swap3A_224 = arith.constant 48 : index
      %swap3A_225 = tpu.vector_load %arg6[%swap3A_223, %swap3A_224] {strides = array<i32>} : memref<50x512xi32, #tpu.memory_space<vmem>>, vector<16xi32>,
      tpu.vector_store %arg6[%swap3A_223, %swap3A_224], %bitcast3A_222 {strides = array<i32>} : memref<50x512xi32, #tpu.memory_space<vmem>>, vector<16xi32>,
      %add3A_226 = arith.constant 64 : i32
      %add3A_227 = vector.broadcast %add3A_226 : i32 to vector<16xi32>
      %add3A_228 = arith.addi %iota3A, %add3A_227 : vector<16xi32>
      %gather3A_229 = tpu.vector_load_idx %arg5[%add3A_228, %broadcast_in_dim3A] : memref<512x50xf32, #tpu.memory_space<vmem>>[vector<16xi32>, vector<16xi32>], vector<16xf32>,
      %bitcast3A_230 = vector.bitcast %gather3A_229 : vector<16xf32> to vector<16xi32>
      %swap3A_231 = arith.index_cast %scan3A_196 : i32 to index
      %swap3A_232 = arith.constant 64 : index
      %swap3A_233 = tpu.vector_load %arg6[%swap3A_231, %swap3A_232] {strides = array<i32>} : memref<50x512xi32, #tpu.memory_space<vmem>>, vector<16xi32>,
      tpu.vector_store %arg6[%swap3A_231, %swap3A_232], %bitcast3A_230 {strides = array<i32>} : memref<50x512xi32, #tpu.memory_space<vmem>>, vector<16xi32>,
      %add3A_234 = arith.constant 80 : i32
      %add3A_235 = vector.broadcast %add3A_234 : i32 to vector<16xi32>
      %add3A_236 = arith.addi %iota3A, %add3A_235 : vector<16xi32>
      %gather3A_237 = tpu.vector_load_idx %arg5[%add3A_236, %broadcast_in_dim3A] : memref<512x50xf32, #tpu.memory_space<vmem>>[vector<16xi32>, vector<16xi32>], vector<16xf32>,
      %bitcast3A_238 = vector.bitcast %gather3A_237 : vector<16xf32> to vector<16xi32>
      %swap3A_239 = arith.index_cast %scan3A_196 : i32 to index
      %swap3A_240 = arith.constant 80 : index
      %swap3A_241 = tpu.vector_load %arg6[%swap3A_239, %swap3A_240] {strides = array<i32>} : memref<50x512xi32, #tpu.memory_space<vmem>>, vector<16xi32>,
      tpu.vector_store %arg6[%swap3A_239, %swap3A_240], %bitcast3A_238 {strides = array<i32>} : memref<50x512xi32, #tpu.memory_space<vmem>>, vector<16xi32>,
      %add3A_242 = arith.constant 96 : i32
      %add3A_243 = vector.broadcast %add3A_242 : i32 to vector<16xi32>
      %add3A_244 = arith.addi %iota3A, %add3A_243 : vector<16xi32>
      %gather3A_245 = tpu.vector_load_idx %arg5[%add3A_244, %broadcast_in_dim3A] : memref<512x50xf32, #tpu.memory_space<vmem>>[vector<16xi32>, vector<16xi32>], vector<16xf32>,
      %bitcast3A_246 = vector.bitcast %gather3A_245 : vector<16xf32> to vector<16xi32>
      %swap3A_247 = arith.index_cast %scan3A_196 : i32 to index
      %swap3A_248 = arith.constant 96 : index
      %swap3A_249 = tpu.vector_load %arg6[%swap3A_247, %swap3A_248] {strides = array<i32>} : memref<50x512xi32, #tpu.memory_space<vmem>>, vector<16xi32>,
      tpu.vector_store %arg6[%swap3A_247, %swap3A_248], %bitcast3A_246 {strides = array<i32>} : memref<50x512xi32, #tpu.memory_space<vmem>>, vector<16xi32>,
      %add3A_250 = arith.constant 112 : i32
      %add3A_251 = vector.broadcast %add3A_250 : i32 to vector<16xi32>
      %add3A_252 = arith.addi %iota3A, %add3A_251 : vector<16xi32>
      %gather3A_253 = tpu.vector_load_idx %arg5[%add3A_252, %broadcast_in_dim3A] : memref<512x50xf32, #tpu.memory_space<vmem>>[vector<16xi32>, vector<16xi32>], vector<16xf32>,
      %bitcast3A_254 = vector.bitcast %gather3A_253 : vector<16xf32> to vector<16xi32>
      %swap3A_255 = arith.index_cast %scan3A_196 : i32 to index
      %swap3A_256 = arith.constant 112 : index
      %swap3A_257 = tpu.vector_load %arg6[%swap3A_255, %swap3A_256] {strides = array<i32>} : memref<50x512xi32, #tpu.memory_space<vmem>>, vector<16xi32>,
      tpu.vector_store %arg6[%swap3A_255, %swap3A_256], %bitcast3A_254 {strides = array<i32>} : memref<50x512xi32, #tpu.memory_space<vmem>>, vector<16xi32>,
      %add3A_258 = arith.constant 128 : i32
      %add3A_259 = vector.broadcast %add3A_258 : i32 to vector<16xi32>
      %add3A_260 = arith.addi %iota3A, %add3A_259 : vector<16xi32>
      %gather3A_261 = tpu.vector_load_idx %arg5[%add3A_260, %broadcast_in_dim3A] : memref<512x50xf32, #tpu.memory_space<vmem>>[vector<16xi32>, vector<16xi32>], vector<16xf32>,
      %bitcast3A_262 = vector.bitcast %gather3A_261 : vector<16xf32> to vector<16xi32>
      %swap3A_263 = arith.index_cast %scan3A_196 : i32 to index
      %swap3A_264 = arith.constant 128 : index
      %swap3A_265 = tpu.vector_load %arg6[%swap3A_263, %swap3A_264] {strides = array<i32>} : memref<50x512xi32, #tpu.memory_space<vmem>>, vector<16xi32>,
      tpu.vector_store %arg6[%swap3A_263, %swap3A_264], %bitcast3A_262 {strides = array<i32>} : memref<50x512xi32, #tpu.memory_space<vmem>>, vector<16xi32>,
      %add3A_266 = arith.constant 144 : i32
      %add3A_267 = vector.broadcast %add3A_266 : i32 to vector<16xi32>
      %add3A_268 = arith.addi %iota3A, %add3A_267 : vector<16xi32>
      %gather3A_269 = tpu.vector_load_idx %arg5[%add3A_268, %broadcast_in_dim3A] : memref<512x50xf32, #tpu.memory_space<vmem>>[vector<16xi32>, vector<16xi32>], vector<16xf32>,
      %bitcast3A_270 = vector.bitcast %gather3A_269 : vector<16xf32> to vector<16xi32>
      %swap3A_271 = arith.index_cast %scan3A_196 : i32 to index
      %swap3A_272 = arith.constant 144 : index
      %swap3A_273 = tpu.vector_load %arg6[%swap3A_271, %swap3A_272] {strides = array<i32>} : memref<50x512xi32, #tpu.memory_space<vmem>>, vector<16xi32>,
      tpu.vector_store %arg6[%swap3A_271, %swap3A_272], %bitcast3A_270 {strides = array<i32>} : memref<50x512xi32, #tpu.memory_space<vmem>>, vector<16xi32>,
      %add3A_274 = arith.constant 160 : i32
      %add3A_275 = vector.broadcast %add3A_274 : i32 to vector<16xi32>
      %add3A_276 = arith.addi %iota3A, %add3A_275 : vector<16xi32>
      %gather3A_277 = tpu.vector_load_idx %arg5[%add3A_276, %broadcast_in_dim3A] : memref<512x50xf32, #tpu.memory_space<vmem>>[vector<16xi32>, vector<16xi32>], vector<16xf32>,
      %bitcast3A_278 = vector.bitcast %gather3A_277 : vector<16xf32> to vector<16xi32>
      %swap3A_279 = arith.index_cast %scan3A_196 : i32 to index
      %swap3A_280 = arith.constant 160 : index
      %swap3A_281 = tpu.vector_load %arg6[%swap3A_279, %swap3A_280] {strides = array<i32>} : memref<50x512xi32, #tpu.memory_space<vmem>>, vector<16xi32>,
      tpu.vector_store %arg6[%swap3A_279, %swap3A_280], %bitcast3A_278 {strides = array<i32>} : memref<50x512xi32, #tpu.memory_space<vmem>>, vector<16xi32>,
      %add3A_282 = arith.constant 176 : i32
      %add3A_283 = vector.broadcast %add3A_282 : i32 to vector<16xi32>
      %add3A_284 = arith.addi %iota3A, %add3A_283 : vector<16xi32>
      %gather3A_285 = tpu.vector_load_idx %arg5[%add3A_284, %broadcast_in_dim3A] : memref<512x50xf32, #tpu.memory_space<vmem>>[vector<16xi32>, vector<16xi32>], vector<16xf32>,
      %bitcast3A_286 = vector.bitcast %gather3A_285 : vector<16xf32> to vector<16xi32>
      %swap3A_287 = arith.index_cast %scan3A_196 : i32 to index
      %swap3A_288 = arith.constant 176 : index
      %swap3A_289 = tpu.vector_load %arg6[%swap3A_287, %swap3A_288] {strides = array<i32>} : memref<50x512xi32, #tpu.memory_space<vmem>>, vector<16xi32>,
      tpu.vector_store %arg6[%swap3A_287, %swap3A_288], %bitcast3A_286 {strides = array<i32>} : memref<50x512xi32, #tpu.memory_space<vmem>>, vector<16xi32>,
      %add3A_290 = arith.constant 192 : i32
      %add3A_291 = vector.broadcast %add3A_290 : i32 to vector<16xi32>
      %add3A_292 = arith.addi %iota3A, %add3A_291 : vector<16xi32>
      %gather3A_293 = tpu.vector_load_idx %arg5[%add3A_292, %broadcast_in_dim3A] : memref<512x50xf32, #tpu.memory_space<vmem>>[vector<16xi32>, vector<16xi32>], vector<16xf32>,
      %bitcast3A_294 = vector.bitcast %gather3A_293 : vector<16xf32> to vector<16xi32>
      %swap3A_295 = arith.index_cast %scan3A_196 : i32 to index
      %swap3A_296 = arith.constant 192 : index
      %swap3A_297 = tpu.vector_load %arg6[%swap3A_295, %swap3A_296] {strides = array<i32>} : memref<50x512xi32, #tpu.memory_space<vmem>>, vector<16xi32>,
      tpu.vector_store %arg6[%swap3A_295, %swap3A_296], %bitcast3A_294 {strides = array<i32>} : memref<50x512xi32, #tpu.memory_space<vmem>>, vector<16xi32>,
      %add3A_298 = arith.constant 208 : i32
      %add3A_299 = vector.broadcast %add3A_298 : i32 to vector<16xi32>
      %add3A_300 = arith.addi %iota3A, %add3A_299 : vector<16xi32>
      %gather3A_301 = tpu.vector_load_idx %arg5[%add3A_300, %broadcast_in_dim3A] : memref<512x50xf32, #tpu.memory_space<vmem>>[vector<16xi32>, vector<16xi32>], vector<16xf32>,
      %bitcast3A_302 = vector.bitcast %gather3A_301 : vector<16xf32> to vector<16xi32>
      %swap3A_303 = arith.index_cast %scan3A_196 : i32 to index
      %swap3A_304 = arith.constant 208 : index
      %swap3A_305 = tpu.vector_load %arg6[%swap3A_303, %swap3A_304] {strides = array<i32>} : memref<50x512xi32, #tpu.memory_space<vmem>>, vector<16xi32>,
      tpu.vector_store %arg6[%swap3A_303, %swap3A_304], %bitcast3A_302 {strides = array<i32>} : memref<50x512xi32, #tpu.memory_space<vmem>>, vector<16xi32>,
      %add3A_306 = arith.constant 224 : i32
      %add3A_307 = vector.broadcast %add3A_306 : i32 to vector<16xi32>
      %add3A_308 = arith.addi %iota3A, %add3A_307 : vector<16xi32>
      %gather3A_309 = tpu.vector_load_idx %arg5[%add3A_308, %broadcast_in_dim3A] : memref<512x50xf32, #tpu.memory_space<vmem>>[vector<16xi32>, vector<16xi32>], vector<16xf32>,
      %bitcast3A_310 = vector.bitcast %gather3A_309 : vector<16xf32> to vector<16xi32>
      %swap3A_311 = arith.index_cast %scan3A_196 : i32 to index
      %swap3A_312 = arith.constant 224 : index
      %swap3A_313 = tpu.vector_load %arg6[%swap3A_311, %swap3A_312] {strides = array<i32>} : memref<50x512xi32, #tpu.memory_space<vmem>>, vector<16xi32>,
      tpu.vector_store %arg6[%swap3A_311, %swap3A_312], %bitcast3A_310 {strides = array<i32>} : memref<50x512xi32, #tpu.memory_space<vmem>>, vector<16xi32>,
      %add3A_314 = arith.constant 240 : i32
      %add3A_315 = vector.broadcast %add3A_314 : i32 to vector<16xi32>
      %add3A_316 = arith.addi %iota3A, %add3A_315 : vector<16xi32>
      %gather3A_317 = tpu.vector_load_idx %arg5[%add3A_316, %broadcast_in_dim3A] : memref<512x50xf32, #tpu.memory_space<vmem>>[vector<16xi32>, vector<16xi32>], vector<16xf32>,
      %bitcast3A_318 = vector.bitcast %gather3A_317 : vector<16xf32> to vector<16xi32>
      %swap3A_319 = arith.index_cast %scan3A_196 : i32 to index
      %swap3A_320 = arith.constant 240 : index
      %swap3A_321 = tpu.vector_load %arg6[%swap3A_319, %swap3A_320] {strides = array<i32>} : memref<50x512xi32, #tpu.memory_space<vmem>>, vector<16xi32>,
      tpu.vector_store %arg6[%swap3A_319, %swap3A_320], %bitcast3A_318 {strides = array<i32>} : memref<50x512xi32, #tpu.memory_space<vmem>>, vector<16xi32>,
      %add3A_322 = arith.constant 256 : i32
      %add3A_323 = vector.broadcast %add3A_322 : i32 to vector<16xi32>
      %add3A_324 = arith.addi %iota3A, %add3A_323 : vector<16xi32>
      %gather3A_325 = tpu.vector_load_idx %arg5[%add3A_324, %broadcast_in_dim3A] : memref<512x50xf32, #tpu.memory_space<vmem>>[vector<16xi32>, vector<16xi32>], vector<16xf32>,
      %bitcast3A_326 = vector.bitcast %gather3A_325 : vector<16xf32> to vector<16xi32>
      %swap3A_327 = arith.index_cast %scan3A_196 : i32 to index
      %swap3A_328 = arith.constant 256 : index
      %swap3A_329 = tpu.vector_load %arg6[%swap3A_327, %swap3A_328] {strides = array<i32>} : memref<50x512xi32, #tpu.memory_space<vmem>>, vector<16xi32>,
      tpu.vector_store %arg6[%swap3A_327, %swap3A_328], %bitcast3A_326 {strides = array<i32>} : memref<50x512xi32, #tpu.memory_space<vmem>>, vector<16xi32>,
      %add3A_330 = arith.constant 272 : i32
      %add3A_331 = vector.broadcast %add3A_330 : i32 to vector<16xi32>
      %add3A_332 = arith.addi %iota3A, %add3A_331 : vector<16xi32>
      %gather3A_333 = tpu.vector_load_idx %arg5[%add3A_332, %broadcast_in_dim3A] : memref<512x50xf32, #tpu.memory_space<vmem>>[vector<16xi32>, vector<16xi32>], vector<16xf32>,
      %bitcast3A_334 = vector.bitcast %gather3A_333 : vector<16xf32> to vector<16xi32>
      %swap3A_335 = arith.index_cast %scan3A_196 : i32 to index
      %swap3A_336 = arith.constant 272 : index
      %swap3A_337 = tpu.vector_load %arg6[%swap3A_335, %swap3A_336] {strides = array<i32>} : memref<50x512xi32, #tpu.memory_space<vmem>>, vector<16xi32>,
      tpu.vector_store %arg6[%swap3A_335, %swap3A_336], %bitcast3A_334 {strides = array<i32>} : memref<50x512xi32, #tpu.memory_space<vmem>>, vector<16xi32>,
      %add3A_338 = arith.constant 288 : i32
      %add3A_339 = vector.broadcast %add3A_338 : i32 to vector<16xi32>
      %add3A_340 = arith.addi %iota3A, %add3A_339 : vector<16xi32>
      %gather3A_341 = tpu.vector_load_idx %arg5[%add3A_340, %broadcast_in_dim3A] : memref<512x50xf32, #tpu.memory_space<vmem>>[vector<16xi32>, vector<16xi32>], vector<16xf32>,
      %bitcast3A_342 = vector.bitcast %gather3A_341 : vector<16xf32> to vector<16xi32>
      %swap3A_343 = arith.index_cast %scan3A_196 : i32 to index
      %swap3A_344 = arith.constant 288 : index
      %swap3A_345 = tpu.vector_load %arg6[%swap3A_343, %swap3A_344] {strides = array<i32>} : memref<50x512xi32, #tpu.memory_space<vmem>>, vector<16xi32>,
      tpu.vector_store %arg6[%swap3A_343, %swap3A_344], %bitcast3A_342 {strides = array<i32>} : memref<50x512xi32, #tpu.memory_space<vmem>>, vector<16xi32>,
      %add3A_346 = arith.constant 304 : i32
      %add3A_347 = vector.broadcast %add3A_346 : i32 to vector<16xi32>
      %add3A_348 = arith.addi %iota3A, %add3A_347 : vector<16xi32>
      %gather3A_349 = tpu.vector_load_idx %arg5[%add3A_348, %broadcast_in_dim3A] : memref<512x50xf32, #tpu.memory_space<vmem>>[vector<16xi32>, vector<16xi32>], vector<16xf32>,
      %bitcast3A_350 = vector.bitcast %gather3A_349 : vector<16xf32> to vector<16xi32>
      %swap3A_351 = arith.index_cast %scan3A_196 : i32 to index
      %swap3A_352 = arith.constant 304 : index
      %swap3A_353 = tpu.vector_load %arg6[%swap3A_351, %swap3A_352] {strides = array<i32>} : memref<50x512xi32, #tpu.memory_space<vmem>>, vector<16xi32>,
      tpu.vector_store %arg6[%swap3A_351, %swap3A_352], %bitcast3A_350 {strides = array<i32>} : memref<50x512xi32, #tpu.memory_space<vmem>>, vector<16xi32>,
      %add3A_354 = arith.constant 320 : i32
      %add3A_355 = vector.broadcast %add3A_354 : i32 to vector<16xi32>
      %add3A_356 = arith.addi %iota3A, %add3A_355 : vector<16xi32>
      %gather3A_357 = tpu.vector_load_idx %arg5[%add3A_356, %broadcast_in_dim3A] : memref<512x50xf32, #tpu.memory_space<vmem>>[vector<16xi32>, vector<16xi32>], vector<16xf32>,
      %bitcast3A_358 = vector.bitcast %gather3A_357 : vector<16xf32> to vector<16xi32>
      %swap3A_359 = arith.index_cast %scan3A_196 : i32 to index
      %swap3A_360 = arith.constant 320 : index
      %swap3A_361 = tpu.vector_load %arg6[%swap3A_359, %swap3A_360] {strides = array<i32>} : memref<50x512xi32, #tpu.memory_space<vmem>>, vector<16xi32>,
      tpu.vector_store %arg6[%swap3A_359, %swap3A_360], %bitcast3A_358 {strides = array<i32>} : memref<50x512xi32, #tpu.memory_space<vmem>>, vector<16xi32>,
      %add3A_362 = arith.constant 336 : i32
      %add3A_363 = vector.broadcast %add3A_362 : i32 to vector<16xi32>
      %add3A_364 = arith.addi %iota3A, %add3A_363 : vector<16xi32>
      %gather3A_365 = tpu.vector_load_idx %arg5[%add3A_364, %broadcast_in_dim3A] : memref<512x50xf32, #tpu.memory_space<vmem>>[vector<16xi32>, vector<16xi32>], vector<16xf32>,
      %bitcast3A_366 = vector.bitcast %gather3A_365 : vector<16xf32> to vector<16xi32>
      %swap3A_367 = arith.index_cast %scan3A_196 : i32 to index
      %swap3A_368 = arith.constant 336 : index
      %swap3A_369 = tpu.vector_load %arg6[%swap3A_367, %swap3A_368] {strides = array<i32>} : memref<50x512xi32, #tpu.memory_space<vmem>>, vector<16xi32>,
      tpu.vector_store %arg6[%swap3A_367, %swap3A_368], %bitcast3A_366 {strides = array<i32>} : memref<50x512xi32, #tpu.memory_space<vmem>>, vector<16xi32>,
      %add3A_370 = arith.constant 352 : i32
      %add3A_371 = vector.broadcast %add3A_370 : i32 to vector<16xi32>
      %add3A_372 = arith.addi %iota3A, %add3A_371 : vector<16xi32>
      %gather3A_373 = tpu.vector_load_idx %arg5[%add3A_372, %broadcast_in_dim3A] : memref<512x50xf32, #tpu.memory_space<vmem>>[vector<16xi32>, vector<16xi32>], vector<16xf32>,
      %bitcast3A_374 = vector.bitcast %gather3A_373 : vector<16xf32> to vector<16xi32>
      %swap3A_375 = arith.index_cast %scan3A_196 : i32 to index
      %swap3A_376 = arith.constant 352 : index
      %swap3A_377 = tpu.vector_load %arg6[%swap3A_375, %swap3A_376] {strides = array<i32>} : memref<50x512xi32, #tpu.memory_space<vmem>>, vector<16xi32>,
      tpu.vector_store %arg6[%swap3A_375, %swap3A_376], %bitcast3A_374 {strides = array<i32>} : memref<50x512xi32, #tpu.memory_space<vmem>>, vector<16xi32>,
      %add3A_378 = arith.constant 368 : i32
      %add3A_379 = vector.broadcast %add3A_378 : i32 to vector<16xi32>
      %add3A_380 = arith.addi %iota3A, %add3A_379 : vector<16xi32>
      %gather3A_381 = tpu.vector_load_idx %arg5[%add3A_380, %broadcast_in_dim3A] : memref<512x50xf32, #tpu.memory_space<vmem>>[vector<16xi32>, vector<16xi32>], vector<16xf32>,
      %bitcast3A_382 = vector.bitcast %gather3A_381 : vector<16xf32> to vector<16xi32>
      %swap3A_383 = arith.index_cast %scan3A_196 : i32 to index
      %swap3A_384 = arith.constant 368 : index
      %swap3A_385 = tpu.vector_load %arg6[%swap3A_383, %swap3A_384] {strides = array<i32>} : memref<50x512xi32, #tpu.memory_space<vmem>>, vector<16xi32>,
      tpu.vector_store %arg6[%swap3A_383, %swap3A_384], %bitcast3A_382 {strides = array<i32>} : memref<50x512xi32, #tpu.memory_space<vmem>>, vector<16xi32>,
      %add3A_386 = arith.constant 384 : i32
      %add3A_387 = vector.broadcast %add3A_386 : i32 to vector<16xi32>
      %add3A_388 = arith.addi %iota3A, %add3A_387 : vector<16xi32>
      %gather3A_389 = tpu.vector_load_idx %arg5[%add3A_388, %broadcast_in_dim3A] : memref<512x50xf32, #tpu.memory_space<vmem>>[vector<16xi32>, vector<16xi32>], vector<16xf32>,
      %bitcast3A_390 = vector.bitcast %gather3A_389 : vector<16xf32> to vector<16xi32>
      %swap3A_391 = arith.index_cast %scan3A_196 : i32 to index
      %swap3A_392 = arith.constant 384 : index
      %swap3A_393 = tpu.vector_load %arg6[%swap3A_391, %swap3A_392] {strides = array<i32>} : memref<50x512xi32, #tpu.memory_space<vmem>>, vector<16xi32>,
      tpu.vector_store %arg6[%swap3A_391, %swap3A_392], %bitcast3A_390 {strides = array<i32>} : memref<50x512xi32, #tpu.memory_space<vmem>>, vector<16xi32>,
      %add3A_394 = arith.constant 400 : i32
      %add3A_395 = vector.broadcast %add3A_394 : i32 to vector<16xi32>
      %add3A_396 = arith.addi %iota3A, %add3A_395 : vector<16xi32>
      %gather3A_397 = tpu.vector_load_idx %arg5[%add3A_396, %broadcast_in_dim3A] : memref<512x50xf32, #tpu.memory_space<vmem>>[vector<16xi32>, vector<16xi32>], vector<16xf32>,
      %bitcast3A_398 = vector.bitcast %gather3A_397 : vector<16xf32> to vector<16xi32>
      %swap3A_399 = arith.index_cast %scan3A_196 : i32 to index
      %swap3A_400 = arith.constant 400 : index
      %swap3A_401 = tpu.vector_load %arg6[%swap3A_399, %swap3A_400] {strides = array<i32>} : memref<50x512xi32, #tpu.memory_space<vmem>>, vector<16xi32>,
      tpu.vector_store %arg6[%swap3A_399, %swap3A_400], %bitcast3A_398 {strides = array<i32>} : memref<50x512xi32, #tpu.memory_space<vmem>>, vector<16xi32>,
      %add3A_402 = arith.constant 416 : i32
      %add3A_403 = vector.broadcast %add3A_402 : i32 to vector<16xi32>
      %add3A_404 = arith.addi %iota3A, %add3A_403 : vector<16xi32>
      %gather3A_405 = tpu.vector_load_idx %arg5[%add3A_404, %broadcast_in_dim3A] : memref<512x50xf32, #tpu.memory_space<vmem>>[vector<16xi32>, vector<16xi32>], vector<16xf32>,
      %bitcast3A_406 = vector.bitcast %gather3A_405 : vector<16xf32> to vector<16xi32>
      %swap3A_407 = arith.index_cast %scan3A_196 : i32 to index
      %swap3A_408 = arith.constant 416 : index
      %swap3A_409 = tpu.vector_load %arg6[%swap3A_407, %swap3A_408] {strides = array<i32>} : memref<50x512xi32, #tpu.memory_space<vmem>>, vector<16xi32>,
      tpu.vector_store %arg6[%swap3A_407, %swap3A_408], %bitcast3A_406 {strides = array<i32>} : memref<50x512xi32, #tpu.memory_space<vmem>>, vector<16xi32>,
      %add3A_410 = arith.constant 432 : i32
      %add3A_411 = vector.broadcast %add3A_410 : i32 to vector<16xi32>
      %add3A_412 = arith.addi %iota3A, %add3A_411 : vector<16xi32>
      %gather3A_413 = tpu.vector_load_idx %arg5[%add3A_412, %broadcast_in_dim3A] : memref<512x50xf32, #tpu.memory_space<vmem>>[vector<16xi32>, vector<16xi32>], vector<16xf32>,
      %bitcast3A_414 = vector.bitcast %gather3A_413 : vector<16xf32> to vector<16xi32>
      %swap3A_415 = arith.index_cast %scan3A_196 : i32 to index
      %swap3A_416 = arith.constant 432 : index
      %swap3A_417 = tpu.vector_load %arg6[%swap3A_415, %swap3A_416] {strides = array<i32>} : memref<50x512xi32, #tpu.memory_space<vmem>>, vector<16xi32>,
      tpu.vector_store %arg6[%swap3A_415, %swap3A_416], %bitcast3A_414 {strides = array<i32>} : memref<50x512xi32, #tpu.memory_space<vmem>>, vector<16xi32>,
      %add3A_418 = arith.constant 448 : i32
      %add3A_419 = vector.broadcast %add3A_418 : i32 to vector<16xi32>
      %add3A_420 = arith.addi %iota3A, %add3A_419 : vector<16xi32>
      %gather3A_421 = tpu.vector_load_idx %arg5[%add3A_420, %broadcast_in_dim3A] : memref<512x50xf32, #tpu.memory_space<vmem>>[vector<16xi32>, vector<16xi32>], vector<16xf32>,
      %bitcast3A_422 = vector.bitcast %gather3A_421 : vector<16xf32> to vector<16xi32>
      %swap3A_423 = arith.index_cast %scan3A_196 : i32 to index
      %swap3A_424 = arith.constant 448 : index
      %swap3A_425 = tpu.vector_load %arg6[%swap3A_423, %swap3A_424] {strides = array<i32>} : memref<50x512xi32, #tpu.memory_space<vmem>>, vector<16xi32>,
      tpu.vector_store %arg6[%swap3A_423, %swap3A_424], %bitcast3A_422 {strides = array<i32>} : memref<50x512xi32, #tpu.memory_space<vmem>>, vector<16xi32>,
      %add3A_426 = arith.constant 464 : i32
      %add3A_427 = vector.broadcast %add3A_426 : i32 to vector<16xi32>
      %add3A_428 = arith.addi %iota3A, %add3A_427 : vector<16xi32>
      %gather3A_429 = tpu.vector_load_idx %arg5[%add3A_428, %broadcast_in_dim3A] : memref<512x50xf32, #tpu.memory_space<vmem>>[vector<16xi32>, vector<16xi32>], vector<16xf32>,
      %bitcast3A_430 = vector.bitcast %gather3A_429 : vector<16xf32> to vector<16xi32>
      %swap3A_431 = arith.index_cast %scan3A_196 : i32 to index
      %swap3A_432 = arith.constant 464 : index
      %swap3A_433 = tpu.vector_load %arg6[%swap3A_431, %swap3A_432] {strides = array<i32>} : memref<50x512xi32, #tpu.memory_space<vmem>>, vector<16xi32>,
      tpu.vector_store %arg6[%swap3A_431, %swap3A_432], %bitcast3A_430 {strides = array<i32>} : memref<50x512xi32, #tpu.memory_space<vmem>>, vector<16xi32>,
      %add3A_434 = arith.constant 480 : i32
      %add3A_435 = vector.broadcast %add3A_434 : i32 to vector<16xi32>
      %add3A_436 = arith.addi %iota3A, %add3A_435 : vector<16xi32>
      %gather3A_437 = tpu.vector_load_idx %arg5[%add3A_436, %broadcast_in_dim3A] : memref<512x50xf32, #tpu.memory_space<vmem>>[vector<16xi32>, vector<16xi32>], vector<16xf32>,
      %bitcast3A_438 = vector.bitcast %gather3A_437 : vector<16xf32> to vector<16xi32>
      %swap3A_439 = arith.index_cast %scan3A_196 : i32 to index
      %swap3A_440 = arith.constant 480 : index
      %swap3A_441 = tpu.vector_load %arg6[%swap3A_439, %swap3A_440] {strides = array<i32>} : memref<50x512xi32, #tpu.memory_space<vmem>>, vector<16xi32>,
      tpu.vector_store %arg6[%swap3A_439, %swap3A_440], %bitcast3A_438 {strides = array<i32>} : memref<50x512xi32, #tpu.memory_space<vmem>>, vector<16xi32>,
      %add3A_442 = arith.constant 496 : i32
      %add3A_443 = vector.broadcast %add3A_442 : i32 to vector<16xi32>
      %add3A_444 = arith.addi %iota3A, %add3A_443 : vector<16xi32>
      %gather3A_445 = tpu.vector_load_idx %arg5[%add3A_444, %broadcast_in_dim3A] : memref<512x50xf32, #tpu.memory_space<vmem>>[vector<16xi32>, vector<16xi32>], vector<16xf32>,
      %bitcast3A_446 = vector.bitcast %gather3A_445 : vector<16xf32> to vector<16xi32>
      %swap3A_447 = arith.index_cast %scan3A_196 : i32 to index
      %swap3A_448 = arith.constant 496 : index
      %swap3A_449 = tpu.vector_load %arg6[%swap3A_447, %swap3A_448] {strides = array<i32>} : memref<50x512xi32, #tpu.memory_space<vmem>>, vector<16xi32>,
      tpu.vector_store %arg6[%swap3A_447, %swap3A_448], %bitcast3A_446 {strides = array<i32>} : memref<50x512xi32, #tpu.memory_space<vmem>>, vector<16xi32>,
    }
    %scan3A_7 = arith.constant 50 : i32
    %dma_start3A = arith.constant 0 : i32
    %dma_start3A_8 = arith.constant 0 : i32
    %dma_start3A_9 = tpu.memref_slice %arg6[%dma_start3A, %dma_start3A_8] : memref<50x512xi32, #tpu.memory_space<vmem>> -> memref<1x512xi32, #tpu.memory_space<vmem>>
    %dma_start3A_10 = tpu.memref_squeeze %dma_start3A_9 : memref<1x512xi32, #tpu.memory_space<vmem>> -> memref<512xi32, #tpu.memory_space<vmem>>
    %dma_start3A_11 = arith.constant 0 : i32
    %dma_start3A_12 = arith.constant 0 : i32
    %dma_start3A_13 = tpu.memref_slice %arg3[%dma_start3A_11, %dma_start3A_12] : memref<1000000x32xf32, #tpu.memory_space<hbm>> -> memref<1000000x32xf32, #tpu.memory_space<hbm>>
    tpu.enqueue_indirect_dma source(%dma_start3A_13 : memref<1000000x32xf32, #tpu.memory_space<hbm>>) target(%arg7 : memref<512x32xf32, #tpu.memory_space<vmem>>) offsets(%dma_start3A_10 : memref<512xi32, #tpu.memory_space<vmem>>) semaphore(%arg11 : memref<!tpu.dma_semaphore, #tpu.memory_space<semaphore_mem>>)
    %dma_wait3A = arith.constant 0 : i32
    %dma_wait3A_14 = arith.constant 0 : i32
    %dma_wait3A_15 = tpu.memref_slice %arg6[%dma_wait3A, %dma_wait3A_14] : memref<50x512xi32, #tpu.memory_space<vmem>> -> memref<1x512xi32, #tpu.memory_space<vmem>>
    %dma_wait3A_16 = tpu.memref_squeeze %dma_wait3A_15 : memref<1x512xi32, #tpu.memory_space<vmem>> -> memref<512xi32, #tpu.memory_space<vmem>>
    %dma_wait3A_17 = arith.constant 0 : i32
    %dma_wait3A_18 = arith.constant 0 : i32
    %dma_wait3A_19 = tpu.memref_slice %arg3[%dma_wait3A_17, %dma_wait3A_18] : memref<1000000x32xf32, #tpu.memory_space<hbm>> -> memref<1000000x32xf32, #tpu.memory_space<hbm>>
    tpu.wait_indirect_dma semaphore(%arg11 : memref<!tpu.dma_semaphore, #tpu.memory_space<semaphore_mem>>) src(%dma_wait3A_19 : memref<1000000x32xf32, #tpu.memory_space<hbm>>) dst(%arg7 : memref<512x32xf32, #tpu.memory_space<vmem>>)
    %dma_start3A_20 = arith.constant 1 : i32
    %dma_start3A_21 = arith.constant 0 : i32
    %dma_start3A_22 = tpu.memref_slice %arg6[%dma_start3A_20, %dma_start3A_21] : memref<50x512xi32, #tpu.memory_space<vmem>> -> memref<1x512xi32, #tpu.memory_space<vmem>>
    %dma_start3A_23 = tpu.memref_squeeze %dma_start3A_22 : memref<1x512xi32, #tpu.memory_space<vmem>> -> memref<512xi32, #tpu.memory_space<vmem>>
    %dma_start3A_24 = arith.constant 0 : i32
    %dma_start3A_25 = arith.constant 0 : i32
    %dma_start3A_26 = tpu.memref_slice %arg3[%dma_start3A_24, %dma_start3A_25] : memref<1000000x32xf32, #tpu.memory_space<hbm>> -> memref<1000000x32xf32, #tpu.memory_space<hbm>>
    tpu.enqueue_indirect_dma source(%dma_start3A_26 : memref<1000000x32xf32, #tpu.memory_space<hbm>>) target(%arg8 : memref<512x32xf32, #tpu.memory_space<vmem>>) offsets(%dma_start3A_23 : memref<512xi32, #tpu.memory_space<vmem>>) semaphore(%arg12 : memref<!tpu.dma_semaphore, #tpu.memory_space<semaphore_mem>>)
    %scan3A_27 = arith.constant 0 : i32
    %scan3A_28 = arith.constant 0 : i32
    %scan3A_29 = arith.constant 32 : i32
    %scan3A_30 = arith.addi %scan3A_28, %scan3A_29 : i32
    %scan3A_31 = arith.constant 1 : i32
    scf.for %scan3A_196 = %scan3A_28 to %scan3A_30 step %scan3A_31  : i32 {
      %mul3A_197 = arith.constant 16 : i32
      %mul3A_198 = arith.muli %scan3A_196, %mul3A_197 : i32
      %add3A_199 = arith.constant 0 : i32
      %add3A_200 = arith.addi %mul3A_198, %add3A_199 : i32
      %broadcast_in_dim3A = vector.broadcast %add3A_200 : i32 to vector<16xi32>
      %get3A = arith.index_cast %add3A_200 : i32 to index
      %get3A_201 = arith.constant 0 : index
      %get3A_202 = tpu.vector_load %arg7[%get3A, %get3A_201] {strides = array<i32>} : memref<512x32xf32, #tpu.memory_space<vmem>>, vector<16xf32>,
      %add3A_203 = arith.constant 0 : i32
      %add3A_204 = vector.broadcast %add3A_203 : i32 to vector<16xi32>
      %add3A_205 = arith.addi %iota3A, %add3A_204 : vector<16xi32>
      tpu.vector_store_idx %arg9[%add3A_205, %broadcast_in_dim3A], %get3A_202 : memref<32x513xf32, #tpu.memory_space<vmem>>[vector<16xi32>, vector<16xi32>], vector<16xf32>,
      %get3A_206 = arith.index_cast %add3A_200 : i32 to index
      %get3A_207 = arith.constant 16 : index
      %get3A_208 = tpu.vector_load %arg7[%get3A_206, %get3A_207] {strides = array<i32>} : memref<512x32xf32, #tpu.memory_space<vmem>>, vector<16xf32>,
      %add3A_209 = arith.constant 16 : i32
      %add3A_210 = vector.broadcast %add3A_209 : i32 to vector<16xi32>
      %add3A_211 = arith.addi %iota3A, %add3A_210 : vector<16xi32>
      tpu.vector_store_idx %arg9[%add3A_211, %broadcast_in_dim3A], %get3A_208 : memref<32x513xf32, #tpu.memory_space<vmem>>[vector<16xi32>, vector<16xi32>], vector<16xf32>,
      %mul3A_212 = arith.constant 16 : i32
      %mul3A_213 = arith.muli %scan3A_196, %mul3A_212 : i32
      %add3A_214 = arith.constant 1 : i32
      %add3A_215 = arith.addi %mul3A_213, %add3A_214 : i32
      %broadcast_in_dim3A_216 = vector.broadcast %add3A_215 : i32 to vector<16xi32>
      %get3A_217 = arith.index_cast %add3A_215 : i32 to index
      %get3A_218 = arith.constant 0 : index
      %get3A_219 = tpu.vector_load %arg7[%get3A_217, %get3A_218] {strides = array<i32>} : memref<512x32xf32, #tpu.memory_space<vmem>>, vector<16xf32>,
      %add3A_220 = arith.constant 0 : i32
      %add3A_221 = vector.broadcast %add3A_220 : i32 to vector<16xi32>
      %add3A_222 = arith.addi %iota3A, %add3A_221 : vector<16xi32>
      tpu.vector_store_idx %arg9[%add3A_222, %broadcast_in_dim3A_216], %get3A_219 : memref<32x513xf32, #tpu.memory_space<vmem>>[vector<16xi32>, vector<16xi32>], vector<16xf32>,
      %get3A_223 = arith.index_cast %add3A_215 : i32 to index
      %get3A_224 = arith.constant 16 : index
      %get3A_225 = tpu.vector_load %arg7[%get3A_223, %get3A_224] {strides = array<i32>} : memref<512x32xf32, #tpu.memory_space<vmem>>, vector<16xf32>,
      %add3A_226 = arith.constant 16 : i32
      %add3A_227 = vector.broadcast %add3A_226 : i32 to vector<16xi32>
      %add3A_228 = arith.addi %iota3A, %add3A_227 : vector<16xi32>
      tpu.vector_store_idx %arg9[%add3A_228, %broadcast_in_dim3A_216], %get3A_225 : memref<32x513xf32, #tpu.memory_space<vmem>>[vector<16xi32>, vector<16xi32>], vector<16xf32>,
      %mul3A_229 = arith.constant 16 : i32
      %mul3A_230 = arith.muli %scan3A_196, %mul3A_229 : i32
      %add3A_231 = arith.constant 2 : i32
      %add3A_232 = arith.addi %mul3A_230, %add3A_231 : i32
      %broadcast_in_dim3A_233 = vector.broadcast %add3A_232 : i32 to vector<16xi32>
      %get3A_234 = arith.index_cast %add3A_232 : i32 to index
      %get3A_235 = arith.constant 0 : index
      %get3A_236 = tpu.vector_load %arg7[%get3A_234, %get3A_235] {strides = array<i32>} : memref<512x32xf32, #tpu.memory_space<vmem>>, vector<16xf32>,
      %add3A_237 = arith.constant 0 : i32
      %add3A_238 = vector.broadcast %add3A_237 : i32 to vector<16xi32>
      %add3A_239 = arith.addi %iota3A, %add3A_238 : vector<16xi32>
      tpu.vector_store_idx %arg9[%add3A_239, %broadcast_in_dim3A_233], %get3A_236 : memref<32x513xf32, #tpu.memory_space<vmem>>[vector<16xi32>, vector<16xi32>], vector<16xf32>,
      %get3A_240 = arith.index_cast %add3A_232 : i32 to index
      %get3A_241 = arith.constant 16 : index
      %get3A_242 = tpu.vector_load %arg7[%get3A_240, %get3A_241] {strides = array<i32>} : memref<512x32xf32, #tpu.memory_space<vmem>>, vector<16xf32>,
      %add3A_243 = arith.constant 16 : i32
      %add3A_244 = vector.broadcast %add3A_243 : i32 to vector<16xi32>
      %add3A_245 = arith.addi %iota3A, %add3A_244 : vector<16xi32>
      tpu.vector_store_idx %arg9[%add3A_245, %broadcast_in_dim3A_233], %get3A_242 : memref<32x513xf32, #tpu.memory_space<vmem>>[vector<16xi32>, vector<16xi32>], vector<16xf32>,
      %mul3A_246 = arith.constant 16 : i32
      %mul3A_247 = arith.muli %scan3A_196, %mul3A_246 : i32
      %add3A_248 = arith.constant 3 : i32
      %add3A_249 = arith.addi %mul3A_247, %add3A_248 : i32
      %broadcast_in_dim3A_250 = vector.broadcast %add3A_249 : i32 to vector<16xi32>
      %get3A_251 = arith.index_cast %add3A_249 : i32 to index
      %get3A_252 = arith.constant 0 : index
      %get3A_253 = tpu.vector_load %arg7[%get3A_251, %get3A_252] {strides = array<i32>} : memref<512x32xf32, #tpu.memory_space<vmem>>, vector<16xf32>,
      %add3A_254 = arith.constant 0 : i32
      %add3A_255 = vector.broadcast %add3A_254 : i32 to vector<16xi32>
      %add3A_256 = arith.addi %iota3A, %add3A_255 : vector<16xi32>
      tpu.vector_store_idx %arg9[%add3A_256, %broadcast_in_dim3A_250], %get3A_253 : memref<32x513xf32, #tpu.memory_space<vmem>>[vector<16xi32>, vector<16xi32>], vector<16xf32>,
      %get3A_257 = arith.index_cast %add3A_249 : i32 to index
      %get3A_258 = arith.constant 16 : index
      %get3A_259 = tpu.vector_load %arg7[%get3A_257, %get3A_258] {strides = array<i32>} : memref<512x32xf32, #tpu.memory_space<vmem>>, vector<16xf32>,
      %add3A_260 = arith.constant 16 : i32
      %add3A_261 = vector.broadcast %add3A_260 : i32 to vector<16xi32>
      %add3A_262 = arith.addi %iota3A, %add3A_261 : vector<16xi32>
      tpu.vector_store_idx %arg9[%add3A_262, %broadcast_in_dim3A_250], %get3A_259 : memref<32x513xf32, #tpu.memory_space<vmem>>[vector<16xi32>, vector<16xi32>], vector<16xf32>,
      %mul3A_263 = arith.constant 16 : i32
      %mul3A_264 = arith.muli %scan3A_196, %mul3A_263 : i32
      %add3A_265 = arith.constant 4 : i32
      %add3A_266 = arith.addi %mul3A_264, %add3A_265 : i32
      %broadcast_in_dim3A_267 = vector.broadcast %add3A_266 : i32 to vector<16xi32>
      %get3A_268 = arith.index_cast %add3A_266 : i32 to index
      %get3A_269 = arith.constant 0 : index
      %get3A_270 = tpu.vector_load %arg7[%get3A_268, %get3A_269] {strides = array<i32>} : memref<512x32xf32, #tpu.memory_space<vmem>>, vector<16xf32>,
      %add3A_271 = arith.constant 0 : i32
      %add3A_272 = vector.broadcast %add3A_271 : i32 to vector<16xi32>
      %add3A_273 = arith.addi %iota3A, %add3A_272 : vector<16xi32>
      tpu.vector_store_idx %arg9[%add3A_273, %broadcast_in_dim3A_267], %get3A_270 : memref<32x513xf32, #tpu.memory_space<vmem>>[vector<16xi32>, vector<16xi32>], vector<16xf32>,
      %get3A_274 = arith.index_cast %add3A_266 : i32 to index
      %get3A_275 = arith.constant 16 : index
      %get3A_276 = tpu.vector_load %arg7[%get3A_274, %get3A_275] {strides = array<i32>} : memref<512x32xf32, #tpu.memory_space<vmem>>, vector<16xf32>,
      %add3A_277 = arith.constant 16 : i32
      %add3A_278 = vector.broadcast %add3A_277 : i32 to vector<16xi32>
      %add3A_279 = arith.addi %iota3A, %add3A_278 : vector<16xi32>
      tpu.vector_store_idx %arg9[%add3A_279, %broadcast_in_dim3A_267], %get3A_276 : memref<32x513xf32, #tpu.memory_space<vmem>>[vector<16xi32>, vector<16xi32>], vector<16xf32>,
      %mul3A_280 = arith.constant 16 : i32
      %mul3A_281 = arith.muli %scan3A_196, %mul3A_280 : i32
      %add3A_282 = arith.constant 5 : i32
      %add3A_283 = arith.addi %mul3A_281, %add3A_282 : i32
      %broadcast_in_dim3A_284 = vector.broadcast %add3A_283 : i32 to vector<16xi32>
      %get3A_285 = arith.index_cast %add3A_283 : i32 to index
      %get3A_286 = arith.constant 0 : index
      %get3A_287 = tpu.vector_load %arg7[%get3A_285, %get3A_286] {strides = array<i32>} : memref<512x32xf32, #tpu.memory_space<vmem>>, vector<16xf32>,
      %add3A_288 = arith.constant 0 : i32
      %add3A_289 = vector.broadcast %add3A_288 : i32 to vector<16xi32>
      %add3A_290 = arith.addi %iota3A, %add3A_289 : vector<16xi32>
      tpu.vector_store_idx %arg9[%add3A_290, %broadcast_in_dim3A_284], %get3A_287 : memref<32x513xf32, #tpu.memory_space<vmem>>[vector<16xi32>, vector<16xi32>], vector<16xf32>,
      %get3A_291 = arith.index_cast %add3A_283 : i32 to index
      %get3A_292 = arith.constant 16 : index
      %get3A_293 = tpu.vector_load %arg7[%get3A_291, %get3A_292] {strides = array<i32>} : memref<512x32xf32, #tpu.memory_space<vmem>>, vector<16xf32>,
      %add3A_294 = arith.constant 16 : i32
      %add3A_295 = vector.broadcast %add3A_294 : i32 to vector<16xi32>
      %add3A_296 = arith.addi %iota3A, %add3A_295 : vector<16xi32>
      tpu.vector_store_idx %arg9[%add3A_296, %broadcast_in_dim3A_284], %get3A_293 : memref<32x513xf32, #tpu.memory_space<vmem>>[vector<16xi32>, vector<16xi32>], vector<16xf32>,
      %mul3A_297 = arith.constant 16 : i32
      %mul3A_298 = arith.muli %scan3A_196, %mul3A_297 : i32
      %add3A_299 = arith.constant 6 : i32
      %add3A_300 = arith.addi %mul3A_298, %add3A_299 : i32
      %broadcast_in_dim3A_301 = vector.broadcast %add3A_300 : i32 to vector<16xi32>
      %get3A_302 = arith.index_cast %add3A_300 : i32 to index
      %get3A_303 = arith.constant 0 : index
      %get3A_304 = tpu.vector_load %arg7[%get3A_302, %get3A_303] {strides = array<i32>} : memref<512x32xf32, #tpu.memory_space<vmem>>, vector<16xf32>,
      %add3A_305 = arith.constant 0 : i32
      %add3A_306 = vector.broadcast %add3A_305 : i32 to vector<16xi32>
      %add3A_307 = arith.addi %iota3A, %add3A_306 : vector<16xi32>
      tpu.vector_store_idx %arg9[%add3A_307, %broadcast_in_dim3A_301], %get3A_304 : memref<32x513xf32, #tpu.memory_space<vmem>>[vector<16xi32>, vector<16xi32>], vector<16xf32>,
      %get3A_308 = arith.index_cast %add3A_300 : i32 to index
      %get3A_309 = arith.constant 16 : index
      %get3A_310 = tpu.vector_load %arg7[%get3A_308, %get3A_309] {strides = array<i32>} : memref<512x32xf32, #tpu.memory_space<vmem>>, vector<16xf32>,
      %add3A_311 = arith.constant 16 : i32
      %add3A_312 = vector.broadcast %add3A_311 : i32 to vector<16xi32>
      %add3A_313 = arith.addi %iota3A, %add3A_312 : vector<16xi32>
      tpu.vector_store_idx %arg9[%add3A_313, %broadcast_in_dim3A_301], %get3A_310 : memref<32x513xf32, #tpu.memory_space<vmem>>[vector<16xi32>, vector<16xi32>], vector<16xf32>,
      %mul3A_314 = arith.constant 16 : i32
      %mul3A_315 = arith.muli %scan3A_196, %mul3A_314 : i32
      %add3A_316 = arith.constant 7 : i32
      %add3A_317 = arith.addi %mul3A_315, %add3A_316 : i32
      %broadcast_in_dim3A_318 = vector.broadcast %add3A_317 : i32 to vector<16xi32>
      %get3A_319 = arith.index_cast %add3A_317 : i32 to index
      %get3A_320 = arith.constant 0 : index
      %get3A_321 = tpu.vector_load %arg7[%get3A_319, %get3A_320] {strides = array<i32>} : memref<512x32xf32, #tpu.memory_space<vmem>>, vector<16xf32>,
      %add3A_322 = arith.constant 0 : i32
      %add3A_323 = vector.broadcast %add3A_322 : i32 to vector<16xi32>
      %add3A_324 = arith.addi %iota3A, %add3A_323 : vector<16xi32>
      tpu.vector_store_idx %arg9[%add3A_324, %broadcast_in_dim3A_318], %get3A_321 : memref<32x513xf32, #tpu.memory_space<vmem>>[vector<16xi32>, vector<16xi32>], vector<16xf32>,
      %get3A_325 = arith.index_cast %add3A_317 : i32 to index
      %get3A_326 = arith.constant 16 : index
      %get3A_327 = tpu.vector_load %arg7[%get3A_325, %get3A_326] {strides = array<i32>} : memref<512x32xf32, #tpu.memory_space<vmem>>, vector<16xf32>,
      %add3A_328 = arith.constant 16 : i32
      %add3A_329 = vector.broadcast %add3A_328 : i32 to vector<16xi32>
      %add3A_330 = arith.addi %iota3A, %add3A_329 : vector<16xi32>
      tpu.vector_store_idx %arg9[%add3A_330, %broadcast_in_dim3A_318], %get3A_327 : memref<32x513xf32, #tpu.memory_space<vmem>>[vector<16xi32>, vector<16xi32>], vector<16xf32>,
      %mul3A_331 = arith.constant 16 : i32
      %mul3A_332 = arith.muli %scan3A_196, %mul3A_331 : i32
      %add3A_333 = arith.constant 8 : i32
      %add3A_334 = arith.addi %mul3A_332, %add3A_333 : i32
      %broadcast_in_dim3A_335 = vector.broadcast %add3A_334 : i32 to vector<16xi32>
      %get3A_336 = arith.index_cast %add3A_334 : i32 to index
      %get3A_337 = arith.constant 0 : index
      %get3A_338 = tpu.vector_load %arg7[%get3A_336, %get3A_337] {strides = array<i32>} : memref<512x32xf32, #tpu.memory_space<vmem>>, vector<16xf32>,
      %add3A_339 = arith.constant 0 : i32
      %add3A_340 = vector.broadcast %add3A_339 : i32 to vector<16xi32>
      %add3A_341 = arith.addi %iota3A, %add3A_340 : vector<16xi32>
      tpu.vector_store_idx %arg9[%add3A_341, %broadcast_in_dim3A_335], %get3A_338 : memref<32x513xf32, #tpu.memory_space<vmem>>[vector<16xi32>, vector<16xi32>], vector<16xf32>,
      %get3A_342 = arith.index_cast %add3A_334 : i32 to index
      %get3A_343 = arith.constant 16 : index
      %get3A_344 = tpu.vector_load %arg7[%get3A_342, %get3A_343] {strides = array<i32>} : memref<512x32xf32, #tpu.memory_space<vmem>>, vector<16xf32>,
      %add3A_345 = arith.constant 16 : i32
      %add3A_346 = vector.broadcast %add3A_345 : i32 to vector<16xi32>
      %add3A_347 = arith.addi %iota3A, %add3A_346 : vector<16xi32>
      tpu.vector_store_idx %arg9[%add3A_347, %broadcast_in_dim3A_335], %get3A_344 : memref<32x513xf32, #tpu.memory_space<vmem>>[vector<16xi32>, vector<16xi32>], vector<16xf32>,
      %mul3A_348 = arith.constant 16 : i32
      %mul3A_349 = arith.muli %scan3A_196, %mul3A_348 : i32
      %add3A_350 = arith.constant 9 : i32
      %add3A_351 = arith.addi %mul3A_349, %add3A_350 : i32
      %broadcast_in_dim3A_352 = vector.broadcast %add3A_351 : i32 to vector<16xi32>
      %get3A_353 = arith.index_cast %add3A_351 : i32 to index
      %get3A_354 = arith.constant 0 : index
      %get3A_355 = tpu.vector_load %arg7[%get3A_353, %get3A_354] {strides = array<i32>} : memref<512x32xf32, #tpu.memory_space<vmem>>, vector<16xf32>,
      %add3A_356 = arith.constant 0 : i32
      %add3A_357 = vector.broadcast %add3A_356 : i32 to vector<16xi32>
      %add3A_358 = arith.addi %iota3A, %add3A_357 : vector<16xi32>
      tpu.vector_store_idx %arg9[%add3A_358, %broadcast_in_dim3A_352], %get3A_355 : memref<32x513xf32, #tpu.memory_space<vmem>>[vector<16xi32>, vector<16xi32>], vector<16xf32>,
      %get3A_359 = arith.index_cast %add3A_351 : i32 to index
      %get3A_360 = arith.constant 16 : index
      %get3A_361 = tpu.vector_load %arg7[%get3A_359, %get3A_360] {strides = array<i32>} : memref<512x32xf32, #tpu.memory_space<vmem>>, vector<16xf32>,
      %add3A_362 = arith.constant 16 : i32
      %add3A_363 = vector.broadcast %add3A_362 : i32 to vector<16xi32>
      %add3A_364 = arith.addi %iota3A, %add3A_363 : vector<16xi32>
      tpu.vector_store_idx %arg9[%add3A_364, %broadcast_in_dim3A_352], %get3A_361 : memref<32x513xf32, #tpu.memory_space<vmem>>[vector<16xi32>, vector<16xi32>], vector<16xf32>,
      %mul3A_365 = arith.constant 16 : i32
      %mul3A_366 = arith.muli %scan3A_196, %mul3A_365 : i32
      %add3A_367 = arith.constant 10 : i32
      %add3A_368 = arith.addi %mul3A_366, %add3A_367 : i32
      %broadcast_in_dim3A_369 = vector.broadcast %add3A_368 : i32 to vector<16xi32>
      %get3A_370 = arith.index_cast %add3A_368 : i32 to index
      %get3A_371 = arith.constant 0 : index
      %get3A_372 = tpu.vector_load %arg7[%get3A_370, %get3A_371] {strides = array<i32>} : memref<512x32xf32, #tpu.memory_space<vmem>>, vector<16xf32>,
      %add3A_373 = arith.constant 0 : i32
      %add3A_374 = vector.broadcast %add3A_373 : i32 to vector<16xi32>
      %add3A_375 = arith.addi %iota3A, %add3A_374 : vector<16xi32>
      tpu.vector_store_idx %arg9[%add3A_375, %broadcast_in_dim3A_369], %get3A_372 : memref<32x513xf32, #tpu.memory_space<vmem>>[vector<16xi32>, vector<16xi32>], vector<16xf32>,
      %get3A_376 = arith.index_cast %add3A_368 : i32 to index
      %get3A_377 = arith.constant 16 : index
      %get3A_378 = tpu.vector_load %arg7[%get3A_376, %get3A_377] {strides = array<i32>} : memref<512x32xf32, #tpu.memory_space<vmem>>, vector<16xf32>,
      %add3A_379 = arith.constant 16 : i32
      %add3A_380 = vector.broadcast %add3A_379 : i32 to vector<16xi32>
      %add3A_381 = arith.addi %iota3A, %add3A_380 : vector<16xi32>
      tpu.vector_store_idx %arg9[%add3A_381, %broadcast_in_dim3A_369], %get3A_378 : memref<32x513xf32, #tpu.memory_space<vmem>>[vector<16xi32>, vector<16xi32>], vector<16xf32>,
      %mul3A_382 = arith.constant 16 : i32
      %mul3A_383 = arith.muli %scan3A_196, %mul3A_382 : i32
      %add3A_384 = arith.constant 11 : i32
      %add3A_385 = arith.addi %mul3A_383, %add3A_384 : i32
      %broadcast_in_dim3A_386 = vector.broadcast %add3A_385 : i32 to vector<16xi32>
      %get3A_387 = arith.index_cast %add3A_385 : i32 to index
      %get3A_388 = arith.constant 0 : index
      %get3A_389 = tpu.vector_load %arg7[%get3A_387, %get3A_388] {strides = array<i32>} : memref<512x32xf32, #tpu.memory_space<vmem>>, vector<16xf32>,
      %add3A_390 = arith.constant 0 : i32
      %add3A_391 = vector.broadcast %add3A_390 : i32 to vector<16xi32>
      %add3A_392 = arith.addi %iota3A, %add3A_391 : vector<16xi32>
      tpu.vector_store_idx %arg9[%add3A_392, %broadcast_in_dim3A_386], %get3A_389 : memref<32x513xf32, #tpu.memory_space<vmem>>[vector<16xi32>, vector<16xi32>], vector<16xf32>,
      %get3A_393 = arith.index_cast %add3A_385 : i32 to index
      %get3A_394 = arith.constant 16 : index
      %get3A_395 = tpu.vector_load %arg7[%get3A_393, %get3A_394] {strides = array<i32>} : memref<512x32xf32, #tpu.memory_space<vmem>>, vector<16xf32>,
      %add3A_396 = arith.constant 16 : i32
      %add3A_397 = vector.broadcast %add3A_396 : i32 to vector<16xi32>
      %add3A_398 = arith.addi %iota3A, %add3A_397 : vector<16xi32>
      tpu.vector_store_idx %arg9[%add3A_398, %broadcast_in_dim3A_386], %get3A_395 : memref<32x513xf32, #tpu.memory_space<vmem>>[vector<16xi32>, vector<16xi32>], vector<16xf32>,
      %mul3A_399 = arith.constant 16 : i32
      %mul3A_400 = arith.muli %scan3A_196, %mul3A_399 : i32
      %add3A_401 = arith.constant 12 : i32
      %add3A_402 = arith.addi %mul3A_400, %add3A_401 : i32
      %broadcast_in_dim3A_403 = vector.broadcast %add3A_402 : i32 to vector<16xi32>
      %get3A_404 = arith.index_cast %add3A_402 : i32 to index
      %get3A_405 = arith.constant 0 : index
      %get3A_406 = tpu.vector_load %arg7[%get3A_404, %get3A_405] {strides = array<i32>} : memref<512x32xf32, #tpu.memory_space<vmem>>, vector<16xf32>,
      %add3A_407 = arith.constant 0 : i32
      %add3A_408 = vector.broadcast %add3A_407 : i32 to vector<16xi32>
      %add3A_409 = arith.addi %iota3A, %add3A_408 : vector<16xi32>
      tpu.vector_store_idx %arg9[%add3A_409, %broadcast_in_dim3A_403], %get3A_406 : memref<32x513xf32, #tpu.memory_space<vmem>>[vector<16xi32>, vector<16xi32>], vector<16xf32>,
      %get3A_410 = arith.index_cast %add3A_402 : i32 to index
      %get3A_411 = arith.constant 16 : index
      %get3A_412 = tpu.vector_load %arg7[%get3A_410, %get3A_411] {strides = array<i32>} : memref<512x32xf32, #tpu.memory_space<vmem>>, vector<16xf32>,
      %add3A_413 = arith.constant 16 : i32
      %add3A_414 = vector.broadcast %add3A_413 : i32 to vector<16xi32>
      %add3A_415 = arith.addi %iota3A, %add3A_414 : vector<16xi32>
      tpu.vector_store_idx %arg9[%add3A_415, %broadcast_in_dim3A_403], %get3A_412 : memref<32x513xf32, #tpu.memory_space<vmem>>[vector<16xi32>, vector<16xi32>], vector<16xf32>,
      %mul3A_416 = arith.constant 16 : i32
      %mul3A_417 = arith.muli %scan3A_196, %mul3A_416 : i32
      %add3A_418 = arith.constant 13 : i32
      %add3A_419 = arith.addi %mul3A_417, %add3A_418 : i32
      %broadcast_in_dim3A_420 = vector.broadcast %add3A_419 : i32 to vector<16xi32>
      %get3A_421 = arith.index_cast %add3A_419 : i32 to index
      %get3A_422 = arith.constant 0 : index
      %get3A_423 = tpu.vector_load %arg7[%get3A_421, %get3A_422] {strides = array<i32>} : memref<512x32xf32, #tpu.memory_space<vmem>>, vector<16xf32>,
      %add3A_424 = arith.constant 0 : i32
      %add3A_425 = vector.broadcast %add3A_424 : i32 to vector<16xi32>
      %add3A_426 = arith.addi %iota3A, %add3A_425 : vector<16xi32>
      tpu.vector_store_idx %arg9[%add3A_426, %broadcast_in_dim3A_420], %get3A_423 : memref<32x513xf32, #tpu.memory_space<vmem>>[vector<16xi32>, vector<16xi32>], vector<16xf32>,
      %get3A_427 = arith.index_cast %add3A_419 : i32 to index
      %get3A_428 = arith.constant 16 : index
      %get3A_429 = tpu.vector_load %arg7[%get3A_427, %get3A_428] {strides = array<i32>} : memref<512x32xf32, #tpu.memory_space<vmem>>, vector<16xf32>,
      %add3A_430 = arith.constant 16 : i32
      %add3A_431 = vector.broadcast %add3A_430 : i32 to vector<16xi32>
      %add3A_432 = arith.addi %iota3A, %add3A_431 : vector<16xi32>
      tpu.vector_store_idx %arg9[%add3A_432, %broadcast_in_dim3A_420], %get3A_429 : memref<32x513xf32, #tpu.memory_space<vmem>>[vector<16xi32>, vector<16xi32>], vector<16xf32>,
      %mul3A_433 = arith.constant 16 : i32
      %mul3A_434 = arith.muli %scan3A_196, %mul3A_433 : i32
      %add3A_435 = arith.constant 14 : i32
      %add3A_436 = arith.addi %mul3A_434, %add3A_435 : i32
      %broadcast_in_dim3A_437 = vector.broadcast %add3A_436 : i32 to vector<16xi32>
      %get3A_438 = arith.index_cast %add3A_436 : i32 to index
      %get3A_439 = arith.constant 0 : index
      %get3A_440 = tpu.vector_load %arg7[%get3A_438, %get3A_439] {strides = array<i32>} : memref<512x32xf32, #tpu.memory_space<vmem>>, vector<16xf32>,
      %add3A_441 = arith.constant 0 : i32
      %add3A_442 = vector.broadcast %add3A_441 : i32 to vector<16xi32>
      %add3A_443 = arith.addi %iota3A, %add3A_442 : vector<16xi32>
      tpu.vector_store_idx %arg9[%add3A_443, %broadcast_in_dim3A_437], %get3A_440 : memref<32x513xf32, #tpu.memory_space<vmem>>[vector<16xi32>, vector<16xi32>], vector<16xf32>,
      %get3A_444 = arith.index_cast %add3A_436 : i32 to index
      %get3A_445 = arith.constant 16 : index
      %get3A_446 = tpu.vector_load %arg7[%get3A_444, %get3A_445] {strides = array<i32>} : memref<512x32xf32, #tpu.memory_space<vmem>>, vector<16xf32>,
      %add3A_447 = arith.constant 16 : i32
      %add3A_448 = vector.broadcast %add3A_447 : i32 to vector<16xi32>
      %add3A_449 = arith.addi %iota3A, %add3A_448 : vector<16xi32>
      tpu.vector_store_idx %arg9[%add3A_449, %broadcast_in_dim3A_437], %get3A_446 : memref<32x513xf32, #tpu.memory_space<vmem>>[vector<16xi32>, vector<16xi32>], vector<16xf32>,
      %mul3A_450 = arith.constant 16 : i32
      %mul3A_451 = arith.muli %scan3A_196, %mul3A_450 : i32
      %add3A_452 = arith.constant 15 : i32
      %add3A_453 = arith.addi %mul3A_451, %add3A_452 : i32
      %broadcast_in_dim3A_454 = vector.broadcast %add3A_453 : i32 to vector<16xi32>
      %get3A_455 = arith.index_cast %add3A_453 : i32 to index
      %get3A_456 = arith.constant 0 : index
      %get3A_457 = tpu.vector_load %arg7[%get3A_455, %get3A_456] {strides = array<i32>} : memref<512x32xf32, #tpu.memory_space<vmem>>, vector<16xf32>,
      %add3A_458 = arith.constant 0 : i32
      %add3A_459 = vector.broadcast %add3A_458 : i32 to vector<16xi32>
      %add3A_460 = arith.addi %iota3A, %add3A_459 : vector<16xi32>
      tpu.vector_store_idx %arg9[%add3A_460, %broadcast_in_dim3A_454], %get3A_457 : memref<32x513xf32, #tpu.memory_space<vmem>>[vector<16xi32>, vector<16xi32>], vector<16xf32>,
      %get3A_461 = arith.index_cast %add3A_453 : i32 to index
      %get3A_462 = arith.constant 16 : index
      %get3A_463 = tpu.vector_load %arg7[%get3A_461, %get3A_462] {strides = array<i32>} : memref<512x32xf32, #tpu.memory_space<vmem>>, vector<16xf32>,
      %add3A_464 = arith.constant 16 : i32
      %add3A_465 = vector.broadcast %add3A_464 : i32 to vector<16xi32>
      %add3A_466 = arith.addi %iota3A, %add3A_465 : vector<16xi32>
      tpu.vector_store_idx %arg9[%add3A_466, %broadcast_in_dim3A_454], %get3A_463 : memref<32x513xf32, #tpu.memory_space<vmem>>[vector<16xi32>, vector<16xi32>], vector<16xf32>,
    }
    %scan3A_32 = arith.constant 32 : i32
    %dma_start3A_33 = arith.constant 0 : i32
    %dma_start3A_34 = arith.constant 0 : i32
    %dma_start3A_35 = arith.constant 0 : i32
    %dma_start3A_36 = tpu.memref_slice %arg9[%dma_start3A_34, %dma_start3A_35] : memref<32x513xf32, #tpu.memory_space<vmem>> -> memref<32x512xf32, #tpu.memory_space<vmem>>
    %dma_start3A_37 = arith.constant 0 : i32
    %dma_start3A_38 = tpu.memref_slice %arg4[%dma_start3A_33, %dma_start3A_37, %mul3A_2] : memref<50x32x16384xf32, #tpu.memory_space<hbm>> -> memref<1x32x512xf32, #tpu.memory_space<hbm>>
    %dma_start3A_39 = tpu.memref_squeeze %dma_start3A_38 : memref<1x32x512xf32, #tpu.memory_space<hbm>> -> memref<32x512xf32, #tpu.memory_space<hbm>>
    %dma_start3A_40 = arith.constant 0 : i32
    %dma_start3A_41 = tpu.memref_slice %arg4[%dma_start3A_33, %dma_start3A_40, %mul3A_2] : memref<50x32x16384xf32, #tpu.memory_space<hbm>> -> memref<1x32x512xf32, #tpu.memory_space<hbm>>
    %dma_start3A_42 = tpu.memref_squeeze %dma_start3A_41 : memref<1x32x512xf32, #tpu.memory_space<hbm>> -> memref<32x512xf32, #tpu.memory_space<hbm>>
    %dma_start3A_43 = arith.constant 0 : i32
    %dma_start3A_44 = arith.constant 0 : i32
    %dma_start3A_45 = tpu.memref_slice %arg9[%dma_start3A_43, %dma_start3A_44] : memref<32x513xf32, #tpu.memory_space<vmem>> -> memref<32x512xf32, #tpu.memory_space<vmem>>
    tpu.enqueue_dma source(%dma_start3A_45 : memref<32x512xf32, #tpu.memory_space<vmem>>) target(%dma_start3A_42 : memref<32x512xf32, #tpu.memory_space<hbm>>) target_semaphore(%arg13 : memref<!tpu.dma_semaphore, #tpu.memory_space<semaphore_mem>>)
    %dma_wait3A_46 = arith.constant 1 : i32
    %dma_wait3A_47 = arith.constant 0 : i32
    %dma_wait3A_48 = tpu.memref_slice %arg6[%dma_wait3A_46, %dma_wait3A_47] : memref<50x512xi32, #tpu.memory_space<vmem>> -> memref<1x512xi32, #tpu.memory_space<vmem>>
    %dma_wait3A_49 = tpu.memref_squeeze %dma_wait3A_48 : memref<1x512xi32, #tpu.memory_space<vmem>> -> memref<512xi32, #tpu.memory_space<vmem>>
    %dma_wait3A_50 = arith.constant 0 : i32
    %dma_wait3A_51 = arith.constant 0 : i32
    %dma_wait3A_52 = tpu.memref_slice %arg3[%dma_wait3A_50, %dma_wait3A_51] : memref<1000000x32xf32, #tpu.memory_space<hbm>> -> memref<1000000x32xf32, #tpu.memory_space<hbm>>
    tpu.wait_indirect_dma semaphore(%arg12 : memref<!tpu.dma_semaphore, #tpu.memory_space<semaphore_mem>>) src(%dma_wait3A_52 : memref<1000000x32xf32, #tpu.memory_space<hbm>>) dst(%arg8 : memref<512x32xf32, #tpu.memory_space<vmem>>)
    %dma_start3A_53 = arith.constant 2 : i32
    %dma_start3A_54 = arith.constant 0 : i32
    %dma_start3A_55 = tpu.memref_slice %arg6[%dma_start3A_53, %dma_start3A_54] : memref<50x512xi32, #tpu.memory_space<vmem>> -> memref<1x512xi32, #tpu.memory_space<vmem>>
    %dma_start3A_56 = tpu.memref_squeeze %dma_start3A_55 : memref<1x512xi32, #tpu.memory_space<vmem>> -> memref<512xi32, #tpu.memory_space<vmem>>
    %dma_start3A_57 = arith.constant 0 : i32
    %dma_start3A_58 = arith.constant 0 : i32
    %dma_start3A_59 = tpu.memref_slice %arg3[%dma_start3A_57, %dma_start3A_58] : memref<1000000x32xf32, #tpu.memory_space<hbm>> -> memref<1000000x32xf32, #tpu.memory_space<hbm>>
    tpu.enqueue_indirect_dma source(%dma_start3A_59 : memref<1000000x32xf32, #tpu.memory_space<hbm>>) target(%arg7 : memref<512x32xf32, #tpu.memory_space<vmem>>) offsets(%dma_start3A_56 : memref<512xi32, #tpu.memory_space<vmem>>) semaphore(%arg11 : memref<!tpu.dma_semaphore, #tpu.memory_space<semaphore_mem>>)
    %scan3A_60 = arith.constant 0 : i32
    %scan3A_61 = arith.constant 0 : i32
    %scan3A_62 = arith.constant 32 : i32
    %scan3A_63 = arith.addi %scan3A_61, %scan3A_62 : i32
    %scan3A_64 = arith.constant 1 : i32
    scf.for %scan3A_196 = %scan3A_61 to %scan3A_63 step %scan3A_64  : i32 {
      %mul3A_197 = arith.constant 16 : i32
      %mul3A_198 = arith.muli %scan3A_196, %mul3A_197 : i32
      %add3A_199 = arith.constant 0 : i32
      %add3A_200 = arith.addi %mul3A_198, %add3A_199 : i32
      %broadcast_in_dim3A = vector.broadcast %add3A_200 : i32 to vector<16xi32>
      %get3A = arith.index_cast %add3A_200 : i32 to index
      %get3A_201 = arith.constant 0 : index
      %get3A_202 = tpu.vector_load %arg8[%get3A, %get3A_201] {strides = array<i32>} : memref<512x32xf32, #tpu.memory_space<vmem>>, vector<16xf32>,
      %add3A_203 = arith.constant 0 : i32
      %add3A_204 = vector.broadcast %add3A_203 : i32 to vector<16xi32>
      %add3A_205 = arith.addi %iota3A, %add3A_204 : vector<16xi32>
      tpu.vector_store_idx %arg10[%add3A_205, %broadcast_in_dim3A], %get3A_202 : memref<32x513xf32, #tpu.memory_space<vmem>>[vector<16xi32>, vector<16xi32>], vector<16xf32>,
      %get3A_206 = arith.index_cast %add3A_200 : i32 to index
      %get3A_207 = arith.constant 16 : index
      %get3A_208 = tpu.vector_load %arg8[%get3A_206, %get3A_207] {strides = array<i32>} : memref<512x32xf32, #tpu.memory_space<vmem>>, vector<16xf32>,
      %add3A_209 = arith.constant 16 : i32
      %add3A_210 = vector.broadcast %add3A_209 : i32 to vector<16xi32>
      %add3A_211 = arith.addi %iota3A, %add3A_210 : vector<16xi32>
      tpu.vector_store_idx %arg10[%add3A_211, %broadcast_in_dim3A], %get3A_208 : memref<32x513xf32, #tpu.memory_space<vmem>>[vector<16xi32>, vector<16xi32>], vector<16xf32>,
      %mul3A_212 = arith.constant 16 : i32
      %mul3A_213 = arith.muli %scan3A_196, %mul3A_212 : i32
      %add3A_214 = arith.constant 1 : i32
      %add3A_215 = arith.addi %mul3A_213, %add3A_214 : i32
      %broadcast_in_dim3A_216 = vector.broadcast %add3A_215 : i32 to vector<16xi32>
      %get3A_217 = arith.index_cast %add3A_215 : i32 to index
      %get3A_218 = arith.constant 0 : index
      %get3A_219 = tpu.vector_load %arg8[%get3A_217, %get3A_218] {strides = array<i32>} : memref<512x32xf32, #tpu.memory_space<vmem>>, vector<16xf32>,
      %add3A_220 = arith.constant 0 : i32
      %add3A_221 = vector.broadcast %add3A_220 : i32 to vector<16xi32>
      %add3A_222 = arith.addi %iota3A, %add3A_221 : vector<16xi32>
      tpu.vector_store_idx %arg10[%add3A_222, %broadcast_in_dim3A_216], %get3A_219 : memref<32x513xf32, #tpu.memory_space<vmem>>[vector<16xi32>, vector<16xi32>], vector<16xf32>,
      %get3A_223 = arith.index_cast %add3A_215 : i32 to index
      %get3A_224 = arith.constant 16 : index
      %get3A_225 = tpu.vector_load %arg8[%get3A_223, %get3A_224] {strides = array<i32>} : memref<512x32xf32, #tpu.memory_space<vmem>>, vector<16xf32>,
      %add3A_226 = arith.constant 16 : i32
      %add3A_227 = vector.broadcast %add3A_226 : i32 to vector<16xi32>
      %add3A_228 = arith.addi %iota3A, %add3A_227 : vector<16xi32>
      tpu.vector_store_idx %arg10[%add3A_228, %broadcast_in_dim3A_216], %get3A_225 : memref<32x513xf32, #tpu.memory_space<vmem>>[vector<16xi32>, vector<16xi32>], vector<16xf32>,
      %mul3A_229 = arith.constant 16 : i32
      %mul3A_230 = arith.muli %scan3A_196, %mul3A_229 : i32
      %add3A_231 = arith.constant 2 : i32
      %add3A_232 = arith.addi %mul3A_230, %add3A_231 : i32
      %broadcast_in_dim3A_233 = vector.broadcast %add3A_232 : i32 to vector<16xi32>
      %get3A_234 = arith.index_cast %add3A_232 : i32 to index
      %get3A_235 = arith.constant 0 : index
      %get3A_236 = tpu.vector_load %arg8[%get3A_234, %get3A_235] {strides = array<i32>} : memref<512x32xf32, #tpu.memory_space<vmem>>, vector<16xf32>,
      %add3A_237 = arith.constant 0 : i32
      %add3A_238 = vector.broadcast %add3A_237 : i32 to vector<16xi32>
      %add3A_239 = arith.addi %iota3A, %add3A_238 : vector<16xi32>
      tpu.vector_store_idx %arg10[%add3A_239, %broadcast_in_dim3A_233], %get3A_236 : memref<32x513xf32, #tpu.memory_space<vmem>>[vector<16xi32>, vector<16xi32>], vector<16xf32>,
      %get3A_240 = arith.index_cast %add3A_232 : i32 to index
      %get3A_241 = arith.constant 16 : index
      %get3A_242 = tpu.vector_load %arg8[%get3A_240, %get3A_241] {strides = array<i32>} : memref<512x32xf32, #tpu.memory_space<vmem>>, vector<16xf32>,
      %add3A_243 = arith.constant 16 : i32
      %add3A_244 = vector.broadcast %add3A_243 : i32 to vector<16xi32>
      %add3A_245 = arith.addi %iota3A, %add3A_244 : vector<16xi32>
      tpu.vector_store_idx %arg10[%add3A_245, %broadcast_in_dim3A_233], %get3A_242 : memref<32x513xf32, #tpu.memory_space<vmem>>[vector<16xi32>, vector<16xi32>], vector<16xf32>,
      %mul3A_246 = arith.constant 16 : i32
      %mul3A_247 = arith.muli %scan3A_196, %mul3A_246 : i32
      %add3A_248 = arith.constant 3 : i32
      %add3A_249 = arith.addi %mul3A_247, %add3A_248 : i32
      %broadcast_in_dim3A_250 = vector.broadcast %add3A_249 : i32 to vector<16xi32>
      %get3A_251 = arith.index_cast %add3A_249 : i32 to index
      %get3A_252 = arith.constant 0 : index
      %get3A_253 = tpu.vector_load %arg8[%get3A_251, %get3A_252] {strides = array<i32>} : memref<512x32xf32, #tpu.memory_space<vmem>>, vector<16xf32>,
      %add3A_254 = arith.constant 0 : i32
      %add3A_255 = vector.broadcast %add3A_254 : i32 to vector<16xi32>
      %add3A_256 = arith.addi %iota3A, %add3A_255 : vector<16xi32>
      tpu.vector_store_idx %arg10[%add3A_256, %broadcast_in_dim3A_250], %get3A_253 : memref<32x513xf32, #tpu.memory_space<vmem>>[vector<16xi32>, vector<16xi32>], vector<16xf32>,
      %get3A_257 = arith.index_cast %add3A_249 : i32 to index
      %get3A_258 = arith.constant 16 : index
      %get3A_259 = tpu.vector_load %arg8[%get3A_257, %get3A_258] {strides = array<i32>} : memref<512x32xf32, #tpu.memory_space<vmem>>, vector<16xf32>,
      %add3A_260 = arith.constant 16 : i32
      %add3A_261 = vector.broadcast %add3A_260 : i32 to vector<16xi32>
      %add3A_262 = arith.addi %iota3A, %add3A_261 : vector<16xi32>
      tpu.vector_store_idx %arg10[%add3A_262, %broadcast_in_dim3A_250], %get3A_259 : memref<32x513xf32, #tpu.memory_space<vmem>>[vector<16xi32>, vector<16xi32>], vector<16xf32>,
      %mul3A_263 = arith.constant 16 : i32
      %mul3A_264 = arith.muli %scan3A_196, %mul3A_263 : i32
      %add3A_265 = arith.constant 4 : i32
      %add3A_266 = arith.addi %mul3A_264, %add3A_265 : i32
      %broadcast_in_dim3A_267 = vector.broadcast %add3A_266 : i32 to vector<16xi32>
      %get3A_268 = arith.index_cast %add3A_266 : i32 to index
      %get3A_269 = arith.constant 0 : index
      %get3A_270 = tpu.vector_load %arg8[%get3A_268, %get3A_269] {strides = array<i32>} : memref<512x32xf32, #tpu.memory_space<vmem>>, vector<16xf32>,
      %add3A_271 = arith.constant 0 : i32
      %add3A_272 = vector.broadcast %add3A_271 : i32 to vector<16xi32>
      %add3A_273 = arith.addi %iota3A, %add3A_272 : vector<16xi32>
      tpu.vector_store_idx %arg10[%add3A_273, %broadcast_in_dim3A_267], %get3A_270 : memref<32x513xf32, #tpu.memory_space<vmem>>[vector<16xi32>, vector<16xi32>], vector<16xf32>,
      %get3A_274 = arith.index_cast %add3A_266 : i32 to index
      %get3A_275 = arith.constant 16 : index
      %get3A_276 = tpu.vector_load %arg8[%get3A_274, %get3A_275] {strides = array<i32>} : memref<512x32xf32, #tpu.memory_space<vmem>>, vector<16xf32>,
      %add3A_277 = arith.constant 16 : i32
      %add3A_278 = vector.broadcast %add3A_277 : i32 to vector<16xi32>
      %add3A_279 = arith.addi %iota3A, %add3A_278 : vector<16xi32>
      tpu.vector_store_idx %arg10[%add3A_279, %broadcast_in_dim3A_267], %get3A_276 : memref<32x513xf32, #tpu.memory_space<vmem>>[vector<16xi32>, vector<16xi32>], vector<16xf32>,
      %mul3A_280 = arith.constant 16 : i32
      %mul3A_281 = arith.muli %scan3A_196, %mul3A_280 : i32
      %add3A_282 = arith.constant 5 : i32
      %add3A_283 = arith.addi %mul3A_281, %add3A_282 : i32
      %broadcast_in_dim3A_284 = vector.broadcast %add3A_283 : i32 to vector<16xi32>
      %get3A_285 = arith.index_cast %add3A_283 : i32 to index
      %get3A_286 = arith.constant 0 : index
      %get3A_287 = tpu.vector_load %arg8[%get3A_285, %get3A_286] {strides = array<i32>} : memref<512x32xf32, #tpu.memory_space<vmem>>, vector<16xf32>,
      %add3A_288 = arith.constant 0 : i32
      %add3A_289 = vector.broadcast %add3A_288 : i32 to vector<16xi32>
      %add3A_290 = arith.addi %iota3A, %add3A_289 : vector<16xi32>
      tpu.vector_store_idx %arg10[%add3A_290, %broadcast_in_dim3A_284], %get3A_287 : memref<32x513xf32, #tpu.memory_space<vmem>>[vector<16xi32>, vector<16xi32>], vector<16xf32>,
      %get3A_291 = arith.index_cast %add3A_283 : i32 to index
      %get3A_292 = arith.constant 16 : index
      %get3A_293 = tpu.vector_load %arg8[%get3A_291, %get3A_292] {strides = array<i32>} : memref<512x32xf32, #tpu.memory_space<vmem>>, vector<16xf32>,
      %add3A_294 = arith.constant 16 : i32
      %add3A_295 = vector.broadcast %add3A_294 : i32 to vector<16xi32>
      %add3A_296 = arith.addi %iota3A, %add3A_295 : vector<16xi32>
      tpu.vector_store_idx %arg10[%add3A_296, %broadcast_in_dim3A_284], %get3A_293 : memref<32x513xf32, #tpu.memory_space<vmem>>[vector<16xi32>, vector<16xi32>], vector<16xf32>,
      %mul3A_297 = arith.constant 16 : i32
      %mul3A_298 = arith.muli %scan3A_196, %mul3A_297 : i32
      %add3A_299 = arith.constant 6 : i32
      %add3A_300 = arith.addi %mul3A_298, %add3A_299 : i32
      %broadcast_in_dim3A_301 = vector.broadcast %add3A_300 : i32 to vector<16xi32>
      %get3A_302 = arith.index_cast %add3A_300 : i32 to index
      %get3A_303 = arith.constant 0 : index
      %get3A_304 = tpu.vector_load %arg8[%get3A_302, %get3A_303] {strides = array<i32>} : memref<512x32xf32, #tpu.memory_space<vmem>>, vector<16xf32>,
      %add3A_305 = arith.constant 0 : i32
      %add3A_306 = vector.broadcast %add3A_305 : i32 to vector<16xi32>
      %add3A_307 = arith.addi %iota3A, %add3A_306 : vector<16xi32>
      tpu.vector_store_idx %arg10[%add3A_307, %broadcast_in_dim3A_301], %get3A_304 : memref<32x513xf32, #tpu.memory_space<vmem>>[vector<16xi32>, vector<16xi32>], vector<16xf32>,
      %get3A_308 = arith.index_cast %add3A_300 : i32 to index
      %get3A_309 = arith.constant 16 : index
      %get3A_310 = tpu.vector_load %arg8[%get3A_308, %get3A_309] {strides = array<i32>} : memref<512x32xf32, #tpu.memory_space<vmem>>, vector<16xf32>,
      %add3A_311 = arith.constant 16 : i32
      %add3A_312 = vector.broadcast %add3A_311 : i32 to vector<16xi32>
      %add3A_313 = arith.addi %iota3A, %add3A_312 : vector<16xi32>
      tpu.vector_store_idx %arg10[%add3A_313, %broadcast_in_dim3A_301], %get3A_310 : memref<32x513xf32, #tpu.memory_space<vmem>>[vector<16xi32>, vector<16xi32>], vector<16xf32>,
      %mul3A_314 = arith.constant 16 : i32
      %mul3A_315 = arith.muli %scan3A_196, %mul3A_314 : i32
      %add3A_316 = arith.constant 7 : i32
      %add3A_317 = arith.addi %mul3A_315, %add3A_316 : i32
      %broadcast_in_dim3A_318 = vector.broadcast %add3A_317 : i32 to vector<16xi32>
      %get3A_319 = arith.index_cast %add3A_317 : i32 to index
      %get3A_320 = arith.constant 0 : index
      %get3A_321 = tpu.vector_load %arg8[%get3A_319, %get3A_320] {strides = array<i32>} : memref<512x32xf32, #tpu.memory_space<vmem>>, vector<16xf32>,
      %add3A_322 = arith.constant 0 : i32
      %add3A_323 = vector.broadcast %add3A_322 : i32 to vector<16xi32>
      %add3A_324 = arith.addi %iota3A, %add3A_323 : vector<16xi32>
      tpu.vector_store_idx %arg10[%add3A_324, %broadcast_in_dim3A_318], %get3A_321 : memref<32x513xf32, #tpu.memory_space<vmem>>[vector<16xi32>, vector<16xi32>], vector<16xf32>,
      %get3A_325 = arith.index_cast %add3A_317 : i32 to index
      %get3A_326 = arith.constant 16 : index
      %get3A_327 = tpu.vector_load %arg8[%get3A_325, %get3A_326] {strides = array<i32>} : memref<512x32xf32, #tpu.memory_space<vmem>>, vector<16xf32>,
      %add3A_328 = arith.constant 16 : i32
      %add3A_329 = vector.broadcast %add3A_328 : i32 to vector<16xi32>
      %add3A_330 = arith.addi %iota3A, %add3A_329 : vector<16xi32>
      tpu.vector_store_idx %arg10[%add3A_330, %broadcast_in_dim3A_318], %get3A_327 : memref<32x513xf32, #tpu.memory_space<vmem>>[vector<16xi32>, vector<16xi32>], vector<16xf32>,
      %mul3A_331 = arith.constant 16 : i32
      %mul3A_332 = arith.muli %scan3A_196, %mul3A_331 : i32
      %add3A_333 = arith.constant 8 : i32
      %add3A_334 = arith.addi %mul3A_332, %add3A_333 : i32
      %broadcast_in_dim3A_335 = vector.broadcast %add3A_334 : i32 to vector<16xi32>
      %get3A_336 = arith.index_cast %add3A_334 : i32 to index
      %get3A_337 = arith.constant 0 : index
      %get3A_338 = tpu.vector_load %arg8[%get3A_336, %get3A_337] {strides = array<i32>} : memref<512x32xf32, #tpu.memory_space<vmem>>, vector<16xf32>,
      %add3A_339 = arith.constant 0 : i32
      %add3A_340 = vector.broadcast %add3A_339 : i32 to vector<16xi32>
      %add3A_341 = arith.addi %iota3A, %add3A_340 : vector<16xi32>
      tpu.vector_store_idx %arg10[%add3A_341, %broadcast_in_dim3A_335], %get3A_338 : memref<32x513xf32, #tpu.memory_space<vmem>>[vector<16xi32>, vector<16xi32>], vector<16xf32>,
      %get3A_342 = arith.index_cast %add3A_334 : i32 to index
      %get3A_343 = arith.constant 16 : index
      %get3A_344 = tpu.vector_load %arg8[%get3A_342, %get3A_343] {strides = array<i32>} : memref<512x32xf32, #tpu.memory_space<vmem>>, vector<16xf32>,
      %add3A_345 = arith.constant 16 : i32
      %add3A_346 = vector.broadcast %add3A_345 : i32 to vector<16xi32>
      %add3A_347 = arith.addi %iota3A, %add3A_346 : vector<16xi32>
      tpu.vector_store_idx %arg10[%add3A_347, %broadcast_in_dim3A_335], %get3A_344 : memref<32x513xf32, #tpu.memory_space<vmem>>[vector<16xi32>, vector<16xi32>], vector<16xf32>,
      %mul3A_348 = arith.constant 16 : i32
      %mul3A_349 = arith.muli %scan3A_196, %mul3A_348 : i32
      %add3A_350 = arith.constant 9 : i32
      %add3A_351 = arith.addi %mul3A_349, %add3A_350 : i32
      %broadcast_in_dim3A_352 = vector.broadcast %add3A_351 : i32 to vector<16xi32>
      %get3A_353 = arith.index_cast %add3A_351 : i32 to index
      %get3A_354 = arith.constant 0 : index
      %get3A_355 = tpu.vector_load %arg8[%get3A_353, %get3A_354] {strides = array<i32>} : memref<512x32xf32, #tpu.memory_space<vmem>>, vector<16xf32>,
      %add3A_356 = arith.constant 0 : i32
      %add3A_357 = vector.broadcast %add3A_356 : i32 to vector<16xi32>
      %add3A_358 = arith.addi %iota3A, %add3A_357 : vector<16xi32>
      tpu.vector_store_idx %arg10[%add3A_358, %broadcast_in_dim3A_352], %get3A_355 : memref<32x513xf32, #tpu.memory_space<vmem>>[vector<16xi32>, vector<16xi32>], vector<16xf32>,
      %get3A_359 = arith.index_cast %add3A_351 : i32 to index
      %get3A_360 = arith.constant 16 : index
      %get3A_361 = tpu.vector_load %arg8[%get3A_359, %get3A_360] {strides = array<i32>} : memref<512x32xf32, #tpu.memory_space<vmem>>, vector<16xf32>,
      %add3A_362 = arith.constant 16 : i32
      %add3A_363 = vector.broadcast %add3A_362 : i32 to vector<16xi32>
      %add3A_364 = arith.addi %iota3A, %add3A_363 : vector<16xi32>
      tpu.vector_store_idx %arg10[%add3A_364, %broadcast_in_dim3A_352], %get3A_361 : memref<32x513xf32, #tpu.memory_space<vmem>>[vector<16xi32>, vector<16xi32>], vector<16xf32>,
      %mul3A_365 = arith.constant 16 : i32
      %mul3A_366 = arith.muli %scan3A_196, %mul3A_365 : i32
      %add3A_367 = arith.constant 10 : i32
      %add3A_368 = arith.addi %mul3A_366, %add3A_367 : i32
      %broadcast_in_dim3A_369 = vector.broadcast %add3A_368 : i32 to vector<16xi32>
      %get3A_370 = arith.index_cast %add3A_368 : i32 to index
      %get3A_371 = arith.constant 0 : index
      %get3A_372 = tpu.vector_load %arg8[%get3A_370, %get3A_371] {strides = array<i32>} : memref<512x32xf32, #tpu.memory_space<vmem>>, vector<16xf32>,
      %add3A_373 = arith.constant 0 : i32
      %add3A_374 = vector.broadcast %add3A_373 : i32 to vector<16xi32>
      %add3A_375 = arith.addi %iota3A, %add3A_374 : vector<16xi32>
      tpu.vector_store_idx %arg10[%add3A_375, %broadcast_in_dim3A_369], %get3A_372 : memref<32x513xf32, #tpu.memory_space<vmem>>[vector<16xi32>, vector<16xi32>], vector<16xf32>,
      %get3A_376 = arith.index_cast %add3A_368 : i32 to index
      %get3A_377 = arith.constant 16 : index
      %get3A_378 = tpu.vector_load %arg8[%get3A_376, %get3A_377] {strides = array<i32>} : memref<512x32xf32, #tpu.memory_space<vmem>>, vector<16xf32>,
      %add3A_379 = arith.constant 16 : i32
      %add3A_380 = vector.broadcast %add3A_379 : i32 to vector<16xi32>
      %add3A_381 = arith.addi %iota3A, %add3A_380 : vector<16xi32>
      tpu.vector_store_idx %arg10[%add3A_381, %broadcast_in_dim3A_369], %get3A_378 : memref<32x513xf32, #tpu.memory_space<vmem>>[vector<16xi32>, vector<16xi32>], vector<16xf32>,
      %mul3A_382 = arith.constant 16 : i32
      %mul3A_383 = arith.muli %scan3A_196, %mul3A_382 : i32
      %add3A_384 = arith.constant 11 : i32
      %add3A_385 = arith.addi %mul3A_383, %add3A_384 : i32
      %broadcast_in_dim3A_386 = vector.broadcast %add3A_385 : i32 to vector<16xi32>
      %get3A_387 = arith.index_cast %add3A_385 : i32 to index
      %get3A_388 = arith.constant 0 : index
      %get3A_389 = tpu.vector_load %arg8[%get3A_387, %get3A_388] {strides = array<i32>} : memref<512x32xf32, #tpu.memory_space<vmem>>, vector<16xf32>,
      %add3A_390 = arith.constant 0 : i32
      %add3A_391 = vector.broadcast %add3A_390 : i32 to vector<16xi32>
      %add3A_392 = arith.addi %iota3A, %add3A_391 : vector<16xi32>
      tpu.vector_store_idx %arg10[%add3A_392, %broadcast_in_dim3A_386], %get3A_389 : memref<32x513xf32, #tpu.memory_space<vmem>>[vector<16xi32>, vector<16xi32>], vector<16xf32>,
      %get3A_393 = arith.index_cast %add3A_385 : i32 to index
      %get3A_394 = arith.constant 16 : index
      %get3A_395 = tpu.vector_load %arg8[%get3A_393, %get3A_394] {strides = array<i32>} : memref<512x32xf32, #tpu.memory_space<vmem>>, vector<16xf32>,
      %add3A_396 = arith.constant 16 : i32
      %add3A_397 = vector.broadcast %add3A_396 : i32 to vector<16xi32>
      %add3A_398 = arith.addi %iota3A, %add3A_397 : vector<16xi32>
      tpu.vector_store_idx %arg10[%add3A_398, %broadcast_in_dim3A_386], %get3A_395 : memref<32x513xf32, #tpu.memory_space<vmem>>[vector<16xi32>, vector<16xi32>], vector<16xf32>,
      %mul3A_399 = arith.constant 16 : i32
      %mul3A_400 = arith.muli %scan3A_196, %mul3A_399 : i32
      %add3A_401 = arith.constant 12 : i32
      %add3A_402 = arith.addi %mul3A_400, %add3A_401 : i32
      %broadcast_in_dim3A_403 = vector.broadcast %add3A_402 : i32 to vector<16xi32>
      %get3A_404 = arith.index_cast %add3A_402 : i32 to index
      %get3A_405 = arith.constant 0 : index
      %get3A_406 = tpu.vector_load %arg8[%get3A_404, %get3A_405] {strides = array<i32>} : memref<512x32xf32, #tpu.memory_space<vmem>>, vector<16xf32>,
      %add3A_407 = arith.constant 0 : i32
      %add3A_408 = vector.broadcast %add3A_407 : i32 to vector<16xi32>
      %add3A_409 = arith.addi %iota3A, %add3A_408 : vector<16xi32>
      tpu.vector_store_idx %arg10[%add3A_409, %broadcast_in_dim3A_403], %get3A_406 : memref<32x513xf32, #tpu.memory_space<vmem>>[vector<16xi32>, vector<16xi32>], vector<16xf32>,
      %get3A_410 = arith.index_cast %add3A_402 : i32 to index
      %get3A_411 = arith.constant 16 : index
      %get3A_412 = tpu.vector_load %arg8[%get3A_410, %get3A_411] {strides = array<i32>} : memref<512x32xf32, #tpu.memory_space<vmem>>, vector<16xf32>,
      %add3A_413 = arith.constant 16 : i32
      %add3A_414 = vector.broadcast %add3A_413 : i32 to vector<16xi32>
      %add3A_415 = arith.addi %iota3A, %add3A_414 : vector<16xi32>
      tpu.vector_store_idx %arg10[%add3A_415, %broadcast_in_dim3A_403], %get3A_412 : memref<32x513xf32, #tpu.memory_space<vmem>>[vector<16xi32>, vector<16xi32>], vector<16xf32>,
      %mul3A_416 = arith.constant 16 : i32
      %mul3A_417 = arith.muli %scan3A_196, %mul3A_416 : i32
      %add3A_418 = arith.constant 13 : i32
      %add3A_419 = arith.addi %mul3A_417, %add3A_418 : i32
      %broadcast_in_dim3A_420 = vector.broadcast %add3A_419 : i32 to vector<16xi32>
      %get3A_421 = arith.index_cast %add3A_419 : i32 to index
      %get3A_422 = arith.constant 0 : index
      %get3A_423 = tpu.vector_load %arg8[%get3A_421, %get3A_422] {strides = array<i32>} : memref<512x32xf32, #tpu.memory_space<vmem>>, vector<16xf32>,
      %add3A_424 = arith.constant 0 : i32
      %add3A_425 = vector.broadcast %add3A_424 : i32 to vector<16xi32>
      %add3A_426 = arith.addi %iota3A, %add3A_425 : vector<16xi32>
      tpu.vector_store_idx %arg10[%add3A_426, %broadcast_in_dim3A_420], %get3A_423 : memref<32x513xf32, #tpu.memory_space<vmem>>[vector<16xi32>, vector<16xi32>], vector<16xf32>,
      %get3A_427 = arith.index_cast %add3A_419 : i32 to index
      %get3A_428 = arith.constant 16 : index
      %get3A_429 = tpu.vector_load %arg8[%get3A_427, %get3A_428] {strides = array<i32>} : memref<512x32xf32, #tpu.memory_space<vmem>>, vector<16xf32>,
      %add3A_430 = arith.constant 16 : i32
      %add3A_431 = vector.broadcast %add3A_430 : i32 to vector<16xi32>
      %add3A_432 = arith.addi %iota3A, %add3A_431 : vector<16xi32>
      tpu.vector_store_idx %arg10[%add3A_432, %broadcast_in_dim3A_420], %get3A_429 : memref<32x513xf32, #tpu.memory_space<vmem>>[vector<16xi32>, vector<16xi32>], vector<16xf32>,
      %mul3A_433 = arith.constant 16 : i32
      %mul3A_434 = arith.muli %scan3A_196, %mul3A_433 : i32
      %add3A_435 = arith.constant 14 : i32
      %add3A_436 = arith.addi %mul3A_434, %add3A_435 : i32
      %broadcast_in_dim3A_437 = vector.broadcast %add3A_436 : i32 to vector<16xi32>
      %get3A_438 = arith.index_cast %add3A_436 : i32 to index
      %get3A_439 = arith.constant 0 : index
      %get3A_440 = tpu.vector_load %arg8[%get3A_438, %get3A_439] {strides = array<i32>} : memref<512x32xf32, #tpu.memory_space<vmem>>, vector<16xf32>,
      %add3A_441 = arith.constant 0 : i32
      %add3A_442 = vector.broadcast %add3A_441 : i32 to vector<16xi32>
      %add3A_443 = arith.addi %iota3A, %add3A_442 : vector<16xi32>
      tpu.vector_store_idx %arg10[%add3A_443, %broadcast_in_dim3A_437], %get3A_440 : memref<32x513xf32, #tpu.memory_space<vmem>>[vector<16xi32>, vector<16xi32>], vector<16xf32>,
      %get3A_444 = arith.index_cast %add3A_436 : i32 to index
      %get3A_445 = arith.constant 16 : index
      %get3A_446 = tpu.vector_load %arg8[%get3A_444, %get3A_445] {strides = array<i32>} : memref<512x32xf32, #tpu.memory_space<vmem>>, vector<16xf32>,
      %add3A_447 = arith.constant 16 : i32
      %add3A_448 = vector.broadcast %add3A_447 : i32 to vector<16xi32>
      %add3A_449 = arith.addi %iota3A, %add3A_448 : vector<16xi32>
      tpu.vector_store_idx %arg10[%add3A_449, %broadcast_in_dim3A_437], %get3A_446 : memref<32x513xf32, #tpu.memory_space<vmem>>[vector<16xi32>, vector<16xi32>], vector<16xf32>,
      %mul3A_450 = arith.constant 16 : i32
      %mul3A_451 = arith.muli %scan3A_196, %mul3A_450 : i32
      %add3A_452 = arith.constant 15 : i32
      %add3A_453 = arith.addi %mul3A_451, %add3A_452 : i32
      %broadcast_in_dim3A_454 = vector.broadcast %add3A_453 : i32 to vector<16xi32>
      %get3A_455 = arith.index_cast %add3A_453 : i32 to index
      %get3A_456 = arith.constant 0 : index
      %get3A_457 = tpu.vector_load %arg8[%get3A_455, %get3A_456] {strides = array<i32>} : memref<512x32xf32, #tpu.memory_space<vmem>>, vector<16xf32>,
      %add3A_458 = arith.constant 0 : i32
      %add3A_459 = vector.broadcast %add3A_458 : i32 to vector<16xi32>
      %add3A_460 = arith.addi %iota3A, %add3A_459 : vector<16xi32>
      tpu.vector_store_idx %arg10[%add3A_460, %broadcast_in_dim3A_454], %get3A_457 : memref<32x513xf32, #tpu.memory_space<vmem>>[vector<16xi32>, vector<16xi32>], vector<16xf32>,
      %get3A_461 = arith.index_cast %add3A_453 : i32 to index
      %get3A_462 = arith.constant 16 : index
      %get3A_463 = tpu.vector_load %arg8[%get3A_461, %get3A_462] {strides = array<i32>} : memref<512x32xf32, #tpu.memory_space<vmem>>, vector<16xf32>,
      %add3A_464 = arith.constant 16 : i32
      %add3A_465 = vector.broadcast %add3A_464 : i32 to vector<16xi32>
      %add3A_466 = arith.addi %iota3A, %add3A_465 : vector<16xi32>
      tpu.vector_store_idx %arg10[%add3A_466, %broadcast_in_dim3A_454], %get3A_463 : memref<32x513xf32, #tpu.memory_space<vmem>>[vector<16xi32>, vector<16xi32>], vector<16xf32>,
    }
    %scan3A_65 = arith.constant 32 : i32
    %dma_start3A_66 = arith.constant 1 : i32
    %dma_start3A_67 = arith.constant 0 : i32
    %dma_start3A_68 = arith.constant 0 : i32
    %dma_start3A_69 = tpu.memref_slice %arg10[%dma_start3A_67, %dma_start3A_68] : memref<32x513xf32, #tpu.memory_space<vmem>> -> memref<32x512xf32, #tpu.memory_space<vmem>>
    %dma_start3A_70 = arith.constant 0 : i32
    %dma_start3A_71 = tpu.memref_slice %arg4[%dma_start3A_66, %dma_start3A_70, %mul3A_2] : memref<50x32x16384xf32, #tpu.memory_space<hbm>> -> memref<1x32x512xf32, #tpu.memory_space<hbm>>
    %dma_start3A_72 = tpu.memref_squeeze %dma_start3A_71 : memref<1x32x512xf32, #tpu.memory_space<hbm>> -> memref<32x512xf32, #tpu.memory_space<hbm>>
    %dma_start3A_73 = arith.constant 0 : i32
    %dma_start3A_74 = tpu.memref_slice %arg4[%dma_start3A_66, %dma_start3A_73, %mul3A_2] : memref<50x32x16384xf32, #tpu.memory_space<hbm>> -> memref<1x32x512xf32, #tpu.memory_space<hbm>>
    %dma_start3A_75 = tpu.memref_squeeze %dma_start3A_74 : memref<1x32x512xf32, #tpu.memory_space<hbm>> -> memref<32x512xf32, #tpu.memory_space<hbm>>
    %dma_start3A_76 = arith.constant 0 : i32
    %dma_start3A_77 = arith.constant 0 : i32
    %dma_start3A_78 = tpu.memref_slice %arg10[%dma_start3A_76, %dma_start3A_77] : memref<32x513xf32, #tpu.memory_space<vmem>> -> memref<32x512xf32, #tpu.memory_space<vmem>>
    tpu.enqueue_dma source(%dma_start3A_78 : memref<32x512xf32, #tpu.memory_space<vmem>>) target(%dma_start3A_75 : memref<32x512xf32, #tpu.memory_space<hbm>>) target_semaphore(%arg14 : memref<!tpu.dma_semaphore, #tpu.memory_space<semaphore_mem>>)
    %scan3A_79 = arith.constant 0 : i32
    %scan3A_80 = arith.constant 1 : i32
    %scan3A_81 = arith.constant 23 : i32
    %scan3A_82 = arith.addi %scan3A_80, %scan3A_81 : i32
    %scan3A_83 = arith.constant 1 : i32
    scf.for %scan3A_196 = %scan3A_80 to %scan3A_82 step %scan3A_83  : i32 {
      %mul3A_197 = arith.constant 2 : i32
      %mul3A_198 = arith.muli %mul3A_197, %scan3A_196 : i32
      %add3A_199 = arith.constant 1 : i32
      %add3A_200 = arith.addi %mul3A_198, %add3A_199 : i32
      %sub3A = arith.constant 2 : i32
      %sub3A_201 = arith.subi %mul3A_198, %sub3A : i32
      %dma_wait3A_202 = arith.constant 0 : i32
      %dma_wait3A_203 = tpu.memref_slice %arg6[%mul3A_198, %dma_wait3A_202] : memref<50x512xi32, #tpu.memory_space<vmem>> -> memref<1x512xi32, #tpu.memory_space<vmem>>
      %dma_wait3A_204 = tpu.memref_squeeze %dma_wait3A_203 : memref<1x512xi32, #tpu.memory_space<vmem>> -> memref<512xi32, #tpu.memory_space<vmem>>
      %dma_wait3A_205 = arith.constant 0 : i32
      %dma_wait3A_206 = arith.constant 0 : i32
      %dma_wait3A_207 = tpu.memref_slice %arg3[%dma_wait3A_205, %dma_wait3A_206] : memref<1000000x32xf32, #tpu.memory_space<hbm>> -> memref<1000000x32xf32, #tpu.memory_space<hbm>>
      tpu.wait_indirect_dma semaphore(%arg11 : memref<!tpu.dma_semaphore, #tpu.memory_space<semaphore_mem>>) src(%dma_wait3A_207 : memref<1000000x32xf32, #tpu.memory_space<hbm>>) dst(%arg7 : memref<512x32xf32, #tpu.memory_space<vmem>>)
      %dma_start3A_208 = arith.constant 0 : i32
      %dma_start3A_209 = tpu.memref_slice %arg6[%add3A_200, %dma_start3A_208] : memref<50x512xi32, #tpu.memory_space<vmem>> -> memref<1x512xi32, #tpu.memory_space<vmem>>
      %dma_start3A_210 = tpu.memref_squeeze %dma_start3A_209 : memref<1x512xi32, #tpu.memory_space<vmem>> -> memref<512xi32, #tpu.memory_space<vmem>>
      %dma_start3A_211 = arith.constant 0 : i32
      %dma_start3A_212 = arith.constant 0 : i32
      %dma_start3A_213 = tpu.memref_slice %arg3[%dma_start3A_211, %dma_start3A_212] : memref<1000000x32xf32, #tpu.memory_space<hbm>> -> memref<1000000x32xf32, #tpu.memory_space<hbm>>
      tpu.enqueue_indirect_dma source(%dma_start3A_213 : memref<1000000x32xf32, #tpu.memory_space<hbm>>) target(%arg8 : memref<512x32xf32, #tpu.memory_space<vmem>>) offsets(%dma_start3A_210 : memref<512xi32, #tpu.memory_space<vmem>>) semaphore(%arg12 : memref<!tpu.dma_semaphore, #tpu.memory_space<semaphore_mem>>)
      %dma_wait3A_214 = arith.constant 0 : i32
      %dma_wait3A_215 = arith.constant 0 : i32
      %dma_wait3A_216 = tpu.memref_slice %arg9[%dma_wait3A_214, %dma_wait3A_215] : memref<32x513xf32, #tpu.memory_space<vmem>> -> memref<32x512xf32, #tpu.memory_space<vmem>>
      %dma_wait3A_217 = arith.constant 0 : i32
      %dma_wait3A_218 = tpu.memref_slice %arg4[%sub3A_201, %dma_wait3A_217, %mul3A_2] : memref<50x32x16384xf32, #tpu.memory_space<hbm>> -> memref<1x32x512xf32, #tpu.memory_space<hbm>>
      %dma_wait3A_219 = tpu.memref_squeeze %dma_wait3A_218 : memref<1x32x512xf32, #tpu.memory_space<hbm>> -> memref<32x512xf32, #tpu.memory_space<hbm>>
      %dma_wait3A_220 = arith.constant 0 : i32
      %dma_wait3A_221 = tpu.memref_slice %arg4[%sub3A_201, %dma_wait3A_220, %mul3A_2] : memref<50x32x16384xf32, #tpu.memory_space<hbm>> -> memref<1x32x512xf32, #tpu.memory_space<hbm>>
      %dma_wait3A_222 = tpu.memref_squeeze %dma_wait3A_221 : memref<1x32x512xf32, #tpu.memory_space<hbm>> -> memref<32x512xf32, #tpu.memory_space<hbm>>
      %dma_wait3A_223 = arith.constant 0 : i32
      %dma_wait3A_224 = arith.constant 0 : i32
      %dma_wait3A_225 = tpu.memref_slice %arg9[%dma_wait3A_223, %dma_wait3A_224] : memref<32x513xf32, #tpu.memory_space<vmem>> -> memref<32x512xf32, #tpu.memory_space<vmem>>
      tpu.wait_dma2 semaphore(%arg13 : memref<!tpu.dma_semaphore, #tpu.memory_space<semaphore_mem>>) src(%dma_wait3A_225 : memref<32x512xf32, #tpu.memory_space<vmem>>) dst(%dma_wait3A_222 : memref<32x512xf32, #tpu.memory_space<hbm>>)
      %scan3A_226 = arith.constant 0 : i32
      %scan3A_227 = arith.constant 0 : i32
      %scan3A_228 = arith.constant 32 : i32
      %scan3A_229 = arith.addi %scan3A_227, %scan3A_228 : i32
      %scan3A_230 = arith.constant 1 : i32
      scf.for %scan3A_292 = %scan3A_227 to %scan3A_229 step %scan3A_230  : i32 {
        %mul3A_293 = arith.constant 16 : i32
        %mul3A_294 = arith.muli %scan3A_292, %mul3A_293 : i32
        %add3A_295 = arith.constant 0 : i32
        %add3A_296 = arith.addi %mul3A_294, %add3A_295 : i32
        %broadcast_in_dim3A = vector.broadcast %add3A_296 : i32 to vector<16xi32>
        %get3A = arith.index_cast %add3A_296 : i32 to index
        %get3A_297 = arith.constant 0 : index
        %get3A_298 = tpu.vector_load %arg7[%get3A, %get3A_297] {strides = array<i32>} : memref<512x32xf32, #tpu.memory_space<vmem>>, vector<16xf32>,
        %add3A_299 = arith.constant 0 : i32
        %add3A_300 = vector.broadcast %add3A_299 : i32 to vector<16xi32>
        %add3A_301 = arith.addi %iota3A, %add3A_300 : vector<16xi32>
        tpu.vector_store_idx %arg9[%add3A_301, %broadcast_in_dim3A], %get3A_298 : memref<32x513xf32, #tpu.memory_space<vmem>>[vector<16xi32>, vector<16xi32>], vector<16xf32>,
        %get3A_302 = arith.index_cast %add3A_296 : i32 to index
        %get3A_303 = arith.constant 16 : index
        %get3A_304 = tpu.vector_load %arg7[%get3A_302, %get3A_303] {strides = array<i32>} : memref<512x32xf32, #tpu.memory_space<vmem>>, vector<16xf32>,
        %add3A_305 = arith.constant 16 : i32
        %add3A_306 = vector.broadcast %add3A_305 : i32 to vector<16xi32>
        %add3A_307 = arith.addi %iota3A, %add3A_306 : vector<16xi32>
        tpu.vector_store_idx %arg9[%add3A_307, %broadcast_in_dim3A], %get3A_304 : memref<32x513xf32, #tpu.memory_space<vmem>>[vector<16xi32>, vector<16xi32>], vector<16xf32>,
        %mul3A_308 = arith.constant 16 : i32
        %mul3A_309 = arith.muli %scan3A_292, %mul3A_308 : i32
        %add3A_310 = arith.constant 1 : i32
        %add3A_311 = arith.addi %mul3A_309, %add3A_310 : i32
        %broadcast_in_dim3A_312 = vector.broadcast %add3A_311 : i32 to vector<16xi32>
        %get3A_313 = arith.index_cast %add3A_311 : i32 to index
        %get3A_314 = arith.constant 0 : index
        %get3A_315 = tpu.vector_load %arg7[%get3A_313, %get3A_314] {strides = array<i32>} : memref<512x32xf32, #tpu.memory_space<vmem>>, vector<16xf32>,
        %add3A_316 = arith.constant 0 : i32
        %add3A_317 = vector.broadcast %add3A_316 : i32 to vector<16xi32>
        %add3A_318 = arith.addi %iota3A, %add3A_317 : vector<16xi32>
        tpu.vector_store_idx %arg9[%add3A_318, %broadcast_in_dim3A_312], %get3A_315 : memref<32x513xf32, #tpu.memory_space<vmem>>[vector<16xi32>, vector<16xi32>], vector<16xf32>,
        %get3A_319 = arith.index_cast %add3A_311 : i32 to index
        %get3A_320 = arith.constant 16 : index
        %get3A_321 = tpu.vector_load %arg7[%get3A_319, %get3A_320] {strides = array<i32>} : memref<512x32xf32, #tpu.memory_space<vmem>>, vector<16xf32>,
        %add3A_322 = arith.constant 16 : i32
        %add3A_323 = vector.broadcast %add3A_322 : i32 to vector<16xi32>
        %add3A_324 = arith.addi %iota3A, %add3A_323 : vector<16xi32>
        tpu.vector_store_idx %arg9[%add3A_324, %broadcast_in_dim3A_312], %get3A_321 : memref<32x513xf32, #tpu.memory_space<vmem>>[vector<16xi32>, vector<16xi32>], vector<16xf32>,
        %mul3A_325 = arith.constant 16 : i32
        %mul3A_326 = arith.muli %scan3A_292, %mul3A_325 : i32
        %add3A_327 = arith.constant 2 : i32
        %add3A_328 = arith.addi %mul3A_326, %add3A_327 : i32
        %broadcast_in_dim3A_329 = vector.broadcast %add3A_328 : i32 to vector<16xi32>
        %get3A_330 = arith.index_cast %add3A_328 : i32 to index
        %get3A_331 = arith.constant 0 : index
        %get3A_332 = tpu.vector_load %arg7[%get3A_330, %get3A_331] {strides = array<i32>} : memref<512x32xf32, #tpu.memory_space<vmem>>, vector<16xf32>,
        %add3A_333 = arith.constant 0 : i32
        %add3A_334 = vector.broadcast %add3A_333 : i32 to vector<16xi32>
        %add3A_335 = arith.addi %iota3A, %add3A_334 : vector<16xi32>
        tpu.vector_store_idx %arg9[%add3A_335, %broadcast_in_dim3A_329], %get3A_332 : memref<32x513xf32, #tpu.memory_space<vmem>>[vector<16xi32>, vector<16xi32>], vector<16xf32>,
        %get3A_336 = arith.index_cast %add3A_328 : i32 to index
        %get3A_337 = arith.constant 16 : index
        %get3A_338 = tpu.vector_load %arg7[%get3A_336, %get3A_337] {strides = array<i32>} : memref<512x32xf32, #tpu.memory_space<vmem>>, vector<16xf32>,
        %add3A_339 = arith.constant 16 : i32
        %add3A_340 = vector.broadcast %add3A_339 : i32 to vector<16xi32>
        %add3A_341 = arith.addi %iota3A, %add3A_340 : vector<16xi32>
        tpu.vector_store_idx %arg9[%add3A_341, %broadcast_in_dim3A_329], %get3A_338 : memref<32x513xf32, #tpu.memory_space<vmem>>[vector<16xi32>, vector<16xi32>], vector<16xf32>,
        %mul3A_342 = arith.constant 16 : i32
        %mul3A_343 = arith.muli %scan3A_292, %mul3A_342 : i32
        %add3A_344 = arith.constant 3 : i32
        %add3A_345 = arith.addi %mul3A_343, %add3A_344 : i32
        %broadcast_in_dim3A_346 = vector.broadcast %add3A_345 : i32 to vector<16xi32>
        %get3A_347 = arith.index_cast %add3A_345 : i32 to index
        %get3A_348 = arith.constant 0 : index
        %get3A_349 = tpu.vector_load %arg7[%get3A_347, %get3A_348] {strides = array<i32>} : memref<512x32xf32, #tpu.memory_space<vmem>>, vector<16xf32>,
        %add3A_350 = arith.constant 0 : i32
        %add3A_351 = vector.broadcast %add3A_350 : i32 to vector<16xi32>
        %add3A_352 = arith.addi %iota3A, %add3A_351 : vector<16xi32>
        tpu.vector_store_idx %arg9[%add3A_352, %broadcast_in_dim3A_346], %get3A_349 : memref<32x513xf32, #tpu.memory_space<vmem>>[vector<16xi32>, vector<16xi32>], vector<16xf32>,
        %get3A_353 = arith.index_cast %add3A_345 : i32 to index
        %get3A_354 = arith.constant 16 : index
        %get3A_355 = tpu.vector_load %arg7[%get3A_353, %get3A_354] {strides = array<i32>} : memref<512x32xf32, #tpu.memory_space<vmem>>, vector<16xf32>,
        %add3A_356 = arith.constant 16 : i32
        %add3A_357 = vector.broadcast %add3A_356 : i32 to vector<16xi32>
        %add3A_358 = arith.addi %iota3A, %add3A_357 : vector<16xi32>
        tpu.vector_store_idx %arg9[%add3A_358, %broadcast_in_dim3A_346], %get3A_355 : memref<32x513xf32, #tpu.memory_space<vmem>>[vector<16xi32>, vector<16xi32>], vector<16xf32>,
        %mul3A_359 = arith.constant 16 : i32
        %mul3A_360 = arith.muli %scan3A_292, %mul3A_359 : i32
        %add3A_361 = arith.constant 4 : i32
        %add3A_362 = arith.addi %mul3A_360, %add3A_361 : i32
        %broadcast_in_dim3A_363 = vector.broadcast %add3A_362 : i32 to vector<16xi32>
        %get3A_364 = arith.index_cast %add3A_362 : i32 to index
        %get3A_365 = arith.constant 0 : index
        %get3A_366 = tpu.vector_load %arg7[%get3A_364, %get3A_365] {strides = array<i32>} : memref<512x32xf32, #tpu.memory_space<vmem>>, vector<16xf32>,
        %add3A_367 = arith.constant 0 : i32
        %add3A_368 = vector.broadcast %add3A_367 : i32 to vector<16xi32>
        %add3A_369 = arith.addi %iota3A, %add3A_368 : vector<16xi32>
        tpu.vector_store_idx %arg9[%add3A_369, %broadcast_in_dim3A_363], %get3A_366 : memref<32x513xf32, #tpu.memory_space<vmem>>[vector<16xi32>, vector<16xi32>], vector<16xf32>,
        %get3A_370 = arith.index_cast %add3A_362 : i32 to index
        %get3A_371 = arith.constant 16 : index
        %get3A_372 = tpu.vector_load %arg7[%get3A_370, %get3A_371] {strides = array<i32>} : memref<512x32xf32, #tpu.memory_space<vmem>>, vector<16xf32>,
        %add3A_373 = arith.constant 16 : i32
        %add3A_374 = vector.broadcast %add3A_373 : i32 to vector<16xi32>
        %add3A_375 = arith.addi %iota3A, %add3A_374 : vector<16xi32>
        tpu.vector_store_idx %arg9[%add3A_375, %broadcast_in_dim3A_363], %get3A_372 : memref<32x513xf32, #tpu.memory_space<vmem>>[vector<16xi32>, vector<16xi32>], vector<16xf32>,
        %mul3A_376 = arith.constant 16 : i32
        %mul3A_377 = arith.muli %scan3A_292, %mul3A_376 : i32
        %add3A_378 = arith.constant 5 : i32
        %add3A_379 = arith.addi %mul3A_377, %add3A_378 : i32
        %broadcast_in_dim3A_380 = vector.broadcast %add3A_379 : i32 to vector<16xi32>
        %get3A_381 = arith.index_cast %add3A_379 : i32 to index
        %get3A_382 = arith.constant 0 : index
        %get3A_383 = tpu.vector_load %arg7[%get3A_381, %get3A_382] {strides = array<i32>} : memref<512x32xf32, #tpu.memory_space<vmem>>, vector<16xf32>,
        %add3A_384 = arith.constant 0 : i32
        %add3A_385 = vector.broadcast %add3A_384 : i32 to vector<16xi32>
        %add3A_386 = arith.addi %iota3A, %add3A_385 : vector<16xi32>
        tpu.vector_store_idx %arg9[%add3A_386, %broadcast_in_dim3A_380], %get3A_383 : memref<32x513xf32, #tpu.memory_space<vmem>>[vector<16xi32>, vector<16xi32>], vector<16xf32>,
        %get3A_387 = arith.index_cast %add3A_379 : i32 to index
        %get3A_388 = arith.constant 16 : index
        %get3A_389 = tpu.vector_load %arg7[%get3A_387, %get3A_388] {strides = array<i32>} : memref<512x32xf32, #tpu.memory_space<vmem>>, vector<16xf32>,
        %add3A_390 = arith.constant 16 : i32
        %add3A_391 = vector.broadcast %add3A_390 : i32 to vector<16xi32>
        %add3A_392 = arith.addi %iota3A, %add3A_391 : vector<16xi32>
        tpu.vector_store_idx %arg9[%add3A_392, %broadcast_in_dim3A_380], %get3A_389 : memref<32x513xf32, #tpu.memory_space<vmem>>[vector<16xi32>, vector<16xi32>], vector<16xf32>,
        %mul3A_393 = arith.constant 16 : i32
        %mul3A_394 = arith.muli %scan3A_292, %mul3A_393 : i32
        %add3A_395 = arith.constant 6 : i32
        %add3A_396 = arith.addi %mul3A_394, %add3A_395 : i32
        %broadcast_in_dim3A_397 = vector.broadcast %add3A_396 : i32 to vector<16xi32>
        %get3A_398 = arith.index_cast %add3A_396 : i32 to index
        %get3A_399 = arith.constant 0 : index
        %get3A_400 = tpu.vector_load %arg7[%get3A_398, %get3A_399] {strides = array<i32>} : memref<512x32xf32, #tpu.memory_space<vmem>>, vector<16xf32>,
        %add3A_401 = arith.constant 0 : i32
        %add3A_402 = vector.broadcast %add3A_401 : i32 to vector<16xi32>
        %add3A_403 = arith.addi %iota3A, %add3A_402 : vector<16xi32>
        tpu.vector_store_idx %arg9[%add3A_403, %broadcast_in_dim3A_397], %get3A_400 : memref<32x513xf32, #tpu.memory_space<vmem>>[vector<16xi32>, vector<16xi32>], vector<16xf32>,
        %get3A_404 = arith.index_cast %add3A_396 : i32 to index
        %get3A_405 = arith.constant 16 : index
        %get3A_406 = tpu.vector_load %arg7[%get3A_404, %get3A_405] {strides = array<i32>} : memref<512x32xf32, #tpu.memory_space<vmem>>, vector<16xf32>,
        %add3A_407 = arith.constant 16 : i32
        %add3A_408 = vector.broadcast %add3A_407 : i32 to vector<16xi32>
        %add3A_409 = arith.addi %iota3A, %add3A_408 : vector<16xi32>
        tpu.vector_store_idx %arg9[%add3A_409, %broadcast_in_dim3A_397], %get3A_406 : memref<32x513xf32, #tpu.memory_space<vmem>>[vector<16xi32>, vector<16xi32>], vector<16xf32>,
        %mul3A_410 = arith.constant 16 : i32
        %mul3A_411 = arith.muli %scan3A_292, %mul3A_410 : i32
        %add3A_412 = arith.constant 7 : i32
        %add3A_413 = arith.addi %mul3A_411, %add3A_412 : i32
        %broadcast_in_dim3A_414 = vector.broadcast %add3A_413 : i32 to vector<16xi32>
        %get3A_415 = arith.index_cast %add3A_413 : i32 to index
        %get3A_416 = arith.constant 0 : index
        %get3A_417 = tpu.vector_load %arg7[%get3A_415, %get3A_416] {strides = array<i32>} : memref<512x32xf32, #tpu.memory_space<vmem>>, vector<16xf32>,
        %add3A_418 = arith.constant 0 : i32
        %add3A_419 = vector.broadcast %add3A_418 : i32 to vector<16xi32>
        %add3A_420 = arith.addi %iota3A, %add3A_419 : vector<16xi32>
        tpu.vector_store_idx %arg9[%add3A_420, %broadcast_in_dim3A_414], %get3A_417 : memref<32x513xf32, #tpu.memory_space<vmem>>[vector<16xi32>, vector<16xi32>], vector<16xf32>,
        %get3A_421 = arith.index_cast %add3A_413 : i32 to index
        %get3A_422 = arith.constant 16 : index
        %get3A_423 = tpu.vector_load %arg7[%get3A_421, %get3A_422] {strides = array<i32>} : memref<512x32xf32, #tpu.memory_space<vmem>>, vector<16xf32>,
        %add3A_424 = arith.constant 16 : i32
        %add3A_425 = vector.broadcast %add3A_424 : i32 to vector<16xi32>
        %add3A_426 = arith.addi %iota3A, %add3A_425 : vector<16xi32>
        tpu.vector_store_idx %arg9[%add3A_426, %broadcast_in_dim3A_414], %get3A_423 : memref<32x513xf32, #tpu.memory_space<vmem>>[vector<16xi32>, vector<16xi32>], vector<16xf32>,
        %mul3A_427 = arith.constant 16 : i32
        %mul3A_428 = arith.muli %scan3A_292, %mul3A_427 : i32
        %add3A_429 = arith.constant 8 : i32
        %add3A_430 = arith.addi %mul3A_428, %add3A_429 : i32
        %broadcast_in_dim3A_431 = vector.broadcast %add3A_430 : i32 to vector<16xi32>
        %get3A_432 = arith.index_cast %add3A_430 : i32 to index
        %get3A_433 = arith.constant 0 : index
        %get3A_434 = tpu.vector_load %arg7[%get3A_432, %get3A_433] {strides = array<i32>} : memref<512x32xf32, #tpu.memory_space<vmem>>, vector<16xf32>,
        %add3A_435 = arith.constant 0 : i32
        %add3A_436 = vector.broadcast %add3A_435 : i32 to vector<16xi32>
        %add3A_437 = arith.addi %iota3A, %add3A_436 : vector<16xi32>
        tpu.vector_store_idx %arg9[%add3A_437, %broadcast_in_dim3A_431], %get3A_434 : memref<32x513xf32, #tpu.memory_space<vmem>>[vector<16xi32>, vector<16xi32>], vector<16xf32>,
        %get3A_438 = arith.index_cast %add3A_430 : i32 to index
        %get3A_439 = arith.constant 16 : index
        %get3A_440 = tpu.vector_load %arg7[%get3A_438, %get3A_439] {strides = array<i32>} : memref<512x32xf32, #tpu.memory_space<vmem>>, vector<16xf32>,
        %add3A_441 = arith.constant 16 : i32
        %add3A_442 = vector.broadcast %add3A_441 : i32 to vector<16xi32>
        %add3A_443 = arith.addi %iota3A, %add3A_442 : vector<16xi32>
        tpu.vector_store_idx %arg9[%add3A_443, %broadcast_in_dim3A_431], %get3A_440 : memref<32x513xf32, #tpu.memory_space<vmem>>[vector<16xi32>, vector<16xi32>], vector<16xf32>,
        %mul3A_444 = arith.constant 16 : i32
        %mul3A_445 = arith.muli %scan3A_292, %mul3A_444 : i32
        %add3A_446 = arith.constant 9 : i32
        %add3A_447 = arith.addi %mul3A_445, %add3A_446 : i32
        %broadcast_in_dim3A_448 = vector.broadcast %add3A_447 : i32 to vector<16xi32>
        %get3A_449 = arith.index_cast %add3A_447 : i32 to index
        %get3A_450 = arith.constant 0 : index
        %get3A_451 = tpu.vector_load %arg7[%get3A_449, %get3A_450] {strides = array<i32>} : memref<512x32xf32, #tpu.memory_space<vmem>>, vector<16xf32>,
        %add3A_452 = arith.constant 0 : i32
        %add3A_453 = vector.broadcast %add3A_452 : i32 to vector<16xi32>
        %add3A_454 = arith.addi %iota3A, %add3A_453 : vector<16xi32>
        tpu.vector_store_idx %arg9[%add3A_454, %broadcast_in_dim3A_448], %get3A_451 : memref<32x513xf32, #tpu.memory_space<vmem>>[vector<16xi32>, vector<16xi32>], vector<16xf32>,
        %get3A_455 = arith.index_cast %add3A_447 : i32 to index
        %get3A_456 = arith.constant 16 : index
        %get3A_457 = tpu.vector_load %arg7[%get3A_455, %get3A_456] {strides = array<i32>} : memref<512x32xf32, #tpu.memory_space<vmem>>, vector<16xf32>,
        %add3A_458 = arith.constant 16 : i32
        %add3A_459 = vector.broadcast %add3A_458 : i32 to vector<16xi32>
        %add3A_460 = arith.addi %iota3A, %add3A_459 : vector<16xi32>
        tpu.vector_store_idx %arg9[%add3A_460, %broadcast_in_dim3A_448], %get3A_457 : memref<32x513xf32, #tpu.memory_space<vmem>>[vector<16xi32>, vector<16xi32>], vector<16xf32>,
        %mul3A_461 = arith.constant 16 : i32
        %mul3A_462 = arith.muli %scan3A_292, %mul3A_461 : i32
        %add3A_463 = arith.constant 10 : i32
        %add3A_464 = arith.addi %mul3A_462, %add3A_463 : i32
        %broadcast_in_dim3A_465 = vector.broadcast %add3A_464 : i32 to vector<16xi32>
        %get3A_466 = arith.index_cast %add3A_464 : i32 to index
        %get3A_467 = arith.constant 0 : index
        %get3A_468 = tpu.vector_load %arg7[%get3A_466, %get3A_467] {strides = array<i32>} : memref<512x32xf32, #tpu.memory_space<vmem>>, vector<16xf32>,
        %add3A_469 = arith.constant 0 : i32
        %add3A_470 = vector.broadcast %add3A_469 : i32 to vector<16xi32>
        %add3A_471 = arith.addi %iota3A, %add3A_470 : vector<16xi32>
        tpu.vector_store_idx %arg9[%add3A_471, %broadcast_in_dim3A_465], %get3A_468 : memref<32x513xf32, #tpu.memory_space<vmem>>[vector<16xi32>, vector<16xi32>], vector<16xf32>,
        %get3A_472 = arith.index_cast %add3A_464 : i32 to index
        %get3A_473 = arith.constant 16 : index
        %get3A_474 = tpu.vector_load %arg7[%get3A_472, %get3A_473] {strides = array<i32>} : memref<512x32xf32, #tpu.memory_space<vmem>>, vector<16xf32>,
        %add3A_475 = arith.constant 16 : i32
        %add3A_476 = vector.broadcast %add3A_475 : i32 to vector<16xi32>
        %add3A_477 = arith.addi %iota3A, %add3A_476 : vector<16xi32>
        tpu.vector_store_idx %arg9[%add3A_477, %broadcast_in_dim3A_465], %get3A_474 : memref<32x513xf32, #tpu.memory_space<vmem>>[vector<16xi32>, vector<16xi32>], vector<16xf32>,
        %mul3A_478 = arith.constant 16 : i32
        %mul3A_479 = arith.muli %scan3A_292, %mul3A_478 : i32
        %add3A_480 = arith.constant 11 : i32
        %add3A_481 = arith.addi %mul3A_479, %add3A_480 : i32
        %broadcast_in_dim3A_482 = vector.broadcast %add3A_481 : i32 to vector<16xi32>
        %get3A_483 = arith.index_cast %add3A_481 : i32 to index
        %get3A_484 = arith.constant 0 : index
        %get3A_485 = tpu.vector_load %arg7[%get3A_483, %get3A_484] {strides = array<i32>} : memref<512x32xf32, #tpu.memory_space<vmem>>, vector<16xf32>,
        %add3A_486 = arith.constant 0 : i32
        %add3A_487 = vector.broadcast %add3A_486 : i32 to vector<16xi32>
        %add3A_488 = arith.addi %iota3A, %add3A_487 : vector<16xi32>
        tpu.vector_store_idx %arg9[%add3A_488, %broadcast_in_dim3A_482], %get3A_485 : memref<32x513xf32, #tpu.memory_space<vmem>>[vector<16xi32>, vector<16xi32>], vector<16xf32>,
        %get3A_489 = arith.index_cast %add3A_481 : i32 to index
        %get3A_490 = arith.constant 16 : index
        %get3A_491 = tpu.vector_load %arg7[%get3A_489, %get3A_490] {strides = array<i32>} : memref<512x32xf32, #tpu.memory_space<vmem>>, vector<16xf32>,
        %add3A_492 = arith.constant 16 : i32
        %add3A_493 = vector.broadcast %add3A_492 : i32 to vector<16xi32>
        %add3A_494 = arith.addi %iota3A, %add3A_493 : vector<16xi32>
        tpu.vector_store_idx %arg9[%add3A_494, %broadcast_in_dim3A_482], %get3A_491 : memref<32x513xf32, #tpu.memory_space<vmem>>[vector<16xi32>, vector<16xi32>], vector<16xf32>,
        %mul3A_495 = arith.constant 16 : i32
        %mul3A_496 = arith.muli %scan3A_292, %mul3A_495 : i32
        %add3A_497 = arith.constant 12 : i32
        %add3A_498 = arith.addi %mul3A_496, %add3A_497 : i32
        %broadcast_in_dim3A_499 = vector.broadcast %add3A_498 : i32 to vector<16xi32>
        %get3A_500 = arith.index_cast %add3A_498 : i32 to index
        %get3A_501 = arith.constant 0 : index
        %get3A_502 = tpu.vector_load %arg7[%get3A_500, %get3A_501] {strides = array<i32>} : memref<512x32xf32, #tpu.memory_space<vmem>>, vector<16xf32>,
        %add3A_503 = arith.constant 0 : i32
        %add3A_504 = vector.broadcast %add3A_503 : i32 to vector<16xi32>
        %add3A_505 = arith.addi %iota3A, %add3A_504 : vector<16xi32>
        tpu.vector_store_idx %arg9[%add3A_505, %broadcast_in_dim3A_499], %get3A_502 : memref<32x513xf32, #tpu.memory_space<vmem>>[vector<16xi32>, vector<16xi32>], vector<16xf32>,
        %get3A_506 = arith.index_cast %add3A_498 : i32 to index
        %get3A_507 = arith.constant 16 : index
        %get3A_508 = tpu.vector_load %arg7[%get3A_506, %get3A_507] {strides = array<i32>} : memref<512x32xf32, #tpu.memory_space<vmem>>, vector<16xf32>,
        %add3A_509 = arith.constant 16 : i32
        %add3A_510 = vector.broadcast %add3A_509 : i32 to vector<16xi32>
        %add3A_511 = arith.addi %iota3A, %add3A_510 : vector<16xi32>
        tpu.vector_store_idx %arg9[%add3A_511, %broadcast_in_dim3A_499], %get3A_508 : memref<32x513xf32, #tpu.memory_space<vmem>>[vector<16xi32>, vector<16xi32>], vector<16xf32>,
        %mul3A_512 = arith.constant 16 : i32
        %mul3A_513 = arith.muli %scan3A_292, %mul3A_512 : i32
        %add3A_514 = arith.constant 13 : i32
        %add3A_515 = arith.addi %mul3A_513, %add3A_514 : i32
        %broadcast_in_dim3A_516 = vector.broadcast %add3A_515 : i32 to vector<16xi32>
        %get3A_517 = arith.index_cast %add3A_515 : i32 to index
        %get3A_518 = arith.constant 0 : index
        %get3A_519 = tpu.vector_load %arg7[%get3A_517, %get3A_518] {strides = array<i32>} : memref<512x32xf32, #tpu.memory_space<vmem>>, vector<16xf32>,
        %add3A_520 = arith.constant 0 : i32
        %add3A_521 = vector.broadcast %add3A_520 : i32 to vector<16xi32>
        %add3A_522 = arith.addi %iota3A, %add3A_521 : vector<16xi32>
        tpu.vector_store_idx %arg9[%add3A_522, %broadcast_in_dim3A_516], %get3A_519 : memref<32x513xf32, #tpu.memory_space<vmem>>[vector<16xi32>, vector<16xi32>], vector<16xf32>,
        %get3A_523 = arith.index_cast %add3A_515 : i32 to index
        %get3A_524 = arith.constant 16 : index
        %get3A_525 = tpu.vector_load %arg7[%get3A_523, %get3A_524] {strides = array<i32>} : memref<512x32xf32, #tpu.memory_space<vmem>>, vector<16xf32>,
        %add3A_526 = arith.constant 16 : i32
        %add3A_527 = vector.broadcast %add3A_526 : i32 to vector<16xi32>
        %add3A_528 = arith.addi %iota3A, %add3A_527 : vector<16xi32>
        tpu.vector_store_idx %arg9[%add3A_528, %broadcast_in_dim3A_516], %get3A_525 : memref<32x513xf32, #tpu.memory_space<vmem>>[vector<16xi32>, vector<16xi32>], vector<16xf32>,
        %mul3A_529 = arith.constant 16 : i32
        %mul3A_530 = arith.muli %scan3A_292, %mul3A_529 : i32
        %add3A_531 = arith.constant 14 : i32
        %add3A_532 = arith.addi %mul3A_530, %add3A_531 : i32
        %broadcast_in_dim3A_533 = vector.broadcast %add3A_532 : i32 to vector<16xi32>
        %get3A_534 = arith.index_cast %add3A_532 : i32 to index
        %get3A_535 = arith.constant 0 : index
        %get3A_536 = tpu.vector_load %arg7[%get3A_534, %get3A_535] {strides = array<i32>} : memref<512x32xf32, #tpu.memory_space<vmem>>, vector<16xf32>,
        %add3A_537 = arith.constant 0 : i32
        %add3A_538 = vector.broadcast %add3A_537 : i32 to vector<16xi32>
        %add3A_539 = arith.addi %iota3A, %add3A_538 : vector<16xi32>
        tpu.vector_store_idx %arg9[%add3A_539, %broadcast_in_dim3A_533], %get3A_536 : memref<32x513xf32, #tpu.memory_space<vmem>>[vector<16xi32>, vector<16xi32>], vector<16xf32>,
        %get3A_540 = arith.index_cast %add3A_532 : i32 to index
        %get3A_541 = arith.constant 16 : index
        %get3A_542 = tpu.vector_load %arg7[%get3A_540, %get3A_541] {strides = array<i32>} : memref<512x32xf32, #tpu.memory_space<vmem>>, vector<16xf32>,
        %add3A_543 = arith.constant 16 : i32
        %add3A_544 = vector.broadcast %add3A_543 : i32 to vector<16xi32>
        %add3A_545 = arith.addi %iota3A, %add3A_544 : vector<16xi32>
        tpu.vector_store_idx %arg9[%add3A_545, %broadcast_in_dim3A_533], %get3A_542 : memref<32x513xf32, #tpu.memory_space<vmem>>[vector<16xi32>, vector<16xi32>], vector<16xf32>,
        %mul3A_546 = arith.constant 16 : i32
        %mul3A_547 = arith.muli %scan3A_292, %mul3A_546 : i32
        %add3A_548 = arith.constant 15 : i32
        %add3A_549 = arith.addi %mul3A_547, %add3A_548 : i32
        %broadcast_in_dim3A_550 = vector.broadcast %add3A_549 : i32 to vector<16xi32>
        %get3A_551 = arith.index_cast %add3A_549 : i32 to index
        %get3A_552 = arith.constant 0 : index
        %get3A_553 = tpu.vector_load %arg7[%get3A_551, %get3A_552] {strides = array<i32>} : memref<512x32xf32, #tpu.memory_space<vmem>>, vector<16xf32>,
        %add3A_554 = arith.constant 0 : i32
        %add3A_555 = vector.broadcast %add3A_554 : i32 to vector<16xi32>
        %add3A_556 = arith.addi %iota3A, %add3A_555 : vector<16xi32>
        tpu.vector_store_idx %arg9[%add3A_556, %broadcast_in_dim3A_550], %get3A_553 : memref<32x513xf32, #tpu.memory_space<vmem>>[vector<16xi32>, vector<16xi32>], vector<16xf32>,
        %get3A_557 = arith.index_cast %add3A_549 : i32 to index
        %get3A_558 = arith.constant 16 : index
        %get3A_559 = tpu.vector_load %arg7[%get3A_557, %get3A_558] {strides = array<i32>} : memref<512x32xf32, #tpu.memory_space<vmem>>, vector<16xf32>,
        %add3A_560 = arith.constant 16 : i32
        %add3A_561 = vector.broadcast %add3A_560 : i32 to vector<16xi32>
        %add3A_562 = arith.addi %iota3A, %add3A_561 : vector<16xi32>
        tpu.vector_store_idx %arg9[%add3A_562, %broadcast_in_dim3A_550], %get3A_559 : memref<32x513xf32, #tpu.memory_space<vmem>>[vector<16xi32>, vector<16xi32>], vector<16xf32>,
      }
      %scan3A_231 = arith.constant 32 : i32
      %dma_start3A_232 = arith.constant 0 : i32
      %dma_start3A_233 = arith.constant 0 : i32
      %dma_start3A_234 = tpu.memref_slice %arg9[%dma_start3A_232, %dma_start3A_233] : memref<32x513xf32, #tpu.memory_space<vmem>> -> memref<32x512xf32, #tpu.memory_space<vmem>>
      %dma_start3A_235 = arith.constant 0 : i32
      %dma_start3A_236 = tpu.memref_slice %arg4[%mul3A_198, %dma_start3A_235, %mul3A_2] : memref<50x32x16384xf32, #tpu.memory_space<hbm>> -> memref<1x32x512xf32, #tpu.memory_space<hbm>>
      %dma_start3A_237 = tpu.memref_squeeze %dma_start3A_236 : memref<1x32x512xf32, #tpu.memory_space<hbm>> -> memref<32x512xf32, #tpu.memory_space<hbm>>
      %dma_start3A_238 = arith.constant 0 : i32
      %dma_start3A_239 = tpu.memref_slice %arg4[%mul3A_198, %dma_start3A_238, %mul3A_2] : memref<50x32x16384xf32, #tpu.memory_space<hbm>> -> memref<1x32x512xf32, #tpu.memory_space<hbm>>
      %dma_start3A_240 = tpu.memref_squeeze %dma_start3A_239 : memref<1x32x512xf32, #tpu.memory_space<hbm>> -> memref<32x512xf32, #tpu.memory_space<hbm>>
      %dma_start3A_241 = arith.constant 0 : i32
      %dma_start3A_242 = arith.constant 0 : i32
      %dma_start3A_243 = tpu.memref_slice %arg9[%dma_start3A_241, %dma_start3A_242] : memref<32x513xf32, #tpu.memory_space<vmem>> -> memref<32x512xf32, #tpu.memory_space<vmem>>
      tpu.enqueue_dma source(%dma_start3A_243 : memref<32x512xf32, #tpu.memory_space<vmem>>) target(%dma_start3A_240 : memref<32x512xf32, #tpu.memory_space<hbm>>) target_semaphore(%arg13 : memref<!tpu.dma_semaphore, #tpu.memory_space<semaphore_mem>>)
      %add3A_244 = arith.constant 1 : i32
      %add3A_245 = arith.addi %mul3A_198, %add3A_244 : i32
      %add3A_246 = arith.constant 2 : i32
      %add3A_247 = arith.addi %mul3A_198, %add3A_246 : i32
      %sub3A_248 = arith.constant 1 : i32
      %sub3A_249 = arith.subi %mul3A_198, %sub3A_248 : i32
      %dma_wait3A_250 = arith.constant 0 : i32
      %dma_wait3A_251 = tpu.memref_slice %arg6[%add3A_245, %dma_wait3A_250] : memref<50x512xi32, #tpu.memory_space<vmem>> -> memref<1x512xi32, #tpu.memory_space<vmem>>
      %dma_wait3A_252 = tpu.memref_squeeze %dma_wait3A_251 : memref<1x512xi32, #tpu.memory_space<vmem>> -> memref<512xi32, #tpu.memory_space<vmem>>
      %dma_wait3A_253 = arith.constant 0 : i32
      %dma_wait3A_254 = arith.constant 0 : i32
      %dma_wait3A_255 = tpu.memref_slice %arg3[%dma_wait3A_253, %dma_wait3A_254] : memref<1000000x32xf32, #tpu.memory_space<hbm>> -> memref<1000000x32xf32, #tpu.memory_space<hbm>>
      tpu.wait_indirect_dma semaphore(%arg12 : memref<!tpu.dma_semaphore, #tpu.memory_space<semaphore_mem>>) src(%dma_wait3A_255 : memref<1000000x32xf32, #tpu.memory_space<hbm>>) dst(%arg8 : memref<512x32xf32, #tpu.memory_space<vmem>>)
      %dma_start3A_256 = arith.constant 0 : i32
      %dma_start3A_257 = tpu.memref_slice %arg6[%add3A_247, %dma_start3A_256] : memref<50x512xi32, #tpu.memory_space<vmem>> -> memref<1x512xi32, #tpu.memory_space<vmem>>
      %dma_start3A_258 = tpu.memref_squeeze %dma_start3A_257 : memref<1x512xi32, #tpu.memory_space<vmem>> -> memref<512xi32, #tpu.memory_space<vmem>>
      %dma_start3A_259 = arith.constant 0 : i32
      %dma_start3A_260 = arith.constant 0 : i32
      %dma_start3A_261 = tpu.memref_slice %arg3[%dma_start3A_259, %dma_start3A_260] : memref<1000000x32xf32, #tpu.memory_space<hbm>> -> memref<1000000x32xf32, #tpu.memory_space<hbm>>
      tpu.enqueue_indirect_dma source(%dma_start3A_261 : memref<1000000x32xf32, #tpu.memory_space<hbm>>) target(%arg7 : memref<512x32xf32, #tpu.memory_space<vmem>>) offsets(%dma_start3A_258 : memref<512xi32, #tpu.memory_space<vmem>>) semaphore(%arg11 : memref<!tpu.dma_semaphore, #tpu.memory_space<semaphore_mem>>)
      %dma_wait3A_262 = arith.constant 0 : i32
      %dma_wait3A_263 = arith.constant 0 : i32
      %dma_wait3A_264 = tpu.memref_slice %arg10[%dma_wait3A_262, %dma_wait3A_263] : memref<32x513xf32, #tpu.memory_space<vmem>> -> memref<32x512xf32, #tpu.memory_space<vmem>>
      %dma_wait3A_265 = arith.constant 0 : i32
      %dma_wait3A_266 = tpu.memref_slice %arg4[%sub3A_249, %dma_wait3A_265, %mul3A_2] : memref<50x32x16384xf32, #tpu.memory_space<hbm>> -> memref<1x32x512xf32, #tpu.memory_space<hbm>>
      %dma_wait3A_267 = tpu.memref_squeeze %dma_wait3A_266 : memref<1x32x512xf32, #tpu.memory_space<hbm>> -> memref<32x512xf32, #tpu.memory_space<hbm>>
      %dma_wait3A_268 = arith.constant 0 : i32
      %dma_wait3A_269 = tpu.memref_slice %arg4[%sub3A_249, %dma_wait3A_268, %mul3A_2] : memref<50x32x16384xf32, #tpu.memory_space<hbm>> -> memref<1x32x512xf32, #tpu.memory_space<hbm>>
      %dma_wait3A_270 = tpu.memref_squeeze %dma_wait3A_269 : memref<1x32x512xf32, #tpu.memory_space<hbm>> -> memref<32x512xf32, #tpu.memory_space<hbm>>
      %dma_wait3A_271 = arith.constant 0 : i32
      %dma_wait3A_272 = arith.constant 0 : i32
      %dma_wait3A_273 = tpu.memref_slice %arg10[%dma_wait3A_271, %dma_wait3A_272] : memref<32x513xf32, #tpu.memory_space<vmem>> -> memref<32x512xf32, #tpu.memory_space<vmem>>
      tpu.wait_dma2 semaphore(%arg14 : memref<!tpu.dma_semaphore, #tpu.memory_space<semaphore_mem>>) src(%dma_wait3A_273 : memref<32x512xf32, #tpu.memory_space<vmem>>) dst(%dma_wait3A_270 : memref<32x512xf32, #tpu.memory_space<hbm>>)
      %scan3A_274 = arith.constant 0 : i32
      %scan3A_275 = arith.constant 0 : i32
      %scan3A_276 = arith.constant 32 : i32
      %scan3A_277 = arith.addi %scan3A_275, %scan3A_276 : i32
      %scan3A_278 = arith.constant 1 : i32
      scf.for %scan3A_292 = %scan3A_275 to %scan3A_277 step %scan3A_278  : i32 {
        %mul3A_293 = arith.constant 16 : i32
        %mul3A_294 = arith.muli %scan3A_292, %mul3A_293 : i32
        %add3A_295 = arith.constant 0 : i32
        %add3A_296 = arith.addi %mul3A_294, %add3A_295 : i32
        %broadcast_in_dim3A = vector.broadcast %add3A_296 : i32 to vector<16xi32>
        %get3A = arith.index_cast %add3A_296 : i32 to index
        %get3A_297 = arith.constant 0 : index
        %get3A_298 = tpu.vector_load %arg8[%get3A, %get3A_297] {strides = array<i32>} : memref<512x32xf32, #tpu.memory_space<vmem>>, vector<16xf32>,
        %add3A_299 = arith.constant 0 : i32
        %add3A_300 = vector.broadcast %add3A_299 : i32 to vector<16xi32>
        %add3A_301 = arith.addi %iota3A, %add3A_300 : vector<16xi32>
        tpu.vector_store_idx %arg10[%add3A_301, %broadcast_in_dim3A], %get3A_298 : memref<32x513xf32, #tpu.memory_space<vmem>>[vector<16xi32>, vector<16xi32>], vector<16xf32>,
        %get3A_302 = arith.index_cast %add3A_296 : i32 to index
        %get3A_303 = arith.constant 16 : index
        %get3A_304 = tpu.vector_load %arg8[%get3A_302, %get3A_303] {strides = array<i32>} : memref<512x32xf32, #tpu.memory_space<vmem>>, vector<16xf32>,
        %add3A_305 = arith.constant 16 : i32
        %add3A_306 = vector.broadcast %add3A_305 : i32 to vector<16xi32>
        %add3A_307 = arith.addi %iota3A, %add3A_306 : vector<16xi32>
        tpu.vector_store_idx %arg10[%add3A_307, %broadcast_in_dim3A], %get3A_304 : memref<32x513xf32, #tpu.memory_space<vmem>>[vector<16xi32>, vector<16xi32>], vector<16xf32>,
        %mul3A_308 = arith.constant 16 : i32
        %mul3A_309 = arith.muli %scan3A_292, %mul3A_308 : i32
        %add3A_310 = arith.constant 1 : i32
        %add3A_311 = arith.addi %mul3A_309, %add3A_310 : i32
        %broadcast_in_dim3A_312 = vector.broadcast %add3A_311 : i32 to vector<16xi32>
        %get3A_313 = arith.index_cast %add3A_311 : i32 to index
        %get3A_314 = arith.constant 0 : index
        %get3A_315 = tpu.vector_load %arg8[%get3A_313, %get3A_314] {strides = array<i32>} : memref<512x32xf32, #tpu.memory_space<vmem>>, vector<16xf32>,
        %add3A_316 = arith.constant 0 : i32
        %add3A_317 = vector.broadcast %add3A_316 : i32 to vector<16xi32>
        %add3A_318 = arith.addi %iota3A, %add3A_317 : vector<16xi32>
        tpu.vector_store_idx %arg10[%add3A_318, %broadcast_in_dim3A_312], %get3A_315 : memref<32x513xf32, #tpu.memory_space<vmem>>[vector<16xi32>, vector<16xi32>], vector<16xf32>,
        %get3A_319 = arith.index_cast %add3A_311 : i32 to index
        %get3A_320 = arith.constant 16 : index
        %get3A_321 = tpu.vector_load %arg8[%get3A_319, %get3A_320] {strides = array<i32>} : memref<512x32xf32, #tpu.memory_space<vmem>>, vector<16xf32>,
        %add3A_322 = arith.constant 16 : i32
        %add3A_323 = vector.broadcast %add3A_322 : i32 to vector<16xi32>
        %add3A_324 = arith.addi %iota3A, %add3A_323 : vector<16xi32>
        tpu.vector_store_idx %arg10[%add3A_324, %broadcast_in_dim3A_312], %get3A_321 : memref<32x513xf32, #tpu.memory_space<vmem>>[vector<16xi32>, vector<16xi32>], vector<16xf32>,
        %mul3A_325 = arith.constant 16 : i32
        %mul3A_326 = arith.muli %scan3A_292, %mul3A_325 : i32
        %add3A_327 = arith.constant 2 : i32
        %add3A_328 = arith.addi %mul3A_326, %add3A_327 : i32
        %broadcast_in_dim3A_329 = vector.broadcast %add3A_328 : i32 to vector<16xi32>
        %get3A_330 = arith.index_cast %add3A_328 : i32 to index
        %get3A_331 = arith.constant 0 : index
        %get3A_332 = tpu.vector_load %arg8[%get3A_330, %get3A_331] {strides = array<i32>} : memref<512x32xf32, #tpu.memory_space<vmem>>, vector<16xf32>,
        %add3A_333 = arith.constant 0 : i32
        %add3A_334 = vector.broadcast %add3A_333 : i32 to vector<16xi32>
        %add3A_335 = arith.addi %iota3A, %add3A_334 : vector<16xi32>
        tpu.vector_store_idx %arg10[%add3A_335, %broadcast_in_dim3A_329], %get3A_332 : memref<32x513xf32, #tpu.memory_space<vmem>>[vector<16xi32>, vector<16xi32>], vector<16xf32>,
        %get3A_336 = arith.index_cast %add3A_328 : i32 to index
        %get3A_337 = arith.constant 16 : index
        %get3A_338 = tpu.vector_load %arg8[%get3A_336, %get3A_337] {strides = array<i32>} : memref<512x32xf32, #tpu.memory_space<vmem>>, vector<16xf32>,
        %add3A_339 = arith.constant 16 : i32
        %add3A_340 = vector.broadcast %add3A_339 : i32 to vector<16xi32>
        %add3A_341 = arith.addi %iota3A, %add3A_340 : vector<16xi32>
        tpu.vector_store_idx %arg10[%add3A_341, %broadcast_in_dim3A_329], %get3A_338 : memref<32x513xf32, #tpu.memory_space<vmem>>[vector<16xi32>, vector<16xi32>], vector<16xf32>,
        %mul3A_342 = arith.constant 16 : i32
        %mul3A_343 = arith.muli %scan3A_292, %mul3A_342 : i32
        %add3A_344 = arith.constant 3 : i32
        %add3A_345 = arith.addi %mul3A_343, %add3A_344 : i32
        %broadcast_in_dim3A_346 = vector.broadcast %add3A_345 : i32 to vector<16xi32>
        %get3A_347 = arith.index_cast %add3A_345 : i32 to index
        %get3A_348 = arith.constant 0 : index
        %get3A_349 = tpu.vector_load %arg8[%get3A_347, %get3A_348] {strides = array<i32>} : memref<512x32xf32, #tpu.memory_space<vmem>>, vector<16xf32>,
        %add3A_350 = arith.constant 0 : i32
        %add3A_351 = vector.broadcast %add3A_350 : i32 to vector<16xi32>
        %add3A_352 = arith.addi %iota3A, %add3A_351 : vector<16xi32>
        tpu.vector_store_idx %arg10[%add3A_352, %broadcast_in_dim3A_346], %get3A_349 : memref<32x513xf32, #tpu.memory_space<vmem>>[vector<16xi32>, vector<16xi32>], vector<16xf32>,
        %get3A_353 = arith.index_cast %add3A_345 : i32 to index
        %get3A_354 = arith.constant 16 : index
        %get3A_355 = tpu.vector_load %arg8[%get3A_353, %get3A_354] {strides = array<i32>} : memref<512x32xf32, #tpu.memory_space<vmem>>, vector<16xf32>,
        %add3A_356 = arith.constant 16 : i32
        %add3A_357 = vector.broadcast %add3A_356 : i32 to vector<16xi32>
        %add3A_358 = arith.addi %iota3A, %add3A_357 : vector<16xi32>
        tpu.vector_store_idx %arg10[%add3A_358, %broadcast_in_dim3A_346], %get3A_355 : memref<32x513xf32, #tpu.memory_space<vmem>>[vector<16xi32>, vector<16xi32>], vector<16xf32>,
        %mul3A_359 = arith.constant 16 : i32
        %mul3A_360 = arith.muli %scan3A_292, %mul3A_359 : i32
        %add3A_361 = arith.constant 4 : i32
        %add3A_362 = arith.addi %mul3A_360, %add3A_361 : i32
        %broadcast_in_dim3A_363 = vector.broadcast %add3A_362 : i32 to vector<16xi32>
        %get3A_364 = arith.index_cast %add3A_362 : i32 to index
        %get3A_365 = arith.constant 0 : index
        %get3A_366 = tpu.vector_load %arg8[%get3A_364, %get3A_365] {strides = array<i32>} : memref<512x32xf32, #tpu.memory_space<vmem>>, vector<16xf32>,
        %add3A_367 = arith.constant 0 : i32
        %add3A_368 = vector.broadcast %add3A_367 : i32 to vector<16xi32>
        %add3A_369 = arith.addi %iota3A, %add3A_368 : vector<16xi32>
        tpu.vector_store_idx %arg10[%add3A_369, %broadcast_in_dim3A_363], %get3A_366 : memref<32x513xf32, #tpu.memory_space<vmem>>[vector<16xi32>, vector<16xi32>], vector<16xf32>,
        %get3A_370 = arith.index_cast %add3A_362 : i32 to index
        %get3A_371 = arith.constant 16 : index
        %get3A_372 = tpu.vector_load %arg8[%get3A_370, %get3A_371] {strides = array<i32>} : memref<512x32xf32, #tpu.memory_space<vmem>>, vector<16xf32>,
        %add3A_373 = arith.constant 16 : i32
        %add3A_374 = vector.broadcast %add3A_373 : i32 to vector<16xi32>
        %add3A_375 = arith.addi %iota3A, %add3A_374 : vector<16xi32>
        tpu.vector_store_idx %arg10[%add3A_375, %broadcast_in_dim3A_363], %get3A_372 : memref<32x513xf32, #tpu.memory_space<vmem>>[vector<16xi32>, vector<16xi32>], vector<16xf32>,
        %mul3A_376 = arith.constant 16 : i32
        %mul3A_377 = arith.muli %scan3A_292, %mul3A_376 : i32
        %add3A_378 = arith.constant 5 : i32
        %add3A_379 = arith.addi %mul3A_377, %add3A_378 : i32
        %broadcast_in_dim3A_380 = vector.broadcast %add3A_379 : i32 to vector<16xi32>
        %get3A_381 = arith.index_cast %add3A_379 : i32 to index
        %get3A_382 = arith.constant 0 : index
        %get3A_383 = tpu.vector_load %arg8[%get3A_381, %get3A_382] {strides = array<i32>} : memref<512x32xf32, #tpu.memory_space<vmem>>, vector<16xf32>,
        %add3A_384 = arith.constant 0 : i32
        %add3A_385 = vector.broadcast %add3A_384 : i32 to vector<16xi32>
        %add3A_386 = arith.addi %iota3A, %add3A_385 : vector<16xi32>
        tpu.vector_store_idx %arg10[%add3A_386, %broadcast_in_dim3A_380], %get3A_383 : memref<32x513xf32, #tpu.memory_space<vmem>>[vector<16xi32>, vector<16xi32>], vector<16xf32>,
        %get3A_387 = arith.index_cast %add3A_379 : i32 to index
        %get3A_388 = arith.constant 16 : index
        %get3A_389 = tpu.vector_load %arg8[%get3A_387, %get3A_388] {strides = array<i32>} : memref<512x32xf32, #tpu.memory_space<vmem>>, vector<16xf32>,
        %add3A_390 = arith.constant 16 : i32
        %add3A_391 = vector.broadcast %add3A_390 : i32 to vector<16xi32>
        %add3A_392 = arith.addi %iota3A, %add3A_391 : vector<16xi32>
        tpu.vector_store_idx %arg10[%add3A_392, %broadcast_in_dim3A_380], %get3A_389 : memref<32x513xf32, #tpu.memory_space<vmem>>[vector<16xi32>, vector<16xi32>], vector<16xf32>,
        %mul3A_393 = arith.constant 16 : i32
        %mul3A_394 = arith.muli %scan3A_292, %mul3A_393 : i32
        %add3A_395 = arith.constant 6 : i32
        %add3A_396 = arith.addi %mul3A_394, %add3A_395 : i32
        %broadcast_in_dim3A_397 = vector.broadcast %add3A_396 : i32 to vector<16xi32>
        %get3A_398 = arith.index_cast %add3A_396 : i32 to index
        %get3A_399 = arith.constant 0 : index
        %get3A_400 = tpu.vector_load %arg8[%get3A_398, %get3A_399] {strides = array<i32>} : memref<512x32xf32, #tpu.memory_space<vmem>>, vector<16xf32>,
        %add3A_401 = arith.constant 0 : i32
        %add3A_402 = vector.broadcast %add3A_401 : i32 to vector<16xi32>
        %add3A_403 = arith.addi %iota3A, %add3A_402 : vector<16xi32>
        tpu.vector_store_idx %arg10[%add3A_403, %broadcast_in_dim3A_397], %get3A_400 : memref<32x513xf32, #tpu.memory_space<vmem>>[vector<16xi32>, vector<16xi32>], vector<16xf32>,
        %get3A_404 = arith.index_cast %add3A_396 : i32 to index
        %get3A_405 = arith.constant 16 : index
        %get3A_406 = tpu.vector_load %arg8[%get3A_404, %get3A_405] {strides = array<i32>} : memref<512x32xf32, #tpu.memory_space<vmem>>, vector<16xf32>,
        %add3A_407 = arith.constant 16 : i32
        %add3A_408 = vector.broadcast %add3A_407 : i32 to vector<16xi32>
        %add3A_409 = arith.addi %iota3A, %add3A_408 : vector<16xi32>
        tpu.vector_store_idx %arg10[%add3A_409, %broadcast_in_dim3A_397], %get3A_406 : memref<32x513xf32, #tpu.memory_space<vmem>>[vector<16xi32>, vector<16xi32>], vector<16xf32>,
        %mul3A_410 = arith.constant 16 : i32
        %mul3A_411 = arith.muli %scan3A_292, %mul3A_410 : i32
        %add3A_412 = arith.constant 7 : i32
        %add3A_413 = arith.addi %mul3A_411, %add3A_412 : i32
        %broadcast_in_dim3A_414 = vector.broadcast %add3A_413 : i32 to vector<16xi32>
        %get3A_415 = arith.index_cast %add3A_413 : i32 to index
        %get3A_416 = arith.constant 0 : index
        %get3A_417 = tpu.vector_load %arg8[%get3A_415, %get3A_416] {strides = array<i32>} : memref<512x32xf32, #tpu.memory_space<vmem>>, vector<16xf32>,
        %add3A_418 = arith.constant 0 : i32
        %add3A_419 = vector.broadcast %add3A_418 : i32 to vector<16xi32>
        %add3A_420 = arith.addi %iota3A, %add3A_419 : vector<16xi32>
        tpu.vector_store_idx %arg10[%add3A_420, %broadcast_in_dim3A_414], %get3A_417 : memref<32x513xf32, #tpu.memory_space<vmem>>[vector<16xi32>, vector<16xi32>], vector<16xf32>,
        %get3A_421 = arith.index_cast %add3A_413 : i32 to index
        %get3A_422 = arith.constant 16 : index
        %get3A_423 = tpu.vector_load %arg8[%get3A_421, %get3A_422] {strides = array<i32>} : memref<512x32xf32, #tpu.memory_space<vmem>>, vector<16xf32>,
        %add3A_424 = arith.constant 16 : i32
        %add3A_425 = vector.broadcast %add3A_424 : i32 to vector<16xi32>
        %add3A_426 = arith.addi %iota3A, %add3A_425 : vector<16xi32>
        tpu.vector_store_idx %arg10[%add3A_426, %broadcast_in_dim3A_414], %get3A_423 : memref<32x513xf32, #tpu.memory_space<vmem>>[vector<16xi32>, vector<16xi32>], vector<16xf32>,
        %mul3A_427 = arith.constant 16 : i32
        %mul3A_428 = arith.muli %scan3A_292, %mul3A_427 : i32
        %add3A_429 = arith.constant 8 : i32
        %add3A_430 = arith.addi %mul3A_428, %add3A_429 : i32
        %broadcast_in_dim3A_431 = vector.broadcast %add3A_430 : i32 to vector<16xi32>
        %get3A_432 = arith.index_cast %add3A_430 : i32 to index
        %get3A_433 = arith.constant 0 : index
        %get3A_434 = tpu.vector_load %arg8[%get3A_432, %get3A_433] {strides = array<i32>} : memref<512x32xf32, #tpu.memory_space<vmem>>, vector<16xf32>,
        %add3A_435 = arith.constant 0 : i32
        %add3A_436 = vector.broadcast %add3A_435 : i32 to vector<16xi32>
        %add3A_437 = arith.addi %iota3A, %add3A_436 : vector<16xi32>
        tpu.vector_store_idx %arg10[%add3A_437, %broadcast_in_dim3A_431], %get3A_434 : memref<32x513xf32, #tpu.memory_space<vmem>>[vector<16xi32>, vector<16xi32>], vector<16xf32>,
        %get3A_438 = arith.index_cast %add3A_430 : i32 to index
        %get3A_439 = arith.constant 16 : index
        %get3A_440 = tpu.vector_load %arg8[%get3A_438, %get3A_439] {strides = array<i32>} : memref<512x32xf32, #tpu.memory_space<vmem>>, vector<16xf32>,
        %add3A_441 = arith.constant 16 : i32
        %add3A_442 = vector.broadcast %add3A_441 : i32 to vector<16xi32>
        %add3A_443 = arith.addi %iota3A, %add3A_442 : vector<16xi32>
        tpu.vector_store_idx %arg10[%add3A_443, %broadcast_in_dim3A_431], %get3A_440 : memref<32x513xf32, #tpu.memory_space<vmem>>[vector<16xi32>, vector<16xi32>], vector<16xf32>,
        %mul3A_444 = arith.constant 16 : i32
        %mul3A_445 = arith.muli %scan3A_292, %mul3A_444 : i32
        %add3A_446 = arith.constant 9 : i32
        %add3A_447 = arith.addi %mul3A_445, %add3A_446 : i32
        %broadcast_in_dim3A_448 = vector.broadcast %add3A_447 : i32 to vector<16xi32>
        %get3A_449 = arith.index_cast %add3A_447 : i32 to index
        %get3A_450 = arith.constant 0 : index
        %get3A_451 = tpu.vector_load %arg8[%get3A_449, %get3A_450] {strides = array<i32>} : memref<512x32xf32, #tpu.memory_space<vmem>>, vector<16xf32>,
        %add3A_452 = arith.constant 0 : i32
        %add3A_453 = vector.broadcast %add3A_452 : i32 to vector<16xi32>
        %add3A_454 = arith.addi %iota3A, %add3A_453 : vector<16xi32>
        tpu.vector_store_idx %arg10[%add3A_454, %broadcast_in_dim3A_448], %get3A_451 : memref<32x513xf32, #tpu.memory_space<vmem>>[vector<16xi32>, vector<16xi32>], vector<16xf32>,
        %get3A_455 = arith.index_cast %add3A_447 : i32 to index
        %get3A_456 = arith.constant 16 : index
        %get3A_457 = tpu.vector_load %arg8[%get3A_455, %get3A_456] {strides = array<i32>} : memref<512x32xf32, #tpu.memory_space<vmem>>, vector<16xf32>,
        %add3A_458 = arith.constant 16 : i32
        %add3A_459 = vector.broadcast %add3A_458 : i32 to vector<16xi32>
        %add3A_460 = arith.addi %iota3A, %add3A_459 : vector<16xi32>
        tpu.vector_store_idx %arg10[%add3A_460, %broadcast_in_dim3A_448], %get3A_457 : memref<32x513xf32, #tpu.memory_space<vmem>>[vector<16xi32>, vector<16xi32>], vector<16xf32>,
        %mul3A_461 = arith.constant 16 : i32
        %mul3A_462 = arith.muli %scan3A_292, %mul3A_461 : i32
        %add3A_463 = arith.constant 10 : i32
        %add3A_464 = arith.addi %mul3A_462, %add3A_463 : i32
        %broadcast_in_dim3A_465 = vector.broadcast %add3A_464 : i32 to vector<16xi32>
        %get3A_466 = arith.index_cast %add3A_464 : i32 to index
        %get3A_467 = arith.constant 0 : index
        %get3A_468 = tpu.vector_load %arg8[%get3A_466, %get3A_467] {strides = array<i32>} : memref<512x32xf32, #tpu.memory_space<vmem>>, vector<16xf32>,
        %add3A_469 = arith.constant 0 : i32
        %add3A_470 = vector.broadcast %add3A_469 : i32 to vector<16xi32>
        %add3A_471 = arith.addi %iota3A, %add3A_470 : vector<16xi32>
        tpu.vector_store_idx %arg10[%add3A_471, %broadcast_in_dim3A_465], %get3A_468 : memref<32x513xf32, #tpu.memory_space<vmem>>[vector<16xi32>, vector<16xi32>], vector<16xf32>,
        %get3A_472 = arith.index_cast %add3A_464 : i32 to index
        %get3A_473 = arith.constant 16 : index
        %get3A_474 = tpu.vector_load %arg8[%get3A_472, %get3A_473] {strides = array<i32>} : memref<512x32xf32, #tpu.memory_space<vmem>>, vector<16xf32>,
        %add3A_475 = arith.constant 16 : i32
        %add3A_476 = vector.broadcast %add3A_475 : i32 to vector<16xi32>
        %add3A_477 = arith.addi %iota3A, %add3A_476 : vector<16xi32>
        tpu.vector_store_idx %arg10[%add3A_477, %broadcast_in_dim3A_465], %get3A_474 : memref<32x513xf32, #tpu.memory_space<vmem>>[vector<16xi32>, vector<16xi32>], vector<16xf32>,
        %mul3A_478 = arith.constant 16 : i32
        %mul3A_479 = arith.muli %scan3A_292, %mul3A_478 : i32
        %add3A_480 = arith.constant 11 : i32
        %add3A_481 = arith.addi %mul3A_479, %add3A_480 : i32
        %broadcast_in_dim3A_482 = vector.broadcast %add3A_481 : i32 to vector<16xi32>
        %get3A_483 = arith.index_cast %add3A_481 : i32 to index
        %get3A_484 = arith.constant 0 : index
        %get3A_485 = tpu.vector_load %arg8[%get3A_483, %get3A_484] {strides = array<i32>} : memref<512x32xf32, #tpu.memory_space<vmem>>, vector<16xf32>,
        %add3A_486 = arith.constant 0 : i32
        %add3A_487 = vector.broadcast %add3A_486 : i32 to vector<16xi32>
        %add3A_488 = arith.addi %iota3A, %add3A_487 : vector<16xi32>
        tpu.vector_store_idx %arg10[%add3A_488, %broadcast_in_dim3A_482], %get3A_485 : memref<32x513xf32, #tpu.memory_space<vmem>>[vector<16xi32>, vector<16xi32>], vector<16xf32>,
        %get3A_489 = arith.index_cast %add3A_481 : i32 to index
        %get3A_490 = arith.constant 16 : index
        %get3A_491 = tpu.vector_load %arg8[%get3A_489, %get3A_490] {strides = array<i32>} : memref<512x32xf32, #tpu.memory_space<vmem>>, vector<16xf32>,
        %add3A_492 = arith.constant 16 : i32
        %add3A_493 = vector.broadcast %add3A_492 : i32 to vector<16xi32>
        %add3A_494 = arith.addi %iota3A, %add3A_493 : vector<16xi32>
        tpu.vector_store_idx %arg10[%add3A_494, %broadcast_in_dim3A_482], %get3A_491 : memref<32x513xf32, #tpu.memory_space<vmem>>[vector<16xi32>, vector<16xi32>], vector<16xf32>,
        %mul3A_495 = arith.constant 16 : i32
        %mul3A_496 = arith.muli %scan3A_292, %mul3A_495 : i32
        %add3A_497 = arith.constant 12 : i32
        %add3A_498 = arith.addi %mul3A_496, %add3A_497 : i32
        %broadcast_in_dim3A_499 = vector.broadcast %add3A_498 : i32 to vector<16xi32>
        %get3A_500 = arith.index_cast %add3A_498 : i32 to index
        %get3A_501 = arith.constant 0 : index
        %get3A_502 = tpu.vector_load %arg8[%get3A_500, %get3A_501] {strides = array<i32>} : memref<512x32xf32, #tpu.memory_space<vmem>>, vector<16xf32>,
        %add3A_503 = arith.constant 0 : i32
        %add3A_504 = vector.broadcast %add3A_503 : i32 to vector<16xi32>
        %add3A_505 = arith.addi %iota3A, %add3A_504 : vector<16xi32>
        tpu.vector_store_idx %arg10[%add3A_505, %broadcast_in_dim3A_499], %get3A_502 : memref<32x513xf32, #tpu.memory_space<vmem>>[vector<16xi32>, vector<16xi32>], vector<16xf32>,
        %get3A_506 = arith.index_cast %add3A_498 : i32 to index
        %get3A_507 = arith.constant 16 : index
        %get3A_508 = tpu.vector_load %arg8[%get3A_506, %get3A_507] {strides = array<i32>} : memref<512x32xf32, #tpu.memory_space<vmem>>, vector<16xf32>,
        %add3A_509 = arith.constant 16 : i32
        %add3A_510 = vector.broadcast %add3A_509 : i32 to vector<16xi32>
        %add3A_511 = arith.addi %iota3A, %add3A_510 : vector<16xi32>
        tpu.vector_store_idx %arg10[%add3A_511, %broadcast_in_dim3A_499], %get3A_508 : memref<32x513xf32, #tpu.memory_space<vmem>>[vector<16xi32>, vector<16xi32>], vector<16xf32>,
        %mul3A_512 = arith.constant 16 : i32
        %mul3A_513 = arith.muli %scan3A_292, %mul3A_512 : i32
        %add3A_514 = arith.constant 13 : i32
        %add3A_515 = arith.addi %mul3A_513, %add3A_514 : i32
        %broadcast_in_dim3A_516 = vector.broadcast %add3A_515 : i32 to vector<16xi32>
        %get3A_517 = arith.index_cast %add3A_515 : i32 to index
        %get3A_518 = arith.constant 0 : index
        %get3A_519 = tpu.vector_load %arg8[%get3A_517, %get3A_518] {strides = array<i32>} : memref<512x32xf32, #tpu.memory_space<vmem>>, vector<16xf32>,
        %add3A_520 = arith.constant 0 : i32
        %add3A_521 = vector.broadcast %add3A_520 : i32 to vector<16xi32>
        %add3A_522 = arith.addi %iota3A, %add3A_521 : vector<16xi32>
        tpu.vector_store_idx %arg10[%add3A_522, %broadcast_in_dim3A_516], %get3A_519 : memref<32x513xf32, #tpu.memory_space<vmem>>[vector<16xi32>, vector<16xi32>], vector<16xf32>,
        %get3A_523 = arith.index_cast %add3A_515 : i32 to index
        %get3A_524 = arith.constant 16 : index
        %get3A_525 = tpu.vector_load %arg8[%get3A_523, %get3A_524] {strides = array<i32>} : memref<512x32xf32, #tpu.memory_space<vmem>>, vector<16xf32>,
        %add3A_526 = arith.constant 16 : i32
        %add3A_527 = vector.broadcast %add3A_526 : i32 to vector<16xi32>
        %add3A_528 = arith.addi %iota3A, %add3A_527 : vector<16xi32>
        tpu.vector_store_idx %arg10[%add3A_528, %broadcast_in_dim3A_516], %get3A_525 : memref<32x513xf32, #tpu.memory_space<vmem>>[vector<16xi32>, vector<16xi32>], vector<16xf32>,
        %mul3A_529 = arith.constant 16 : i32
        %mul3A_530 = arith.muli %scan3A_292, %mul3A_529 : i32
        %add3A_531 = arith.constant 14 : i32
        %add3A_532 = arith.addi %mul3A_530, %add3A_531 : i32
        %broadcast_in_dim3A_533 = vector.broadcast %add3A_532 : i32 to vector<16xi32>
        %get3A_534 = arith.index_cast %add3A_532 : i32 to index
        %get3A_535 = arith.constant 0 : index
        %get3A_536 = tpu.vector_load %arg8[%get3A_534, %get3A_535] {strides = array<i32>} : memref<512x32xf32, #tpu.memory_space<vmem>>, vector<16xf32>,
        %add3A_537 = arith.constant 0 : i32
        %add3A_538 = vector.broadcast %add3A_537 : i32 to vector<16xi32>
        %add3A_539 = arith.addi %iota3A, %add3A_538 : vector<16xi32>
        tpu.vector_store_idx %arg10[%add3A_539, %broadcast_in_dim3A_533], %get3A_536 : memref<32x513xf32, #tpu.memory_space<vmem>>[vector<16xi32>, vector<16xi32>], vector<16xf32>,
        %get3A_540 = arith.index_cast %add3A_532 : i32 to index
        %get3A_541 = arith.constant 16 : index
        %get3A_542 = tpu.vector_load %arg8[%get3A_540, %get3A_541] {strides = array<i32>} : memref<512x32xf32, #tpu.memory_space<vmem>>, vector<16xf32>,
        %add3A_543 = arith.constant 16 : i32
        %add3A_544 = vector.broadcast %add3A_543 : i32 to vector<16xi32>
        %add3A_545 = arith.addi %iota3A, %add3A_544 : vector<16xi32>
        tpu.vector_store_idx %arg10[%add3A_545, %broadcast_in_dim3A_533], %get3A_542 : memref<32x513xf32, #tpu.memory_space<vmem>>[vector<16xi32>, vector<16xi32>], vector<16xf32>,
        %mul3A_546 = arith.constant 16 : i32
        %mul3A_547 = arith.muli %scan3A_292, %mul3A_546 : i32
        %add3A_548 = arith.constant 15 : i32
        %add3A_549 = arith.addi %mul3A_547, %add3A_548 : i32
        %broadcast_in_dim3A_550 = vector.broadcast %add3A_549 : i32 to vector<16xi32>
        %get3A_551 = arith.index_cast %add3A_549 : i32 to index
        %get3A_552 = arith.constant 0 : index
        %get3A_553 = tpu.vector_load %arg8[%get3A_551, %get3A_552] {strides = array<i32>} : memref<512x32xf32, #tpu.memory_space<vmem>>, vector<16xf32>,
        %add3A_554 = arith.constant 0 : i32
        %add3A_555 = vector.broadcast %add3A_554 : i32 to vector<16xi32>
        %add3A_556 = arith.addi %iota3A, %add3A_555 : vector<16xi32>
        tpu.vector_store_idx %arg10[%add3A_556, %broadcast_in_dim3A_550], %get3A_553 : memref<32x513xf32, #tpu.memory_space<vmem>>[vector<16xi32>, vector<16xi32>], vector<16xf32>,
        %get3A_557 = arith.index_cast %add3A_549 : i32 to index
        %get3A_558 = arith.constant 16 : index
        %get3A_559 = tpu.vector_load %arg8[%get3A_557, %get3A_558] {strides = array<i32>} : memref<512x32xf32, #tpu.memory_space<vmem>>, vector<16xf32>,
        %add3A_560 = arith.constant 16 : i32
        %add3A_561 = vector.broadcast %add3A_560 : i32 to vector<16xi32>
        %add3A_562 = arith.addi %iota3A, %add3A_561 : vector<16xi32>
        tpu.vector_store_idx %arg10[%add3A_562, %broadcast_in_dim3A_550], %get3A_559 : memref<32x513xf32, #tpu.memory_space<vmem>>[vector<16xi32>, vector<16xi32>], vector<16xf32>,
      }
      %scan3A_279 = arith.constant 32 : i32
      %dma_start3A_280 = arith.constant 0 : i32
      %dma_start3A_281 = arith.constant 0 : i32
      %dma_start3A_282 = tpu.memref_slice %arg10[%dma_start3A_280, %dma_start3A_281] : memref<32x513xf32, #tpu.memory_space<vmem>> -> memref<32x512xf32, #tpu.memory_space<vmem>>
      %dma_start3A_283 = arith.constant 0 : i32
      %dma_start3A_284 = tpu.memref_slice %arg4[%add3A_245, %dma_start3A_283, %mul3A_2] : memref<50x32x16384xf32, #tpu.memory_space<hbm>> -> memref<1x32x512xf32, #tpu.memory_space<hbm>>
      %dma_start3A_285 = tpu.memref_squeeze %dma_start3A_284 : memref<1x32x512xf32, #tpu.memory_space<hbm>> -> memref<32x512xf32, #tpu.memory_space<hbm>>
      %dma_start3A_286 = arith.constant 0 : i32
      %dma_start3A_287 = tpu.memref_slice %arg4[%add3A_245, %dma_start3A_286, %mul3A_2] : memref<50x32x16384xf32, #tpu.memory_space<hbm>> -> memref<1x32x512xf32, #tpu.memory_space<hbm>>
      %dma_start3A_288 = tpu.memref_squeeze %dma_start3A_287 : memref<1x32x512xf32, #tpu.memory_space<hbm>> -> memref<32x512xf32, #tpu.memory_space<hbm>>
      %dma_start3A_289 = arith.constant 0 : i32
      %dma_start3A_290 = arith.constant 0 : i32
      %dma_start3A_291 = tpu.memref_slice %arg10[%dma_start3A_289, %dma_start3A_290] : memref<32x513xf32, #tpu.memory_space<vmem>> -> memref<32x512xf32, #tpu.memory_space<vmem>>
      tpu.enqueue_dma source(%dma_start3A_291 : memref<32x512xf32, #tpu.memory_space<vmem>>) target(%dma_start3A_288 : memref<32x512xf32, #tpu.memory_space<hbm>>) target_semaphore(%arg14 : memref<!tpu.dma_semaphore, #tpu.memory_space<semaphore_mem>>)
    }
    %scan3A_84 = arith.constant 23 : i32
    %dma_wait3A_85 = arith.constant 48 : i32
    %dma_wait3A_86 = arith.constant 0 : i32
    %dma_wait3A_87 = tpu.memref_slice %arg6[%dma_wait3A_85, %dma_wait3A_86] : memref<50x512xi32, #tpu.memory_space<vmem>> -> memref<1x512xi32, #tpu.memory_space<vmem>>
    %dma_wait3A_88 = tpu.memref_squeeze %dma_wait3A_87 : memref<1x512xi32, #tpu.memory_space<vmem>> -> memref<512xi32, #tpu.memory_space<vmem>>
    %dma_wait3A_89 = arith.constant 0 : i32
    %dma_wait3A_90 = arith.constant 0 : i32
    %dma_wait3A_91 = tpu.memref_slice %arg3[%dma_wait3A_89, %dma_wait3A_90] : memref<1000000x32xf32, #tpu.memory_space<hbm>> -> memref<1000000x32xf32, #tpu.memory_space<hbm>>
    tpu.wait_indirect_dma semaphore(%arg11 : memref<!tpu.dma_semaphore, #tpu.memory_space<semaphore_mem>>) src(%dma_wait3A_91 : memref<1000000x32xf32, #tpu.memory_space<hbm>>) dst(%arg7 : memref<512x32xf32, #tpu.memory_space<vmem>>)
    %dma_start3A_92 = arith.constant 49 : i32
    %dma_start3A_93 = arith.constant 0 : i32
    %dma_start3A_94 = tpu.memref_slice %arg6[%dma_start3A_92, %dma_start3A_93] : memref<50x512xi32, #tpu.memory_space<vmem>> -> memref<1x512xi32, #tpu.memory_space<vmem>>
    %dma_start3A_95 = tpu.memref_squeeze %dma_start3A_94 : memref<1x512xi32, #tpu.memory_space<vmem>> -> memref<512xi32, #tpu.memory_space<vmem>>
    %dma_start3A_96 = arith.constant 0 : i32
    %dma_start3A_97 = arith.constant 0 : i32
    %dma_start3A_98 = tpu.memref_slice %arg3[%dma_start3A_96, %dma_start3A_97] : memref<1000000x32xf32, #tpu.memory_space<hbm>> -> memref<1000000x32xf32, #tpu.memory_space<hbm>>
    tpu.enqueue_indirect_dma source(%dma_start3A_98 : memref<1000000x32xf32, #tpu.memory_space<hbm>>) target(%arg8 : memref<512x32xf32, #tpu.memory_space<vmem>>) offsets(%dma_start3A_95 : memref<512xi32, #tpu.memory_space<vmem>>) semaphore(%arg12 : memref<!tpu.dma_semaphore, #tpu.memory_space<semaphore_mem>>)
    %dma_wait3A_99 = arith.constant 46 : i32
    %dma_wait3A_100 = arith.constant 0 : i32
    %dma_wait3A_101 = arith.constant 0 : i32
    %dma_wait3A_102 = tpu.memref_slice %arg9[%dma_wait3A_100, %dma_wait3A_101] : memref<32x513xf32, #tpu.memory_space<vmem>> -> memref<32x512xf32, #tpu.memory_space<vmem>>
    %dma_wait3A_103 = arith.constant 0 : i32
    %dma_wait3A_104 = tpu.memref_slice %arg4[%dma_wait3A_99, %dma_wait3A_103, %mul3A_2] : memref<50x32x16384xf32, #tpu.memory_space<hbm>> -> memref<1x32x512xf32, #tpu.memory_space<hbm>>
    %dma_wait3A_105 = tpu.memref_squeeze %dma_wait3A_104 : memref<1x32x512xf32, #tpu.memory_space<hbm>> -> memref<32x512xf32, #tpu.memory_space<hbm>>
    %dma_wait3A_106 = arith.constant 0 : i32
    %dma_wait3A_107 = tpu.memref_slice %arg4[%dma_wait3A_99, %dma_wait3A_106, %mul3A_2] : memref<50x32x16384xf32, #tpu.memory_space<hbm>> -> memref<1x32x512xf32, #tpu.memory_space<hbm>>
    %dma_wait3A_108 = tpu.memref_squeeze %dma_wait3A_107 : memref<1x32x512xf32, #tpu.memory_space<hbm>> -> memref<32x512xf32, #tpu.memory_space<hbm>>
    %dma_wait3A_109 = arith.constant 0 : i32
    %dma_wait3A_110 = arith.constant 0 : i32
    %dma_wait3A_111 = tpu.memref_slice %arg9[%dma_wait3A_109, %dma_wait3A_110] : memref<32x513xf32, #tpu.memory_space<vmem>> -> memref<32x512xf32, #tpu.memory_space<vmem>>
    tpu.wait_dma2 semaphore(%arg13 : memref<!tpu.dma_semaphore, #tpu.memory_space<semaphore_mem>>) src(%dma_wait3A_111 : memref<32x512xf32, #tpu.memory_space<vmem>>) dst(%dma_wait3A_108 : memref<32x512xf32, #tpu.memory_space<hbm>>)
    %scan3A_112 = arith.constant 0 : i32
    %scan3A_113 = arith.constant 0 : i32
    %scan3A_114 = arith.constant 32 : i32
    %scan3A_115 = arith.addi %scan3A_113, %scan3A_114 : i32
    %scan3A_116 = arith.constant 1 : i32
    scf.for %scan3A_196 = %scan3A_113 to %scan3A_115 step %scan3A_116  : i32 {
      %mul3A_197 = arith.constant 16 : i32
      %mul3A_198 = arith.muli %scan3A_196, %mul3A_197 : i32
      %add3A_199 = arith.constant 0 : i32
      %add3A_200 = arith.addi %mul3A_198, %add3A_199 : i32
      %broadcast_in_dim3A = vector.broadcast %add3A_200 : i32 to vector<16xi32>
      %get3A = arith.index_cast %add3A_200 : i32 to index
      %get3A_201 = arith.constant 0 : index
      %get3A_202 = tpu.vector_load %arg7[%get3A, %get3A_201] {strides = array<i32>} : memref<512x32xf32, #tpu.memory_space<vmem>>, vector<16xf32>,
      %add3A_203 = arith.constant 0 : i32
      %add3A_204 = vector.broadcast %add3A_203 : i32 to vector<16xi32>
      %add3A_205 = arith.addi %iota3A, %add3A_204 : vector<16xi32>
      tpu.vector_store_idx %arg9[%add3A_205, %broadcast_in_dim3A], %get3A_202 : memref<32x513xf32, #tpu.memory_space<vmem>>[vector<16xi32>, vector<16xi32>], vector<16xf32>,
      %get3A_206 = arith.index_cast %add3A_200 : i32 to index
      %get3A_207 = arith.constant 16 : index
      %get3A_208 = tpu.vector_load %arg7[%get3A_206, %get3A_207] {strides = array<i32>} : memref<512x32xf32, #tpu.memory_space<vmem>>, vector<16xf32>,
      %add3A_209 = arith.constant 16 : i32
      %add3A_210 = vector.broadcast %add3A_209 : i32 to vector<16xi32>
      %add3A_211 = arith.addi %iota3A, %add3A_210 : vector<16xi32>
      tpu.vector_store_idx %arg9[%add3A_211, %broadcast_in_dim3A], %get3A_208 : memref<32x513xf32, #tpu.memory_space<vmem>>[vector<16xi32>, vector<16xi32>], vector<16xf32>,
      %mul3A_212 = arith.constant 16 : i32
      %mul3A_213 = arith.muli %scan3A_196, %mul3A_212 : i32
      %add3A_214 = arith.constant 1 : i32
      %add3A_215 = arith.addi %mul3A_213, %add3A_214 : i32
      %broadcast_in_dim3A_216 = vector.broadcast %add3A_215 : i32 to vector<16xi32>
      %get3A_217 = arith.index_cast %add3A_215 : i32 to index
      %get3A_218 = arith.constant 0 : index
      %get3A_219 = tpu.vector_load %arg7[%get3A_217, %get3A_218] {strides = array<i32>} : memref<512x32xf32, #tpu.memory_space<vmem>>, vector<16xf32>,
      %add3A_220 = arith.constant 0 : i32
      %add3A_221 = vector.broadcast %add3A_220 : i32 to vector<16xi32>
      %add3A_222 = arith.addi %iota3A, %add3A_221 : vector<16xi32>
      tpu.vector_store_idx %arg9[%add3A_222, %broadcast_in_dim3A_216], %get3A_219 : memref<32x513xf32, #tpu.memory_space<vmem>>[vector<16xi32>, vector<16xi32>], vector<16xf32>,
      %get3A_223 = arith.index_cast %add3A_215 : i32 to index
      %get3A_224 = arith.constant 16 : index
      %get3A_225 = tpu.vector_load %arg7[%get3A_223, %get3A_224] {strides = array<i32>} : memref<512x32xf32, #tpu.memory_space<vmem>>, vector<16xf32>,
      %add3A_226 = arith.constant 16 : i32
      %add3A_227 = vector.broadcast %add3A_226 : i32 to vector<16xi32>
      %add3A_228 = arith.addi %iota3A, %add3A_227 : vector<16xi32>
      tpu.vector_store_idx %arg9[%add3A_228, %broadcast_in_dim3A_216], %get3A_225 : memref<32x513xf32, #tpu.memory_space<vmem>>[vector<16xi32>, vector<16xi32>], vector<16xf32>,
      %mul3A_229 = arith.constant 16 : i32
      %mul3A_230 = arith.muli %scan3A_196, %mul3A_229 : i32
      %add3A_231 = arith.constant 2 : i32
      %add3A_232 = arith.addi %mul3A_230, %add3A_231 : i32
      %broadcast_in_dim3A_233 = vector.broadcast %add3A_232 : i32 to vector<16xi32>
      %get3A_234 = arith.index_cast %add3A_232 : i32 to index
      %get3A_235 = arith.constant 0 : index
      %get3A_236 = tpu.vector_load %arg7[%get3A_234, %get3A_235] {strides = array<i32>} : memref<512x32xf32, #tpu.memory_space<vmem>>, vector<16xf32>,
      %add3A_237 = arith.constant 0 : i32
      %add3A_238 = vector.broadcast %add3A_237 : i32 to vector<16xi32>
      %add3A_239 = arith.addi %iota3A, %add3A_238 : vector<16xi32>
      tpu.vector_store_idx %arg9[%add3A_239, %broadcast_in_dim3A_233], %get3A_236 : memref<32x513xf32, #tpu.memory_space<vmem>>[vector<16xi32>, vector<16xi32>], vector<16xf32>,
      %get3A_240 = arith.index_cast %add3A_232 : i32 to index
      %get3A_241 = arith.constant 16 : index
      %get3A_242 = tpu.vector_load %arg7[%get3A_240, %get3A_241] {strides = array<i32>} : memref<512x32xf32, #tpu.memory_space<vmem>>, vector<16xf32>,
      %add3A_243 = arith.constant 16 : i32
      %add3A_244 = vector.broadcast %add3A_243 : i32 to vector<16xi32>
      %add3A_245 = arith.addi %iota3A, %add3A_244 : vector<16xi32>
      tpu.vector_store_idx %arg9[%add3A_245, %broadcast_in_dim3A_233], %get3A_242 : memref<32x513xf32, #tpu.memory_space<vmem>>[vector<16xi32>, vector<16xi32>], vector<16xf32>,
      %mul3A_246 = arith.constant 16 : i32
      %mul3A_247 = arith.muli %scan3A_196, %mul3A_246 : i32
      %add3A_248 = arith.constant 3 : i32
      %add3A_249 = arith.addi %mul3A_247, %add3A_248 : i32
      %broadcast_in_dim3A_250 = vector.broadcast %add3A_249 : i32 to vector<16xi32>
      %get3A_251 = arith.index_cast %add3A_249 : i32 to index
      %get3A_252 = arith.constant 0 : index
      %get3A_253 = tpu.vector_load %arg7[%get3A_251, %get3A_252] {strides = array<i32>} : memref<512x32xf32, #tpu.memory_space<vmem>>, vector<16xf32>,
      %add3A_254 = arith.constant 0 : i32
      %add3A_255 = vector.broadcast %add3A_254 : i32 to vector<16xi32>
      %add3A_256 = arith.addi %iota3A, %add3A_255 : vector<16xi32>
      tpu.vector_store_idx %arg9[%add3A_256, %broadcast_in_dim3A_250], %get3A_253 : memref<32x513xf32, #tpu.memory_space<vmem>>[vector<16xi32>, vector<16xi32>], vector<16xf32>,
      %get3A_257 = arith.index_cast %add3A_249 : i32 to index
      %get3A_258 = arith.constant 16 : index
      %get3A_259 = tpu.vector_load %arg7[%get3A_257, %get3A_258] {strides = array<i32>} : memref<512x32xf32, #tpu.memory_space<vmem>>, vector<16xf32>,
      %add3A_260 = arith.constant 16 : i32
      %add3A_261 = vector.broadcast %add3A_260 : i32 to vector<16xi32>
      %add3A_262 = arith.addi %iota3A, %add3A_261 : vector<16xi32>
      tpu.vector_store_idx %arg9[%add3A_262, %broadcast_in_dim3A_250], %get3A_259 : memref<32x513xf32, #tpu.memory_space<vmem>>[vector<16xi32>, vector<16xi32>], vector<16xf32>,
      %mul3A_263 = arith.constant 16 : i32
      %mul3A_264 = arith.muli %scan3A_196, %mul3A_263 : i32
      %add3A_265 = arith.constant 4 : i32
      %add3A_266 = arith.addi %mul3A_264, %add3A_265 : i32
      %broadcast_in_dim3A_267 = vector.broadcast %add3A_266 : i32 to vector<16xi32>
      %get3A_268 = arith.index_cast %add3A_266 : i32 to index
      %get3A_269 = arith.constant 0 : index
      %get3A_270 = tpu.vector_load %arg7[%get3A_268, %get3A_269] {strides = array<i32>} : memref<512x32xf32, #tpu.memory_space<vmem>>, vector<16xf32>,
      %add3A_271 = arith.constant 0 : i32
      %add3A_272 = vector.broadcast %add3A_271 : i32 to vector<16xi32>
      %add3A_273 = arith.addi %iota3A, %add3A_272 : vector<16xi32>
      tpu.vector_store_idx %arg9[%add3A_273, %broadcast_in_dim3A_267], %get3A_270 : memref<32x513xf32, #tpu.memory_space<vmem>>[vector<16xi32>, vector<16xi32>], vector<16xf32>,
      %get3A_274 = arith.index_cast %add3A_266 : i32 to index
      %get3A_275 = arith.constant 16 : index
      %get3A_276 = tpu.vector_load %arg7[%get3A_274, %get3A_275] {strides = array<i32>} : memref<512x32xf32, #tpu.memory_space<vmem>>, vector<16xf32>,
      %add3A_277 = arith.constant 16 : i32
      %add3A_278 = vector.broadcast %add3A_277 : i32 to vector<16xi32>
      %add3A_279 = arith.addi %iota3A, %add3A_278 : vector<16xi32>
      tpu.vector_store_idx %arg9[%add3A_279, %broadcast_in_dim3A_267], %get3A_276 : memref<32x513xf32, #tpu.memory_space<vmem>>[vector<16xi32>, vector<16xi32>], vector<16xf32>,
      %mul3A_280 = arith.constant 16 : i32
      %mul3A_281 = arith.muli %scan3A_196, %mul3A_280 : i32
      %add3A_282 = arith.constant 5 : i32
      %add3A_283 = arith.addi %mul3A_281, %add3A_282 : i32
      %broadcast_in_dim3A_284 = vector.broadcast %add3A_283 : i32 to vector<16xi32>
      %get3A_285 = arith.index_cast %add3A_283 : i32 to index
      %get3A_286 = arith.constant 0 : index
      %get3A_287 = tpu.vector_load %arg7[%get3A_285, %get3A_286] {strides = array<i32>} : memref<512x32xf32, #tpu.memory_space<vmem>>, vector<16xf32>,
      %add3A_288 = arith.constant 0 : i32
      %add3A_289 = vector.broadcast %add3A_288 : i32 to vector<16xi32>
      %add3A_290 = arith.addi %iota3A, %add3A_289 : vector<16xi32>
      tpu.vector_store_idx %arg9[%add3A_290, %broadcast_in_dim3A_284], %get3A_287 : memref<32x513xf32, #tpu.memory_space<vmem>>[vector<16xi32>, vector<16xi32>], vector<16xf32>,
      %get3A_291 = arith.index_cast %add3A_283 : i32 to index
      %get3A_292 = arith.constant 16 : index
      %get3A_293 = tpu.vector_load %arg7[%get3A_291, %get3A_292] {strides = array<i32>} : memref<512x32xf32, #tpu.memory_space<vmem>>, vector<16xf32>,
      %add3A_294 = arith.constant 16 : i32
      %add3A_295 = vector.broadcast %add3A_294 : i32 to vector<16xi32>
      %add3A_296 = arith.addi %iota3A, %add3A_295 : vector<16xi32>
      tpu.vector_store_idx %arg9[%add3A_296, %broadcast_in_dim3A_284], %get3A_293 : memref<32x513xf32, #tpu.memory_space<vmem>>[vector<16xi32>, vector<16xi32>], vector<16xf32>,
      %mul3A_297 = arith.constant 16 : i32
      %mul3A_298 = arith.muli %scan3A_196, %mul3A_297 : i32
      %add3A_299 = arith.constant 6 : i32
      %add3A_300 = arith.addi %mul3A_298, %add3A_299 : i32
      %broadcast_in_dim3A_301 = vector.broadcast %add3A_300 : i32 to vector<16xi32>
      %get3A_302 = arith.index_cast %add3A_300 : i32 to index
      %get3A_303 = arith.constant 0 : index
      %get3A_304 = tpu.vector_load %arg7[%get3A_302, %get3A_303] {strides = array<i32>} : memref<512x32xf32, #tpu.memory_space<vmem>>, vector<16xf32>,
      %add3A_305 = arith.constant 0 : i32
      %add3A_306 = vector.broadcast %add3A_305 : i32 to vector<16xi32>
      %add3A_307 = arith.addi %iota3A, %add3A_306 : vector<16xi32>
      tpu.vector_store_idx %arg9[%add3A_307, %broadcast_in_dim3A_301], %get3A_304 : memref<32x513xf32, #tpu.memory_space<vmem>>[vector<16xi32>, vector<16xi32>], vector<16xf32>,
      %get3A_308 = arith.index_cast %add3A_300 : i32 to index
      %get3A_309 = arith.constant 16 : index
      %get3A_310 = tpu.vector_load %arg7[%get3A_308, %get3A_309] {strides = array<i32>} : memref<512x32xf32, #tpu.memory_space<vmem>>, vector<16xf32>,
      %add3A_311 = arith.constant 16 : i32
      %add3A_312 = vector.broadcast %add3A_311 : i32 to vector<16xi32>
      %add3A_313 = arith.addi %iota3A, %add3A_312 : vector<16xi32>
      tpu.vector_store_idx %arg9[%add3A_313, %broadcast_in_dim3A_301], %get3A_310 : memref<32x513xf32, #tpu.memory_space<vmem>>[vector<16xi32>, vector<16xi32>], vector<16xf32>,
      %mul3A_314 = arith.constant 16 : i32
      %mul3A_315 = arith.muli %scan3A_196, %mul3A_314 : i32
      %add3A_316 = arith.constant 7 : i32
      %add3A_317 = arith.addi %mul3A_315, %add3A_316 : i32
      %broadcast_in_dim3A_318 = vector.broadcast %add3A_317 : i32 to vector<16xi32>
      %get3A_319 = arith.index_cast %add3A_317 : i32 to index
      %get3A_320 = arith.constant 0 : index
      %get3A_321 = tpu.vector_load %arg7[%get3A_319, %get3A_320] {strides = array<i32>} : memref<512x32xf32, #tpu.memory_space<vmem>>, vector<16xf32>,
      %add3A_322 = arith.constant 0 : i32
      %add3A_323 = vector.broadcast %add3A_322 : i32 to vector<16xi32>
      %add3A_324 = arith.addi %iota3A, %add3A_323 : vector<16xi32>
      tpu.vector_store_idx %arg9[%add3A_324, %broadcast_in_dim3A_318], %get3A_321 : memref<32x513xf32, #tpu.memory_space<vmem>>[vector<16xi32>, vector<16xi32>], vector<16xf32>,
      %get3A_325 = arith.index_cast %add3A_317 : i32 to index
      %get3A_326 = arith.constant 16 : index
      %get3A_327 = tpu.vector_load %arg7[%get3A_325, %get3A_326] {strides = array<i32>} : memref<512x32xf32, #tpu.memory_space<vmem>>, vector<16xf32>,
      %add3A_328 = arith.constant 16 : i32
      %add3A_329 = vector.broadcast %add3A_328 : i32 to vector<16xi32>
      %add3A_330 = arith.addi %iota3A, %add3A_329 : vector<16xi32>
      tpu.vector_store_idx %arg9[%add3A_330, %broadcast_in_dim3A_318], %get3A_327 : memref<32x513xf32, #tpu.memory_space<vmem>>[vector<16xi32>, vector<16xi32>], vector<16xf32>,
      %mul3A_331 = arith.constant 16 : i32
      %mul3A_332 = arith.muli %scan3A_196, %mul3A_331 : i32
      %add3A_333 = arith.constant 8 : i32
      %add3A_334 = arith.addi %mul3A_332, %add3A_333 : i32
      %broadcast_in_dim3A_335 = vector.broadcast %add3A_334 : i32 to vector<16xi32>
      %get3A_336 = arith.index_cast %add3A_334 : i32 to index
      %get3A_337 = arith.constant 0 : index
      %get3A_338 = tpu.vector_load %arg7[%get3A_336, %get3A_337] {strides = array<i32>} : memref<512x32xf32, #tpu.memory_space<vmem>>, vector<16xf32>,
      %add3A_339 = arith.constant 0 : i32
      %add3A_340 = vector.broadcast %add3A_339 : i32 to vector<16xi32>
      %add3A_341 = arith.addi %iota3A, %add3A_340 : vector<16xi32>
      tpu.vector_store_idx %arg9[%add3A_341, %broadcast_in_dim3A_335], %get3A_338 : memref<32x513xf32, #tpu.memory_space<vmem>>[vector<16xi32>, vector<16xi32>], vector<16xf32>,
      %get3A_342 = arith.index_cast %add3A_334 : i32 to index
      %get3A_343 = arith.constant 16 : index
      %get3A_344 = tpu.vector_load %arg7[%get3A_342, %get3A_343] {strides = array<i32>} : memref<512x32xf32, #tpu.memory_space<vmem>>, vector<16xf32>,
      %add3A_345 = arith.constant 16 : i32
      %add3A_346 = vector.broadcast %add3A_345 : i32 to vector<16xi32>
      %add3A_347 = arith.addi %iota3A, %add3A_346 : vector<16xi32>
      tpu.vector_store_idx %arg9[%add3A_347, %broadcast_in_dim3A_335], %get3A_344 : memref<32x513xf32, #tpu.memory_space<vmem>>[vector<16xi32>, vector<16xi32>], vector<16xf32>,
      %mul3A_348 = arith.constant 16 : i32
      %mul3A_349 = arith.muli %scan3A_196, %mul3A_348 : i32
      %add3A_350 = arith.constant 9 : i32
      %add3A_351 = arith.addi %mul3A_349, %add3A_350 : i32
      %broadcast_in_dim3A_352 = vector.broadcast %add3A_351 : i32 to vector<16xi32>
      %get3A_353 = arith.index_cast %add3A_351 : i32 to index
      %get3A_354 = arith.constant 0 : index
      %get3A_355 = tpu.vector_load %arg7[%get3A_353, %get3A_354] {strides = array<i32>} : memref<512x32xf32, #tpu.memory_space<vmem>>, vector<16xf32>,
      %add3A_356 = arith.constant 0 : i32
      %add3A_357 = vector.broadcast %add3A_356 : i32 to vector<16xi32>
      %add3A_358 = arith.addi %iota3A, %add3A_357 : vector<16xi32>
      tpu.vector_store_idx %arg9[%add3A_358, %broadcast_in_dim3A_352], %get3A_355 : memref<32x513xf32, #tpu.memory_space<vmem>>[vector<16xi32>, vector<16xi32>], vector<16xf32>,
      %get3A_359 = arith.index_cast %add3A_351 : i32 to index
      %get3A_360 = arith.constant 16 : index
      %get3A_361 = tpu.vector_load %arg7[%get3A_359, %get3A_360] {strides = array<i32>} : memref<512x32xf32, #tpu.memory_space<vmem>>, vector<16xf32>,
      %add3A_362 = arith.constant 16 : i32
      %add3A_363 = vector.broadcast %add3A_362 : i32 to vector<16xi32>
      %add3A_364 = arith.addi %iota3A, %add3A_363 : vector<16xi32>
      tpu.vector_store_idx %arg9[%add3A_364, %broadcast_in_dim3A_352], %get3A_361 : memref<32x513xf32, #tpu.memory_space<vmem>>[vector<16xi32>, vector<16xi32>], vector<16xf32>,
      %mul3A_365 = arith.constant 16 : i32
      %mul3A_366 = arith.muli %scan3A_196, %mul3A_365 : i32
      %add3A_367 = arith.constant 10 : i32
      %add3A_368 = arith.addi %mul3A_366, %add3A_367 : i32
      %broadcast_in_dim3A_369 = vector.broadcast %add3A_368 : i32 to vector<16xi32>
      %get3A_370 = arith.index_cast %add3A_368 : i32 to index
      %get3A_371 = arith.constant 0 : index
      %get3A_372 = tpu.vector_load %arg7[%get3A_370, %get3A_371] {strides = array<i32>} : memref<512x32xf32, #tpu.memory_space<vmem>>, vector<16xf32>,
      %add3A_373 = arith.constant 0 : i32
      %add3A_374 = vector.broadcast %add3A_373 : i32 to vector<16xi32>
      %add3A_375 = arith.addi %iota3A, %add3A_374 : vector<16xi32>
      tpu.vector_store_idx %arg9[%add3A_375, %broadcast_in_dim3A_369], %get3A_372 : memref<32x513xf32, #tpu.memory_space<vmem>>[vector<16xi32>, vector<16xi32>], vector<16xf32>,
      %get3A_376 = arith.index_cast %add3A_368 : i32 to index
      %get3A_377 = arith.constant 16 : index
      %get3A_378 = tpu.vector_load %arg7[%get3A_376, %get3A_377] {strides = array<i32>} : memref<512x32xf32, #tpu.memory_space<vmem>>, vector<16xf32>,
      %add3A_379 = arith.constant 16 : i32
      %add3A_380 = vector.broadcast %add3A_379 : i32 to vector<16xi32>
      %add3A_381 = arith.addi %iota3A, %add3A_380 : vector<16xi32>
      tpu.vector_store_idx %arg9[%add3A_381, %broadcast_in_dim3A_369], %get3A_378 : memref<32x513xf32, #tpu.memory_space<vmem>>[vector<16xi32>, vector<16xi32>], vector<16xf32>,
      %mul3A_382 = arith.constant 16 : i32
      %mul3A_383 = arith.muli %scan3A_196, %mul3A_382 : i32
      %add3A_384 = arith.constant 11 : i32
      %add3A_385 = arith.addi %mul3A_383, %add3A_384 : i32
      %broadcast_in_dim3A_386 = vector.broadcast %add3A_385 : i32 to vector<16xi32>
      %get3A_387 = arith.index_cast %add3A_385 : i32 to index
      %get3A_388 = arith.constant 0 : index
      %get3A_389 = tpu.vector_load %arg7[%get3A_387, %get3A_388] {strides = array<i32>} : memref<512x32xf32, #tpu.memory_space<vmem>>, vector<16xf32>,
      %add3A_390 = arith.constant 0 : i32
      %add3A_391 = vector.broadcast %add3A_390 : i32 to vector<16xi32>
      %add3A_392 = arith.addi %iota3A, %add3A_391 : vector<16xi32>
      tpu.vector_store_idx %arg9[%add3A_392, %broadcast_in_dim3A_386], %get3A_389 : memref<32x513xf32, #tpu.memory_space<vmem>>[vector<16xi32>, vector<16xi32>], vector<16xf32>,
      %get3A_393 = arith.index_cast %add3A_385 : i32 to index
      %get3A_394 = arith.constant 16 : index
      %get3A_395 = tpu.vector_load %arg7[%get3A_393, %get3A_394] {strides = array<i32>} : memref<512x32xf32, #tpu.memory_space<vmem>>, vector<16xf32>,
      %add3A_396 = arith.constant 16 : i32
      %add3A_397 = vector.broadcast %add3A_396 : i32 to vector<16xi32>
      %add3A_398 = arith.addi %iota3A, %add3A_397 : vector<16xi32>
      tpu.vector_store_idx %arg9[%add3A_398, %broadcast_in_dim3A_386], %get3A_395 : memref<32x513xf32, #tpu.memory_space<vmem>>[vector<16xi32>, vector<16xi32>], vector<16xf32>,
      %mul3A_399 = arith.constant 16 : i32
      %mul3A_400 = arith.muli %scan3A_196, %mul3A_399 : i32
      %add3A_401 = arith.constant 12 : i32
      %add3A_402 = arith.addi %mul3A_400, %add3A_401 : i32
      %broadcast_in_dim3A_403 = vector.broadcast %add3A_402 : i32 to vector<16xi32>
      %get3A_404 = arith.index_cast %add3A_402 : i32 to index
      %get3A_405 = arith.constant 0 : index
      %get3A_406 = tpu.vector_load %arg7[%get3A_404, %get3A_405] {strides = array<i32>} : memref<512x32xf32, #tpu.memory_space<vmem>>, vector<16xf32>,
      %add3A_407 = arith.constant 0 : i32
      %add3A_408 = vector.broadcast %add3A_407 : i32 to vector<16xi32>
      %add3A_409 = arith.addi %iota3A, %add3A_408 : vector<16xi32>
      tpu.vector_store_idx %arg9[%add3A_409, %broadcast_in_dim3A_403], %get3A_406 : memref<32x513xf32, #tpu.memory_space<vmem>>[vector<16xi32>, vector<16xi32>], vector<16xf32>,
      %get3A_410 = arith.index_cast %add3A_402 : i32 to index
      %get3A_411 = arith.constant 16 : index
      %get3A_412 = tpu.vector_load %arg7[%get3A_410, %get3A_411] {strides = array<i32>} : memref<512x32xf32, #tpu.memory_space<vmem>>, vector<16xf32>,
      %add3A_413 = arith.constant 16 : i32
      %add3A_414 = vector.broadcast %add3A_413 : i32 to vector<16xi32>
      %add3A_415 = arith.addi %iota3A, %add3A_414 : vector<16xi32>
      tpu.vector_store_idx %arg9[%add3A_415, %broadcast_in_dim3A_403], %get3A_412 : memref<32x513xf32, #tpu.memory_space<vmem>>[vector<16xi32>, vector<16xi32>], vector<16xf32>,
      %mul3A_416 = arith.constant 16 : i32
      %mul3A_417 = arith.muli %scan3A_196, %mul3A_416 : i32
      %add3A_418 = arith.constant 13 : i32
      %add3A_419 = arith.addi %mul3A_417, %add3A_418 : i32
      %broadcast_in_dim3A_420 = vector.broadcast %add3A_419 : i32 to vector<16xi32>
      %get3A_421 = arith.index_cast %add3A_419 : i32 to index
      %get3A_422 = arith.constant 0 : index
      %get3A_423 = tpu.vector_load %arg7[%get3A_421, %get3A_422] {strides = array<i32>} : memref<512x32xf32, #tpu.memory_space<vmem>>, vector<16xf32>,
      %add3A_424 = arith.constant 0 : i32
      %add3A_425 = vector.broadcast %add3A_424 : i32 to vector<16xi32>
      %add3A_426 = arith.addi %iota3A, %add3A_425 : vector<16xi32>
      tpu.vector_store_idx %arg9[%add3A_426, %broadcast_in_dim3A_420], %get3A_423 : memref<32x513xf32, #tpu.memory_space<vmem>>[vector<16xi32>, vector<16xi32>], vector<16xf32>,
      %get3A_427 = arith.index_cast %add3A_419 : i32 to index
      %get3A_428 = arith.constant 16 : index
      %get3A_429 = tpu.vector_load %arg7[%get3A_427, %get3A_428] {strides = array<i32>} : memref<512x32xf32, #tpu.memory_space<vmem>>, vector<16xf32>,
      %add3A_430 = arith.constant 16 : i32
      %add3A_431 = vector.broadcast %add3A_430 : i32 to vector<16xi32>
      %add3A_432 = arith.addi %iota3A, %add3A_431 : vector<16xi32>
      tpu.vector_store_idx %arg9[%add3A_432, %broadcast_in_dim3A_420], %get3A_429 : memref<32x513xf32, #tpu.memory_space<vmem>>[vector<16xi32>, vector<16xi32>], vector<16xf32>,
      %mul3A_433 = arith.constant 16 : i32
      %mul3A_434 = arith.muli %scan3A_196, %mul3A_433 : i32
      %add3A_435 = arith.constant 14 : i32
      %add3A_436 = arith.addi %mul3A_434, %add3A_435 : i32
      %broadcast_in_dim3A_437 = vector.broadcast %add3A_436 : i32 to vector<16xi32>
      %get3A_438 = arith.index_cast %add3A_436 : i32 to index
      %get3A_439 = arith.constant 0 : index
      %get3A_440 = tpu.vector_load %arg7[%get3A_438, %get3A_439] {strides = array<i32>} : memref<512x32xf32, #tpu.memory_space<vmem>>, vector<16xf32>,
      %add3A_441 = arith.constant 0 : i32
      %add3A_442 = vector.broadcast %add3A_441 : i32 to vector<16xi32>
      %add3A_443 = arith.addi %iota3A, %add3A_442 : vector<16xi32>
      tpu.vector_store_idx %arg9[%add3A_443, %broadcast_in_dim3A_437], %get3A_440 : memref<32x513xf32, #tpu.memory_space<vmem>>[vector<16xi32>, vector<16xi32>], vector<16xf32>,
      %get3A_444 = arith.index_cast %add3A_436 : i32 to index
      %get3A_445 = arith.constant 16 : index
      %get3A_446 = tpu.vector_load %arg7[%get3A_444, %get3A_445] {strides = array<i32>} : memref<512x32xf32, #tpu.memory_space<vmem>>, vector<16xf32>,
      %add3A_447 = arith.constant 16 : i32
      %add3A_448 = vector.broadcast %add3A_447 : i32 to vector<16xi32>
      %add3A_449 = arith.addi %iota3A, %add3A_448 : vector<16xi32>
      tpu.vector_store_idx %arg9[%add3A_449, %broadcast_in_dim3A_437], %get3A_446 : memref<32x513xf32, #tpu.memory_space<vmem>>[vector<16xi32>, vector<16xi32>], vector<16xf32>,
      %mul3A_450 = arith.constant 16 : i32
      %mul3A_451 = arith.muli %scan3A_196, %mul3A_450 : i32
      %add3A_452 = arith.constant 15 : i32
      %add3A_453 = arith.addi %mul3A_451, %add3A_452 : i32
      %broadcast_in_dim3A_454 = vector.broadcast %add3A_453 : i32 to vector<16xi32>
      %get3A_455 = arith.index_cast %add3A_453 : i32 to index
      %get3A_456 = arith.constant 0 : index
      %get3A_457 = tpu.vector_load %arg7[%get3A_455, %get3A_456] {strides = array<i32>} : memref<512x32xf32, #tpu.memory_space<vmem>>, vector<16xf32>,
      %add3A_458 = arith.constant 0 : i32
      %add3A_459 = vector.broadcast %add3A_458 : i32 to vector<16xi32>
      %add3A_460 = arith.addi %iota3A, %add3A_459 : vector<16xi32>
      tpu.vector_store_idx %arg9[%add3A_460, %broadcast_in_dim3A_454], %get3A_457 : memref<32x513xf32, #tpu.memory_space<vmem>>[vector<16xi32>, vector<16xi32>], vector<16xf32>,
      %get3A_461 = arith.index_cast %add3A_453 : i32 to index
      %get3A_462 = arith.constant 16 : index
      %get3A_463 = tpu.vector_load %arg7[%get3A_461, %get3A_462] {strides = array<i32>} : memref<512x32xf32, #tpu.memory_space<vmem>>, vector<16xf32>,
      %add3A_464 = arith.constant 16 : i32
      %add3A_465 = vector.broadcast %add3A_464 : i32 to vector<16xi32>
      %add3A_466 = arith.addi %iota3A, %add3A_465 : vector<16xi32>
      tpu.vector_store_idx %arg9[%add3A_466, %broadcast_in_dim3A_454], %get3A_463 : memref<32x513xf32, #tpu.memory_space<vmem>>[vector<16xi32>, vector<16xi32>], vector<16xf32>,
    }
    %scan3A_117 = arith.constant 32 : i32
    %dma_start3A_118 = arith.constant 48 : i32
    %dma_start3A_119 = arith.constant 0 : i32
    %dma_start3A_120 = arith.constant 0 : i32
    %dma_start3A_121 = tpu.memref_slice %arg9[%dma_start3A_119, %dma_start3A_120] : memref<32x513xf32, #tpu.memory_space<vmem>> -> memref<32x512xf32, #tpu.memory_space<vmem>>
    %dma_start3A_122 = arith.constant 0 : i32
    %dma_start3A_123 = tpu.memref_slice %arg4[%dma_start3A_118, %dma_start3A_122, %mul3A_2] : memref<50x32x16384xf32, #tpu.memory_space<hbm>> -> memref<1x32x512xf32, #tpu.memory_space<hbm>>
    %dma_start3A_124 = tpu.memref_squeeze %dma_start3A_123 : memref<1x32x512xf32, #tpu.memory_space<hbm>> -> memref<32x512xf32, #tpu.memory_space<hbm>>
    %dma_start3A_125 = arith.constant 0 : i32
    %dma_start3A_126 = tpu.memref_slice %arg4[%dma_start3A_118, %dma_start3A_125, %mul3A_2] : memref<50x32x16384xf32, #tpu.memory_space<hbm>> -> memref<1x32x512xf32, #tpu.memory_space<hbm>>
    %dma_start3A_127 = tpu.memref_squeeze %dma_start3A_126 : memref<1x32x512xf32, #tpu.memory_space<hbm>> -> memref<32x512xf32, #tpu.memory_space<hbm>>
    %dma_start3A_128 = arith.constant 0 : i32
    %dma_start3A_129 = arith.constant 0 : i32
    %dma_start3A_130 = tpu.memref_slice %arg9[%dma_start3A_128, %dma_start3A_129] : memref<32x513xf32, #tpu.memory_space<vmem>> -> memref<32x512xf32, #tpu.memory_space<vmem>>
    tpu.enqueue_dma source(%dma_start3A_130 : memref<32x512xf32, #tpu.memory_space<vmem>>) target(%dma_start3A_127 : memref<32x512xf32, #tpu.memory_space<hbm>>) target_semaphore(%arg13 : memref<!tpu.dma_semaphore, #tpu.memory_space<semaphore_mem>>)
    %dma_wait3A_131 = arith.constant 49 : i32
    %dma_wait3A_132 = arith.constant 0 : i32
    %dma_wait3A_133 = tpu.memref_slice %arg6[%dma_wait3A_131, %dma_wait3A_132] : memref<50x512xi32, #tpu.memory_space<vmem>> -> memref<1x512xi32, #tpu.memory_space<vmem>>
    %dma_wait3A_134 = tpu.memref_squeeze %dma_wait3A_133 : memref<1x512xi32, #tpu.memory_space<vmem>> -> memref<512xi32, #tpu.memory_space<vmem>>
    %dma_wait3A_135 = arith.constant 0 : i32
    %dma_wait3A_136 = arith.constant 0 : i32
    %dma_wait3A_137 = tpu.memref_slice %arg3[%dma_wait3A_135, %dma_wait3A_136] : memref<1000000x32xf32, #tpu.memory_space<hbm>> -> memref<1000000x32xf32, #tpu.memory_space<hbm>>
    tpu.wait_indirect_dma semaphore(%arg12 : memref<!tpu.dma_semaphore, #tpu.memory_space<semaphore_mem>>) src(%dma_wait3A_137 : memref<1000000x32xf32, #tpu.memory_space<hbm>>) dst(%arg8 : memref<512x32xf32, #tpu.memory_space<vmem>>)
    %dma_wait3A_138 = arith.constant 47 : i32
    %dma_wait3A_139 = arith.constant 0 : i32
    %dma_wait3A_140 = arith.constant 0 : i32
    %dma_wait3A_141 = tpu.memref_slice %arg10[%dma_wait3A_139, %dma_wait3A_140] : memref<32x513xf32, #tpu.memory_space<vmem>> -> memref<32x512xf32, #tpu.memory_space<vmem>>
    %dma_wait3A_142 = arith.constant 0 : i32
    %dma_wait3A_143 = tpu.memref_slice %arg4[%dma_wait3A_138, %dma_wait3A_142, %mul3A_2] : memref<50x32x16384xf32, #tpu.memory_space<hbm>> -> memref<1x32x512xf32, #tpu.memory_space<hbm>>
    %dma_wait3A_144 = tpu.memref_squeeze %dma_wait3A_143 : memref<1x32x512xf32, #tpu.memory_space<hbm>> -> memref<32x512xf32, #tpu.memory_space<hbm>>
    %dma_wait3A_145 = arith.constant 0 : i32
    %dma_wait3A_146 = tpu.memref_slice %arg4[%dma_wait3A_138, %dma_wait3A_145, %mul3A_2] : memref<50x32x16384xf32, #tpu.memory_space<hbm>> -> memref<1x32x512xf32, #tpu.memory_space<hbm>>
    %dma_wait3A_147 = tpu.memref_squeeze %dma_wait3A_146 : memref<1x32x512xf32, #tpu.memory_space<hbm>> -> memref<32x512xf32, #tpu.memory_space<hbm>>
    %dma_wait3A_148 = arith.constant 0 : i32
    %dma_wait3A_149 = arith.constant 0 : i32
    %dma_wait3A_150 = tpu.memref_slice %arg10[%dma_wait3A_148, %dma_wait3A_149] : memref<32x513xf32, #tpu.memory_space<vmem>> -> memref<32x512xf32, #tpu.memory_space<vmem>>
    tpu.wait_dma2 semaphore(%arg14 : memref<!tpu.dma_semaphore, #tpu.memory_space<semaphore_mem>>) src(%dma_wait3A_150 : memref<32x512xf32, #tpu.memory_space<vmem>>) dst(%dma_wait3A_147 : memref<32x512xf32, #tpu.memory_space<hbm>>)
    %scan3A_151 = arith.constant 0 : i32
    %scan3A_152 = arith.constant 0 : i32
    %scan3A_153 = arith.constant 32 : i32
    %scan3A_154 = arith.addi %scan3A_152, %scan3A_153 : i32
    %scan3A_155 = arith.constant 1 : i32
    scf.for %scan3A_196 = %scan3A_152 to %scan3A_154 step %scan3A_155  : i32 {
      %mul3A_197 = arith.constant 16 : i32
      %mul3A_198 = arith.muli %scan3A_196, %mul3A_197 : i32
      %add3A_199 = arith.constant 0 : i32
      %add3A_200 = arith.addi %mul3A_198, %add3A_199 : i32
      %broadcast_in_dim3A = vector.broadcast %add3A_200 : i32 to vector<16xi32>
      %get3A = arith.index_cast %add3A_200 : i32 to index
      %get3A_201 = arith.constant 0 : index
      %get3A_202 = tpu.vector_load %arg8[%get3A, %get3A_201] {strides = array<i32>} : memref<512x32xf32, #tpu.memory_space<vmem>>, vector<16xf32>,
      %add3A_203 = arith.constant 0 : i32
      %add3A_204 = vector.broadcast %add3A_203 : i32 to vector<16xi32>
      %add3A_205 = arith.addi %iota3A, %add3A_204 : vector<16xi32>
      tpu.vector_store_idx %arg10[%add3A_205, %broadcast_in_dim3A], %get3A_202 : memref<32x513xf32, #tpu.memory_space<vmem>>[vector<16xi32>, vector<16xi32>], vector<16xf32>,
      %get3A_206 = arith.index_cast %add3A_200 : i32 to index
      %get3A_207 = arith.constant 16 : index
      %get3A_208 = tpu.vector_load %arg8[%get3A_206, %get3A_207] {strides = array<i32>} : memref<512x32xf32, #tpu.memory_space<vmem>>, vector<16xf32>,
      %add3A_209 = arith.constant 16 : i32
      %add3A_210 = vector.broadcast %add3A_209 : i32 to vector<16xi32>
      %add3A_211 = arith.addi %iota3A, %add3A_210 : vector<16xi32>
      tpu.vector_store_idx %arg10[%add3A_211, %broadcast_in_dim3A], %get3A_208 : memref<32x513xf32, #tpu.memory_space<vmem>>[vector<16xi32>, vector<16xi32>], vector<16xf32>,
      %mul3A_212 = arith.constant 16 : i32
      %mul3A_213 = arith.muli %scan3A_196, %mul3A_212 : i32
      %add3A_214 = arith.constant 1 : i32
      %add3A_215 = arith.addi %mul3A_213, %add3A_214 : i32
      %broadcast_in_dim3A_216 = vector.broadcast %add3A_215 : i32 to vector<16xi32>
      %get3A_217 = arith.index_cast %add3A_215 : i32 to index
      %get3A_218 = arith.constant 0 : index
      %get3A_219 = tpu.vector_load %arg8[%get3A_217, %get3A_218] {strides = array<i32>} : memref<512x32xf32, #tpu.memory_space<vmem>>, vector<16xf32>,
      %add3A_220 = arith.constant 0 : i32
      %add3A_221 = vector.broadcast %add3A_220 : i32 to vector<16xi32>
      %add3A_222 = arith.addi %iota3A, %add3A_221 : vector<16xi32>
      tpu.vector_store_idx %arg10[%add3A_222, %broadcast_in_dim3A_216], %get3A_219 : memref<32x513xf32, #tpu.memory_space<vmem>>[vector<16xi32>, vector<16xi32>], vector<16xf32>,
      %get3A_223 = arith.index_cast %add3A_215 : i32 to index
      %get3A_224 = arith.constant 16 : index
      %get3A_225 = tpu.vector_load %arg8[%get3A_223, %get3A_224] {strides = array<i32>} : memref<512x32xf32, #tpu.memory_space<vmem>>, vector<16xf32>,
      %add3A_226 = arith.constant 16 : i32
      %add3A_227 = vector.broadcast %add3A_226 : i32 to vector<16xi32>
      %add3A_228 = arith.addi %iota3A, %add3A_227 : vector<16xi32>
      tpu.vector_store_idx %arg10[%add3A_228, %broadcast_in_dim3A_216], %get3A_225 : memref<32x513xf32, #tpu.memory_space<vmem>>[vector<16xi32>, vector<16xi32>], vector<16xf32>,
      %mul3A_229 = arith.constant 16 : i32
      %mul3A_230 = arith.muli %scan3A_196, %mul3A_229 : i32
      %add3A_231 = arith.constant 2 : i32
      %add3A_232 = arith.addi %mul3A_230, %add3A_231 : i32
      %broadcast_in_dim3A_233 = vector.broadcast %add3A_232 : i32 to vector<16xi32>
      %get3A_234 = arith.index_cast %add3A_232 : i32 to index
      %get3A_235 = arith.constant 0 : index
      %get3A_236 = tpu.vector_load %arg8[%get3A_234, %get3A_235] {strides = array<i32>} : memref<512x32xf32, #tpu.memory_space<vmem>>, vector<16xf32>,
      %add3A_237 = arith.constant 0 : i32
      %add3A_238 = vector.broadcast %add3A_237 : i32 to vector<16xi32>
      %add3A_239 = arith.addi %iota3A, %add3A_238 : vector<16xi32>
      tpu.vector_store_idx %arg10[%add3A_239, %broadcast_in_dim3A_233], %get3A_236 : memref<32x513xf32, #tpu.memory_space<vmem>>[vector<16xi32>, vector<16xi32>], vector<16xf32>,
      %get3A_240 = arith.index_cast %add3A_232 : i32 to index
      %get3A_241 = arith.constant 16 : index
      %get3A_242 = tpu.vector_load %arg8[%get3A_240, %get3A_241] {strides = array<i32>} : memref<512x32xf32, #tpu.memory_space<vmem>>, vector<16xf32>,
      %add3A_243 = arith.constant 16 : i32
      %add3A_244 = vector.broadcast %add3A_243 : i32 to vector<16xi32>
      %add3A_245 = arith.addi %iota3A, %add3A_244 : vector<16xi32>
      tpu.vector_store_idx %arg10[%add3A_245, %broadcast_in_dim3A_233], %get3A_242 : memref<32x513xf32, #tpu.memory_space<vmem>>[vector<16xi32>, vector<16xi32>], vector<16xf32>,
      %mul3A_246 = arith.constant 16 : i32
      %mul3A_247 = arith.muli %scan3A_196, %mul3A_246 : i32
      %add3A_248 = arith.constant 3 : i32
      %add3A_249 = arith.addi %mul3A_247, %add3A_248 : i32
      %broadcast_in_dim3A_250 = vector.broadcast %add3A_249 : i32 to vector<16xi32>
      %get3A_251 = arith.index_cast %add3A_249 : i32 to index
      %get3A_252 = arith.constant 0 : index
      %get3A_253 = tpu.vector_load %arg8[%get3A_251, %get3A_252] {strides = array<i32>} : memref<512x32xf32, #tpu.memory_space<vmem>>, vector<16xf32>,
      %add3A_254 = arith.constant 0 : i32
      %add3A_255 = vector.broadcast %add3A_254 : i32 to vector<16xi32>
      %add3A_256 = arith.addi %iota3A, %add3A_255 : vector<16xi32>
      tpu.vector_store_idx %arg10[%add3A_256, %broadcast_in_dim3A_250], %get3A_253 : memref<32x513xf32, #tpu.memory_space<vmem>>[vector<16xi32>, vector<16xi32>], vector<16xf32>,
      %get3A_257 = arith.index_cast %add3A_249 : i32 to index
      %get3A_258 = arith.constant 16 : index
      %get3A_259 = tpu.vector_load %arg8[%get3A_257, %get3A_258] {strides = array<i32>} : memref<512x32xf32, #tpu.memory_space<vmem>>, vector<16xf32>,
      %add3A_260 = arith.constant 16 : i32
      %add3A_261 = vector.broadcast %add3A_260 : i32 to vector<16xi32>
      %add3A_262 = arith.addi %iota3A, %add3A_261 : vector<16xi32>
      tpu.vector_store_idx %arg10[%add3A_262, %broadcast_in_dim3A_250], %get3A_259 : memref<32x513xf32, #tpu.memory_space<vmem>>[vector<16xi32>, vector<16xi32>], vector<16xf32>,
      %mul3A_263 = arith.constant 16 : i32
      %mul3A_264 = arith.muli %scan3A_196, %mul3A_263 : i32
      %add3A_265 = arith.constant 4 : i32
      %add3A_266 = arith.addi %mul3A_264, %add3A_265 : i32
      %broadcast_in_dim3A_267 = vector.broadcast %add3A_266 : i32 to vector<16xi32>
      %get3A_268 = arith.index_cast %add3A_266 : i32 to index
      %get3A_269 = arith.constant 0 : index
      %get3A_270 = tpu.vector_load %arg8[%get3A_268, %get3A_269] {strides = array<i32>} : memref<512x32xf32, #tpu.memory_space<vmem>>, vector<16xf32>,
      %add3A_271 = arith.constant 0 : i32
      %add3A_272 = vector.broadcast %add3A_271 : i32 to vector<16xi32>
      %add3A_273 = arith.addi %iota3A, %add3A_272 : vector<16xi32>
      tpu.vector_store_idx %arg10[%add3A_273, %broadcast_in_dim3A_267], %get3A_270 : memref<32x513xf32, #tpu.memory_space<vmem>>[vector<16xi32>, vector<16xi32>], vector<16xf32>,
      %get3A_274 = arith.index_cast %add3A_266 : i32 to index
      %get3A_275 = arith.constant 16 : index
      %get3A_276 = tpu.vector_load %arg8[%get3A_274, %get3A_275] {strides = array<i32>} : memref<512x32xf32, #tpu.memory_space<vmem>>, vector<16xf32>,
      %add3A_277 = arith.constant 16 : i32
      %add3A_278 = vector.broadcast %add3A_277 : i32 to vector<16xi32>
      %add3A_279 = arith.addi %iota3A, %add3A_278 : vector<16xi32>
      tpu.vector_store_idx %arg10[%add3A_279, %broadcast_in_dim3A_267], %get3A_276 : memref<32x513xf32, #tpu.memory_space<vmem>>[vector<16xi32>, vector<16xi32>], vector<16xf32>,
      %mul3A_280 = arith.constant 16 : i32
      %mul3A_281 = arith.muli %scan3A_196, %mul3A_280 : i32
      %add3A_282 = arith.constant 5 : i32
      %add3A_283 = arith.addi %mul3A_281, %add3A_282 : i32
      %broadcast_in_dim3A_284 = vector.broadcast %add3A_283 : i32 to vector<16xi32>
      %get3A_285 = arith.index_cast %add3A_283 : i32 to index
      %get3A_286 = arith.constant 0 : index
      %get3A_287 = tpu.vector_load %arg8[%get3A_285, %get3A_286] {strides = array<i32>} : memref<512x32xf32, #tpu.memory_space<vmem>>, vector<16xf32>,
      %add3A_288 = arith.constant 0 : i32
      %add3A_289 = vector.broadcast %add3A_288 : i32 to vector<16xi32>
      %add3A_290 = arith.addi %iota3A, %add3A_289 : vector<16xi32>
      tpu.vector_store_idx %arg10[%add3A_290, %broadcast_in_dim3A_284], %get3A_287 : memref<32x513xf32, #tpu.memory_space<vmem>>[vector<16xi32>, vector<16xi32>], vector<16xf32>,
      %get3A_291 = arith.index_cast %add3A_283 : i32 to index
      %get3A_292 = arith.constant 16 : index
      %get3A_293 = tpu.vector_load %arg8[%get3A_291, %get3A_292] {strides = array<i32>} : memref<512x32xf32, #tpu.memory_space<vmem>>, vector<16xf32>,
      %add3A_294 = arith.constant 16 : i32
      %add3A_295 = vector.broadcast %add3A_294 : i32 to vector<16xi32>
      %add3A_296 = arith.addi %iota3A, %add3A_295 : vector<16xi32>
      tpu.vector_store_idx %arg10[%add3A_296, %broadcast_in_dim3A_284], %get3A_293 : memref<32x513xf32, #tpu.memory_space<vmem>>[vector<16xi32>, vector<16xi32>], vector<16xf32>,
      %mul3A_297 = arith.constant 16 : i32
      %mul3A_298 = arith.muli %scan3A_196, %mul3A_297 : i32
      %add3A_299 = arith.constant 6 : i32
      %add3A_300 = arith.addi %mul3A_298, %add3A_299 : i32
      %broadcast_in_dim3A_301 = vector.broadcast %add3A_300 : i32 to vector<16xi32>
      %get3A_302 = arith.index_cast %add3A_300 : i32 to index
      %get3A_303 = arith.constant 0 : index
      %get3A_304 = tpu.vector_load %arg8[%get3A_302, %get3A_303] {strides = array<i32>} : memref<512x32xf32, #tpu.memory_space<vmem>>, vector<16xf32>,
      %add3A_305 = arith.constant 0 : i32
      %add3A_306 = vector.broadcast %add3A_305 : i32 to vector<16xi32>
      %add3A_307 = arith.addi %iota3A, %add3A_306 : vector<16xi32>
      tpu.vector_store_idx %arg10[%add3A_307, %broadcast_in_dim3A_301], %get3A_304 : memref<32x513xf32, #tpu.memory_space<vmem>>[vector<16xi32>, vector<16xi32>], vector<16xf32>,
      %get3A_308 = arith.index_cast %add3A_300 : i32 to index
      %get3A_309 = arith.constant 16 : index
      %get3A_310 = tpu.vector_load %arg8[%get3A_308, %get3A_309] {strides = array<i32>} : memref<512x32xf32, #tpu.memory_space<vmem>>, vector<16xf32>,
      %add3A_311 = arith.constant 16 : i32
      %add3A_312 = vector.broadcast %add3A_311 : i32 to vector<16xi32>
      %add3A_313 = arith.addi %iota3A, %add3A_312 : vector<16xi32>
      tpu.vector_store_idx %arg10[%add3A_313, %broadcast_in_dim3A_301], %get3A_310 : memref<32x513xf32, #tpu.memory_space<vmem>>[vector<16xi32>, vector<16xi32>], vector<16xf32>,
      %mul3A_314 = arith.constant 16 : i32
      %mul3A_315 = arith.muli %scan3A_196, %mul3A_314 : i32
      %add3A_316 = arith.constant 7 : i32
      %add3A_317 = arith.addi %mul3A_315, %add3A_316 : i32
      %broadcast_in_dim3A_318 = vector.broadcast %add3A_317 : i32 to vector<16xi32>
      %get3A_319 = arith.index_cast %add3A_317 : i32 to index
      %get3A_320 = arith.constant 0 : index
      %get3A_321 = tpu.vector_load %arg8[%get3A_319, %get3A_320] {strides = array<i32>} : memref<512x32xf32, #tpu.memory_space<vmem>>, vector<16xf32>,
      %add3A_322 = arith.constant 0 : i32
      %add3A_323 = vector.broadcast %add3A_322 : i32 to vector<16xi32>
      %add3A_324 = arith.addi %iota3A, %add3A_323 : vector<16xi32>
      tpu.vector_store_idx %arg10[%add3A_324, %broadcast_in_dim3A_318], %get3A_321 : memref<32x513xf32, #tpu.memory_space<vmem>>[vector<16xi32>, vector<16xi32>], vector<16xf32>,
      %get3A_325 = arith.index_cast %add3A_317 : i32 to index
      %get3A_326 = arith.constant 16 : index
      %get3A_327 = tpu.vector_load %arg8[%get3A_325, %get3A_326] {strides = array<i32>} : memref<512x32xf32, #tpu.memory_space<vmem>>, vector<16xf32>,
      %add3A_328 = arith.constant 16 : i32
      %add3A_329 = vector.broadcast %add3A_328 : i32 to vector<16xi32>
      %add3A_330 = arith.addi %iota3A, %add3A_329 : vector<16xi32>
      tpu.vector_store_idx %arg10[%add3A_330, %broadcast_in_dim3A_318], %get3A_327 : memref<32x513xf32, #tpu.memory_space<vmem>>[vector<16xi32>, vector<16xi32>], vector<16xf32>,
      %mul3A_331 = arith.constant 16 : i32
      %mul3A_332 = arith.muli %scan3A_196, %mul3A_331 : i32
      %add3A_333 = arith.constant 8 : i32
      %add3A_334 = arith.addi %mul3A_332, %add3A_333 : i32
      %broadcast_in_dim3A_335 = vector.broadcast %add3A_334 : i32 to vector<16xi32>
      %get3A_336 = arith.index_cast %add3A_334 : i32 to index
      %get3A_337 = arith.constant 0 : index
      %get3A_338 = tpu.vector_load %arg8[%get3A_336, %get3A_337] {strides = array<i32>} : memref<512x32xf32, #tpu.memory_space<vmem>>, vector<16xf32>,
      %add3A_339 = arith.constant 0 : i32
      %add3A_340 = vector.broadcast %add3A_339 : i32 to vector<16xi32>
      %add3A_341 = arith.addi %iota3A, %add3A_340 : vector<16xi32>
      tpu.vector_store_idx %arg10[%add3A_341, %broadcast_in_dim3A_335], %get3A_338 : memref<32x513xf32, #tpu.memory_space<vmem>>[vector<16xi32>, vector<16xi32>], vector<16xf32>,
      %get3A_342 = arith.index_cast %add3A_334 : i32 to index
      %get3A_343 = arith.constant 16 : index
      %get3A_344 = tpu.vector_load %arg8[%get3A_342, %get3A_343] {strides = array<i32>} : memref<512x32xf32, #tpu.memory_space<vmem>>, vector<16xf32>,
      %add3A_345 = arith.constant 16 : i32
      %add3A_346 = vector.broadcast %add3A_345 : i32 to vector<16xi32>
      %add3A_347 = arith.addi %iota3A, %add3A_346 : vector<16xi32>
      tpu.vector_store_idx %arg10[%add3A_347, %broadcast_in_dim3A_335], %get3A_344 : memref<32x513xf32, #tpu.memory_space<vmem>>[vector<16xi32>, vector<16xi32>], vector<16xf32>,
      %mul3A_348 = arith.constant 16 : i32
      %mul3A_349 = arith.muli %scan3A_196, %mul3A_348 : i32
      %add3A_350 = arith.constant 9 : i32
      %add3A_351 = arith.addi %mul3A_349, %add3A_350 : i32
      %broadcast_in_dim3A_352 = vector.broadcast %add3A_351 : i32 to vector<16xi32>
      %get3A_353 = arith.index_cast %add3A_351 : i32 to index
      %get3A_354 = arith.constant 0 : index
      %get3A_355 = tpu.vector_load %arg8[%get3A_353, %get3A_354] {strides = array<i32>} : memref<512x32xf32, #tpu.memory_space<vmem>>, vector<16xf32>,
      %add3A_356 = arith.constant 0 : i32
      %add3A_357 = vector.broadcast %add3A_356 : i32 to vector<16xi32>
      %add3A_358 = arith.addi %iota3A, %add3A_357 : vector<16xi32>
      tpu.vector_store_idx %arg10[%add3A_358, %broadcast_in_dim3A_352], %get3A_355 : memref<32x513xf32, #tpu.memory_space<vmem>>[vector<16xi32>, vector<16xi32>], vector<16xf32>,
      %get3A_359 = arith.index_cast %add3A_351 : i32 to index
      %get3A_360 = arith.constant 16 : index
      %get3A_361 = tpu.vector_load %arg8[%get3A_359, %get3A_360] {strides = array<i32>} : memref<512x32xf32, #tpu.memory_space<vmem>>, vector<16xf32>,
      %add3A_362 = arith.constant 16 : i32
      %add3A_363 = vector.broadcast %add3A_362 : i32 to vector<16xi32>
      %add3A_364 = arith.addi %iota3A, %add3A_363 : vector<16xi32>
      tpu.vector_store_idx %arg10[%add3A_364, %broadcast_in_dim3A_352], %get3A_361 : memref<32x513xf32, #tpu.memory_space<vmem>>[vector<16xi32>, vector<16xi32>], vector<16xf32>,
      %mul3A_365 = arith.constant 16 : i32
      %mul3A_366 = arith.muli %scan3A_196, %mul3A_365 : i32
      %add3A_367 = arith.constant 10 : i32
      %add3A_368 = arith.addi %mul3A_366, %add3A_367 : i32
      %broadcast_in_dim3A_369 = vector.broadcast %add3A_368 : i32 to vector<16xi32>
      %get3A_370 = arith.index_cast %add3A_368 : i32 to index
      %get3A_371 = arith.constant 0 : index
      %get3A_372 = tpu.vector_load %arg8[%get3A_370, %get3A_371] {strides = array<i32>} : memref<512x32xf32, #tpu.memory_space<vmem>>, vector<16xf32>,
      %add3A_373 = arith.constant 0 : i32
      %add3A_374 = vector.broadcast %add3A_373 : i32 to vector<16xi32>
      %add3A_375 = arith.addi %iota3A, %add3A_374 : vector<16xi32>
      tpu.vector_store_idx %arg10[%add3A_375, %broadcast_in_dim3A_369], %get3A_372 : memref<32x513xf32, #tpu.memory_space<vmem>>[vector<16xi32>, vector<16xi32>], vector<16xf32>,
      %get3A_376 = arith.index_cast %add3A_368 : i32 to index
      %get3A_377 = arith.constant 16 : index
      %get3A_378 = tpu.vector_load %arg8[%get3A_376, %get3A_377] {strides = array<i32>} : memref<512x32xf32, #tpu.memory_space<vmem>>, vector<16xf32>,
      %add3A_379 = arith.constant 16 : i32
      %add3A_380 = vector.broadcast %add3A_379 : i32 to vector<16xi32>
      %add3A_381 = arith.addi %iota3A, %add3A_380 : vector<16xi32>
      tpu.vector_store_idx %arg10[%add3A_381, %broadcast_in_dim3A_369], %get3A_378 : memref<32x513xf32, #tpu.memory_space<vmem>>[vector<16xi32>, vector<16xi32>], vector<16xf32>,
      %mul3A_382 = arith.constant 16 : i32
      %mul3A_383 = arith.muli %scan3A_196, %mul3A_382 : i32
      %add3A_384 = arith.constant 11 : i32
      %add3A_385 = arith.addi %mul3A_383, %add3A_384 : i32
      %broadcast_in_dim3A_386 = vector.broadcast %add3A_385 : i32 to vector<16xi32>
      %get3A_387 = arith.index_cast %add3A_385 : i32 to index
      %get3A_388 = arith.constant 0 : index
      %get3A_389 = tpu.vector_load %arg8[%get3A_387, %get3A_388] {strides = array<i32>} : memref<512x32xf32, #tpu.memory_space<vmem>>, vector<16xf32>,
      %add3A_390 = arith.constant 0 : i32
      %add3A_391 = vector.broadcast %add3A_390 : i32 to vector<16xi32>
      %add3A_392 = arith.addi %iota3A, %add3A_391 : vector<16xi32>
      tpu.vector_store_idx %arg10[%add3A_392, %broadcast_in_dim3A_386], %get3A_389 : memref<32x513xf32, #tpu.memory_space<vmem>>[vector<16xi32>, vector<16xi32>], vector<16xf32>,
      %get3A_393 = arith.index_cast %add3A_385 : i32 to index
      %get3A_394 = arith.constant 16 : index
      %get3A_395 = tpu.vector_load %arg8[%get3A_393, %get3A_394] {strides = array<i32>} : memref<512x32xf32, #tpu.memory_space<vmem>>, vector<16xf32>,
      %add3A_396 = arith.constant 16 : i32
      %add3A_397 = vector.broadcast %add3A_396 : i32 to vector<16xi32>
      %add3A_398 = arith.addi %iota3A, %add3A_397 : vector<16xi32>
      tpu.vector_store_idx %arg10[%add3A_398, %broadcast_in_dim3A_386], %get3A_395 : memref<32x513xf32, #tpu.memory_space<vmem>>[vector<16xi32>, vector<16xi32>], vector<16xf32>,
      %mul3A_399 = arith.constant 16 : i32
      %mul3A_400 = arith.muli %scan3A_196, %mul3A_399 : i32
      %add3A_401 = arith.constant 12 : i32
      %add3A_402 = arith.addi %mul3A_400, %add3A_401 : i32
      %broadcast_in_dim3A_403 = vector.broadcast %add3A_402 : i32 to vector<16xi32>
      %get3A_404 = arith.index_cast %add3A_402 : i32 to index
      %get3A_405 = arith.constant 0 : index
      %get3A_406 = tpu.vector_load %arg8[%get3A_404, %get3A_405] {strides = array<i32>} : memref<512x32xf32, #tpu.memory_space<vmem>>, vector<16xf32>,
      %add3A_407 = arith.constant 0 : i32
      %add3A_408 = vector.broadcast %add3A_407 : i32 to vector<16xi32>
      %add3A_409 = arith.addi %iota3A, %add3A_408 : vector<16xi32>
      tpu.vector_store_idx %arg10[%add3A_409, %broadcast_in_dim3A_403], %get3A_406 : memref<32x513xf32, #tpu.memory_space<vmem>>[vector<16xi32>, vector<16xi32>], vector<16xf32>,
      %get3A_410 = arith.index_cast %add3A_402 : i32 to index
      %get3A_411 = arith.constant 16 : index
      %get3A_412 = tpu.vector_load %arg8[%get3A_410, %get3A_411] {strides = array<i32>} : memref<512x32xf32, #tpu.memory_space<vmem>>, vector<16xf32>,
      %add3A_413 = arith.constant 16 : i32
      %add3A_414 = vector.broadcast %add3A_413 : i32 to vector<16xi32>
      %add3A_415 = arith.addi %iota3A, %add3A_414 : vector<16xi32>
      tpu.vector_store_idx %arg10[%add3A_415, %broadcast_in_dim3A_403], %get3A_412 : memref<32x513xf32, #tpu.memory_space<vmem>>[vector<16xi32>, vector<16xi32>], vector<16xf32>,
      %mul3A_416 = arith.constant 16 : i32
      %mul3A_417 = arith.muli %scan3A_196, %mul3A_416 : i32
      %add3A_418 = arith.constant 13 : i32
      %add3A_419 = arith.addi %mul3A_417, %add3A_418 : i32
      %broadcast_in_dim3A_420 = vector.broadcast %add3A_419 : i32 to vector<16xi32>
      %get3A_421 = arith.index_cast %add3A_419 : i32 to index
      %get3A_422 = arith.constant 0 : index
      %get3A_423 = tpu.vector_load %arg8[%get3A_421, %get3A_422] {strides = array<i32>} : memref<512x32xf32, #tpu.memory_space<vmem>>, vector<16xf32>,
      %add3A_424 = arith.constant 0 : i32
      %add3A_425 = vector.broadcast %add3A_424 : i32 to vector<16xi32>
      %add3A_426 = arith.addi %iota3A, %add3A_425 : vector<16xi32>
      tpu.vector_store_idx %arg10[%add3A_426, %broadcast_in_dim3A_420], %get3A_423 : memref<32x513xf32, #tpu.memory_space<vmem>>[vector<16xi32>, vector<16xi32>], vector<16xf32>,
      %get3A_427 = arith.index_cast %add3A_419 : i32 to index
      %get3A_428 = arith.constant 16 : index
      %get3A_429 = tpu.vector_load %arg8[%get3A_427, %get3A_428] {strides = array<i32>} : memref<512x32xf32, #tpu.memory_space<vmem>>, vector<16xf32>,
      %add3A_430 = arith.constant 16 : i32
      %add3A_431 = vector.broadcast %add3A_430 : i32 to vector<16xi32>
      %add3A_432 = arith.addi %iota3A, %add3A_431 : vector<16xi32>
      tpu.vector_store_idx %arg10[%add3A_432, %broadcast_in_dim3A_420], %get3A_429 : memref<32x513xf32, #tpu.memory_space<vmem>>[vector<16xi32>, vector<16xi32>], vector<16xf32>,
      %mul3A_433 = arith.constant 16 : i32
      %mul3A_434 = arith.muli %scan3A_196, %mul3A_433 : i32
      %add3A_435 = arith.constant 14 : i32
      %add3A_436 = arith.addi %mul3A_434, %add3A_435 : i32
      %broadcast_in_dim3A_437 = vector.broadcast %add3A_436 : i32 to vector<16xi32>
      %get3A_438 = arith.index_cast %add3A_436 : i32 to index
      %get3A_439 = arith.constant 0 : index
      %get3A_440 = tpu.vector_load %arg8[%get3A_438, %get3A_439] {strides = array<i32>} : memref<512x32xf32, #tpu.memory_space<vmem>>, vector<16xf32>,
      %add3A_441 = arith.constant 0 : i32
      %add3A_442 = vector.broadcast %add3A_441 : i32 to vector<16xi32>
      %add3A_443 = arith.addi %iota3A, %add3A_442 : vector<16xi32>
      tpu.vector_store_idx %arg10[%add3A_443, %broadcast_in_dim3A_437], %get3A_440 : memref<32x513xf32, #tpu.memory_space<vmem>>[vector<16xi32>, vector<16xi32>], vector<16xf32>,
      %get3A_444 = arith.index_cast %add3A_436 : i32 to index
      %get3A_445 = arith.constant 16 : index
      %get3A_446 = tpu.vector_load %arg8[%get3A_444, %get3A_445] {strides = array<i32>} : memref<512x32xf32, #tpu.memory_space<vmem>>, vector<16xf32>,
      %add3A_447 = arith.constant 16 : i32
      %add3A_448 = vector.broadcast %add3A_447 : i32 to vector<16xi32>
      %add3A_449 = arith.addi %iota3A, %add3A_448 : vector<16xi32>
      tpu.vector_store_idx %arg10[%add3A_449, %broadcast_in_dim3A_437], %get3A_446 : memref<32x513xf32, #tpu.memory_space<vmem>>[vector<16xi32>, vector<16xi32>], vector<16xf32>,
      %mul3A_450 = arith.constant 16 : i32
      %mul3A_451 = arith.muli %scan3A_196, %mul3A_450 : i32
      %add3A_452 = arith.constant 15 : i32
      %add3A_453 = arith.addi %mul3A_451, %add3A_452 : i32
      %broadcast_in_dim3A_454 = vector.broadcast %add3A_453 : i32 to vector<16xi32>
      %get3A_455 = arith.index_cast %add3A_453 : i32 to index
      %get3A_456 = arith.constant 0 : index
      %get3A_457 = tpu.vector_load %arg8[%get3A_455, %get3A_456] {strides = array<i32>} : memref<512x32xf32, #tpu.memory_space<vmem>>, vector<16xf32>,
      %add3A_458 = arith.constant 0 : i32
      %add3A_459 = vector.broadcast %add3A_458 : i32 to vector<16xi32>
      %add3A_460 = arith.addi %iota3A, %add3A_459 : vector<16xi32>
      tpu.vector_store_idx %arg10[%add3A_460, %broadcast_in_dim3A_454], %get3A_457 : memref<32x513xf32, #tpu.memory_space<vmem>>[vector<16xi32>, vector<16xi32>], vector<16xf32>,
      %get3A_461 = arith.index_cast %add3A_453 : i32 to index
      %get3A_462 = arith.constant 16 : index
      %get3A_463 = tpu.vector_load %arg8[%get3A_461, %get3A_462] {strides = array<i32>} : memref<512x32xf32, #tpu.memory_space<vmem>>, vector<16xf32>,
      %add3A_464 = arith.constant 16 : i32
      %add3A_465 = vector.broadcast %add3A_464 : i32 to vector<16xi32>
      %add3A_466 = arith.addi %iota3A, %add3A_465 : vector<16xi32>
      tpu.vector_store_idx %arg10[%add3A_466, %broadcast_in_dim3A_454], %get3A_463 : memref<32x513xf32, #tpu.memory_space<vmem>>[vector<16xi32>, vector<16xi32>], vector<16xf32>,
    }
    %scan3A_156 = arith.constant 32 : i32
    %dma_start3A_157 = arith.constant 49 : i32
    %dma_start3A_158 = arith.constant 0 : i32
    %dma_start3A_159 = arith.constant 0 : i32
    %dma_start3A_160 = tpu.memref_slice %arg10[%dma_start3A_158, %dma_start3A_159] : memref<32x513xf32, #tpu.memory_space<vmem>> -> memref<32x512xf32, #tpu.memory_space<vmem>>
    %dma_start3A_161 = arith.constant 0 : i32
    %dma_start3A_162 = tpu.memref_slice %arg4[%dma_start3A_157, %dma_start3A_161, %mul3A_2] : memref<50x32x16384xf32, #tpu.memory_space<hbm>> -> memref<1x32x512xf32, #tpu.memory_space<hbm>>
    %dma_start3A_163 = tpu.memref_squeeze %dma_start3A_162 : memref<1x32x512xf32, #tpu.memory_space<hbm>> -> memref<32x512xf32, #tpu.memory_space<hbm>>
    %dma_start3A_164 = arith.constant 0 : i32
    %dma_start3A_165 = tpu.memref_slice %arg4[%dma_start3A_157, %dma_start3A_164, %mul3A_2] : memref<50x32x16384xf32, #tpu.memory_space<hbm>> -> memref<1x32x512xf32, #tpu.memory_space<hbm>>
    %dma_start3A_166 = tpu.memref_squeeze %dma_start3A_165 : memref<1x32x512xf32, #tpu.memory_space<hbm>> -> memref<32x512xf32, #tpu.memory_space<hbm>>
    %dma_start3A_167 = arith.constant 0 : i32
    %dma_start3A_168 = arith.constant 0 : i32
    %dma_start3A_169 = tpu.memref_slice %arg10[%dma_start3A_167, %dma_start3A_168] : memref<32x513xf32, #tpu.memory_space<vmem>> -> memref<32x512xf32, #tpu.memory_space<vmem>>
    tpu.enqueue_dma source(%dma_start3A_169 : memref<32x512xf32, #tpu.memory_space<vmem>>) target(%dma_start3A_166 : memref<32x512xf32, #tpu.memory_space<hbm>>) target_semaphore(%arg14 : memref<!tpu.dma_semaphore, #tpu.memory_space<semaphore_mem>>)
    %dma_wait3A_170 = arith.constant 48 : i32
    %dma_wait3A_171 = arith.constant 0 : i32
    %dma_wait3A_172 = arith.constant 0 : i32
    %dma_wait3A_173 = tpu.memref_slice %arg9[%dma_wait3A_171, %dma_wait3A_172] : memref<32x513xf32, #tpu.memory_space<vmem>> -> memref<32x512xf32, #tpu.memory_space<vmem>>
    %dma_wait3A_174 = arith.constant 0 : i32
    %dma_wait3A_175 = tpu.memref_slice %arg4[%dma_wait3A_170, %dma_wait3A_174, %mul3A_2] : memref<50x32x16384xf32, #tpu.memory_space<hbm>> -> memref<1x32x512xf32, #tpu.memory_space<hbm>>
    %dma_wait3A_176 = tpu.memref_squeeze %dma_wait3A_175 : memref<1x32x512xf32, #tpu.memory_space<hbm>> -> memref<32x512xf32, #tpu.memory_space<hbm>>
    %dma_wait3A_177 = arith.constant 0 : i32
    %dma_wait3A_178 = tpu.memref_slice %arg4[%dma_wait3A_170, %dma_wait3A_177, %mul3A_2] : memref<50x32x16384xf32, #tpu.memory_space<hbm>> -> memref<1x32x512xf32, #tpu.memory_space<hbm>>
    %dma_wait3A_179 = tpu.memref_squeeze %dma_wait3A_178 : memref<1x32x512xf32, #tpu.memory_space<hbm>> -> memref<32x512xf32, #tpu.memory_space<hbm>>
    %dma_wait3A_180 = arith.constant 0 : i32
    %dma_wait3A_181 = arith.constant 0 : i32
    %dma_wait3A_182 = tpu.memref_slice %arg9[%dma_wait3A_180, %dma_wait3A_181] : memref<32x513xf32, #tpu.memory_space<vmem>> -> memref<32x512xf32, #tpu.memory_space<vmem>>
    tpu.wait_dma2 semaphore(%arg13 : memref<!tpu.dma_semaphore, #tpu.memory_space<semaphore_mem>>) src(%dma_wait3A_182 : memref<32x512xf32, #tpu.memory_space<vmem>>) dst(%dma_wait3A_179 : memref<32x512xf32, #tpu.memory_space<hbm>>)
    %dma_wait3A_183 = arith.constant 49 : i32
    %dma_wait3A_184 = arith.constant 0 : i32
    %dma_wait3A_185 = arith.constant 0 : i32
    %dma_wait3A_186 = tpu.memref_slice %arg10[%dma_wait3A_184, %dma_wait3A_185] : memref<32x513xf32, #tpu.memory_space<vmem>> -> memref<32x512xf32, #tpu.memory_space<vmem>>
    %dma_wait3A_187 = arith.constant 0 : i32
    %dma_wait3A_188 = tpu.memref_slice %arg4[%dma_wait3A_183, %dma_wait3A_187, %mul3A_2] : memref<50x32x16384xf32, #tpu.memory_space<hbm>> -> memref<1x32x512xf32, #tpu.memory_space<hbm>>
    %dma_wait3A_189 = tpu.memref_squeeze %dma_wait3A_188 : memref<1x32x512xf32, #tpu.memory_space<hbm>> -> memref<32x512xf32, #tpu.memory_space<hbm>>
    %dma_wait3A_190 = arith.constant 0 : i32
    %dma_wait3A_191 = tpu.memref_slice %arg4[%dma_wait3A_183, %dma_wait3A_190, %mul3A_2] : memref<50x32x16384xf32, #tpu.memory_space<hbm>> -> memref<1x32x512xf32, #tpu.memory_space<hbm>>
    %dma_wait3A_192 = tpu.memref_squeeze %dma_wait3A_191 : memref<1x32x512xf32, #tpu.memory_space<hbm>> -> memref<32x512xf32, #tpu.memory_space<hbm>>
    %dma_wait3A_193 = arith.constant 0 : i32
    %dma_wait3A_194 = arith.constant 0 : i32
    %dma_wait3A_195 = tpu.memref_slice %arg10[%dma_wait3A_193, %dma_wait3A_194] : memref<32x513xf32, #tpu.memory_space<vmem>> -> memref<32x512xf32, #tpu.memory_space<vmem>>
    tpu.wait_dma2 semaphore(%arg14 : memref<!tpu.dma_semaphore, #tpu.memory_space<semaphore_mem>>) src(%dma_wait3A_195 : memref<32x512xf32, #tpu.memory_space<vmem>>) dst(%dma_wait3A_192 : memref<32x512xf32, #tpu.memory_space<hbm>>)
    return
  }
}

</mosaic_0001>

<sc_bundles>
// kernel: kernel.3.cloned.1.call-start
scs
__scs_entry_jumppad:
0x0: {  	(pc) =	sbr.rel $0x88, $3  }
0x1: {  	(tag) =	ssettag $0x0;
	lr =	simm.s32 $0x1  }
0x2: {  	[smem:$0x3F9F] =	sst lr;
	_ =	strace $0xD0000000  }
0x3: {  	_ = 	snop  }
0x4: {  	_ = 	snop  }
0x5: {  	_ = 	snop  }
0x6: {  	_ = 	snop  }
0x7: {  	_ = 	snop  }
__scs_overlays_trampoline_lowered:
0x8: {  	[smem:$0x3FAE] =	sst s0  }
0x9: {  	[smem:$0x3FAF] =	sst s1  }
0xa: {  	[smem:$0x3FB0] =	sst s2  }
0xb: {  	[smem:$0x3FB1] =	sst s3  }
0xc: {  	[smem:$0x3FB2] =	sst s4  }
0xd: {  	[smem:$0x3FB3] =	sst s5  }
0xe: {  	[smem:$0x3FB4] =	sst s6  }
0xf: {  	[smem:$0x3FB5] =	sst s7  }
0x10: {  	[smem:$0x3FB6] =	sst s8  }
0x11: {  	[smem:$0x3FB7] =	sst s9;
	s0 =	simm.s32 @!p0 $0x0  }
0x12: {  	s1 =	sld [smem:$0x3F9D];
	s0 =	simm.s32 @p0 $0x1  }
0x13: {  	[smem:$0x3FB8] =	sst s0;
	s0 =	simm.s32 @!p1 $0x0  }
0x14: {  	s2 =	sld [smem:$0x3F9C];
	s0 =	simm.s32 @p1 $0x1  }
0x15: {  	[smem:$0x3FB9] =	sst s0;
	s0 =	simm.s32 @!p2 $0x0  }
0x16: {  	s3 =	sld [smem:$0x3FDB];
	s0 =	simm.s32 @p2 $0x1  }
0x17: {  	s4 =	simm.s32 $0x1BF5;
	[smem:$0x3FBB] =	sst s0  }
0x18: {  	s0 =	sld [smem:$0x3F9E];
	_ =	swait.ge [sflag:s4], $0x0  }
0x19: {  	s7 =	sld [smem:$0x3F9F]  }
0x1a: {  	s8 =	sadd.s32 $0xFFFFE003, lr  }
0x1b: {  	s9 =	sadd.s32 $0xFFFFFEF7, lr;
	s5 =	simm.s32 $0xFFFFFFFF;
	p2 =	slt.u32 s8, $0xFFFFF086  }
0x1c: {  	p1 =	slt.u32 s9, $0xF7A;
	s5 =	simm.s32 @!p2 $0x0  }
0x1d: {  	s5 =	simm.s32 @p1 $0x1;
	p0 =	seq.s32 s7, s2  }
0x1e: {  	s7 =	smul.u32 @!p0 $0xF7A, s2;
	p2 =	seq.s32 @!p0 s5, $0x0  }
0x1f: {  	s9 =	smul.u32 $0xF7A, s1;
	s8 =	simm.s32 @!p0 $0x1BF5;
	p2 =	por !p2, p0  }
0x20: {  	[sflag:s8] =	ssyncset.s32 @!p0 $0xFFFFF086;
	s6 =	sadd.s32 @!p0 s3, s7;
	s7 =	simm.s32 @!p0 $0x108  }
0x21: {  	s3 =	sadd.s32 s3, s9;
	s6 =	sadd.s32 @!p0 $0x88, s6;
	s7 =	simm.s32 @p2 $0x1082  }
0x22: {  	[simem:s7], [sflag:s8] =	dma.local @!p0 [hbm:s6], $0xF7A  }
0x23: {  	s9 =	sor.u32 $0xD0000000, s2;
	s6 =	simm.s32 $0x108;
	_ =	swait.ge @!p0 [sflag:s8], $0x0  }
0x24: {  	s3 =	sadd.s32 $0x88, s3;
	s6 =	simm.s32 @!p1 $0x1082;
	[sflag:s4] =	ssyncset.s32 $0xFFFFF086  }
0x25: {  	[simem:s6], [sflag:s4] =	dma.local [hbm:s3], $0xF7A  }
0x26: {  	[smem:$0x3F9F] =	sst s1;
	(tag) =	ssettag s2;
	_ =	strace s9  }
0x27: {  	s1 =	sld [smem:$0x3FAF]  }
0x28: {  	s2 =	sld [smem:$0x3FB0]  }
0x29: {  	s4 =	sld [smem:$0x3FB2]  }
0x2a: {  	p0 =	seq.s32 s5, $0x0;
	s5 =	sld [smem:$0x3FB3]  }
0x2b: {  	s6 =	sld [smem:$0x3FB4]  }
0x2c: {  	s7 =	sld [smem:$0x3FB5]  }
0x2d: {  	s3 =	simm.s32 $0x108;
	s8 =	sld [smem:$0x3FB6]  }
0x2e: {  	s3 =	simm.s32 @!p0 $0x1082;
	s9 =	sld [smem:$0x3FB7]  }
0x2f: {  	lr =	sadd.s32 s0, s3;
	s0 =	sld [smem:$0x3FAE]  }
0x30: {  	s3 =	sld [smem:$0x3FB1]  }
0x31: {  	[smem:$0x3FBA] =	sst s10  }
0x32: {  	s10 =	sld [smem:$0x3FB8];
	_ =	sdelay $0x3  }
0x33: {  	p0 =	seq.s32 s10, $0x1;
	s10 =	sld [smem:$0x3FBA];
	_ =	sdelay $0x3  }
0x34: {  	[smem:$0x3FBA] =	sst s10  }
0x35: {  	s10 =	sld [smem:$0x3FB9];
	_ =	sdelay $0x3  }
0x36: {  	p1 =	seq.s32 s10, $0x1;
	s10 =	sld [smem:$0x3FBA];
	_ =	sdelay $0x3  }
0x37: {  	[smem:$0x3FBA] =	sst s10  }
0x38: {  	s10 =	sld [smem:$0x3FBB]  }
0x39: {  	_ = 	snop;
	(pc) =	sbr.ind lr, $3  }
0x3a: {  	_ = 	snop  }
0x3b: {  	_ = 	snop  }
0x3c: {  	p2 =	seq.s32 s10, $0x1;
	s10 =	sld [smem:$0x3FBA]  }
0x3d: {  	_ =	shalt  }
0x3e: {  	_ =	shalt  }
0x3f: {  	_ =	shalt  }
0x40: {  	_ =	shalt  }
0x41: {  	_ =	shalt  }
0x42: {  	_ =	shalt  }
0x43: {  	_ =	shalt  }
0x44: {  	_ =	shalt  }
0x45: {  	_ =	shalt  }
0x46: {  	_ =	shalt  }
0x47: {  	_ =	shalt  }
0x48: {  	_ =	shalt  }
0x49: {  	_ =	shalt  }
0x4a: {  	_ =	shalt  }
0x4b: {  	_ =	shalt  }
0x4c: {  	_ =	shalt  }
0x4d: {  	_ =	shalt  }
0x4e: {  	_ =	shalt  }
0x4f: {  	_ =	shalt  }
0x50: {  	_ =	shalt  }
0x51: {  	_ =	shalt  }
0x52: {  	_ =	shalt  }
0x53: {  	_ =	shalt  }
0x54: {  	_ =	shalt  }
0x55: {  	_ =	shalt  }
0x56: {  	_ =	shalt  }
0x57: {  	_ =	shalt  }
0x58: {  	_ =	shalt  }
0x59: {  	_ =	shalt  }
0x5a: {  	_ =	shalt  }
0x5b: {  	_ =	shalt  }
0x5c: {  	_ =	shalt  }
0x5d: {  	_ =	shalt  }
0x5e: {  	_ =	shalt  }
0x5f: {  	_ =	shalt  }
0x60: {  	_ =	shalt  }
0x61: {  	_ =	shalt  }
0x62: {  	_ =	shalt  }
0x63: {  	_ =	shalt  }
0x64: {  	_ =	shalt  }
0x65: {  	_ =	shalt  }
0x66: {  	_ =	shalt  }
0x67: {  	_ =	shalt  }
0x68: {  	_ =	shalt  }
0x69: {  	_ =	shalt  }
0x6a: {  	_ =	shalt  }
0x6b: {  	_ =	shalt  }
0x6c: {  	_ =	shalt  }
0x6d: {  	_ =	shalt  }
0x6e: {  	_ =	shalt  }
0x6f: {  	_ =	shalt  }
0x70: {  	_ =	shalt  }
0x71: {  	_ =	shalt  }
0x72: {  	_ =	shalt  }
0x73: {  	_ =	shalt  }
0x74: {  	_ =	shalt  }
0x75: {  	_ =	shalt  }
0x76: {  	_ =	shalt  }
0x77: {  	_ =	shalt  }
0x78: {  	_ =	shalt  }
0x79: {  	_ =	shalt  }
0x7a: {  	_ =	shalt  }
0x7b: {  	_ =	shalt  }
0x7c: {  	_ =	shalt  }
0x7d: {  	_ =	shalt  }
0x7e: {  	_ =	shalt  }
0x7f: {  	_ =	shalt  }
0x80: {  	_ =	shalt  }
0x81: {  	_ =	shalt  }
0x82: {  	_ =	shalt  }
0x83: {  	_ =	shalt  }
0x84: {  	_ =	shalt  }
0x85: {  	_ =	shalt  }
0x86: {  	_ =	shalt  }
0x87: {  	_ =	shalt  }
.Lfunc_end0:
.L_simem_size_0:
called_computation_lowered:
.L_overlay_start_0:
0x88: {  	s2 =	sld [smem:$0x3FD9]  }
0x89: {  	s3 =	sld [smem:$0x3FFE];
	_ =	sdelay $0x1  }
0x8a: {  	s1 =	srdreg.scid  }
0x8b: {  	s0 =	sand.u32 $0x1, s1  }
0x8c: {  	s17 =	sshll.u32 s0, $0xA;
	s2 =	sadd.s32 s3, s2  }
0x8d: {  	s2 =	sadd.s32 s2, s17  }
0x8e: {  	[smem:$0x3FC6] =	sst s2  }
0x8f: {  	_ = 	snop  }
0x90: {  	s2 =	sld [smem:$0x3FD0];
	(tm) =	ssettm $0x1  }
0x91: {  	s18 =	sld [smem:$0x3FFB];
	_ =	sdelay $0x3  }
0x92: {  	_ =	strace s18  }
0x93: {  	s3 =	sld [smem:$0x3FFC];
	_ =	sdelay $0x3  }
0x94: {  	_ =	strace s3  }
0x95: {  	s3 =	sld [smem:$0x3FFD];
	_ =	sdelay $0x3  }
0x96: {  	_ =	strace s3  }
0x97: {  	_ =	strace $0x8FFFFFFF  }
0x98: {  	s19 =	sld [smem:$0x3FDB];
	_ =	sdelay $0x1  }
0x99: {  	s4 =	simm.s32 $_scs_section_size  }
0x9a: {  	s5 =	simm.s32 $_size__tile_overlayer_lowered;
	s6 =	simm.s32 $_tile_overlayer_lowered  }
0x9b: {  	s22 =	simm.s32 $0x1BFF;
	s21 =	sshll.u32 s6, $0x1;
	s3 =	sadd.s32 s4, s19  }
0x9c: {  	s7 =	simm.s32 $0x0;
	s20 =	sshll.u32 s5, $0x1;
	s5 =	sadd.s32 s21, s3  }
0x9d: {  	[timem:s7], [sflag:s22] =	dma.local [hbm:s5], s20  }
0x9e: {  	_ =	swait.ge [sflag:s22], s20  }
0x9f: {  	s4 =	ssub.s32 $0x0, s20;
	[sflag:s22] =	ssyncset.done $0x0  }
0xa0: {  	[sflag:s22] =	ssyncadd.s32 s4;
	_ =	sdelay $0x1  }
0xa1: {  	s23 =	simm.s32 $0x1B8B  }
0xa2: {  	_ =	swait.ge [sflag:s23], $0x1  }
0xa3: {  	[sflag:s23] =	ssyncset.done $0x0  }
0xa4: {  	s25 =	simm.s32 $0x1B8E;
	s24 =	sld [smem:$0x3FFE];
	[sflag:s23] =	ssyncadd.s32 $0xFFFFFFFF  }
0xa5: {  	s26 =	simm.s32 $execute0_lowered;
	[smem:$0x3FD2] =	sst s25  }
0xa6: {  	s5 =	sshll.u32 s26, $0x1;
	_ =	strace $0x80000046;
	[dreg:$0x1] =	wrdreg $0xFFFFFFFF  }
0xa7: {  	s28 =	simm.s32 $_size_execute0_lowered;
	s3 =	sadd.s32 s3, s5;
	[dreg:$0x0] =	wrdreg $0x0  }
0xa8: {  	s5 =	sshll.u32 s28, $0x1;
	[dreg:$0x2] =	wrdreg s3  }
0xa9: {  	[dreg:$0x3] =	wrdreg s5  }
0xaa: {  	[dreg:$0x4] =	wrdreg $0xC0  }
0xab: {  	_ =	task [dreg:s7], $0x5FFFF  }
0xac: {  	[dreg:$0x1] =	wrdreg $0xFFFFFFFF  }
0xad: {  	[dreg:$0x0] =	wrdreg $0x60  }
0xae: {  	[dreg:$0x2] =	wrdreg s2  }
0xaf: {  	[dreg:$0x3] =	wrdreg s24  }
0xb0: {  	[dreg:$0x4] =	wrdreg $0x9  }
0xb1: {  	_ =	task.clear_ibuf [dreg:s7], $0x5FFFF;
	_ =	strace $0x90000046  }
0xb2: {  	s29 =	simm.s32 $0x9;
	_ =	strace $0x80000048  }
0xb3: {  	_ =	swait.ge [sflag:s29], $0x1  }
0xb4: {  	[sflag:s29] =	ssyncadd.s32 $0xFFFFFFFF  }
0xb5: {  	_ =	strace $0x90000048  }
0xb6: {  	_ =	sfence  }
0xb7: {  	s30 =	sld [smem:$0x0];
	_ =	sdelay $0x2  }
0xb8: {  	s31 =	sshll.u32 s1, $0xD;
	s1 =	sshrl.u32 s1, $0x2  }
0xb9: {  	s3 =	sand.u32 $0x4000, s31;
	s1 =	sadd.s32 s1, s30  }
0xba: {  	s0 =	sor.u32 s3, s0;
	s1 =	sshll.u32 s1, $0x11  }
0xbb: {  	s0 =	sor.u32 s1, s0  }
0xbc: {  	s0 =	sadd.s32 $0x8F2B, s0  }
0xbd: {  	[sflag:s0] =	ssyncadd.remote.s32 $0x1  }
0xbe: {  	_ =	sfence.sel $0xFFFF  }
0xbf: {  	[dreg:$0x0] =	wrdreg $0xFFFFFFFF;
	(pc) =	sbr.abs _section_cstart, $3  }
0xc0: {  	[dreg:$0x1] =	wrdreg $0xFFFFFFFF  }
0xc1: {  	_ =	task.clear_ibuf [dreg:s7], $0x2FFFF;
	_ =	strace $0x9FFFFFFF  }
0xc2: {  	(tm) =	ssettm $0x7FFFFFFF  }
0xc3: {  	_ =	shalt  }
tec
execute0_lowered:
.L_overlay_start_1:
0x0: {  	(tag) =	ssettag $0x1  }
0x1: {  	v30 =	vlaneseq.u32  }
0x2: {  	v0 =	vmul.u32 $0x38, v30  }
0x3: {  	v33 =	vimm.s32 $0x0;
	vm0 =	vcmask $0x300  }
0x4: {  	v30 =	vmul.u32 $0x208, v30;
	v33 =	vsel vm0, $0x3, v33;
	v1 =	vadd.s32 $0x380, v0  }
0x5: {  	v2 =	vadd.s32 $0x700, v0;
	v3 =	vadd.s32 $0xA80, v0;
	v4 =	vadd.s32 $0xE00, v0  }
0x6: {  	s0 =	rddreg [dreg:$0x0];
	v5 =	vadd.s32 $0x1180, v0;
	v6 =	vadd.s32 $0x1500, v0;
	v7 =	vadd.s32 $0x1880, v0  }
0x7: {  	s1 =	rddreg [dreg:$0x1];
	v8 =	vor.u32 $0x1C00, v0;
	v9 =	vadd.s32 $0x1F80, v0;
	v10 =	vadd.s32 $0x2300, v0  }
0x8: {  	s3 =	srdreg.scid;
	s2 =	simm.s32 $0x0;
	s4 =	stileid.u32;
	v11 =	vadd.s32 $0x2680, v0;
	v12 =	vadd.s32 $0x2A00, v0;
	v13 =	vadd.s32 $0x2D80, v0  }
0x9: {  	s12 =	simm.s32 $0x5;
	s13 =	simm.s32 $0x200;
	s15 =	simm.s32 $0xD400;
	v14 =	vadd.s32 $0x3100, v0;
	v15 =	vadd.s32 $0x3480, v0;
	v16 =	vor.u32 $0x3800, v0  }
0xa: {  	s16 =	simm.s32 $0x1;
	s17 =	simm.s32 $0x7200;
	s18 =	simm.s32 $0x11400;
	v17 =	vadd.s32 $0x3B80, v0;
	v18 =	vadd.s32 $0x3F00, v0;
	v19 =	vadd.s32 $0x4280, v0  }
0xb: {  	s19 =	simm.s32 $0x15400;
	s20 =	simm.s32 $0x2;
	s21 =	simm.s32 $0x7400;
	v20 =	vadd.s32 $0x4600, v0;
	v21 =	vadd.s32 $0x4980, v0;
	v22 =	vadd.s32 $0x4D00, v0  }
0xc: {  	s22 =	simm.s32 $0x19500;
	s23 =	simm.s32 $0x3;
	s24 =	simm.s32 $0x4;
	v23 =	vadd.s32 $0x5080, v0;
	v24 =	vor.u32 $0x5400, v0;
	v25 =	vadd.s32 $0x5780, v0  }
0xd: {  	s25 =	simm.s32 $0xD200;
	s26 =	simm.s32 $0x0;
	s5 =	sand.u32 $0x1, s3;
	v26 =	vadd.s32 $0x5B00, v0;
	v27 =	vadd.s32 $0x5E80, v0;
	v28 =	vadd.s32 $0x6200, v0  }
0xe: {  	[smem:$0x7FF] =	sst s2;
	s4 =	sshll.u32 s4, $0xA;
	s6 =	sshll.u32 s5, $0x9;
	v29 =	vadd.s32 $0x6580, v0;
	v31 =	vadd.s32 $0x6900, v0;
	v32 =	vadd.s32 $0x6C80, v0  }
0xf: {  	s3 =	sadd.s32 $0x600, s1;
	s7 =	ssub.s32 $0x2, s5;
	s4 =	sor.u32 s6, s4;
	v34 =	vadd.s32 $0x2080, v30;
	v35 =	vor.u32 $0x1, v30;
	v36 =	vadd.s32 $0x2081, v30  }
0x10: {  	_ =	strace $0x80000047;
	s31 =	sshrl.u32 s7, $0x1;
	v37 =	vor.u32 $0x2, v30;
	v38 =	vadd.s32 $0x2082, v30;
	v39 =	vor.u32 $0x3, v30;
	s8 =	smul.u32 $0x7, s4  }
0x11: {  	s5 =	sadd.s32 $0xF42A00, s1;
	v40 =	vadd.s32 $0x2083, v30;
	v41 =	vor.u32 $0x4, v30;
	v42 =	vadd.s32 $0x2084, v30;
	s6 =	sshrl.u32 s4, $0x3;
	s1 =	ssub.s32 s7, s31  }
0x12: {  	v43 =	vor.u32 $0x5, v30;
	v44 =	vadd.s32 $0x2085, v30;
	v45 =	vor.u32 $0x6, v30;
	s6 =	sadd.s32 s3, s6;
	s11 =	smax.u32 s1, $0x1;
	s7 =	sadd.s32 s0, s8  }
0x13: {  	v46 =	vadd.s32 $0x2086, v30;
	v47 =	vor.u32 $0x7, v30;
	v48 =	vadd.s32 $0x2087, v30;
	s8 =	sadd.s32 $0x10000, s6;
	s9 =	sadd.s32 $0x300000, s6;
	s10 =	sadd.s32 $0x310000, s6  }
.LBB2_1:
0x14: {  	v49 =	vmov s2  }
0x15: {  	v49 =	vand.u32 $0x3F, v49  }
0x16: {  	v50 =	vadd.s32 v0, v49  }
0x17: {  	[tilespmem:s2], [sflag:$0x5] =	stream.linear.gather [hbm4b:s7+s2], $0x7000, $0x38;
	[tilespmem:$0x1D600] =	vst v63  }
0x18: {  	_ =	swait.ge [sflag:s12], $0x7000  }
0x19: {  	[sflag:s12] =	ssyncset.done $0x0  }
0x1a: {  	[sflag:s12] =	ssyncadd.s32 $0xFFFF9000  }
0x1b: {  	v50 =	vld.idx.msk [tilespmem:v50+s2+$0x0], $0xffff  }
0x1c: {  	v51 =	vadd.s32 v1, v49;
	_ =	sdelay $0x2  }
0x1d: {  	s28 =	simm.s32 $0x7100  }
0x1e: {  	[tilespmem:s28+$0xFFFFFF00] =	vst v50  }
0x1f: {  	v50 =	vld.idx.msk [tilespmem:v51+s2+$0x0], $0xffff  }
0x20: {  	v54 =	vadd.s32 v2, v49;
	_ =	sdelay $0x3  }
0x21: {  	[tilespmem:s28+$0xFFFFFF10] =	vst v50  }
0x22: {  	v50 =	vld.idx.msk [tilespmem:v54+s2+$0x0], $0xffff  }
0x23: {  	v55 =	vadd.s32 v3, v49;
	_ =	sdelay $0x3  }
0x24: {  	[tilespmem:s28+$0xFFFFFF20] =	vst v50  }
0x25: {  	v50 =	vld.idx.msk [tilespmem:v55+s2+$0x0], $0xffff  }
0x26: {  	v56 =	vadd.s32 v4, v49;
	_ =	sdelay $0x3  }
0x27: {  	[tilespmem:s28+$0xFFFFFF30] =	vst v50  }
0x28: {  	v50 =	vld.idx.msk [tilespmem:v56+s2+$0x0], $0xffff  }
0x29: {  	v57 =	vadd.s32 v5, v49;
	_ =	sdelay $0x3  }
0x2a: {  	[tilespmem:s28+$0xFFFFFF40] =	vst v50  }
0x2b: {  	v50 =	vld.idx.msk [tilespmem:v57+s2+$0x0], $0xffff  }
0x2c: {  	v58 =	vadd.s32 v6, v49;
	_ =	sdelay $0x3  }
0x2d: {  	[tilespmem:s28+$0xFFFFFF50] =	vst v50  }
0x2e: {  	v50 =	vld.idx.msk [tilespmem:v58+s2+$0x0], $0xffff  }
0x2f: {  	v59 =	vadd.s32 v7, v49;
	_ =	sdelay $0x3  }
0x30: {  	[tilespmem:s28+$0xFFFFFF60] =	vst v50  }
0x31: {  	v50 =	vld.idx.msk [tilespmem:v59+s2+$0x0], $0xffff  }
0x32: {  	v60 =	vadd.s32 v8, v49;
	_ =	sdelay $0x3  }
0x33: {  	[tilespmem:s28+$0xFFFFFF70] =	vst v50  }
0x34: {  	v50 =	vld.idx.msk [tilespmem:v60+s2+$0x0], $0xffff  }
0x35: {  	v61 =	vadd.s32 v9, v49;
	_ =	sdelay $0x3  }
0x36: {  	[tilespmem:s28+$0xFFFFFF80] =	vst v50  }
0x37: {  	v50 =	vld.idx.msk [tilespmem:v61+s2+$0x0], $0xffff  }
0x38: {  	v62 =	vadd.s32 v10, v49;
	_ =	sdelay $0x3  }
0x39: {  	[tilespmem:s28+$0xFFFFFF90] =	vst v50  }
0x3a: {  	v50 =	vld.idx.msk [tilespmem:v62+s2+$0x0], $0xffff  }
0x3b: {  	v63 =	vadd.s32 v11, v49;
	_ =	sdelay $0x3  }
0x3c: {  	[tilespmem:s28+$0xFFFFFFA0] =	vst v50  }
0x3d: {  	v50 =	vld.idx.msk [tilespmem:v63+s2+$0x0], $0xffff  }
0x3e: {  	v54 =	vadd.s32 v12, v49;
	_ =	sdelay $0x3  }
0x3f: {  	[tilespmem:s28+$0xFFFFFFB0] =	vst v50  }
0x40: {  	v50 =	vld.idx.msk [tilespmem:v54+s2+$0x0], $0xffff  }
0x41: {  	v55 =	vadd.s32 v13, v49;
	_ =	sdelay $0x3  }
0x42: {  	[tilespmem:s28+$0xFFFFFFC0] =	vst v50  }
0x43: {  	v50 =	vld.idx.msk [tilespmem:v55+s2+$0x0], $0xffff  }
0x44: {  	v56 =	vadd.s32 v14, v49;
	_ =	sdelay $0x3  }
0x45: {  	[tilespmem:s28+$0xFFFFFFD0] =	vst v50  }
0x46: {  	v50 =	vld.idx.msk [tilespmem:v56+s2+$0x0], $0xffff  }
0x47: {  	v57 =	vadd.s32 v15, v49;
	_ =	sdelay $0x3  }
0x48: {  	[tilespmem:s28+$0xFFFFFFE0] =	vst v50  }
0x49: {  	v50 =	vld.idx.msk [tilespmem:v57+s2+$0x0], $0xffff  }
0x4a: {  	v58 =	vadd.s32 v16, v49;
	_ =	sdelay $0x3  }
0x4b: {  	[tilespmem:s28+$0xFFFFFFF0] =	vst v50  }
0x4c: {  	v50 =	vld.idx.msk [tilespmem:v58+s2+$0x0], $0xffff  }
0x4d: {  	v59 =	vadd.s32 v17, v49;
	_ =	sdelay $0x3  }
0x4e: {  	[tilespmem:s28+$0x0] =	vst v50  }
0x4f: {  	v50 =	vld.idx.msk [tilespmem:v59+s2+$0x0], $0xffff  }
0x50: {  	v60 =	vadd.s32 v18, v49;
	_ =	sdelay $0x3  }
0x51: {  	[tilespmem:s28+$0x10] =	vst v50  }
0x52: {  	v50 =	vld.idx.msk [tilespmem:v60+s2+$0x0], $0xffff  }
0x53: {  	v61 =	vadd.s32 v19, v49;
	_ =	sdelay $0x3  }
0x54: {  	[tilespmem:s28+$0x20] =	vst v50  }
0x55: {  	v50 =	vld.idx.msk [tilespmem:v61+s2+$0x0], $0xffff  }
0x56: {  	v62 =	vadd.s32 v20, v49;
	_ =	sdelay $0x3  }
0x57: {  	[tilespmem:s28+$0x30] =	vst v50  }
0x58: {  	v50 =	vld.idx.msk [tilespmem:v62+s2+$0x0], $0xffff  }
0x59: {  	v63 =	vadd.s32 v21, v49;
	_ =	sdelay $0x3  }
0x5a: {  	[tilespmem:s28+$0x40] =	vst v50  }
0x5b: {  	v50 =	vld.idx.msk [tilespmem:v63+s2+$0x0], $0xffff  }
0x5c: {  	v54 =	vadd.s32 v22, v49;
	_ =	sdelay $0x3  }
0x5d: {  	[tilespmem:s28+$0x50] =	vst v50  }
0x5e: {  	v50 =	vld.idx.msk [tilespmem:v54+s2+$0x0], $0xffff  }
0x5f: {  	v55 =	vadd.s32 v23, v49;
	_ =	sdelay $0x3  }
0x60: {  	[tilespmem:s28+$0x60] =	vst v50  }
0x61: {  	v50 =	vld.idx.msk [tilespmem:v55+s2+$0x0], $0xffff  }
0x62: {  	v56 =	vadd.s32 v24, v49;
	_ =	sdelay $0x3  }
0x63: {  	[tilespmem:s28+$0x70] =	vst v50  }
0x64: {  	v50 =	vld.idx.msk [tilespmem:v56+s2+$0x0], $0xffff  }
0x65: {  	v57 =	vadd.s32 v25, v49;
	_ =	sdelay $0x3  }
0x66: {  	[tilespmem:s28+$0x80] =	vst v50  }
0x67: {  	v50 =	vld.idx.msk [tilespmem:v57+s2+$0x0], $0xffff  }
0x68: {  	v58 =	vadd.s32 v26, v49;
	_ =	sdelay $0x3  }
0x69: {  	[tilespmem:s28+$0x90] =	vst v50  }
0x6a: {  	v50 =	vld.idx.msk [tilespmem:v58+s2+$0x0], $0xffff  }
0x6b: {  	v59 =	vadd.s32 v27, v49;
	_ =	sdelay $0x3  }
0x6c: {  	[tilespmem:s28+$0xA0] =	vst v50  }
0x6d: {  	v50 =	vld.idx.msk [tilespmem:v59+s2+$0x0], $0xffff  }
0x6e: {  	v60 =	vadd.s32 v28, v49;
	_ =	sdelay $0x3  }
0x6f: {  	[tilespmem:s28+$0xB0] =	vst v50  }
0x70: {  	v50 =	vld.idx.msk [tilespmem:v60+s2+$0x0], $0xffff  }
0x71: {  	v61 =	vadd.s32 v29, v49;
	_ =	sdelay $0x3  }
0x72: {  	[tilespmem:s28+$0xC0] =	vst v50  }
0x73: {  	v50 =	vld.idx.msk [tilespmem:v61+s2+$0x0], $0xffff  }
0x74: {  	v62 =	vadd.s32 v31, v49;
	_ =	sdelay $0x3  }
0x75: {  	[tilespmem:s28+$0xD0] =	vst v50  }
0x76: {  	v50 =	vld.idx.msk [tilespmem:v62+s2+$0x0], $0xffff  }
0x77: {  	v63 =	vadd.s32 v32, v49;
	_ =	sdelay $0x3  }
0x78: {  	s0 =	simm.s32 $0x1;
	[tilespmem:s28+$0xE0] =	vst v50  }
0x79: {  	v49 =	vmov s0;
	s0 =	simm.s32 $0x2;
	v50 =	vld.idx.msk [tilespmem:v63+s2+$0x0], $0xffff  }
.LBB2_2:
0x7a: {  	p0 =	sne.s32 s0, $0x31;
	v49 =	vand.u32 $0x3F, v49  }
0x7b: {  	v51 =	vadd.s32 v0, v49;
	_ =	sdelay $0x3  }
0x7c: {  	[tilespmem:s28+$0xF0] =	vst v50  }
0x7d: {  	v50 =	vld.idx.msk [tilespmem:v51+s2+$0x0], $0xffff;
	_ =	sdelay $0x1  }
0x7e: {  	v51 =	vadd.s32 v1, v49;
	_ =	sdelay $0x2  }
0x7f: {  	s28 =	sadd.s32 $0x200, s28  }
0x80: {  	[tilespmem:s28+$0xFFFFFF00] =	vst v50  }
0x81: {  	v50 =	vld.idx.msk [tilespmem:v51+s2+$0x0], $0xffff;
	_ =	sdelay $0x1  }
0x82: {  	v51 =	vadd.s32 v2, v49;
	_ =	sdelay $0x3  }
0x83: {  	[tilespmem:s28+$0xFFFFFF10] =	vst v50  }
0x84: {  	v50 =	vld.idx.msk [tilespmem:v51+s2+$0x0], $0xffff;
	_ =	sdelay $0x1  }
0x85: {  	v51 =	vadd.s32 v3, v49;
	_ =	sdelay $0x3  }
0x86: {  	[tilespmem:s28+$0xFFFFFF20] =	vst v50  }
0x87: {  	v50 =	vld.idx.msk [tilespmem:v51+s2+$0x0], $0xffff;
	_ =	sdelay $0x1  }
0x88: {  	v51 =	vadd.s32 v4, v49;
	_ =	sdelay $0x3  }
0x89: {  	[tilespmem:s28+$0xFFFFFF30] =	vst v50  }
0x8a: {  	v50 =	vld.idx.msk [tilespmem:v51+s2+$0x0], $0xffff;
	_ =	sdelay $0x1  }
0x8b: {  	v51 =	vadd.s32 v5, v49;
	_ =	sdelay $0x3  }
0x8c: {  	[tilespmem:s28+$0xFFFFFF40] =	vst v50  }
0x8d: {  	v50 =	vld.idx.msk [tilespmem:v51+s2+$0x0], $0xffff;
	_ =	sdelay $0x1  }
0x8e: {  	v51 =	vadd.s32 v6, v49;
	_ =	sdelay $0x3  }
0x8f: {  	[tilespmem:s28+$0xFFFFFF50] =	vst v50  }
0x90: {  	v50 =	vld.idx.msk [tilespmem:v51+s2+$0x0], $0xffff;
	_ =	sdelay $0x1  }
0x91: {  	v51 =	vadd.s32 v7, v49;
	_ =	sdelay $0x3  }
0x92: {  	[tilespmem:s28+$0xFFFFFF60] =	vst v50  }
0x93: {  	v50 =	vld.idx.msk [tilespmem:v51+s2+$0x0], $0xffff;
	_ =	sdelay $0x1  }
0x94: {  	v51 =	vadd.s32 v8, v49;
	_ =	sdelay $0x3  }
0x95: {  	[tilespmem:s28+$0xFFFFFF70] =	vst v50  }
0x96: {  	v50 =	vld.idx.msk [tilespmem:v51+s2+$0x0], $0xffff;
	_ =	sdelay $0x1  }
0x97: {  	v51 =	vadd.s32 v9, v49;
	_ =	sdelay $0x3  }
0x98: {  	[tilespmem:s28+$0xFFFFFF80] =	vst v50  }
0x99: {  	v50 =	vld.idx.msk [tilespmem:v51+s2+$0x0], $0xffff;
	_ =	sdelay $0x1  }
0x9a: {  	v51 =	vadd.s32 v10, v49;
	_ =	sdelay $0x3  }
0x9b: {  	[tilespmem:s28+$0xFFFFFF90] =	vst v50  }
0x9c: {  	v50 =	vld.idx.msk [tilespmem:v51+s2+$0x0], $0xffff;
	_ =	sdelay $0x1  }
0x9d: {  	v51 =	vadd.s32 v11, v49;
	_ =	sdelay $0x3  }
0x9e: {  	[tilespmem:s28+$0xFFFFFFA0] =	vst v50  }
0x9f: {  	v50 =	vld.idx.msk [tilespmem:v51+s2+$0x0], $0xffff;
	_ =	sdelay $0x1  }
0xa0: {  	v51 =	vadd.s32 v12, v49;
	_ =	sdelay $0x3  }
0xa1: {  	[tilespmem:s28+$0xFFFFFFB0] =	vst v50  }
0xa2: {  	v50 =	vld.idx.msk [tilespmem:v51+s2+$0x0], $0xffff;
	_ =	sdelay $0x1  }
0xa3: {  	v51 =	vadd.s32 v13, v49;
	_ =	sdelay $0x3  }
0xa4: {  	[tilespmem:s28+$0xFFFFFFC0] =	vst v50  }
0xa5: {  	v50 =	vld.idx.msk [tilespmem:v51+s2+$0x0], $0xffff;
	_ =	sdelay $0x1  }
0xa6: {  	v51 =	vadd.s32 v14, v49;
	_ =	sdelay $0x3  }
0xa7: {  	[tilespmem:s28+$0xFFFFFFD0] =	vst v50  }
0xa8: {  	v50 =	vld.idx.msk [tilespmem:v51+s2+$0x0], $0xffff;
	_ =	sdelay $0x1  }
0xa9: {  	v51 =	vadd.s32 v15, v49;
	_ =	sdelay $0x3  }
0xaa: {  	[tilespmem:s28+$0xFFFFFFE0] =	vst v50  }
0xab: {  	v50 =	vld.idx.msk [tilespmem:v51+s2+$0x0], $0xffff;
	_ =	sdelay $0x1  }
0xac: {  	v51 =	vadd.s32 v16, v49;
	_ =	sdelay $0x3  }
0xad: {  	[tilespmem:s28+$0xFFFFFFF0] =	vst v50  }
0xae: {  	v50 =	vld.idx.msk [tilespmem:v51+s2+$0x0], $0xffff;
	_ =	sdelay $0x1  }
0xaf: {  	v51 =	vadd.s32 v17, v49;
	_ =	sdelay $0x3  }
0xb0: {  	[tilespmem:s28+$0x0] =	vst v50  }
0xb1: {  	v50 =	vld.idx.msk [tilespmem:v51+s2+$0x0], $0xffff;
	_ =	sdelay $0x1  }
0xb2: {  	v51 =	vadd.s32 v18, v49;
	_ =	sdelay $0x3  }
0xb3: {  	[tilespmem:s28+$0x10] =	vst v50  }
0xb4: {  	v50 =	vld.idx.msk [tilespmem:v51+s2+$0x0], $0xffff;
	_ =	sdelay $0x1  }
0xb5: {  	v51 =	vadd.s32 v19, v49;
	_ =	sdelay $0x3  }
0xb6: {  	[tilespmem:s28+$0x20] =	vst v50  }
0xb7: {  	v50 =	vld.idx.msk [tilespmem:v51+s2+$0x0], $0xffff;
	_ =	sdelay $0x1  }
0xb8: {  	v51 =	vadd.s32 v20, v49;
	_ =	sdelay $0x3  }
0xb9: {  	[tilespmem:s28+$0x30] =	vst v50  }
0xba: {  	v50 =	vld.idx.msk [tilespmem:v51+s2+$0x0], $0xffff;
	_ =	sdelay $0x1  }
0xbb: {  	v51 =	vadd.s32 v21, v49;
	_ =	sdelay $0x3  }
0xbc: {  	[tilespmem:s28+$0x40] =	vst v50  }
0xbd: {  	v50 =	vld.idx.msk [tilespmem:v51+s2+$0x0], $0xffff;
	_ =	sdelay $0x1  }
0xbe: {  	v51 =	vadd.s32 v22, v49;
	_ =	sdelay $0x3  }
0xbf: {  	[tilespmem:s28+$0x50] =	vst v50  }
0xc0: {  	v50 =	vld.idx.msk [tilespmem:v51+s2+$0x0], $0xffff;
	_ =	sdelay $0x1  }
0xc1: {  	v51 =	vadd.s32 v23, v49;
	_ =	sdelay $0x3  }
0xc2: {  	[tilespmem:s28+$0x60] =	vst v50  }
0xc3: {  	v50 =	vld.idx.msk [tilespmem:v51+s2+$0x0], $0xffff;
	_ =	sdelay $0x1  }
0xc4: {  	v51 =	vadd.s32 v24, v49;
	_ =	sdelay $0x3  }
0xc5: {  	[tilespmem:s28+$0x70] =	vst v50  }
0xc6: {  	v50 =	vld.idx.msk [tilespmem:v51+s2+$0x0], $0xffff;
	_ =	sdelay $0x1  }
0xc7: {  	v51 =	vadd.s32 v25, v49;
	_ =	sdelay $0x3  }
0xc8: {  	[tilespmem:s28+$0x80] =	vst v50  }
0xc9: {  	v50 =	vld.idx.msk [tilespmem:v51+s2+$0x0], $0xffff;
	_ =	sdelay $0x1  }
0xca: {  	v51 =	vadd.s32 v26, v49;
	_ =	sdelay $0x3  }
0xcb: {  	[tilespmem:s28+$0x90] =	vst v50  }
0xcc: {  	v50 =	vld.idx.msk [tilespmem:v51+s2+$0x0], $0xffff;
	_ =	sdelay $0x1  }
0xcd: {  	v51 =	vadd.s32 v27, v49;
	_ =	sdelay $0x3  }
0xce: {  	[tilespmem:s28+$0xA0] =	vst v50  }
0xcf: {  	v50 =	vld.idx.msk [tilespmem:v51+s2+$0x0], $0xffff;
	_ =	sdelay $0x1  }
0xd0: {  	v51 =	vadd.s32 v28, v49;
	_ =	sdelay $0x3  }
0xd1: {  	[tilespmem:s28+$0xB0] =	vst v50  }
0xd2: {  	v50 =	vld.idx.msk [tilespmem:v51+s2+$0x0], $0xffff;
	_ =	sdelay $0x1  }
0xd3: {  	v51 =	vadd.s32 v29, v49;
	_ =	sdelay $0x3  }
0xd4: {  	[tilespmem:s28+$0xC0] =	vst v50  }
0xd5: {  	v50 =	vld.idx.msk [tilespmem:v51+s2+$0x0], $0xffff;
	_ =	sdelay $0x1  }
0xd6: {  	v51 =	vadd.s32 v31, v49;
	_ =	sdelay $0x3  }
0xd7: {  	[tilespmem:s28+$0xD0] =	vst v50  }
0xd8: {  	v50 =	vld.idx.msk [tilespmem:v51+s2+$0x0], $0xffff;
	_ =	sdelay $0x1  }
0xd9: {  	v51 =	vadd.s32 v32, v49  }
.Ltmp0:
0xda: {  	(pc) =	sbr.rel @p0 .LBB2_2-.Ltmp0, $3  }
0xdb: {  	_ =	sdelay $0x1  }
0xdc: {  	[tilespmem:s28+$0xE0] =	vst v50  }
0xdd: {  	v49 =	vmov s0;
	s0 =	sadd.s32 $0x1, s0;
	v50 =	vld.idx.msk [tilespmem:v51+s2+$0x0], $0xffff  }
0xde: {  	v49 =	vand.u32 $0x3F, v49  }
0xdf: {  	v51 =	vadd.s32 v0, v49;
	_ =	sdelay $0x3  }
0xe0: {  	[tilespmem:s28+$0xF0] =	vst v50  }
0xe1: {  	v50 =	vld.idx.msk [tilespmem:v51+s2+$0x0], $0xffff  }
0xe2: {  	v58 =	vadd.s32 v1, v49;
	_ =	sdelay $0x2  }
0xe3: {  	s0 =	sadd.s32 $0x200, s28  }
0xe4: {  	[tilespmem:s0+$0xFFFFFF00] =	vst v50  }
0xe5: {  	v50 =	vld.idx.msk [tilespmem:v58+s2+$0x0], $0xffff  }
0xe6: {  	v59 =	vadd.s32 v2, v49;
	_ =	sdelay $0x3  }
0xe7: {  	[tilespmem:s0+$0xFFFFFF10] =	vst v50  }
0xe8: {  	v50 =	vld.idx.msk [tilespmem:v59+s2+$0x0], $0xffff  }
0xe9: {  	v60 =	vadd.s32 v3, v49;
	_ =	sdelay $0x3  }
0xea: {  	[tilespmem:s0+$0xFFFFFF20] =	vst v50  }
0xeb: {  	v50 =	vld.idx.msk [tilespmem:v60+s2+$0x0], $0xffff  }
0xec: {  	v61 =	vadd.s32 v4, v49;
	_ =	sdelay $0x3  }
0xed: {  	[tilespmem:s0+$0xFFFFFF30] =	vst v50  }
0xee: {  	v50 =	vld.idx.msk [tilespmem:v61+s2+$0x0], $0xffff  }
0xef: {  	v62 =	vadd.s32 v5, v49;
	_ =	sdelay $0x3  }
0xf0: {  	[tilespmem:s0+$0xFFFFFF40] =	vst v50  }
0xf1: {  	v50 =	vld.idx.msk [tilespmem:v62+s2+$0x0], $0xffff  }
0xf2: {  	v63 =	vadd.s32 v6, v49;
	_ =	sdelay $0x3  }
0xf3: {  	[tilespmem:s0+$0xFFFFFF50] =	vst v50  }
0xf4: {  	v50 =	vld.idx.msk [tilespmem:v63+s2+$0x0], $0xffff  }
0xf5: {  	v54 =	vadd.s32 v7, v49;
	_ =	sdelay $0x3  }
0xf6: {  	[tilespmem:s0+$0xFFFFFF60] =	vst v50  }
0xf7: {  	v50 =	vld.idx.msk [tilespmem:v54+s2+$0x0], $0xffff  }
0xf8: {  	v55 =	vadd.s32 v8, v49;
	_ =	sdelay $0x3  }
0xf9: {  	[tilespmem:s0+$0xFFFFFF70] =	vst v50  }
0xfa: {  	v50 =	vld.idx.msk [tilespmem:v55+s2+$0x0], $0xffff  }
0xfb: {  	v56 =	vadd.s32 v9, v49;
	_ =	sdelay $0x3  }
0xfc: {  	[tilespmem:s0+$0xFFFFFF80] =	vst v50  }
0xfd: {  	v50 =	vld.idx.msk [tilespmem:v56+s2+$0x0], $0xffff  }
0xfe: {  	v57 =	vadd.s32 v10, v49;
	_ =	sdelay $0x3  }
0xff: {  	[tilespmem:s0+$0xFFFFFF90] =	vst v50  }
0x100: {  	v50 =	vld.idx.msk [tilespmem:v57+s2+$0x0], $0xffff  }
0x101: {  	v58 =	vadd.s32 v11, v49;
	_ =	sdelay $0x3  }
0x102: {  	[tilespmem:s0+$0xFFFFFFA0] =	vst v50  }
0x103: {  	v50 =	vld.idx.msk [tilespmem:v58+s2+$0x0], $0xffff  }
0x104: {  	v59 =	vadd.s32 v12, v49;
	_ =	sdelay $0x3  }
0x105: {  	[tilespmem:s0+$0xFFFFFFB0] =	vst v50  }
0x106: {  	v50 =	vld.idx.msk [tilespmem:v59+s2+$0x0], $0xffff  }
0x107: {  	v60 =	vadd.s32 v13, v49;
	_ =	sdelay $0x3  }
0x108: {  	[tilespmem:s0+$0xFFFFFFC0] =	vst v50  }
0x109: {  	v50 =	vld.idx.msk [tilespmem:v60+s2+$0x0], $0xffff  }
0x10a: {  	v61 =	vadd.s32 v14, v49;
	_ =	sdelay $0x3  }
0x10b: {  	[tilespmem:s0+$0xFFFFFFD0] =	vst v50  }
0x10c: {  	v50 =	vld.idx.msk [tilespmem:v61+s2+$0x0], $0xffff  }
0x10d: {  	v62 =	vadd.s32 v15, v49;
	_ =	sdelay $0x3  }
0x10e: {  	[tilespmem:s0+$0xFFFFFFE0] =	vst v50  }
0x10f: {  	v50 =	vld.idx.msk [tilespmem:v62+s2+$0x0], $0xffff  }
0x110: {  	v63 =	vadd.s32 v16, v49;
	_ =	sdelay $0x3  }
0x111: {  	[tilespmem:s0+$0xFFFFFFF0] =	vst v50  }
0x112: {  	v50 =	vld.idx.msk [tilespmem:v63+s2+$0x0], $0xffff  }
0x113: {  	v54 =	vadd.s32 v17, v49;
	_ =	sdelay $0x3  }
0x114: {  	[tilespmem:s0+$0x0] =	vst v50  }
0x115: {  	v50 =	vld.idx.msk [tilespmem:v54+s2+$0x0], $0xffff  }
0x116: {  	v55 =	vadd.s32 v18, v49;
	_ =	sdelay $0x3  }
0x117: {  	[tilespmem:s0+$0x10] =	vst v50  }
0x118: {  	v50 =	vld.idx.msk [tilespmem:v55+s2+$0x0], $0xffff  }
0x119: {  	v56 =	vadd.s32 v19, v49;
	_ =	sdelay $0x3  }
0x11a: {  	[tilespmem:s0+$0x20] =	vst v50  }
0x11b: {  	v50 =	vld.idx.msk [tilespmem:v56+s2+$0x0], $0xffff  }
0x11c: {  	v57 =	vadd.s32 v20, v49;
	_ =	sdelay $0x3  }
0x11d: {  	[tilespmem:s0+$0x30] =	vst v50  }
0x11e: {  	v50 =	vld.idx.msk [tilespmem:v57+s2+$0x0], $0xffff  }
0x11f: {  	v58 =	vadd.s32 v21, v49;
	_ =	sdelay $0x3  }
0x120: {  	[tilespmem:s0+$0x40] =	vst v50  }
0x121: {  	v50 =	vld.idx.msk [tilespmem:v58+s2+$0x0], $0xffff  }
0x122: {  	v59 =	vadd.s32 v22, v49;
	_ =	sdelay $0x3  }
0x123: {  	[tilespmem:s0+$0x50] =	vst v50  }
0x124: {  	v50 =	vld.idx.msk [tilespmem:v59+s2+$0x0], $0xffff  }
0x125: {  	v60 =	vadd.s32 v23, v49;
	_ =	sdelay $0x3  }
0x126: {  	[tilespmem:s0+$0x60] =	vst v50  }
0x127: {  	v50 =	vld.idx.msk [tilespmem:v60+s2+$0x0], $0xffff  }
0x128: {  	v61 =	vadd.s32 v24, v49;
	_ =	sdelay $0x3  }
0x129: {  	[tilespmem:s0+$0x70] =	vst v50  }
0x12a: {  	v50 =	vld.idx.msk [tilespmem:v61+s2+$0x0], $0xffff  }
0x12b: {  	v62 =	vadd.s32 v25, v49;
	_ =	sdelay $0x3  }
0x12c: {  	[tilespmem:s0+$0x80] =	vst v50  }
0x12d: {  	v50 =	vld.idx.msk [tilespmem:v62+s2+$0x0], $0xffff  }
0x12e: {  	v63 =	vadd.s32 v26, v49;
	_ =	sdelay $0x3  }
0x12f: {  	[tilespmem:s0+$0x90] =	vst v50  }
0x130: {  	v50 =	vld.idx.msk [tilespmem:v63+s2+$0x0], $0xffff  }
0x131: {  	v54 =	vadd.s32 v27, v49;
	_ =	sdelay $0x3  }
0x132: {  	[tilespmem:s0+$0xA0] =	vst v50  }
0x133: {  	v50 =	vld.idx.msk [tilespmem:v54+s2+$0x0], $0xffff  }
0x134: {  	v55 =	vadd.s32 v28, v49;
	_ =	sdelay $0x3  }
0x135: {  	[tilespmem:s0+$0xB0] =	vst v50  }
0x136: {  	v50 =	vld.idx.msk [tilespmem:v55+s2+$0x0], $0xffff  }
0x137: {  	v56 =	vadd.s32 v29, v49;
	_ =	sdelay $0x3  }
0x138: {  	[tilespmem:s0+$0xC0] =	vst v50  }
0x139: {  	v50 =	vld.idx.msk [tilespmem:v56+s2+$0x0], $0xffff  }
0x13a: {  	v57 =	vadd.s32 v31, v49;
	_ =	sdelay $0x3  }
0x13b: {  	[tilespmem:s0+$0xD0] =	vst v50  }
0x13c: {  	v50 =	vld.idx.msk [tilespmem:v57+s2+$0x0], $0xffff  }
0x13d: {  	v49 =	vadd.s32 v32, v49;
	_ =	sdelay $0x3  }
0x13e: {  	[tilespmem:s0+$0xE0] =	vst v50  }
0x13f: {  	v49 =	vld.idx.msk [tilespmem:v49+s2+$0x0], $0xffff;
	_ =	sdelay $0x4  }
0x140: {  	s14 =	simm.s32 $0x7000;
	s31 =	simm.s32 $0x0;
	[tilespmem:s0+$0xF0] =	vst v49  }
0x141: {  	v58 =	vmov s31;
	[tilespmem:s15], [sflag:$0x1] =	stream.indirect.gather [hbm4b:s5+s13], $0x20, s14, s13, $0xb8;
	[tilespmem:$0x1D600] =	vst v63  }
0x142: {  	v49 =	vshrl.u32 v58, $0x3;
	_ =	swait.ge [sflag:s16], $0x4000  }
0x143: {  	v49 =	vshll.u32 v49, v33;
	[sflag:s16] =	ssyncset.done $0x0  }
0x144: {  	s28 =	simm.s32 $0xD500;
	v49 =	vbroadcast v49, $0x0;
	[sflag:s16] =	ssyncadd.s32 $0xFFFFC000  }
0x145: {  	[tilespmem:s18], [sflag:$0x2] =	stream.indirect.gather [hbm4b:s5+s13], $0x20, s17, s13, $0xb8;
	[tilespmem:$0x1D600] =	vst v63  }
0x146: {  	v60 =	vadd.s32 v30, v49;
	v59 =	vld [tilespmem:s28+$0xFFFFFF00];
	_ =	sdelay $0x4  }
0x147: {  	[tilespmem:v60+s19+$0x0] =	vst.idx.msk $0xffff, v59  }
0x148: {  	s1 =	simm.s32 $0x1;
	v49 =	vadd.s32 v34, v49;
	v50 =	vld [tilespmem:s28+$0xFFFFFF10]  }
0x149: {  	v61 =	vmov s1  }
0x14a: {  	v51 =	vshrl.u32 v61, $0x3  }
0x14b: {  	v51 =	vshll.u32 v51, v33  }
0x14c: {  	v51 =	vbroadcast v51, $0x0  }
0x14d: {  	[tilespmem:v49+s19+$0x0] =	vst.idx.msk $0xffff, v50  }
0x14e: {  	v62 =	vadd.s32 v35, v51;
	v49 =	vld [tilespmem:s28+$0xFFFFFF20];
	_ =	sdelay $0x4  }
0x14f: {  	[tilespmem:v62+s19+$0x0] =	vst.idx.msk $0xffff, v49  }
0x150: {  	v63 =	vadd.s32 v36, v51;
	s14 =	simm.s32 $0x2;
	v49 =	vld [tilespmem:s28+$0xFFFFFF30]  }
0x151: {  	v54 =	vmov s14  }
0x152: {  	v51 =	vshrl.u32 v54, $0x3  }
0x153: {  	v51 =	vshll.u32 v51, v33  }
0x154: {  	v51 =	vbroadcast v51, $0x0  }
0x155: {  	[tilespmem:v63+s19+$0x0] =	vst.idx.msk $0xffff, v49  }
0x156: {  	v55 =	vadd.s32 v37, v51;
	v49 =	vld [tilespmem:s28+$0xFFFFFF40];
	_ =	sdelay $0x4  }
0x157: {  	[tilespmem:v55+s19+$0x0] =	vst.idx.msk $0xffff, v49  }
0x158: {  	s31 =	simm.s32 $0x3;
	v56 =	vadd.s32 v38, v51;
	v49 =	vld [tilespmem:s28+$0xFFFFFF50]  }
0x159: {  	v57 =	vmov s31  }
0x15a: {  	v51 =	vshrl.u32 v57, $0x3  }
0x15b: {  	v51 =	vshll.u32 v51, v33  }
0x15c: {  	v51 =	vbroadcast v51, $0x0  }
0x15d: {  	[tilespmem:v56+s19+$0x0] =	vst.idx.msk $0xffff, v49  }
0x15e: {  	v58 =	vadd.s32 v39, v51;
	v49 =	vld [tilespmem:s28+$0xFFFFFF60];
	_ =	sdelay $0x4  }
0x15f: {  	[tilespmem:v58+s19+$0x0] =	vst.idx.msk $0xffff, v49  }
0x160: {  	s1 =	simm.s32 $0x4;
	v59 =	vadd.s32 v40, v51;
	v49 =	vld [tilespmem:s28+$0xFFFFFF70]  }
0x161: {  	v60 =	vmov s1  }
0x162: {  	v51 =	vshrl.u32 v60, $0x3  }
0x163: {  	v51 =	vshll.u32 v51, v33  }
0x164: {  	v51 =	vbroadcast v51, $0x0  }
0x165: {  	[tilespmem:v59+s19+$0x0] =	vst.idx.msk $0xffff, v49  }
0x166: {  	v61 =	vadd.s32 v41, v51;
	v49 =	vld [tilespmem:s28+$0xFFFFFF80];
	_ =	sdelay $0x4  }
0x167: {  	[tilespmem:v61+s19+$0x0] =	vst.idx.msk $0xffff, v49  }
0x168: {  	s14 =	simm.s32 $0x5;
	v62 =	vadd.s32 v42, v51;
	v49 =	vld [tilespmem:s28+$0xFFFFFF90]  }
0x169: {  	v63 =	vmov s14  }
0x16a: {  	v51 =	vshrl.u32 v63, $0x3  }
0x16b: {  	v51 =	vshll.u32 v51, v33  }
0x16c: {  	v51 =	vbroadcast v51, $0x0  }
0x16d: {  	[tilespmem:v62+s19+$0x0] =	vst.idx.msk $0xffff, v49  }
0x16e: {  	v53 =	vadd.s32 v43, v51;
	v49 =	vld [tilespmem:s28+$0xFFFFFFA0];
	_ =	sdelay $0x4  }
0x16f: {  	[tilespmem:v53+s19+$0x0] =	vst.idx.msk $0xffff, v49  }
0x170: {  	s31 =	simm.s32 $0x6;
	v54 =	vadd.s32 v44, v51;
	v49 =	vld [tilespmem:s28+$0xFFFFFFB0]  }
0x171: {  	v55 =	vmov s31  }
0x172: {  	v51 =	vshrl.u32 v55, $0x3  }
0x173: {  	v51 =	vshll.u32 v51, v33  }
0x174: {  	v51 =	vbroadcast v51, $0x0  }
0x175: {  	[tilespmem:v54+s19+$0x0] =	vst.idx.msk $0xffff, v49  }
0x176: {  	v56 =	vadd.s32 v45, v51;
	v49 =	vld [tilespmem:s28+$0xFFFFFFC0];
	_ =	sdelay $0x4  }
0x177: {  	[tilespmem:v56+s19+$0x0] =	vst.idx.msk $0xffff, v49  }
0x178: {  	s1 =	simm.s32 $0x7;
	v57 =	vadd.s32 v46, v51;
	v49 =	vld [tilespmem:s28+$0xFFFFFFD0]  }
0x179: {  	v58 =	vmov s1  }
0x17a: {  	v51 =	vshrl.u32 v58, $0x3  }
0x17b: {  	v51 =	vshll.u32 v51, v33  }
0x17c: {  	v51 =	vbroadcast v51, $0x0  }
0x17d: {  	[tilespmem:v57+s19+$0x0] =	vst.idx.msk $0xffff, v49  }
0x17e: {  	v59 =	vadd.s32 v47, v51;
	v49 =	vld [tilespmem:s28+$0xFFFFFFE0];
	_ =	sdelay $0x4  }
0x17f: {  	[tilespmem:v59+s19+$0x0] =	vst.idx.msk $0xffff, v49  }
0x180: {  	s14 =	simm.s32 $0x8;
	v60 =	vadd.s32 v48, v51;
	v49 =	vld [tilespmem:s28+$0xFFFFFFF0]  }
0x181: {  	v61 =	vmov s14  }
0x182: {  	v51 =	vshrl.u32 v61, $0x3  }
0x183: {  	v51 =	vshll.u32 v51, v33  }
0x184: {  	v51 =	vbroadcast v51, $0x0  }
0x185: {  	[tilespmem:v60+s19+$0x0] =	vst.idx.msk $0xffff, v49  }
0x186: {  	v62 =	vadd.s32 v30, v51;
	v49 =	vld [tilespmem:s28+$0x0];
	_ =	sdelay $0x4  }
0x187: {  	[tilespmem:v62+s19+$0x0] =	vst.idx.msk $0xffff, v49  }
0x188: {  	s31 =	simm.s32 $0x9;
	v63 =	vadd.s32 v34, v51;
	v49 =	vld [tilespmem:s28+$0x10]  }
0x189: {  	v54 =	vmov s31  }
0x18a: {  	v51 =	vshrl.u32 v54, $0x3  }
0x18b: {  	v51 =	vshll.u32 v51, v33  }
0x18c: {  	v51 =	vbroadcast v51, $0x0  }
0x18d: {  	[tilespmem:v63+s19+$0x0] =	vst.idx.msk $0xffff, v49  }
0x18e: {  	v55 =	vadd.s32 v35, v51;
	v49 =	vld [tilespmem:s28+$0x20];
	_ =	sdelay $0x4  }
0x18f: {  	[tilespmem:v55+s19+$0x0] =	vst.idx.msk $0xffff, v49  }
0x190: {  	s1 =	simm.s32 $0xA;
	v56 =	vadd.s32 v36, v51;
	v49 =	vld [tilespmem:s28+$0x30]  }
0x191: {  	v57 =	vmov s1  }
0x192: {  	v51 =	vshrl.u32 v57, $0x3  }
0x193: {  	v51 =	vshll.u32 v51, v33  }
0x194: {  	v51 =	vbroadcast v51, $0x0  }
0x195: {  	[tilespmem:v56+s19+$0x0] =	vst.idx.msk $0xffff, v49  }
0x196: {  	v58 =	vadd.s32 v37, v51;
	v49 =	vld [tilespmem:s28+$0x40];
	_ =	sdelay $0x4  }
0x197: {  	[tilespmem:v58+s19+$0x0] =	vst.idx.msk $0xffff, v49  }
0x198: {  	s14 =	simm.s32 $0xB;
	v59 =	vadd.s32 v38, v51;
	v49 =	vld [tilespmem:s28+$0x50]  }
0x199: {  	v60 =	vmov s14  }
0x19a: {  	v51 =	vshrl.u32 v60, $0x3  }
0x19b: {  	v51 =	vshll.u32 v51, v33  }
0x19c: {  	v51 =	vbroadcast v51, $0x0  }
0x19d: {  	[tilespmem:v59+s19+$0x0] =	vst.idx.msk $0xffff, v49  }
0x19e: {  	v61 =	vadd.s32 v39, v51;
	v49 =	vld [tilespmem:s28+$0x60];
	_ =	sdelay $0x4  }
0x19f: {  	[tilespmem:v61+s19+$0x0] =	vst.idx.msk $0xffff, v49  }
0x1a0: {  	s31 =	simm.s32 $0xC;
	v62 =	vadd.s32 v40, v51;
	v49 =	vld [tilespmem:s28+$0x70]  }
0x1a1: {  	v63 =	vmov s31  }
0x1a2: {  	v51 =	vshrl.u32 v63, $0x3  }
0x1a3: {  	v51 =	vshll.u32 v51, v33  }
0x1a4: {  	v51 =	vbroadcast v51, $0x0  }
0x1a5: {  	[tilespmem:v62+s19+$0x0] =	vst.idx.msk $0xffff, v49  }
0x1a6: {  	v54 =	vadd.s32 v41, v51;
	v49 =	vld [tilespmem:s28+$0x80];
	_ =	sdelay $0x4  }
0x1a7: {  	[tilespmem:v54+s19+$0x0] =	vst.idx.msk $0xffff, v49  }
0x1a8: {  	s1 =	simm.s32 $0xD;
	v55 =	vadd.s32 v42, v51;
	v49 =	vld [tilespmem:s28+$0x90]  }
0x1a9: {  	v56 =	vmov s1  }
0x1aa: {  	v51 =	vshrl.u32 v56, $0x3  }
0x1ab: {  	v51 =	vshll.u32 v51, v33  }
0x1ac: {  	v51 =	vbroadcast v51, $0x0  }
0x1ad: {  	[tilespmem:v55+s19+$0x0] =	vst.idx.msk $0xffff, v49  }
0x1ae: {  	v57 =	vadd.s32 v43, v51;
	v49 =	vld [tilespmem:s28+$0xA0];
	_ =	sdelay $0x4  }
0x1af: {  	[tilespmem:v57+s19+$0x0] =	vst.idx.msk $0xffff, v49  }
0x1b0: {  	s14 =	simm.s32 $0xE;
	v58 =	vadd.s32 v44, v51;
	v49 =	vld [tilespmem:s28+$0xB0]  }
0x1b1: {  	v59 =	vmov s14  }
0x1b2: {  	v51 =	vshrl.u32 v59, $0x3  }
0x1b3: {  	v51 =	vshll.u32 v51, v33  }
0x1b4: {  	v51 =	vbroadcast v51, $0x0  }
0x1b5: {  	[tilespmem:v58+s19+$0x0] =	vst.idx.msk $0xffff, v49  }
0x1b6: {  	v60 =	vadd.s32 v45, v51;
	v49 =	vld [tilespmem:s28+$0xC0];
	_ =	sdelay $0x4  }
0x1b7: {  	[tilespmem:v60+s19+$0x0] =	vst.idx.msk $0xffff, v49  }
0x1b8: {  	s31 =	simm.s32 $0xF;
	v61 =	vadd.s32 v46, v51;
	v49 =	vld [tilespmem:s28+$0xD0]  }
0x1b9: {  	v62 =	vmov s31  }
0x1ba: {  	v51 =	vshrl.u32 v62, $0x3  }
0x1bb: {  	v51 =	vshll.u32 v51, v33  }
0x1bc: {  	v51 =	vbroadcast v51, $0x0  }
0x1bd: {  	[tilespmem:v61+s19+$0x0] =	vst.idx.msk $0xffff, v49  }
0x1be: {  	v63 =	vadd.s32 v47, v51;
	v49 =	vld [tilespmem:s28+$0xE0];
	_ =	sdelay $0x4  }
0x1bf: {  	[tilespmem:v63+s19+$0x0] =	vst.idx.msk $0xffff, v49  }
0x1c0: {  	s29 =	simm.s32 $0x1F;
	s30 =	simm.s32 $0x2F;
	s0 =	simm.s32 $0x10;
	v50 =	vadd.s32 v48, v51;
	v49 =	vld [tilespmem:s28+$0xF0]  }
.LBB2_4:
0x1c1: {  	p0 =	sne.s32 s30, $0x1FF;
	v51 =	vmov s0  }
0x1c2: {  	v51 =	vshrl.u32 v51, $0x3  }
0x1c3: {  	v51 =	vshll.u32 v51, v33  }
0x1c4: {  	v51 =	vbroadcast v51, $0x0  }
0x1c5: {  	s28 =	sadd.s32 $0x200, s28;
	[tilespmem:v50+s19+$0x0] =	vst.idx.msk $0xffff, v49  }
0x1c6: {  	v49 =	vld [tilespmem:s28+$0xFFFFFF00];
	v50 =	vadd.s32 v30, v51;
	_ =	sdelay $0x4  }
0x1c7: {  	[tilespmem:v50+s19+$0x0] =	vst.idx.msk $0xffff, v49  }
0x1c8: {  	s0 =	sadd.s32 $0xFFFFFFF2, s29;
	v50 =	vadd.s32 v34, v51;
	v49 =	vld [tilespmem:s28+$0xFFFFFF10]  }
0x1c9: {  	v51 =	vmov s0  }
0x1ca: {  	v51 =	vshrl.u32 v51, $0x3  }
0x1cb: {  	v51 =	vshll.u32 v51, v33  }
0x1cc: {  	v51 =	vbroadcast v51, $0x0  }
0x1cd: {  	[tilespmem:v50+s19+$0x0] =	vst.idx.msk $0xffff, v49  }
0x1ce: {  	v50 =	vadd.s32 v35, v51;
	v49 =	vld [tilespmem:s28+$0xFFFFFF20];
	_ =	sdelay $0x4  }
0x1cf: {  	[tilespmem:v50+s19+$0x0] =	vst.idx.msk $0xffff, v49  }
0x1d0: {  	s0 =	sadd.s32 $0xFFFFFFF3, s29;
	v50 =	vadd.s32 v36, v51;
	v49 =	vld [tilespmem:s28+$0xFFFFFF30]  }
0x1d1: {  	v51 =	vmov s0  }
0x1d2: {  	v51 =	vshrl.u32 v51, $0x3  }
0x1d3: {  	v51 =	vshll.u32 v51, v33  }
0x1d4: {  	v51 =	vbroadcast v51, $0x0  }
0x1d5: {  	[tilespmem:v50+s19+$0x0] =	vst.idx.msk $0xffff, v49  }
0x1d6: {  	v50 =	vadd.s32 v37, v51;
	v49 =	vld [tilespmem:s28+$0xFFFFFF40];
	_ =	sdelay $0x4  }
0x1d7: {  	[tilespmem:v50+s19+$0x0] =	vst.idx.msk $0xffff, v49  }
0x1d8: {  	s0 =	sadd.s32 $0xFFFFFFF4, s29;
	v50 =	vadd.s32 v38, v51;
	v49 =	vld [tilespmem:s28+$0xFFFFFF50]  }
0x1d9: {  	v51 =	vmov s0  }
0x1da: {  	v51 =	vshrl.u32 v51, $0x3  }
0x1db: {  	v51 =	vshll.u32 v51, v33  }
0x1dc: {  	v51 =	vbroadcast v51, $0x0  }
0x1dd: {  	[tilespmem:v50+s19+$0x0] =	vst.idx.msk $0xffff, v49  }
0x1de: {  	v50 =	vadd.s32 v39, v51;
	v49 =	vld [tilespmem:s28+$0xFFFFFF60];
	_ =	sdelay $0x4  }
0x1df: {  	[tilespmem:v50+s19+$0x0] =	vst.idx.msk $0xffff, v49  }
0x1e0: {  	s0 =	sadd.s32 $0xFFFFFFF5, s29;
	v50 =	vadd.s32 v40, v51;
	v49 =	vld [tilespmem:s28+$0xFFFFFF70]  }
0x1e1: {  	v51 =	vmov s0  }
0x1e2: {  	v51 =	vshrl.u32 v51, $0x3  }
0x1e3: {  	v51 =	vshll.u32 v51, v33  }
0x1e4: {  	v51 =	vbroadcast v51, $0x0  }
0x1e5: {  	[tilespmem:v50+s19+$0x0] =	vst.idx.msk $0xffff, v49  }
0x1e6: {  	v50 =	vadd.s32 v41, v51;
	v49 =	vld [tilespmem:s28+$0xFFFFFF80];
	_ =	sdelay $0x4  }
0x1e7: {  	[tilespmem:v50+s19+$0x0] =	vst.idx.msk $0xffff, v49  }
0x1e8: {  	s0 =	sadd.s32 $0xFFFFFFF6, s29;
	v50 =	vadd.s32 v42, v51;
	v49 =	vld [tilespmem:s28+$0xFFFFFF90]  }
0x1e9: {  	v51 =	vmov s0  }
0x1ea: {  	v51 =	vshrl.u32 v51, $0x3  }
0x1eb: {  	v51 =	vshll.u32 v51, v33  }
0x1ec: {  	v51 =	vbroadcast v51, $0x0  }
0x1ed: {  	[tilespmem:v50+s19+$0x0] =	vst.idx.msk $0xffff, v49  }
0x1ee: {  	v50 =	vadd.s32 v43, v51;
	v49 =	vld [tilespmem:s28+$0xFFFFFFA0];
	_ =	sdelay $0x4  }
0x1ef: {  	[tilespmem:v50+s19+$0x0] =	vst.idx.msk $0xffff, v49  }
0x1f0: {  	s0 =	sadd.s32 $0xFFFFFFF7, s29;
	v50 =	vadd.s32 v44, v51;
	v49 =	vld [tilespmem:s28+$0xFFFFFFB0]  }
0x1f1: {  	v51 =	vmov s0  }
0x1f2: {  	v51 =	vshrl.u32 v51, $0x3  }
0x1f3: {  	v51 =	vshll.u32 v51, v33  }
0x1f4: {  	v51 =	vbroadcast v51, $0x0  }
0x1f5: {  	[tilespmem:v50+s19+$0x0] =	vst.idx.msk $0xffff, v49  }
0x1f6: {  	v50 =	vadd.s32 v45, v51;
	v49 =	vld [tilespmem:s28+$0xFFFFFFC0];
	_ =	sdelay $0x4  }
0x1f7: {  	[tilespmem:v50+s19+$0x0] =	vst.idx.msk $0xffff, v49  }
0x1f8: {  	s0 =	sadd.s32 $0xFFFFFFF8, s29;
	v50 =	vadd.s32 v46, v51;
	v49 =	vld [tilespmem:s28+$0xFFFFFFD0]  }
0x1f9: {  	v51 =	vmov s0  }
0x1fa: {  	v51 =	vshrl.u32 v51, $0x3  }
0x1fb: {  	v51 =	vshll.u32 v51, v33  }
0x1fc: {  	v51 =	vbroadcast v51, $0x0  }
0x1fd: {  	[tilespmem:v50+s19+$0x0] =	vst.idx.msk $0xffff, v49  }
0x1fe: {  	v50 =	vadd.s32 v47, v51;
	v49 =	vld [tilespmem:s28+$0xFFFFFFE0];
	_ =	sdelay $0x4  }
0x1ff: {  	[tilespmem:v50+s19+$0x0] =	vst.idx.msk $0xffff, v49  }
0x200: {  	s0 =	sadd.s32 $0xFFFFFFF9, s29;
	v50 =	vadd.s32 v48, v51;
	v49 =	vld [tilespmem:s28+$0xFFFFFFF0]  }
0x201: {  	v51 =	vmov s0  }
0x202: {  	v51 =	vshrl.u32 v51, $0x3  }
0x203: {  	v51 =	vshll.u32 v51, v33  }
0x204: {  	v51 =	vbroadcast v51, $0x0  }
0x205: {  	[tilespmem:v50+s19+$0x0] =	vst.idx.msk $0xffff, v49  }
0x206: {  	v50 =	vadd.s32 v30, v51;
	v49 =	vld [tilespmem:s28+$0x0];
	_ =	sdelay $0x4  }
0x207: {  	[tilespmem:v50+s19+$0x0] =	vst.idx.msk $0xffff, v49  }
0x208: {  	s0 =	sadd.s32 $0xFFFFFFFA, s29;
	v50 =	vadd.s32 v34, v51;
	v49 =	vld [tilespmem:s28+$0x10]  }
0x209: {  	v51 =	vmov s0  }
0x20a: {  	v51 =	vshrl.u32 v51, $0x3  }
0x20b: {  	v51 =	vshll.u32 v51, v33  }
0x20c: {  	v51 =	vbroadcast v51, $0x0  }
0x20d: {  	[tilespmem:v50+s19+$0x0] =	vst.idx.msk $0xffff, v49  }
0x20e: {  	v50 =	vadd.s32 v35, v51;
	v49 =	vld [tilespmem:s28+$0x20];
	_ =	sdelay $0x4  }
0x20f: {  	[tilespmem:v50+s19+$0x0] =	vst.idx.msk $0xffff, v49  }
0x210: {  	s0 =	sadd.s32 $0xFFFFFFFB, s29;
	v50 =	vadd.s32 v36, v51;
	v49 =	vld [tilespmem:s28+$0x30]  }
0x211: {  	v51 =	vmov s0  }
0x212: {  	v51 =	vshrl.u32 v51, $0x3  }
0x213: {  	v51 =	vshll.u32 v51, v33  }
0x214: {  	v51 =	vbroadcast v51, $0x0  }
0x215: {  	[tilespmem:v50+s19+$0x0] =	vst.idx.msk $0xffff, v49  }
0x216: {  	v50 =	vadd.s32 v37, v51;
	v49 =	vld [tilespmem:s28+$0x40];
	_ =	sdelay $0x4  }
0x217: {  	[tilespmem:v50+s19+$0x0] =	vst.idx.msk $0xffff, v49  }
0x218: {  	s0 =	sadd.s32 $0xFFFFFFFC, s29;
	v50 =	vadd.s32 v38, v51;
	v49 =	vld [tilespmem:s28+$0x50]  }
0x219: {  	v51 =	vmov s0  }
0x21a: {  	v51 =	vshrl.u32 v51, $0x3  }
0x21b: {  	v51 =	vshll.u32 v51, v33  }
0x21c: {  	v51 =	vbroadcast v51, $0x0  }
0x21d: {  	[tilespmem:v50+s19+$0x0] =	vst.idx.msk $0xffff, v49  }
0x21e: {  	v50 =	vadd.s32 v39, v51;
	v49 =	vld [tilespmem:s28+$0x60];
	_ =	sdelay $0x4  }
0x21f: {  	[tilespmem:v50+s19+$0x0] =	vst.idx.msk $0xffff, v49  }
0x220: {  	s0 =	sadd.s32 $0xFFFFFFFD, s29;
	v50 =	vadd.s32 v40, v51;
	v49 =	vld [tilespmem:s28+$0x70]  }
0x221: {  	v51 =	vmov s0  }
0x222: {  	v51 =	vshrl.u32 v51, $0x3  }
0x223: {  	v51 =	vshll.u32 v51, v33  }
0x224: {  	v51 =	vbroadcast v51, $0x0  }
0x225: {  	[tilespmem:v50+s19+$0x0] =	vst.idx.msk $0xffff, v49  }
0x226: {  	v50 =	vadd.s32 v41, v51;
	v49 =	vld [tilespmem:s28+$0x80];
	_ =	sdelay $0x4  }
0x227: {  	[tilespmem:v50+s19+$0x0] =	vst.idx.msk $0xffff, v49  }
0x228: {  	s0 =	sadd.s32 $0xFFFFFFFE, s29;
	v50 =	vadd.s32 v42, v51;
	v49 =	vld [tilespmem:s28+$0x90]  }
0x229: {  	v51 =	vmov s0  }
0x22a: {  	v51 =	vshrl.u32 v51, $0x3  }
0x22b: {  	v51 =	vshll.u32 v51, v33  }
0x22c: {  	v51 =	vbroadcast v51, $0x0  }
0x22d: {  	[tilespmem:v50+s19+$0x0] =	vst.idx.msk $0xffff, v49  }
0x22e: {  	v50 =	vadd.s32 v43, v51;
	v49 =	vld [tilespmem:s28+$0xA0];
	_ =	sdelay $0x4  }
0x22f: {  	[tilespmem:v50+s19+$0x0] =	vst.idx.msk $0xffff, v49  }
0x230: {  	s0 =	sadd.s32 $0xFFFFFFFF, s29;
	v50 =	vadd.s32 v44, v51;
	v49 =	vld [tilespmem:s28+$0xB0]  }
0x231: {  	v51 =	vmov s0  }
0x232: {  	v51 =	vshrl.u32 v51, $0x3  }
0x233: {  	v51 =	vshll.u32 v51, v33  }
0x234: {  	v51 =	vbroadcast v51, $0x0  }
0x235: {  	[tilespmem:v50+s19+$0x0] =	vst.idx.msk $0xffff, v49  }
0x236: {  	v50 =	vadd.s32 v45, v51;
	v49 =	vld [tilespmem:s28+$0xC0];
	_ =	sdelay $0x4  }
0x237: {  	[tilespmem:v50+s19+$0x0] =	vst.idx.msk $0xffff, v49  }
0x238: {  	v50 =	vadd.s32 v46, v51;
	v49 =	vld [tilespmem:s28+$0xD0]  }
0x239: {  	v51 =	vmov s29;
	s29 =	smov.u32 s30  }
0x23a: {  	v51 =	vshrl.u32 v51, $0x3  }
0x23b: {  	v51 =	vshll.u32 v51, v33  }
0x23c: {  	v51 =	vbroadcast v51, $0x0  }
0x23d: {  	[tilespmem:v50+s19+$0x0] =	vst.idx.msk $0xffff, v49  }
0x23e: {  	v50 =	vadd.s32 v47, v51;
	v49 =	vld [tilespmem:s28+$0xE0];
	_ =	sdelay $0x1  }
.Ltmp1:
0x23f: {  	(pc) =	sbr.rel @p0 .LBB2_4-.Ltmp1, $3  }
0x240: {  	_ =	sdelay $0x1  }
0x241: {  	[tilespmem:v50+s19+$0x0] =	vst.idx.msk $0xffff, v49  }
0x242: {  	s30 =	sadd.s32 $0x10, s30;
	s0 =	sadd.s32 $0xFFFFFFF1, s29;
	v50 =	vadd.s32 v48, v51;
	v49 =	vld [tilespmem:s28+$0xF0]  }
0x243: {  	v51 =	vmov s0  }
0x244: {  	v51 =	vshrl.u32 v51, $0x3  }
0x245: {  	v51 =	vshll.u32 v51, v33  }
0x246: {  	v51 =	vbroadcast v51, $0x0  }
0x247: {  	s0 =	sadd.s32 $0x200, s28;
	[tilespmem:v50+s19+$0x0] =	vst.idx.msk $0xffff, v49  }
0x248: {  	v49 =	vld [tilespmem:s0+$0xFFFFFF00];
	v59 =	vadd.s32 v30, v51;
	_ =	sdelay $0x4  }
0x249: {  	[tilespmem:v59+s19+$0x0] =	vst.idx.msk $0xffff, v49  }
0x24a: {  	s1 =	sadd.s32 $0xFFFFFFF2, s29;
	v60 =	vadd.s32 v34, v51;
	v49 =	vld [tilespmem:s0+$0xFFFFFF10]  }
0x24b: {  	v61 =	vmov s1  }
0x24c: {  	v51 =	vshrl.u32 v61, $0x3  }
0x24d: {  	v51 =	vshll.u32 v51, v33  }
0x24e: {  	v51 =	vbroadcast v51, $0x0  }
0x24f: {  	[tilespmem:v60+s19+$0x0] =	vst.idx.msk $0xffff, v49  }
0x250: {  	v62 =	vadd.s32 v35, v51;
	v49 =	vld [tilespmem:s0+$0xFFFFFF20];
	_ =	sdelay $0x4  }
0x251: {  	[tilespmem:v62+s19+$0x0] =	vst.idx.msk $0xffff, v49  }
0x252: {  	s31 =	sadd.s32 $0xFFFFFFF3, s29;
	v63 =	vadd.s32 v36, v51;
	v49 =	vld [tilespmem:s0+$0xFFFFFF30]  }
0x253: {  	v54 =	vmov s31  }
0x254: {  	v51 =	vshrl.u32 v54, $0x3  }
0x255: {  	v51 =	vshll.u32 v51, v33  }
0x256: {  	v51 =	vbroadcast v51, $0x0  }
0x257: {  	[tilespmem:v63+s19+$0x0] =	vst.idx.msk $0xffff, v49  }
0x258: {  	v55 =	vadd.s32 v37, v51;
	v49 =	vld [tilespmem:s0+$0xFFFFFF40];
	_ =	sdelay $0x4  }
0x259: {  	[tilespmem:v55+s19+$0x0] =	vst.idx.msk $0xffff, v49  }
0x25a: {  	s14 =	sadd.s32 $0xFFFFFFF4, s29;
	v56 =	vadd.s32 v38, v51;
	v49 =	vld [tilespmem:s0+$0xFFFFFF50]  }
0x25b: {  	v57 =	vmov s14  }
0x25c: {  	v51 =	vshrl.u32 v57, $0x3  }
0x25d: {  	v51 =	vshll.u32 v51, v33  }
0x25e: {  	v51 =	vbroadcast v51, $0x0  }
0x25f: {  	[tilespmem:v56+s19+$0x0] =	vst.idx.msk $0xffff, v49  }
0x260: {  	v58 =	vadd.s32 v39, v51;
	v49 =	vld [tilespmem:s0+$0xFFFFFF60];
	_ =	sdelay $0x4  }
0x261: {  	[tilespmem:v58+s19+$0x0] =	vst.idx.msk $0xffff, v49  }
0x262: {  	s30 =	sadd.s32 $0xFFFFFFF5, s29;
	v59 =	vadd.s32 v40, v51;
	v49 =	vld [tilespmem:s0+$0xFFFFFF70]  }
0x263: {  	v60 =	vmov s30  }
0x264: {  	v51 =	vshrl.u32 v60, $0x3  }
0x265: {  	v51 =	vshll.u32 v51, v33  }
0x266: {  	v51 =	vbroadcast v51, $0x0  }
0x267: {  	[tilespmem:v59+s19+$0x0] =	vst.idx.msk $0xffff, v49  }
0x268: {  	v61 =	vadd.s32 v41, v51;
	v49 =	vld [tilespmem:s0+$0xFFFFFF80];
	_ =	sdelay $0x4  }
0x269: {  	[tilespmem:v61+s19+$0x0] =	vst.idx.msk $0xffff, v49  }
0x26a: {  	s31 =	sadd.s32 $0xFFFFFFF6, s29;
	v62 =	vadd.s32 v42, v51;
	v49 =	vld [tilespmem:s0+$0xFFFFFF90]  }
0x26b: {  	v63 =	vmov s31  }
0x26c: {  	v51 =	vshrl.u32 v63, $0x3  }
0x26d: {  	v51 =	vshll.u32 v51, v33  }
0x26e: {  	v51 =	vbroadcast v51, $0x0  }
0x26f: {  	[tilespmem:v62+s19+$0x0] =	vst.idx.msk $0xffff, v49  }
0x270: {  	v53 =	vadd.s32 v43, v51;
	v49 =	vld [tilespmem:s0+$0xFFFFFFA0];
	_ =	sdelay $0x4  }
0x271: {  	[tilespmem:v53+s19+$0x0] =	vst.idx.msk $0xffff, v49  }
0x272: {  	s14 =	sadd.s32 $0xFFFFFFF7, s29;
	v54 =	vadd.s32 v44, v51;
	v49 =	vld [tilespmem:s0+$0xFFFFFFB0]  }
0x273: {  	v55 =	vmov s14  }
0x274: {  	v51 =	vshrl.u32 v55, $0x3  }
0x275: {  	v51 =	vshll.u32 v51, v33  }
0x276: {  	v51 =	vbroadcast v51, $0x0  }
0x277: {  	[tilespmem:v54+s19+$0x0] =	vst.idx.msk $0xffff, v49  }
0x278: {  	v56 =	vadd.s32 v45, v51;
	v49 =	vld [tilespmem:s0+$0xFFFFFFC0];
	_ =	sdelay $0x4  }
0x279: {  	[tilespmem:v56+s19+$0x0] =	vst.idx.msk $0xffff, v49  }
0x27a: {  	s30 =	sadd.s32 $0xFFFFFFF8, s29;
	v57 =	vadd.s32 v46, v51;
	v49 =	vld [tilespmem:s0+$0xFFFFFFD0]  }
0x27b: {  	v58 =	vmov s30  }
0x27c: {  	v51 =	vshrl.u32 v58, $0x3  }
0x27d: {  	v51 =	vshll.u32 v51, v33  }
0x27e: {  	v51 =	vbroadcast v51, $0x0  }
0x27f: {  	[tilespmem:v57+s19+$0x0] =	vst.idx.msk $0xffff, v49  }
0x280: {  	v59 =	vadd.s32 v47, v51;
	v49 =	vld [tilespmem:s0+$0xFFFFFFE0];
	_ =	sdelay $0x4  }
0x281: {  	[tilespmem:v59+s19+$0x0] =	vst.idx.msk $0xffff, v49  }
0x282: {  	s31 =	sadd.s32 $0xFFFFFFF9, s29;
	v60 =	vadd.s32 v48, v51;
	v49 =	vld [tilespmem:s0+$0xFFFFFFF0]  }
0x283: {  	v61 =	vmov s31  }
0x284: {  	v51 =	vshrl.u32 v61, $0x3  }
0x285: {  	v51 =	vshll.u32 v51, v33  }
0x286: {  	v51 =	vbroadcast v51, $0x0  }
0x287: {  	[tilespmem:v60+s19+$0x0] =	vst.idx.msk $0xffff, v49  }
0x288: {  	v62 =	vadd.s32 v30, v51;
	v49 =	vld [tilespmem:s0+$0x0];
	_ =	sdelay $0x4  }
0x289: {  	[tilespmem:v62+s19+$0x0] =	vst.idx.msk $0xffff, v49  }
0x28a: {  	s14 =	sadd.s32 $0xFFFFFFFA, s29;
	v63 =	vadd.s32 v34, v51;
	v49 =	vld [tilespmem:s0+$0x10]  }
0x28b: {  	v54 =	vmov s14  }
0x28c: {  	v51 =	vshrl.u32 v54, $0x3  }
0x28d: {  	v51 =	vshll.u32 v51, v33  }
0x28e: {  	v51 =	vbroadcast v51, $0x0  }
0x28f: {  	[tilespmem:v63+s19+$0x0] =	vst.idx.msk $0xffff, v49  }
0x290: {  	v55 =	vadd.s32 v35, v51;
	v49 =	vld [tilespmem:s0+$0x20];
	_ =	sdelay $0x4  }
0x291: {  	[tilespmem:v55+s19+$0x0] =	vst.idx.msk $0xffff, v49  }
0x292: {  	s30 =	sadd.s32 $0xFFFFFFFB, s29;
	v56 =	vadd.s32 v36, v51;
	v49 =	vld [tilespmem:s0+$0x30]  }
0x293: {  	v57 =	vmov s30  }
0x294: {  	v51 =	vshrl.u32 v57, $0x3  }
0x295: {  	v51 =	vshll.u32 v51, v33  }
0x296: {  	v51 =	vbroadcast v51, $0x0  }
0x297: {  	[tilespmem:v56+s19+$0x0] =	vst.idx.msk $0xffff, v49  }
0x298: {  	v58 =	vadd.s32 v37, v51;
	v49 =	vld [tilespmem:s0+$0x40];
	_ =	sdelay $0x4  }
0x299: {  	[tilespmem:v58+s19+$0x0] =	vst.idx.msk $0xffff, v49  }
0x29a: {  	s31 =	sadd.s32 $0xFFFFFFFC, s29;
	v59 =	vadd.s32 v38, v51;
	v49 =	vld [tilespmem:s0+$0x50]  }
0x29b: {  	v60 =	vmov s31  }
0x29c: {  	v51 =	vshrl.u32 v60, $0x3  }
0x29d: {  	v51 =	vshll.u32 v51, v33  }
0x29e: {  	v51 =	vbroadcast v51, $0x0  }
0x29f: {  	[tilespmem:v59+s19+$0x0] =	vst.idx.msk $0xffff, v49  }
0x2a0: {  	v61 =	vadd.s32 v39, v51;
	v49 =	vld [tilespmem:s0+$0x60];
	_ =	sdelay $0x4  }
0x2a1: {  	[tilespmem:v61+s19+$0x0] =	vst.idx.msk $0xffff, v49  }
0x2a2: {  	s14 =	sadd.s32 $0xFFFFFFFD, s29;
	v62 =	vadd.s32 v40, v51;
	v49 =	vld [tilespmem:s0+$0x70]  }
0x2a3: {  	v63 =	vmov s14  }
0x2a4: {  	v51 =	vshrl.u32 v63, $0x3  }
0x2a5: {  	v51 =	vshll.u32 v51, v33  }
0x2a6: {  	v51 =	vbroadcast v51, $0x0  }
0x2a7: {  	[tilespmem:v62+s19+$0x0] =	vst.idx.msk $0xffff, v49  }
0x2a8: {  	v53 =	vadd.s32 v41, v51;
	v49 =	vld [tilespmem:s0+$0x80];
	_ =	sdelay $0x4  }
0x2a9: {  	[tilespmem:v53+s19+$0x0] =	vst.idx.msk $0xffff, v49  }
0x2aa: {  	s30 =	sadd.s32 $0xFFFFFFFE, s29;
	v54 =	vadd.s32 v42, v51;
	v49 =	vld [tilespmem:s0+$0x90]  }
0x2ab: {  	v55 =	vmov s30  }
0x2ac: {  	v51 =	vshrl.u32 v55, $0x3  }
0x2ad: {  	v51 =	vshll.u32 v51, v33  }
0x2ae: {  	v51 =	vbroadcast v51, $0x0  }
0x2af: {  	[tilespmem:v54+s19+$0x0] =	vst.idx.msk $0xffff, v49  }
0x2b0: {  	v56 =	vadd.s32 v43, v51;
	v49 =	vld [tilespmem:s0+$0xA0];
	_ =	sdelay $0x4  }
0x2b1: {  	[tilespmem:v56+s19+$0x0] =	vst.idx.msk $0xffff, v49  }
0x2b2: {  	s31 =	sadd.s32 $0xFFFFFFFF, s29;
	v57 =	vadd.s32 v44, v51;
	v49 =	vld [tilespmem:s0+$0xB0]  }
0x2b3: {  	v58 =	vmov s31  }
0x2b4: {  	v51 =	vshrl.u32 v58, $0x3  }
0x2b5: {  	v51 =	vshll.u32 v51, v33  }
0x2b6: {  	v51 =	vbroadcast v51, $0x0  }
0x2b7: {  	[tilespmem:v57+s19+$0x0] =	vst.idx.msk $0xffff, v49  }
0x2b8: {  	v59 =	vadd.s32 v45, v51;
	v49 =	vld [tilespmem:s0+$0xC0];
	_ =	sdelay $0x4  }
0x2b9: {  	[tilespmem:v59+s19+$0x0] =	vst.idx.msk $0xffff, v49  }
0x2ba: {  	v60 =	vadd.s32 v46, v51;
	v49 =	vld [tilespmem:s0+$0xD0]  }
0x2bb: {  	v61 =	vmov s29  }
0x2bc: {  	v51 =	vshrl.u32 v61, $0x3  }
0x2bd: {  	v51 =	vshll.u32 v51, v33  }
0x2be: {  	v51 =	vbroadcast v51, $0x0  }
0x2bf: {  	[tilespmem:v60+s19+$0x0] =	vst.idx.msk $0xffff, v49  }
0x2c0: {  	v62 =	vadd.s32 v47, v51;
	v49 =	vld [tilespmem:s0+$0xE0];
	_ =	sdelay $0x4  }
0x2c1: {  	[tilespmem:v62+s19+$0x0] =	vst.idx.msk $0xffff, v49  }
0x2c2: {  	v63 =	vadd.s32 v48, v51;
	v49 =	vld [tilespmem:s0+$0xF0];
	_ =	sdelay $0x3  }
0x2c3: {  	s28 =	simm.s32 $0x800  }
0x2c4: {  	s1 =	sadd.s32 $0x0, s6;
	s29 =	simm.s32 $0x15608;
	s0 =	simm.s32 $0x15400;
	[tilespmem:v63+s19+$0x0] =	vst.idx.msk $0xffff, v49  }
.LBB2_6:
0x2c5: {  	[hbm4b:s1+s2] =	stream.linear.scatter [tilespmem:s0], [sflag:$0x3], $0x200, $0x38;
	[tilespmem:$0x1D600] =	vst v63  }
0x2c6: {  	s1 =	smov.u32 s28;
	s0 =	smov.u32 s29;
	p0 =	sne.s32 s28, $0xF800  }
.Ltmp2:
0x2c7: {  	s28 =	sadd.s32 $0x800, s28;
	(pc) =	sbr.rel @p0 .LBB2_6-.Ltmp2, $2  }
0x2c8: {  	_ =	sdelay $0x2  }
0x2c9: {  	s29 =	sadd.s32 $0x208, s29;
	s1 =	sadd.s32 s1, s6  }
0x2ca: {  	s31 =	simm.s32 $0x0  }
0x2cb: {  	[hbm4b:s1+s2] =	stream.linear.scatter [tilespmem:s0], [sflag:$0x3], $0x200, $0x38;
	v49 =	vmov s31;
	[tilespmem:$0x1D600] =	vst v63  }
0x2cc: {  	_ =	swait.ge [sflag:s20], $0x4000;
	v49 =	vshrl.u32 v49, $0x3  }
0x2cd: {  	[sflag:s20] =	ssyncset.done $0x0;
	v49 =	vshll.u32 v49, v33  }
0x2ce: {  	s28 =	simm.s32 $0x11500;
	[sflag:s20] =	ssyncadd.s32 $0xFFFFC000;
	v49 =	vbroadcast v49, $0x0  }
0x2cf: {  	[tilespmem:s15], [sflag:$0x1] =	stream.indirect.gather [hbm4b:s5+s13], $0x20, s21, s13, $0xb8;
	[tilespmem:$0x1D600] =	vst v63  }
0x2d0: {  	v50 =	vld [tilespmem:s28+$0xFFFFFF00];
	v51 =	vadd.s32 v30, v49;
	_ =	sdelay $0x4  }
0x2d1: {  	[tilespmem:v51+s22+$0x0] =	vst.idx.msk $0xffff, v50  }
0x2d2: {  	s1 =	simm.s32 $0x1;
	v49 =	vadd.s32 v34, v49;
	v50 =	vld [tilespmem:s28+$0xFFFFFF10]  }
0x2d3: {  	v61 =	vmov s1  }
0x2d4: {  	v51 =	vshrl.u32 v61, $0x3  }
0x2d5: {  	v51 =	vshll.u32 v51, v33  }
0x2d6: {  	v51 =	vbroadcast v51, $0x0  }
0x2d7: {  	[tilespmem:v49+s22+$0x0] =	vst.idx.msk $0xffff, v50  }
0x2d8: {  	v62 =	vadd.s32 v35, v51;
	v49 =	vld [tilespmem:s28+$0xFFFFFF20];
	_ =	sdelay $0x4  }
0x2d9: {  	[tilespmem:v62+s22+$0x0] =	vst.idx.msk $0xffff, v49  }
0x2da: {  	s14 =	simm.s32 $0x2;
	v63 =	vadd.s32 v36, v51;
	v49 =	vld [tilespmem:s28+$0xFFFFFF30]  }
0x2db: {  	v54 =	vmov s14  }
0x2dc: {  	v51 =	vshrl.u32 v54, $0x3  }
0x2dd: {  	v51 =	vshll.u32 v51, v33  }
0x2de: {  	v51 =	vbroadcast v51, $0x0  }
0x2df: {  	[tilespmem:v63+s22+$0x0] =	vst.idx.msk $0xffff, v49  }
0x2e0: {  	v55 =	vadd.s32 v37, v51;
	v49 =	vld [tilespmem:s28+$0xFFFFFF40];
	_ =	sdelay $0x4  }
0x2e1: {  	[tilespmem:v55+s22+$0x0] =	vst.idx.msk $0xffff, v49  }
0x2e2: {  	s31 =	simm.s32 $0x3;
	v56 =	vadd.s32 v38, v51;
	v49 =	vld [tilespmem:s28+$0xFFFFFF50]  }
0x2e3: {  	v57 =	vmov s31  }
0x2e4: {  	v51 =	vshrl.u32 v57, $0x3  }
0x2e5: {  	v51 =	vshll.u32 v51, v33  }
0x2e6: {  	v51 =	vbroadcast v51, $0x0  }
0x2e7: {  	[tilespmem:v56+s22+$0x0] =	vst.idx.msk $0xffff, v49  }
0x2e8: {  	v58 =	vadd.s32 v39, v51;
	v49 =	vld [tilespmem:s28+$0xFFFFFF60];
	_ =	sdelay $0x4  }
0x2e9: {  	[tilespmem:v58+s22+$0x0] =	vst.idx.msk $0xffff, v49  }
0x2ea: {  	s1 =	simm.s32 $0x4;
	v59 =	vadd.s32 v40, v51;
	v49 =	vld [tilespmem:s28+$0xFFFFFF70]  }
0x2eb: {  	v60 =	vmov s1  }
0x2ec: {  	v51 =	vshrl.u32 v60, $0x3  }
0x2ed: {  	v51 =	vshll.u32 v51, v33  }
0x2ee: {  	v51 =	vbroadcast v51, $0x0  }
0x2ef: {  	[tilespmem:v59+s22+$0x0] =	vst.idx.msk $0xffff, v49  }
0x2f0: {  	v61 =	vadd.s32 v41, v51;
	v49 =	vld [tilespmem:s28+$0xFFFFFF80];
	_ =	sdelay $0x4  }
0x2f1: {  	[tilespmem:v61+s22+$0x0] =	vst.idx.msk $0xffff, v49  }
0x2f2: {  	s14 =	simm.s32 $0x5;
	v62 =	vadd.s32 v42, v51;
	v49 =	vld [tilespmem:s28+$0xFFFFFF90]  }
0x2f3: {  	v63 =	vmov s14  }
0x2f4: {  	v51 =	vshrl.u32 v63, $0x3  }
0x2f5: {  	v51 =	vshll.u32 v51, v33  }
0x2f6: {  	v51 =	vbroadcast v51, $0x0  }
0x2f7: {  	[tilespmem:v62+s22+$0x0] =	vst.idx.msk $0xffff, v49  }
0x2f8: {  	v53 =	vadd.s32 v43, v51;
	v49 =	vld [tilespmem:s28+$0xFFFFFFA0];
	_ =	sdelay $0x4  }
0x2f9: {  	[tilespmem:v53+s22+$0x0] =	vst.idx.msk $0xffff, v49  }
0x2fa: {  	s31 =	simm.s32 $0x6;
	v54 =	vadd.s32 v44, v51;
	v49 =	vld [tilespmem:s28+$0xFFFFFFB0]  }
0x2fb: {  	v55 =	vmov s31  }
0x2fc: {  	v51 =	vshrl.u32 v55, $0x3  }
0x2fd: {  	v51 =	vshll.u32 v51, v33  }
0x2fe: {  	v51 =	vbroadcast v51, $0x0  }
0x2ff: {  	[tilespmem:v54+s22+$0x0] =	vst.idx.msk $0xffff, v49  }
0x300: {  	v56 =	vadd.s32 v45, v51;
	v49 =	vld [tilespmem:s28+$0xFFFFFFC0];
	_ =	sdelay $0x4  }
0x301: {  	[tilespmem:v56+s22+$0x0] =	vst.idx.msk $0xffff, v49  }
0x302: {  	s1 =	simm.s32 $0x7;
	v57 =	vadd.s32 v46, v51;
	v49 =	vld [tilespmem:s28+$0xFFFFFFD0]  }
0x303: {  	v58 =	vmov s1  }
0x304: {  	v51 =	vshrl.u32 v58, $0x3  }
0x305: {  	v51 =	vshll.u32 v51, v33  }
0x306: {  	v51 =	vbroadcast v51, $0x0  }
0x307: {  	[tilespmem:v57+s22+$0x0] =	vst.idx.msk $0xffff, v49  }
0x308: {  	v59 =	vadd.s32 v47, v51;
	v49 =	vld [tilespmem:s28+$0xFFFFFFE0];
	_ =	sdelay $0x4  }
0x309: {  	[tilespmem:v59+s22+$0x0] =	vst.idx.msk $0xffff, v49  }
0x30a: {  	s14 =	simm.s32 $0x8;
	v60 =	vadd.s32 v48, v51;
	v49 =	vld [tilespmem:s28+$0xFFFFFFF0]  }
0x30b: {  	v61 =	vmov s14  }
0x30c: {  	v51 =	vshrl.u32 v61, $0x3  }
0x30d: {  	v51 =	vshll.u32 v51, v33  }
0x30e: {  	v51 =	vbroadcast v51, $0x0  }
0x30f: {  	[tilespmem:v60+s22+$0x0] =	vst.idx.msk $0xffff, v49  }
0x310: {  	v62 =	vadd.s32 v30, v51;
	v49 =	vld [tilespmem:s28+$0x0];
	_ =	sdelay $0x4  }
0x311: {  	[tilespmem:v62+s22+$0x0] =	vst.idx.msk $0xffff, v49  }
0x312: {  	s31 =	simm.s32 $0x9;
	v63 =	vadd.s32 v34, v51;
	v49 =	vld [tilespmem:s28+$0x10]  }
0x313: {  	v54 =	vmov s31  }
0x314: {  	v51 =	vshrl.u32 v54, $0x3  }
0x315: {  	v51 =	vshll.u32 v51, v33  }
0x316: {  	v51 =	vbroadcast v51, $0x0  }
0x317: {  	[tilespmem:v63+s22+$0x0] =	vst.idx.msk $0xffff, v49  }
0x318: {  	v55 =	vadd.s32 v35, v51;
	v49 =	vld [tilespmem:s28+$0x20];
	_ =	sdelay $0x4  }
0x319: {  	[tilespmem:v55+s22+$0x0] =	vst.idx.msk $0xffff, v49  }
0x31a: {  	s1 =	simm.s32 $0xA;
	v56 =	vadd.s32 v36, v51;
	v49 =	vld [tilespmem:s28+$0x30]  }
0x31b: {  	v57 =	vmov s1  }
0x31c: {  	v51 =	vshrl.u32 v57, $0x3  }
0x31d: {  	v51 =	vshll.u32 v51, v33  }
0x31e: {  	v51 =	vbroadcast v51, $0x0  }
0x31f: {  	[tilespmem:v56+s22+$0x0] =	vst.idx.msk $0xffff, v49  }
0x320: {  	v58 =	vadd.s32 v37, v51;
	v49 =	vld [tilespmem:s28+$0x40];
	_ =	sdelay $0x4  }
0x321: {  	[tilespmem:v58+s22+$0x0] =	vst.idx.msk $0xffff, v49  }
0x322: {  	s14 =	simm.s32 $0xB;
	v59 =	vadd.s32 v38, v51;
	v49 =	vld [tilespmem:s28+$0x50]  }
0x323: {  	v60 =	vmov s14  }
0x324: {  	v51 =	vshrl.u32 v60, $0x3  }
0x325: {  	v51 =	vshll.u32 v51, v33  }
0x326: {  	v51 =	vbroadcast v51, $0x0  }
0x327: {  	[tilespmem:v59+s22+$0x0] =	vst.idx.msk $0xffff, v49  }
0x328: {  	v61 =	vadd.s32 v39, v51;
	v49 =	vld [tilespmem:s28+$0x60];
	_ =	sdelay $0x4  }
0x329: {  	[tilespmem:v61+s22+$0x0] =	vst.idx.msk $0xffff, v49  }
0x32a: {  	s31 =	simm.s32 $0xC;
	v62 =	vadd.s32 v40, v51;
	v49 =	vld [tilespmem:s28+$0x70]  }
0x32b: {  	v63 =	vmov s31  }
0x32c: {  	v51 =	vshrl.u32 v63, $0x3  }
0x32d: {  	v51 =	vshll.u32 v51, v33  }
0x32e: {  	v51 =	vbroadcast v51, $0x0  }
0x32f: {  	[tilespmem:v62+s22+$0x0] =	vst.idx.msk $0xffff, v49  }
0x330: {  	v54 =	vadd.s32 v41, v51;
	v49 =	vld [tilespmem:s28+$0x80];
	_ =	sdelay $0x4  }
0x331: {  	[tilespmem:v54+s22+$0x0] =	vst.idx.msk $0xffff, v49  }
0x332: {  	s1 =	simm.s32 $0xD;
	v55 =	vadd.s32 v42, v51;
	v49 =	vld [tilespmem:s28+$0x90]  }
0x333: {  	v56 =	vmov s1  }
0x334: {  	v51 =	vshrl.u32 v56, $0x3  }
0x335: {  	v51 =	vshll.u32 v51, v33  }
0x336: {  	v51 =	vbroadcast v51, $0x0  }
0x337: {  	[tilespmem:v55+s22+$0x0] =	vst.idx.msk $0xffff, v49  }
0x338: {  	v57 =	vadd.s32 v43, v51;
	v49 =	vld [tilespmem:s28+$0xA0];
	_ =	sdelay $0x4  }
0x339: {  	[tilespmem:v57+s22+$0x0] =	vst.idx.msk $0xffff, v49  }
0x33a: {  	s14 =	simm.s32 $0xE;
	v58 =	vadd.s32 v44, v51;
	v49 =	vld [tilespmem:s28+$0xB0]  }
0x33b: {  	v59 =	vmov s14  }
0x33c: {  	v51 =	vshrl.u32 v59, $0x3  }
0x33d: {  	v51 =	vshll.u32 v51, v33  }
0x33e: {  	v51 =	vbroadcast v51, $0x0  }
0x33f: {  	[tilespmem:v58+s22+$0x0] =	vst.idx.msk $0xffff, v49  }
0x340: {  	v60 =	vadd.s32 v45, v51;
	v49 =	vld [tilespmem:s28+$0xC0];
	_ =	sdelay $0x4  }
0x341: {  	[tilespmem:v60+s22+$0x0] =	vst.idx.msk $0xffff, v49  }
0x342: {  	s31 =	simm.s32 $0xF;
	v61 =	vadd.s32 v46, v51;
	v49 =	vld [tilespmem:s28+$0xD0]  }
0x343: {  	v62 =	vmov s31  }
0x344: {  	v51 =	vshrl.u32 v62, $0x3  }
0x345: {  	v51 =	vshll.u32 v51, v33  }
0x346: {  	v51 =	vbroadcast v51, $0x0  }
0x347: {  	[tilespmem:v61+s22+$0x0] =	vst.idx.msk $0xffff, v49  }
0x348: {  	v63 =	vadd.s32 v47, v51;
	v49 =	vld [tilespmem:s28+$0xE0];
	_ =	sdelay $0x4  }
0x349: {  	[tilespmem:v63+s22+$0x0] =	vst.idx.msk $0xffff, v49  }
0x34a: {  	s29 =	simm.s32 $0x1F;
	s0 =	simm.s32 $0x10;
	s30 =	simm.s32 $0x2F;
	v50 =	vadd.s32 v48, v51;
	v49 =	vld [tilespmem:s28+$0xF0]  }
.LBB2_8:
0x34b: {  	p0 =	sne.s32 s30, $0x1FF;
	v51 =	vmov s0  }
0x34c: {  	v51 =	vshrl.u32 v51, $0x3  }
0x34d: {  	v51 =	vshll.u32 v51, v33  }
0x34e: {  	v51 =	vbroadcast v51, $0x0  }
0x34f: {  	s28 =	sadd.s32 $0x200, s28;
	[tilespmem:v50+s22+$0x0] =	vst.idx.msk $0xffff, v49  }
0x350: {  	v49 =	vld [tilespmem:s28+$0xFFFFFF00];
	v50 =	vadd.s32 v30, v51;
	_ =	sdelay $0x4  }
0x351: {  	[tilespmem:v50+s22+$0x0] =	vst.idx.msk $0xffff, v49  }
0x352: {  	s0 =	sadd.s32 $0xFFFFFFF2, s29;
	v50 =	vadd.s32 v34, v51;
	v49 =	vld [tilespmem:s28+$0xFFFFFF10]  }
0x353: {  	v51 =	vmov s0  }
0x354: {  	v51 =	vshrl.u32 v51, $0x3  }
0x355: {  	v51 =	vshll.u32 v51, v33  }
0x356: {  	v51 =	vbroadcast v51, $0x0  }
0x357: {  	[tilespmem:v50+s22+$0x0] =	vst.idx.msk $0xffff, v49  }
0x358: {  	v50 =	vadd.s32 v35, v51;
	v49 =	vld [tilespmem:s28+$0xFFFFFF20];
	_ =	sdelay $0x4  }
0x359: {  	[tilespmem:v50+s22+$0x0] =	vst.idx.msk $0xffff, v49  }
0x35a: {  	s0 =	sadd.s32 $0xFFFFFFF3, s29;
	v50 =	vadd.s32 v36, v51;
	v49 =	vld [tilespmem:s28+$0xFFFFFF30]  }
0x35b: {  	v51 =	vmov s0  }
0x35c: {  	v51 =	vshrl.u32 v51, $0x3  }
0x35d: {  	v51 =	vshll.u32 v51, v33  }
0x35e: {  	v51 =	vbroadcast v51, $0x0  }
0x35f: {  	[tilespmem:v50+s22+$0x0] =	vst.idx.msk $0xffff, v49  }
0x360: {  	v50 =	vadd.s32 v37, v51;
	v49 =	vld [tilespmem:s28+$0xFFFFFF40];
	_ =	sdelay $0x4  }
0x361: {  	[tilespmem:v50+s22+$0x0] =	vst.idx.msk $0xffff, v49  }
0x362: {  	s0 =	sadd.s32 $0xFFFFFFF4, s29;
	v50 =	vadd.s32 v38, v51;
	v49 =	vld [tilespmem:s28+$0xFFFFFF50]  }
0x363: {  	v51 =	vmov s0  }
0x364: {  	v51 =	vshrl.u32 v51, $0x3  }
0x365: {  	v51 =	vshll.u32 v51, v33  }
0x366: {  	v51 =	vbroadcast v51, $0x0  }
0x367: {  	[tilespmem:v50+s22+$0x0] =	vst.idx.msk $0xffff, v49  }
0x368: {  	v50 =	vadd.s32 v39, v51;
	v49 =	vld [tilespmem:s28+$0xFFFFFF60];
	_ =	sdelay $0x4  }
0x369: {  	[tilespmem:v50+s22+$0x0] =	vst.idx.msk $0xffff, v49  }
0x36a: {  	s0 =	sadd.s32 $0xFFFFFFF5, s29;
	v50 =	vadd.s32 v40, v51;
	v49 =	vld [tilespmem:s28+$0xFFFFFF70]  }
0x36b: {  	v51 =	vmov s0  }
0x36c: {  	v51 =	vshrl.u32 v51, $0x3  }
0x36d: {  	v51 =	vshll.u32 v51, v33  }
0x36e: {  	v51 =	vbroadcast v51, $0x0  }
0x36f: {  	[tilespmem:v50+s22+$0x0] =	vst.idx.msk $0xffff, v49  }
0x370: {  	v50 =	vadd.s32 v41, v51;
	v49 =	vld [tilespmem:s28+$0xFFFFFF80];
	_ =	sdelay $0x4  }
0x371: {  	[tilespmem:v50+s22+$0x0] =	vst.idx.msk $0xffff, v49  }
0x372: {  	s0 =	sadd.s32 $0xFFFFFFF6, s29;
	v50 =	vadd.s32 v42, v51;
	v49 =	vld [tilespmem:s28+$0xFFFFFF90]  }
0x373: {  	v51 =	vmov s0  }
0x374: {  	v51 =	vshrl.u32 v51, $0x3  }
0x375: {  	v51 =	vshll.u32 v51, v33  }
0x376: {  	v51 =	vbroadcast v51, $0x0  }
0x377: {  	[tilespmem:v50+s22+$0x0] =	vst.idx.msk $0xffff, v49  }
0x378: {  	v50 =	vadd.s32 v43, v51;
	v49 =	vld [tilespmem:s28+$0xFFFFFFA0];
	_ =	sdelay $0x4  }
0x379: {  	[tilespmem:v50+s22+$0x0] =	vst.idx.msk $0xffff, v49  }
0x37a: {  	s0 =	sadd.s32 $0xFFFFFFF7, s29;
	v50 =	vadd.s32 v44, v51;
	v49 =	vld [tilespmem:s28+$0xFFFFFFB0]  }
0x37b: {  	v51 =	vmov s0  }
0x37c: {  	v51 =	vshrl.u32 v51, $0x3  }
0x37d: {  	v51 =	vshll.u32 v51, v33  }
0x37e: {  	v51 =	vbroadcast v51, $0x0  }
0x37f: {  	[tilespmem:v50+s22+$0x0] =	vst.idx.msk $0xffff, v49  }
0x380: {  	v50 =	vadd.s32 v45, v51;
	v49 =	vld [tilespmem:s28+$0xFFFFFFC0];
	_ =	sdelay $0x4  }
0x381: {  	[tilespmem:v50+s22+$0x0] =	vst.idx.msk $0xffff, v49  }
0x382: {  	s0 =	sadd.s32 $0xFFFFFFF8, s29;
	v50 =	vadd.s32 v46, v51;
	v49 =	vld [tilespmem:s28+$0xFFFFFFD0]  }
0x383: {  	v51 =	vmov s0  }
0x384: {  	v51 =	vshrl.u32 v51, $0x3  }
0x385: {  	v51 =	vshll.u32 v51, v33  }
0x386: {  	v51 =	vbroadcast v51, $0x0  }
0x387: {  	[tilespmem:v50+s22+$0x0] =	vst.idx.msk $0xffff, v49  }
0x388: {  	v50 =	vadd.s32 v47, v51;
	v49 =	vld [tilespmem:s28+$0xFFFFFFE0];
	_ =	sdelay $0x4  }
0x389: {  	[tilespmem:v50+s22+$0x0] =	vst.idx.msk $0xffff, v49  }
0x38a: {  	s0 =	sadd.s32 $0xFFFFFFF9, s29;
	v50 =	vadd.s32 v48, v51;
	v49 =	vld [tilespmem:s28+$0xFFFFFFF0]  }
0x38b: {  	v51 =	vmov s0  }
0x38c: {  	v51 =	vshrl.u32 v51, $0x3  }
0x38d: {  	v51 =	vshll.u32 v51, v33  }
0x38e: {  	v51 =	vbroadcast v51, $0x0  }
0x38f: {  	[tilespmem:v50+s22+$0x0] =	vst.idx.msk $0xffff, v49  }
0x390: {  	v50 =	vadd.s32 v30, v51;
	v49 =	vld [tilespmem:s28+$0x0];
	_ =	sdelay $0x4  }
0x391: {  	[tilespmem:v50+s22+$0x0] =	vst.idx.msk $0xffff, v49  }
0x392: {  	s0 =	sadd.s32 $0xFFFFFFFA, s29;
	v50 =	vadd.s32 v34, v51;
	v49 =	vld [tilespmem:s28+$0x10]  }
0x393: {  	v51 =	vmov s0  }
0x394: {  	v51 =	vshrl.u32 v51, $0x3  }
0x395: {  	v51 =	vshll.u32 v51, v33  }
0x396: {  	v51 =	vbroadcast v51, $0x0  }
0x397: {  	[tilespmem:v50+s22+$0x0] =	vst.idx.msk $0xffff, v49  }
0x398: {  	v50 =	vadd.s32 v35, v51;
	v49 =	vld [tilespmem:s28+$0x20];
	_ =	sdelay $0x4  }
0x399: {  	[tilespmem:v50+s22+$0x0] =	vst.idx.msk $0xffff, v49  }
0x39a: {  	s0 =	sadd.s32 $0xFFFFFFFB, s29;
	v50 =	vadd.s32 v36, v51;
	v49 =	vld [tilespmem:s28+$0x30]  }
0x39b: {  	v51 =	vmov s0  }
0x39c: {  	v51 =	vshrl.u32 v51, $0x3  }
0x39d: {  	v51 =	vshll.u32 v51, v33  }
0x39e: {  	v51 =	vbroadcast v51, $0x0  }
0x39f: {  	[tilespmem:v50+s22+$0x0] =	vst.idx.msk $0xffff, v49  }
0x3a0: {  	v50 =	vadd.s32 v37, v51;
	v49 =	vld [tilespmem:s28+$0x40];
	_ =	sdelay $0x4  }
0x3a1: {  	[tilespmem:v50+s22+$0x0] =	vst.idx.msk $0xffff, v49  }
0x3a2: {  	s0 =	sadd.s32 $0xFFFFFFFC, s29;
	v50 =	vadd.s32 v38, v51;
	v49 =	vld [tilespmem:s28+$0x50]  }
0x3a3: {  	v51 =	vmov s0  }
0x3a4: {  	v51 =	vshrl.u32 v51, $0x3  }
0x3a5: {  	v51 =	vshll.u32 v51, v33  }
0x3a6: {  	v51 =	vbroadcast v51, $0x0  }
0x3a7: {  	[tilespmem:v50+s22+$0x0] =	vst.idx.msk $0xffff, v49  }
0x3a8: {  	v50 =	vadd.s32 v39, v51;
	v49 =	vld [tilespmem:s28+$0x60];
	_ =	sdelay $0x4  }
0x3a9: {  	[tilespmem:v50+s22+$0x0] =	vst.idx.msk $0xffff, v49  }
0x3aa: {  	s0 =	sadd.s32 $0xFFFFFFFD, s29;
	v50 =	vadd.s32 v40, v51;
	v49 =	vld [tilespmem:s28+$0x70]  }
0x3ab: {  	v51 =	vmov s0  }
0x3ac: {  	v51 =	vshrl.u32 v51, $0x3  }
0x3ad: {  	v51 =	vshll.u32 v51, v33  }
0x3ae: {  	v51 =	vbroadcast v51, $0x0  }
0x3af: {  	[tilespmem:v50+s22+$0x0] =	vst.idx.msk $0xffff, v49  }
0x3b0: {  	v50 =	vadd.s32 v41, v51;
	v49 =	vld [tilespmem:s28+$0x80];
	_ =	sdelay $0x4  }
0x3b1: {  	[tilespmem:v50+s22+$0x0] =	vst.idx.msk $0xffff, v49  }
0x3b2: {  	s0 =	sadd.s32 $0xFFFFFFFE, s29;
	v50 =	vadd.s32 v42, v51;
	v49 =	vld [tilespmem:s28+$0x90]  }
0x3b3: {  	v51 =	vmov s0  }
0x3b4: {  	v51 =	vshrl.u32 v51, $0x3  }
0x3b5: {  	v51 =	vshll.u32 v51, v33  }
0x3b6: {  	v51 =	vbroadcast v51, $0x0  }
0x3b7: {  	[tilespmem:v50+s22+$0x0] =	vst.idx.msk $0xffff, v49  }
0x3b8: {  	v50 =	vadd.s32 v43, v51;
	v49 =	vld [tilespmem:s28+$0xA0];
	_ =	sdelay $0x4  }
0x3b9: {  	[tilespmem:v50+s22+$0x0] =	vst.idx.msk $0xffff, v49  }
0x3ba: {  	s0 =	sadd.s32 $0xFFFFFFFF, s29;
	v50 =	vadd.s32 v44, v51;
	v49 =	vld [tilespmem:s28+$0xB0]  }
0x3bb: {  	v51 =	vmov s0  }
0x3bc: {  	v51 =	vshrl.u32 v51, $0x3  }
0x3bd: {  	v51 =	vshll.u32 v51, v33  }
0x3be: {  	v51 =	vbroadcast v51, $0x0  }
0x3bf: {  	[tilespmem:v50+s22+$0x0] =	vst.idx.msk $0xffff, v49  }
0x3c0: {  	v50 =	vadd.s32 v45, v51;
	v49 =	vld [tilespmem:s28+$0xC0];
	_ =	sdelay $0x4  }
0x3c1: {  	[tilespmem:v50+s22+$0x0] =	vst.idx.msk $0xffff, v49  }
0x3c2: {  	v50 =	vadd.s32 v46, v51;
	v49 =	vld [tilespmem:s28+$0xD0]  }
0x3c3: {  	v51 =	vmov s29;
	s29 =	smov.u32 s30  }
0x3c4: {  	v51 =	vshrl.u32 v51, $0x3  }
0x3c5: {  	v51 =	vshll.u32 v51, v33  }
0x3c6: {  	v51 =	vbroadcast v51, $0x0  }
0x3c7: {  	[tilespmem:v50+s22+$0x0] =	vst.idx.msk $0xffff, v49  }
0x3c8: {  	v50 =	vadd.s32 v47, v51;
	v49 =	vld [tilespmem:s28+$0xE0];
	_ =	sdelay $0x1  }
.Ltmp3:
0x3c9: {  	(pc) =	sbr.rel @p0 .LBB2_8-.Ltmp3, $3  }
0x3ca: {  	_ =	sdelay $0x1  }
0x3cb: {  	[tilespmem:v50+s22+$0x0] =	vst.idx.msk $0xffff, v49  }
0x3cc: {  	s30 =	sadd.s32 $0x10, s30;
	s0 =	sadd.s32 $0xFFFFFFF1, s29;
	v50 =	vadd.s32 v48, v51;
	v49 =	vld [tilespmem:s28+$0xF0]  }
0x3cd: {  	v51 =	vmov s0  }
0x3ce: {  	v51 =	vshrl.u32 v51, $0x3  }
0x3cf: {  	v51 =	vshll.u32 v51, v33  }
0x3d0: {  	v51 =	vbroadcast v51, $0x0  }
0x3d1: {  	s0 =	sadd.s32 $0x200, s28;
	[tilespmem:v50+s22+$0x0] =	vst.idx.msk $0xffff, v49  }
0x3d2: {  	v49 =	vld [tilespmem:s0+$0xFFFFFF00];
	v59 =	vadd.s32 v30, v51;
	_ =	sdelay $0x4  }
0x3d3: {  	[tilespmem:v59+s22+$0x0] =	vst.idx.msk $0xffff, v49  }
0x3d4: {  	s1 =	sadd.s32 $0xFFFFFFF2, s29;
	v60 =	vadd.s32 v34, v51;
	v49 =	vld [tilespmem:s0+$0xFFFFFF10]  }
0x3d5: {  	v61 =	vmov s1  }
0x3d6: {  	v51 =	vshrl.u32 v61, $0x3  }
0x3d7: {  	v51 =	vshll.u32 v51, v33  }
0x3d8: {  	v51 =	vbroadcast v51, $0x0  }
0x3d9: {  	[tilespmem:v60+s22+$0x0] =	vst.idx.msk $0xffff, v49  }
0x3da: {  	v62 =	vadd.s32 v35, v51;
	v49 =	vld [tilespmem:s0+$0xFFFFFF20];
	_ =	sdelay $0x4  }
0x3db: {  	[tilespmem:v62+s22+$0x0] =	vst.idx.msk $0xffff, v49  }
0x3dc: {  	s31 =	sadd.s32 $0xFFFFFFF3, s29;
	v63 =	vadd.s32 v36, v51;
	v49 =	vld [tilespmem:s0+$0xFFFFFF30]  }
0x3dd: {  	v54 =	vmov s31  }
0x3de: {  	v51 =	vshrl.u32 v54, $0x3  }
0x3df: {  	v51 =	vshll.u32 v51, v33  }
0x3e0: {  	v51 =	vbroadcast v51, $0x0  }
0x3e1: {  	[tilespmem:v63+s22+$0x0] =	vst.idx.msk $0xffff, v49  }
0x3e2: {  	v55 =	vadd.s32 v37, v51;
	v49 =	vld [tilespmem:s0+$0xFFFFFF40];
	_ =	sdelay $0x4  }
0x3e3: {  	[tilespmem:v55+s22+$0x0] =	vst.idx.msk $0xffff, v49  }
0x3e4: {  	s14 =	sadd.s32 $0xFFFFFFF4, s29;
	v56 =	vadd.s32 v38, v51;
	v49 =	vld [tilespmem:s0+$0xFFFFFF50]  }
0x3e5: {  	v57 =	vmov s14  }
0x3e6: {  	v51 =	vshrl.u32 v57, $0x3  }
0x3e7: {  	v51 =	vshll.u32 v51, v33  }
0x3e8: {  	v51 =	vbroadcast v51, $0x0  }
0x3e9: {  	[tilespmem:v56+s22+$0x0] =	vst.idx.msk $0xffff, v49  }
0x3ea: {  	v58 =	vadd.s32 v39, v51;
	v49 =	vld [tilespmem:s0+$0xFFFFFF60];
	_ =	sdelay $0x4  }
0x3eb: {  	[tilespmem:v58+s22+$0x0] =	vst.idx.msk $0xffff, v49  }
0x3ec: {  	s28 =	sadd.s32 $0xFFFFFFF5, s29;
	v59 =	vadd.s32 v40, v51;
	v49 =	vld [tilespmem:s0+$0xFFFFFF70]  }
0x3ed: {  	v60 =	vmov s28  }
0x3ee: {  	v51 =	vshrl.u32 v60, $0x3  }
0x3ef: {  	v51 =	vshll.u32 v51, v33  }
0x3f0: {  	v51 =	vbroadcast v51, $0x0  }
0x3f1: {  	[tilespmem:v59+s22+$0x0] =	vst.idx.msk $0xffff, v49  }
0x3f2: {  	v61 =	vadd.s32 v41, v51;
	v49 =	vld [tilespmem:s0+$0xFFFFFF80];
	_ =	sdelay $0x4  }
0x3f3: {  	[tilespmem:v61+s22+$0x0] =	vst.idx.msk $0xffff, v49  }
0x3f4: {  	s30 =	sadd.s32 $0xFFFFFFF6, s29;
	v62 =	vadd.s32 v42, v51;
	v49 =	vld [tilespmem:s0+$0xFFFFFF90]  }
0x3f5: {  	v63 =	vmov s30  }
0x3f6: {  	v51 =	vshrl.u32 v63, $0x3  }
0x3f7: {  	v51 =	vshll.u32 v51, v33  }
0x3f8: {  	v51 =	vbroadcast v51, $0x0  }
0x3f9: {  	[tilespmem:v62+s22+$0x0] =	vst.idx.msk $0xffff, v49  }
0x3fa: {  	v53 =	vadd.s32 v43, v51;
	v49 =	vld [tilespmem:s0+$0xFFFFFFA0];
	_ =	sdelay $0x4  }
0x3fb: {  	[tilespmem:v53+s22+$0x0] =	vst.idx.msk $0xffff, v49  }
0x3fc: {  	s31 =	sadd.s32 $0xFFFFFFF7, s29;
	v54 =	vadd.s32 v44, v51;
	v49 =	vld [tilespmem:s0+$0xFFFFFFB0]  }
0x3fd: {  	v55 =	vmov s31  }
0x3fe: {  	v51 =	vshrl.u32 v55, $0x3  }
0x3ff: {  	v51 =	vshll.u32 v51, v33  }
0x400: {  	v51 =	vbroadcast v51, $0x0  }
0x401: {  	[tilespmem:v54+s22+$0x0] =	vst.idx.msk $0xffff, v49  }
0x402: {  	v56 =	vadd.s32 v45, v51;
	v49 =	vld [tilespmem:s0+$0xFFFFFFC0];
	_ =	sdelay $0x4  }
0x403: {  	[tilespmem:v56+s22+$0x0] =	vst.idx.msk $0xffff, v49  }
0x404: {  	s14 =	sadd.s32 $0xFFFFFFF8, s29;
	v57 =	vadd.s32 v46, v51;
	v49 =	vld [tilespmem:s0+$0xFFFFFFD0]  }
0x405: {  	v58 =	vmov s14  }
0x406: {  	v51 =	vshrl.u32 v58, $0x3  }
0x407: {  	v51 =	vshll.u32 v51, v33  }
0x408: {  	v51 =	vbroadcast v51, $0x0  }
0x409: {  	[tilespmem:v57+s22+$0x0] =	vst.idx.msk $0xffff, v49  }
0x40a: {  	v59 =	vadd.s32 v47, v51;
	v49 =	vld [tilespmem:s0+$0xFFFFFFE0];
	_ =	sdelay $0x4  }
0x40b: {  	[tilespmem:v59+s22+$0x0] =	vst.idx.msk $0xffff, v49  }
0x40c: {  	s28 =	sadd.s32 $0xFFFFFFF9, s29;
	v60 =	vadd.s32 v48, v51;
	v49 =	vld [tilespmem:s0+$0xFFFFFFF0]  }
0x40d: {  	v61 =	vmov s28  }
0x40e: {  	v51 =	vshrl.u32 v61, $0x3  }
0x40f: {  	v51 =	vshll.u32 v51, v33  }
0x410: {  	v51 =	vbroadcast v51, $0x0  }
0x411: {  	[tilespmem:v60+s22+$0x0] =	vst.idx.msk $0xffff, v49  }
0x412: {  	v62 =	vadd.s32 v30, v51;
	v49 =	vld [tilespmem:s0+$0x0];
	_ =	sdelay $0x4  }
0x413: {  	[tilespmem:v62+s22+$0x0] =	vst.idx.msk $0xffff, v49  }
0x414: {  	s30 =	sadd.s32 $0xFFFFFFFA, s29;
	v63 =	vadd.s32 v34, v51;
	v49 =	vld [tilespmem:s0+$0x10]  }
0x415: {  	v54 =	vmov s30  }
0x416: {  	v51 =	vshrl.u32 v54, $0x3  }
0x417: {  	v51 =	vshll.u32 v51, v33  }
0x418: {  	v51 =	vbroadcast v51, $0x0  }
0x419: {  	[tilespmem:v63+s22+$0x0] =	vst.idx.msk $0xffff, v49  }
0x41a: {  	v55 =	vadd.s32 v35, v51;
	v49 =	vld [tilespmem:s0+$0x20];
	_ =	sdelay $0x4  }
0x41b: {  	[tilespmem:v55+s22+$0x0] =	vst.idx.msk $0xffff, v49  }
0x41c: {  	s31 =	sadd.s32 $0xFFFFFFFB, s29;
	v56 =	vadd.s32 v36, v51;
	v49 =	vld [tilespmem:s0+$0x30]  }
0x41d: {  	v57 =	vmov s31  }
0x41e: {  	v51 =	vshrl.u32 v57, $0x3  }
0x41f: {  	v51 =	vshll.u32 v51, v33  }
0x420: {  	v51 =	vbroadcast v51, $0x0  }
0x421: {  	[tilespmem:v56+s22+$0x0] =	vst.idx.msk $0xffff, v49  }
0x422: {  	v58 =	vadd.s32 v37, v51;
	v49 =	vld [tilespmem:s0+$0x40];
	_ =	sdelay $0x4  }
0x423: {  	[tilespmem:v58+s22+$0x0] =	vst.idx.msk $0xffff, v49  }
0x424: {  	s14 =	sadd.s32 $0xFFFFFFFC, s29;
	v59 =	vadd.s32 v38, v51;
	v49 =	vld [tilespmem:s0+$0x50]  }
0x425: {  	v60 =	vmov s14  }
0x426: {  	v51 =	vshrl.u32 v60, $0x3  }
0x427: {  	v51 =	vshll.u32 v51, v33  }
0x428: {  	v51 =	vbroadcast v51, $0x0  }
0x429: {  	[tilespmem:v59+s22+$0x0] =	vst.idx.msk $0xffff, v49  }
0x42a: {  	v61 =	vadd.s32 v39, v51;
	v49 =	vld [tilespmem:s0+$0x60];
	_ =	sdelay $0x4  }
0x42b: {  	[tilespmem:v61+s22+$0x0] =	vst.idx.msk $0xffff, v49  }
0x42c: {  	s28 =	sadd.s32 $0xFFFFFFFD, s29;
	v62 =	vadd.s32 v40, v51;
	v49 =	vld [tilespmem:s0+$0x70]  }
0x42d: {  	v63 =	vmov s28  }
0x42e: {  	v51 =	vshrl.u32 v63, $0x3  }
0x42f: {  	v51 =	vshll.u32 v51, v33  }
0x430: {  	v51 =	vbroadcast v51, $0x0  }
0x431: {  	[tilespmem:v62+s22+$0x0] =	vst.idx.msk $0xffff, v49  }
0x432: {  	v53 =	vadd.s32 v41, v51;
	v49 =	vld [tilespmem:s0+$0x80];
	_ =	sdelay $0x4  }
0x433: {  	[tilespmem:v53+s22+$0x0] =	vst.idx.msk $0xffff, v49  }
0x434: {  	s30 =	sadd.s32 $0xFFFFFFFE, s29;
	v54 =	vadd.s32 v42, v51;
	v49 =	vld [tilespmem:s0+$0x90]  }
0x435: {  	v55 =	vmov s30  }
0x436: {  	v51 =	vshrl.u32 v55, $0x3  }
0x437: {  	v51 =	vshll.u32 v51, v33  }
0x438: {  	v51 =	vbroadcast v51, $0x0  }
0x439: {  	[tilespmem:v54+s22+$0x0] =	vst.idx.msk $0xffff, v49  }
0x43a: {  	v56 =	vadd.s32 v43, v51;
	v49 =	vld [tilespmem:s0+$0xA0];
	_ =	sdelay $0x4  }
0x43b: {  	[tilespmem:v56+s22+$0x0] =	vst.idx.msk $0xffff, v49  }
0x43c: {  	s31 =	sadd.s32 $0xFFFFFFFF, s29;
	v57 =	vadd.s32 v44, v51;
	v49 =	vld [tilespmem:s0+$0xB0]  }
0x43d: {  	v58 =	vmov s31  }
0x43e: {  	v51 =	vshrl.u32 v58, $0x3  }
0x43f: {  	v51 =	vshll.u32 v51, v33  }
0x440: {  	v51 =	vbroadcast v51, $0x0  }
0x441: {  	[tilespmem:v57+s22+$0x0] =	vst.idx.msk $0xffff, v49  }
0x442: {  	v59 =	vadd.s32 v45, v51;
	v49 =	vld [tilespmem:s0+$0xC0];
	_ =	sdelay $0x4  }
0x443: {  	[tilespmem:v59+s22+$0x0] =	vst.idx.msk $0xffff, v49  }
0x444: {  	v60 =	vadd.s32 v46, v51;
	v49 =	vld [tilespmem:s0+$0xD0]  }
0x445: {  	v61 =	vmov s29  }
0x446: {  	v51 =	vshrl.u32 v61, $0x3  }
0x447: {  	v51 =	vshll.u32 v51, v33  }
0x448: {  	v51 =	vbroadcast v51, $0x0  }
0x449: {  	[tilespmem:v60+s22+$0x0] =	vst.idx.msk $0xffff, v49  }
0x44a: {  	v62 =	vadd.s32 v47, v51;
	v49 =	vld [tilespmem:s0+$0xE0];
	_ =	sdelay $0x4  }
0x44b: {  	[tilespmem:v62+s22+$0x0] =	vst.idx.msk $0xffff, v49  }
0x44c: {  	v63 =	vadd.s32 v48, v51;
	v49 =	vld [tilespmem:s0+$0xF0];
	_ =	sdelay $0x4  }
0x44d: {  	s1 =	simm.s32 $0x19500;
	s0 =	simm.s32 $0x0;
	[tilespmem:v63+s22+$0x0] =	vst.idx.msk $0xffff, v49  }
.LBB2_10:
0x44e: {  	p0 =	sne.s32 s0, $0xF800  }
.Ltmp4:
0x44f: {  	_ = 	snop;
	(pc) =	sbr.rel @p0 .LBB2_10-.Ltmp4, $4  }
0x450: {  	_ = 	snop  }
0x451: {  	s14 =	sadd.s32 s0, s8  }
0x452: {  	[hbm4b:s14+s2] =	stream.linear.scatter [tilespmem:s1], [sflag:$0x4], $0x200, $0x38;
	[tilespmem:$0x1D600] =	vst v63  }
0x453: {  	s0 =	sadd.s32 $0x800, s0;
	s1 =	sadd.s32 $0x208, s1  }
0x454: {  	s28 =	simm.s32 $0x1  }
.LBB2_12:
0x455: {  	s29 =	sshllo.u32 s28, $0x1  }
0x456: {  	_ =	swait.ge [sflag:s16], $0x4000;
	s0 =	sshll.u32 s29, $0x9  }
0x457: {  	s1 =	simm.s32 $0x0;
	[sflag:s16] =	ssyncset.done $0x0;
	s0 =	sand.u32 $0x3FFFFE00, s0  }
0x458: {  	v49 =	vmov s1;
	[sflag:s16] =	ssyncadd.s32 $0xFFFFC000;
	s0 =	sadd.s32 $0x7000, s0  }
0x459: {  	v49 =	vshrl.u32 v49, $0x3;
	[tilespmem:s18], [sflag:$0x2] =	stream.indirect.gather [hbm4b:s5+s13], $0x20, s0, s13, $0xb8;
	[tilespmem:$0x1D600] =	vst v63  }
0x45a: {  	v49 =	vshll.u32 v49, v33;
	_ =	swait.ge [sflag:s23], $0x4000  }
0x45b: {  	v49 =	vbroadcast v49, $0x0;
	[sflag:s23] =	ssyncset.done $0x0  }
0x45c: {  	s30 =	simm.s32 $0xD500;
	[sflag:s23] =	ssyncadd.s32 $0xFFFFC000  }
0x45d: {  	v51 =	vadd.s32 v30, v49;
	v50 =	vld [tilespmem:s30+$0xFFFFFF00];
	_ =	sdelay $0x4  }
0x45e: {  	[tilespmem:v51+s19+$0x0] =	vst.idx.msk $0xffff, v50  }
0x45f: {  	s14 =	simm.s32 $0x1;
	v49 =	vadd.s32 v34, v49;
	v50 =	vld [tilespmem:s30+$0xFFFFFF10]  }
0x460: {  	v61 =	vmov s14  }
0x461: {  	v51 =	vshrl.u32 v61, $0x3  }
0x462: {  	v51 =	vshll.u32 v51, v33  }
0x463: {  	v51 =	vbroadcast v51, $0x0  }
0x464: {  	[tilespmem:v49+s19+$0x0] =	vst.idx.msk $0xffff, v50  }
0x465: {  	v62 =	vadd.s32 v35, v51;
	v49 =	vld [tilespmem:s30+$0xFFFFFF20];
	_ =	sdelay $0x4  }
0x466: {  	[tilespmem:v62+s19+$0x0] =	vst.idx.msk $0xffff, v49  }
0x467: {  	s1 =	simm.s32 $0x2;
	v63 =	vadd.s32 v36, v51;
	v49 =	vld [tilespmem:s30+$0xFFFFFF30]  }
0x468: {  	v54 =	vmov s1  }
0x469: {  	v51 =	vshrl.u32 v54, $0x3  }
0x46a: {  	v51 =	vshll.u32 v51, v33  }
0x46b: {  	v51 =	vbroadcast v51, $0x0  }
0x46c: {  	[tilespmem:v63+s19+$0x0] =	vst.idx.msk $0xffff, v49  }
0x46d: {  	v55 =	vadd.s32 v37, v51;
	v49 =	vld [tilespmem:s30+$0xFFFFFF40];
	_ =	sdelay $0x4  }
0x46e: {  	[tilespmem:v55+s19+$0x0] =	vst.idx.msk $0xffff, v49  }
0x46f: {  	s14 =	simm.s32 $0x3;
	v56 =	vadd.s32 v38, v51;
	v49 =	vld [tilespmem:s30+$0xFFFFFF50]  }
0x470: {  	v57 =	vmov s14  }
0x471: {  	v51 =	vshrl.u32 v57, $0x3  }
0x472: {  	v51 =	vshll.u32 v51, v33  }
0x473: {  	v51 =	vbroadcast v51, $0x0  }
0x474: {  	[tilespmem:v56+s19+$0x0] =	vst.idx.msk $0xffff, v49  }
0x475: {  	v58 =	vadd.s32 v39, v51;
	v49 =	vld [tilespmem:s30+$0xFFFFFF60];
	_ =	sdelay $0x4  }
0x476: {  	[tilespmem:v58+s19+$0x0] =	vst.idx.msk $0xffff, v49  }
0x477: {  	s1 =	simm.s32 $0x4;
	v59 =	vadd.s32 v40, v51;
	v49 =	vld [tilespmem:s30+$0xFFFFFF70]  }
0x478: {  	v60 =	vmov s1  }
0x479: {  	v51 =	vshrl.u32 v60, $0x3  }
0x47a: {  	v51 =	vshll.u32 v51, v33  }
0x47b: {  	v51 =	vbroadcast v51, $0x0  }
0x47c: {  	[tilespmem:v59+s19+$0x0] =	vst.idx.msk $0xffff, v49  }
0x47d: {  	v61 =	vadd.s32 v41, v51;
	v49 =	vld [tilespmem:s30+$0xFFFFFF80];
	_ =	sdelay $0x4  }
0x47e: {  	[tilespmem:v61+s19+$0x0] =	vst.idx.msk $0xffff, v49  }
0x47f: {  	s14 =	simm.s32 $0x5;
	v62 =	vadd.s32 v42, v51;
	v49 =	vld [tilespmem:s30+$0xFFFFFF90]  }
0x480: {  	v63 =	vmov s14  }
0x481: {  	v51 =	vshrl.u32 v63, $0x3  }
0x482: {  	v51 =	vshll.u32 v51, v33  }
0x483: {  	v51 =	vbroadcast v51, $0x0  }
0x484: {  	[tilespmem:v62+s19+$0x0] =	vst.idx.msk $0xffff, v49  }
0x485: {  	v53 =	vadd.s32 v43, v51;
	v49 =	vld [tilespmem:s30+$0xFFFFFFA0];
	_ =	sdelay $0x4  }
0x486: {  	[tilespmem:v53+s19+$0x0] =	vst.idx.msk $0xffff, v49  }
0x487: {  	s1 =	simm.s32 $0x6;
	v54 =	vadd.s32 v44, v51;
	v49 =	vld [tilespmem:s30+$0xFFFFFFB0]  }
0x488: {  	v55 =	vmov s1  }
0x489: {  	v51 =	vshrl.u32 v55, $0x3  }
0x48a: {  	v51 =	vshll.u32 v51, v33  }
0x48b: {  	v51 =	vbroadcast v51, $0x0  }
0x48c: {  	[tilespmem:v54+s19+$0x0] =	vst.idx.msk $0xffff, v49  }
0x48d: {  	v56 =	vadd.s32 v45, v51;
	v49 =	vld [tilespmem:s30+$0xFFFFFFC0];
	_ =	sdelay $0x4  }
0x48e: {  	[tilespmem:v56+s19+$0x0] =	vst.idx.msk $0xffff, v49  }
0x48f: {  	s14 =	simm.s32 $0x7;
	v57 =	vadd.s32 v46, v51;
	v49 =	vld [tilespmem:s30+$0xFFFFFFD0]  }
0x490: {  	v58 =	vmov s14  }
0x491: {  	v51 =	vshrl.u32 v58, $0x3  }
0x492: {  	v51 =	vshll.u32 v51, v33  }
0x493: {  	v51 =	vbroadcast v51, $0x0  }
0x494: {  	[tilespmem:v57+s19+$0x0] =	vst.idx.msk $0xffff, v49  }
0x495: {  	v59 =	vadd.s32 v47, v51;
	v49 =	vld [tilespmem:s30+$0xFFFFFFE0];
	_ =	sdelay $0x4  }
0x496: {  	[tilespmem:v59+s19+$0x0] =	vst.idx.msk $0xffff, v49  }
0x497: {  	s1 =	simm.s32 $0x8;
	v60 =	vadd.s32 v48, v51;
	v49 =	vld [tilespmem:s30+$0xFFFFFFF0]  }
0x498: {  	v61 =	vmov s1  }
0x499: {  	v51 =	vshrl.u32 v61, $0x3  }
0x49a: {  	v51 =	vshll.u32 v51, v33  }
0x49b: {  	v51 =	vbroadcast v51, $0x0  }
0x49c: {  	[tilespmem:v60+s19+$0x0] =	vst.idx.msk $0xffff, v49  }
0x49d: {  	v62 =	vadd.s32 v30, v51;
	v49 =	vld [tilespmem:s30+$0x0];
	_ =	sdelay $0x4  }
0x49e: {  	[tilespmem:v62+s19+$0x0] =	vst.idx.msk $0xffff, v49  }
0x49f: {  	s14 =	simm.s32 $0x9;
	v63 =	vadd.s32 v34, v51;
	v49 =	vld [tilespmem:s30+$0x10]  }
0x4a0: {  	v54 =	vmov s14  }
0x4a1: {  	v51 =	vshrl.u32 v54, $0x3  }
0x4a2: {  	v51 =	vshll.u32 v51, v33  }
0x4a3: {  	v51 =	vbroadcast v51, $0x0  }
0x4a4: {  	[tilespmem:v63+s19+$0x0] =	vst.idx.msk $0xffff, v49  }
0x4a5: {  	v55 =	vadd.s32 v35, v51;
	v49 =	vld [tilespmem:s30+$0x20];
	_ =	sdelay $0x4  }
0x4a6: {  	[tilespmem:v55+s19+$0x0] =	vst.idx.msk $0xffff, v49  }
0x4a7: {  	s1 =	simm.s32 $0xA;
	v56 =	vadd.s32 v36, v51;
	v49 =	vld [tilespmem:s30+$0x30]  }
0x4a8: {  	v57 =	vmov s1  }
0x4a9: {  	v51 =	vshrl.u32 v57, $0x3  }
0x4aa: {  	v51 =	vshll.u32 v51, v33  }
0x4ab: {  	v51 =	vbroadcast v51, $0x0  }
0x4ac: {  	[tilespmem:v56+s19+$0x0] =	vst.idx.msk $0xffff, v49  }
0x4ad: {  	v58 =	vadd.s32 v37, v51;
	v49 =	vld [tilespmem:s30+$0x40];
	_ =	sdelay $0x4  }
0x4ae: {  	[tilespmem:v58+s19+$0x0] =	vst.idx.msk $0xffff, v49  }
0x4af: {  	s14 =	simm.s32 $0xB;
	v59 =	vadd.s32 v38, v51;
	v49 =	vld [tilespmem:s30+$0x50]  }
0x4b0: {  	v60 =	vmov s14  }
0x4b1: {  	v51 =	vshrl.u32 v60, $0x3  }
0x4b2: {  	v51 =	vshll.u32 v51, v33  }
0x4b3: {  	v51 =	vbroadcast v51, $0x0  }
0x4b4: {  	[tilespmem:v59+s19+$0x0] =	vst.idx.msk $0xffff, v49  }
0x4b5: {  	v61 =	vadd.s32 v39, v51;
	v49 =	vld [tilespmem:s30+$0x60];
	_ =	sdelay $0x4  }
0x4b6: {  	[tilespmem:v61+s19+$0x0] =	vst.idx.msk $0xffff, v49  }
0x4b7: {  	s1 =	simm.s32 $0xC;
	v62 =	vadd.s32 v40, v51;
	v49 =	vld [tilespmem:s30+$0x70]  }
0x4b8: {  	v63 =	vmov s1  }
0x4b9: {  	v51 =	vshrl.u32 v63, $0x3  }
0x4ba: {  	v51 =	vshll.u32 v51, v33  }
0x4bb: {  	v51 =	vbroadcast v51, $0x0  }
0x4bc: {  	[tilespmem:v62+s19+$0x0] =	vst.idx.msk $0xffff, v49  }
0x4bd: {  	v54 =	vadd.s32 v41, v51;
	v49 =	vld [tilespmem:s30+$0x80];
	_ =	sdelay $0x4  }
0x4be: {  	[tilespmem:v54+s19+$0x0] =	vst.idx.msk $0xffff, v49  }
0x4bf: {  	s14 =	simm.s32 $0xD;
	v55 =	vadd.s32 v42, v51;
	v49 =	vld [tilespmem:s30+$0x90]  }
0x4c0: {  	v56 =	vmov s14  }
0x4c1: {  	v51 =	vshrl.u32 v56, $0x3  }
0x4c2: {  	v51 =	vshll.u32 v51, v33  }
0x4c3: {  	v51 =	vbroadcast v51, $0x0  }
0x4c4: {  	[tilespmem:v55+s19+$0x0] =	vst.idx.msk $0xffff, v49  }
0x4c5: {  	v57 =	vadd.s32 v43, v51;
	v49 =	vld [tilespmem:s30+$0xA0];
	_ =	sdelay $0x4  }
0x4c6: {  	[tilespmem:v57+s19+$0x0] =	vst.idx.msk $0xffff, v49  }
0x4c7: {  	s1 =	simm.s32 $0xE;
	v58 =	vadd.s32 v44, v51;
	v49 =	vld [tilespmem:s30+$0xB0]  }
0x4c8: {  	v59 =	vmov s1  }
0x4c9: {  	v51 =	vshrl.u32 v59, $0x3  }
0x4ca: {  	v51 =	vshll.u32 v51, v33  }
0x4cb: {  	v51 =	vbroadcast v51, $0x0  }
0x4cc: {  	[tilespmem:v58+s19+$0x0] =	vst.idx.msk $0xffff, v49  }
0x4cd: {  	v60 =	vadd.s32 v45, v51;
	v49 =	vld [tilespmem:s30+$0xC0];
	_ =	sdelay $0x4  }
0x4ce: {  	[tilespmem:v60+s19+$0x0] =	vst.idx.msk $0xffff, v49  }
0x4cf: {  	s14 =	simm.s32 $0xF;
	v61 =	vadd.s32 v46, v51;
	v49 =	vld [tilespmem:s30+$0xD0]  }
0x4d0: {  	v62 =	vmov s14  }
0x4d1: {  	v51 =	vshrl.u32 v62, $0x3  }
0x4d2: {  	v51 =	vshll.u32 v51, v33  }
0x4d3: {  	v51 =	vbroadcast v51, $0x0  }
0x4d4: {  	[tilespmem:v61+s19+$0x0] =	vst.idx.msk $0xffff, v49  }
0x4d5: {  	v63 =	vadd.s32 v47, v51;
	v49 =	vld [tilespmem:s30+$0xE0];
	_ =	sdelay $0x4  }
0x4d6: {  	[tilespmem:v63+s19+$0x0] =	vst.idx.msk $0xffff, v49  }
0x4d7: {  	s31 =	simm.s32 $0x1F;
	s0 =	simm.s32 $0x2F;
	s1 =	simm.s32 $0x10;
	v50 =	vadd.s32 v48, v51;
	v49 =	vld [tilespmem:s30+$0xF0]  }
.LBB2_13:
0x4d8: {  	p0 =	sne.s32 s0, $0x1FF;
	v51 =	vmov s1  }
0x4d9: {  	v51 =	vshrl.u32 v51, $0x3  }
0x4da: {  	v51 =	vshll.u32 v51, v33  }
0x4db: {  	v51 =	vbroadcast v51, $0x0  }
0x4dc: {  	s30 =	sadd.s32 $0x200, s30;
	[tilespmem:v50+s19+$0x0] =	vst.idx.msk $0xffff, v49  }
0x4dd: {  	v49 =	vld [tilespmem:s30+$0xFFFFFF00];
	v50 =	vadd.s32 v30, v51;
	_ =	sdelay $0x4  }
0x4de: {  	[tilespmem:v50+s19+$0x0] =	vst.idx.msk $0xffff, v49  }
0x4df: {  	s1 =	sadd.s32 $0xFFFFFFF2, s31;
	v50 =	vadd.s32 v34, v51;
	v49 =	vld [tilespmem:s30+$0xFFFFFF10]  }
0x4e0: {  	v51 =	vmov s1  }
0x4e1: {  	v51 =	vshrl.u32 v51, $0x3  }
0x4e2: {  	v51 =	vshll.u32 v51, v33  }
0x4e3: {  	v51 =	vbroadcast v51, $0x0  }
0x4e4: {  	[tilespmem:v50+s19+$0x0] =	vst.idx.msk $0xffff, v49  }
0x4e5: {  	v50 =	vadd.s32 v35, v51;
	v49 =	vld [tilespmem:s30+$0xFFFFFF20];
	_ =	sdelay $0x4  }
0x4e6: {  	[tilespmem:v50+s19+$0x0] =	vst.idx.msk $0xffff, v49  }
0x4e7: {  	s1 =	sadd.s32 $0xFFFFFFF3, s31;
	v50 =	vadd.s32 v36, v51;
	v49 =	vld [tilespmem:s30+$0xFFFFFF30]  }
0x4e8: {  	v51 =	vmov s1  }
0x4e9: {  	v51 =	vshrl.u32 v51, $0x3  }
0x4ea: {  	v51 =	vshll.u32 v51, v33  }
0x4eb: {  	v51 =	vbroadcast v51, $0x0  }
0x4ec: {  	[tilespmem:v50+s19+$0x0] =	vst.idx.msk $0xffff, v49  }
0x4ed: {  	v50 =	vadd.s32 v37, v51;
	v49 =	vld [tilespmem:s30+$0xFFFFFF40];
	_ =	sdelay $0x4  }
0x4ee: {  	[tilespmem:v50+s19+$0x0] =	vst.idx.msk $0xffff, v49  }
0x4ef: {  	s1 =	sadd.s32 $0xFFFFFFF4, s31;
	v50 =	vadd.s32 v38, v51;
	v49 =	vld [tilespmem:s30+$0xFFFFFF50]  }
0x4f0: {  	v51 =	vmov s1  }
0x4f1: {  	v51 =	vshrl.u32 v51, $0x3  }
0x4f2: {  	v51 =	vshll.u32 v51, v33  }
0x4f3: {  	v51 =	vbroadcast v51, $0x0  }
0x4f4: {  	[tilespmem:v50+s19+$0x0] =	vst.idx.msk $0xffff, v49  }
0x4f5: {  	v50 =	vadd.s32 v39, v51;
	v49 =	vld [tilespmem:s30+$0xFFFFFF60];
	_ =	sdelay $0x4  }
0x4f6: {  	[tilespmem:v50+s19+$0x0] =	vst.idx.msk $0xffff, v49  }
0x4f7: {  	s1 =	sadd.s32 $0xFFFFFFF5, s31;
	v50 =	vadd.s32 v40, v51;
	v49 =	vld [tilespmem:s30+$0xFFFFFF70]  }
0x4f8: {  	v51 =	vmov s1  }
0x4f9: {  	v51 =	vshrl.u32 v51, $0x3  }
0x4fa: {  	v51 =	vshll.u32 v51, v33  }
0x4fb: {  	v51 =	vbroadcast v51, $0x0  }
0x4fc: {  	[tilespmem:v50+s19+$0x0] =	vst.idx.msk $0xffff, v49  }
0x4fd: {  	v50 =	vadd.s32 v41, v51;
	v49 =	vld [tilespmem:s30+$0xFFFFFF80];
	_ =	sdelay $0x4  }
0x4fe: {  	[tilespmem:v50+s19+$0x0] =	vst.idx.msk $0xffff, v49  }
0x4ff: {  	s1 =	sadd.s32 $0xFFFFFFF6, s31;
	v50 =	vadd.s32 v42, v51;
	v49 =	vld [tilespmem:s30+$0xFFFFFF90]  }
0x500: {  	v51 =	vmov s1  }
0x501: {  	v51 =	vshrl.u32 v51, $0x3  }
0x502: {  	v51 =	vshll.u32 v51, v33  }
0x503: {  	v51 =	vbroadcast v51, $0x0  }
0x504: {  	[tilespmem:v50+s19+$0x0] =	vst.idx.msk $0xffff, v49  }
0x505: {  	v50 =	vadd.s32 v43, v51;
	v49 =	vld [tilespmem:s30+$0xFFFFFFA0];
	_ =	sdelay $0x4  }
0x506: {  	[tilespmem:v50+s19+$0x0] =	vst.idx.msk $0xffff, v49  }
0x507: {  	s1 =	sadd.s32 $0xFFFFFFF7, s31;
	v50 =	vadd.s32 v44, v51;
	v49 =	vld [tilespmem:s30+$0xFFFFFFB0]  }
0x508: {  	v51 =	vmov s1  }
0x509: {  	v51 =	vshrl.u32 v51, $0x3  }
0x50a: {  	v51 =	vshll.u32 v51, v33  }
0x50b: {  	v51 =	vbroadcast v51, $0x0  }
0x50c: {  	[tilespmem:v50+s19+$0x0] =	vst.idx.msk $0xffff, v49  }
0x50d: {  	v50 =	vadd.s32 v45, v51;
	v49 =	vld [tilespmem:s30+$0xFFFFFFC0];
	_ =	sdelay $0x4  }
0x50e: {  	[tilespmem:v50+s19+$0x0] =	vst.idx.msk $0xffff, v49  }
0x50f: {  	s1 =	sadd.s32 $0xFFFFFFF8, s31;
	v50 =	vadd.s32 v46, v51;
	v49 =	vld [tilespmem:s30+$0xFFFFFFD0]  }
0x510: {  	v51 =	vmov s1  }
0x511: {  	v51 =	vshrl.u32 v51, $0x3  }
0x512: {  	v51 =	vshll.u32 v51, v33  }
0x513: {  	v51 =	vbroadcast v51, $0x0  }
0x514: {  	[tilespmem:v50+s19+$0x0] =	vst.idx.msk $0xffff, v49  }
0x515: {  	v50 =	vadd.s32 v47, v51;
	v49 =	vld [tilespmem:s30+$0xFFFFFFE0];
	_ =	sdelay $0x4  }
0x516: {  	[tilespmem:v50+s19+$0x0] =	vst.idx.msk $0xffff, v49  }
0x517: {  	s1 =	sadd.s32 $0xFFFFFFF9, s31;
	v50 =	vadd.s32 v48, v51;
	v49 =	vld [tilespmem:s30+$0xFFFFFFF0]  }
0x518: {  	v51 =	vmov s1  }
0x519: {  	v51 =	vshrl.u32 v51, $0x3  }
0x51a: {  	v51 =	vshll.u32 v51, v33  }
0x51b: {  	v51 =	vbroadcast v51, $0x0  }
0x51c: {  	[tilespmem:v50+s19+$0x0] =	vst.idx.msk $0xffff, v49  }
0x51d: {  	v50 =	vadd.s32 v30, v51;
	v49 =	vld [tilespmem:s30+$0x0];
	_ =	sdelay $0x4  }
0x51e: {  	[tilespmem:v50+s19+$0x0] =	vst.idx.msk $0xffff, v49  }
0x51f: {  	s1 =	sadd.s32 $0xFFFFFFFA, s31;
	v50 =	vadd.s32 v34, v51;
	v49 =	vld [tilespmem:s30+$0x10]  }
0x520: {  	v51 =	vmov s1  }
0x521: {  	v51 =	vshrl.u32 v51, $0x3  }
0x522: {  	v51 =	vshll.u32 v51, v33  }
0x523: {  	v51 =	vbroadcast v51, $0x0  }
0x524: {  	[tilespmem:v50+s19+$0x0] =	vst.idx.msk $0xffff, v49  }
0x525: {  	v50 =	vadd.s32 v35, v51;
	v49 =	vld [tilespmem:s30+$0x20];
	_ =	sdelay $0x4  }
0x526: {  	[tilespmem:v50+s19+$0x0] =	vst.idx.msk $0xffff, v49  }
0x527: {  	s1 =	sadd.s32 $0xFFFFFFFB, s31;
	v50 =	vadd.s32 v36, v51;
	v49 =	vld [tilespmem:s30+$0x30]  }
0x528: {  	v51 =	vmov s1  }
0x529: {  	v51 =	vshrl.u32 v51, $0x3  }
0x52a: {  	v51 =	vshll.u32 v51, v33  }
0x52b: {  	v51 =	vbroadcast v51, $0x0  }
0x52c: {  	[tilespmem:v50+s19+$0x0] =	vst.idx.msk $0xffff, v49  }
0x52d: {  	v50 =	vadd.s32 v37, v51;
	v49 =	vld [tilespmem:s30+$0x40];
	_ =	sdelay $0x4  }
0x52e: {  	[tilespmem:v50+s19+$0x0] =	vst.idx.msk $0xffff, v49  }
0x52f: {  	s1 =	sadd.s32 $0xFFFFFFFC, s31;
	v50 =	vadd.s32 v38, v51;
	v49 =	vld [tilespmem:s30+$0x50]  }
0x530: {  	v51 =	vmov s1  }
0x531: {  	v51 =	vshrl.u32 v51, $0x3  }
0x532: {  	v51 =	vshll.u32 v51, v33  }
0x533: {  	v51 =	vbroadcast v51, $0x0  }
0x534: {  	[tilespmem:v50+s19+$0x0] =	vst.idx.msk $0xffff, v49  }
0x535: {  	v50 =	vadd.s32 v39, v51;
	v49 =	vld [tilespmem:s30+$0x60];
	_ =	sdelay $0x4  }
0x536: {  	[tilespmem:v50+s19+$0x0] =	vst.idx.msk $0xffff, v49  }
0x537: {  	s1 =	sadd.s32 $0xFFFFFFFD, s31;
	v50 =	vadd.s32 v40, v51;
	v49 =	vld [tilespmem:s30+$0x70]  }
0x538: {  	v51 =	vmov s1  }
0x539: {  	v51 =	vshrl.u32 v51, $0x3  }
0x53a: {  	v51 =	vshll.u32 v51, v33  }
0x53b: {  	v51 =	vbroadcast v51, $0x0  }
0x53c: {  	[tilespmem:v50+s19+$0x0] =	vst.idx.msk $0xffff, v49  }
0x53d: {  	v50 =	vadd.s32 v41, v51;
	v49 =	vld [tilespmem:s30+$0x80];
	_ =	sdelay $0x4  }
0x53e: {  	[tilespmem:v50+s19+$0x0] =	vst.idx.msk $0xffff, v49  }
0x53f: {  	s1 =	sadd.s32 $0xFFFFFFFE, s31;
	v50 =	vadd.s32 v42, v51;
	v49 =	vld [tilespmem:s30+$0x90]  }
0x540: {  	v51 =	vmov s1  }
0x541: {  	v51 =	vshrl.u32 v51, $0x3  }
0x542: {  	v51 =	vshll.u32 v51, v33  }
0x543: {  	v51 =	vbroadcast v51, $0x0  }
0x544: {  	[tilespmem:v50+s19+$0x0] =	vst.idx.msk $0xffff, v49  }
0x545: {  	v50 =	vadd.s32 v43, v51;
	v49 =	vld [tilespmem:s30+$0xA0];
	_ =	sdelay $0x4  }
0x546: {  	[tilespmem:v50+s19+$0x0] =	vst.idx.msk $0xffff, v49  }
0x547: {  	s1 =	sadd.s32 $0xFFFFFFFF, s31;
	v50 =	vadd.s32 v44, v51;
	v49 =	vld [tilespmem:s30+$0xB0]  }
0x548: {  	v51 =	vmov s1  }
0x549: {  	v51 =	vshrl.u32 v51, $0x3  }
0x54a: {  	v51 =	vshll.u32 v51, v33  }
0x54b: {  	v51 =	vbroadcast v51, $0x0  }
0x54c: {  	[tilespmem:v50+s19+$0x0] =	vst.idx.msk $0xffff, v49  }
0x54d: {  	v50 =	vadd.s32 v45, v51;
	v49 =	vld [tilespmem:s30+$0xC0];
	_ =	sdelay $0x4  }
0x54e: {  	[tilespmem:v50+s19+$0x0] =	vst.idx.msk $0xffff, v49  }
0x54f: {  	v50 =	vadd.s32 v46, v51;
	v49 =	vld [tilespmem:s30+$0xD0]  }
0x550: {  	v51 =	vmov s31;
	s31 =	smov.u32 s0  }
0x551: {  	v51 =	vshrl.u32 v51, $0x3  }
0x552: {  	v51 =	vshll.u32 v51, v33  }
0x553: {  	v51 =	vbroadcast v51, $0x0  }
0x554: {  	[tilespmem:v50+s19+$0x0] =	vst.idx.msk $0xffff, v49  }
0x555: {  	v50 =	vadd.s32 v47, v51;
	v49 =	vld [tilespmem:s30+$0xE0];
	_ =	sdelay $0x1  }
.Ltmp5:
0x556: {  	(pc) =	sbr.rel @p0 .LBB2_13-.Ltmp5, $3  }
0x557: {  	_ =	sdelay $0x1  }
0x558: {  	[tilespmem:v50+s19+$0x0] =	vst.idx.msk $0xffff, v49  }
0x559: {  	s0 =	sadd.s32 $0x10, s0;
	s1 =	sadd.s32 $0xFFFFFFF1, s31;
	v50 =	vadd.s32 v48, v51;
	v49 =	vld [tilespmem:s30+$0xF0]  }
0x55a: {  	v51 =	vmov s1  }
0x55b: {  	v51 =	vshrl.u32 v51, $0x3  }
0x55c: {  	v51 =	vshll.u32 v51, v33  }
0x55d: {  	v51 =	vbroadcast v51, $0x0  }
0x55e: {  	s0 =	sadd.s32 $0x200, s30;
	[tilespmem:v50+s19+$0x0] =	vst.idx.msk $0xffff, v49  }
0x55f: {  	v49 =	vld [tilespmem:s0+$0xFFFFFF00];
	v59 =	vadd.s32 v30, v51;
	_ =	sdelay $0x4  }
0x560: {  	[tilespmem:v59+s19+$0x0] =	vst.idx.msk $0xffff, v49  }
0x561: {  	s14 =	sadd.s32 $0xFFFFFFF2, s31;
	v60 =	vadd.s32 v34, v51;
	v49 =	vld [tilespmem:s0+$0xFFFFFF10]  }
0x562: {  	v61 =	vmov s14  }
0x563: {  	v51 =	vshrl.u32 v61, $0x3  }
0x564: {  	v51 =	vshll.u32 v51, v33  }
0x565: {  	v51 =	vbroadcast v51, $0x0  }
0x566: {  	[tilespmem:v60+s19+$0x0] =	vst.idx.msk $0xffff, v49  }
0x567: {  	v62 =	vadd.s32 v35, v51;
	v49 =	vld [tilespmem:s0+$0xFFFFFF20];
	_ =	sdelay $0x4  }
0x568: {  	[tilespmem:v62+s19+$0x0] =	vst.idx.msk $0xffff, v49  }
0x569: {  	s14 =	sadd.s32 $0xFFFFFFF3, s31;
	v63 =	vadd.s32 v36, v51;
	v49 =	vld [tilespmem:s0+$0xFFFFFF30]  }
0x56a: {  	v54 =	vmov s14  }
0x56b: {  	v51 =	vshrl.u32 v54, $0x3  }
0x56c: {  	v51 =	vshll.u32 v51, v33  }
0x56d: {  	v51 =	vbroadcast v51, $0x0  }
0x56e: {  	[tilespmem:v63+s19+$0x0] =	vst.idx.msk $0xffff, v49  }
0x56f: {  	v55 =	vadd.s32 v37, v51;
	v49 =	vld [tilespmem:s0+$0xFFFFFF40];
	_ =	sdelay $0x4  }
0x570: {  	[tilespmem:v55+s19+$0x0] =	vst.idx.msk $0xffff, v49  }
0x571: {  	s14 =	sadd.s32 $0xFFFFFFF4, s31;
	v56 =	vadd.s32 v38, v51;
	v49 =	vld [tilespmem:s0+$0xFFFFFF50]  }
0x572: {  	v57 =	vmov s14  }
0x573: {  	v51 =	vshrl.u32 v57, $0x3  }
0x574: {  	v51 =	vshll.u32 v51, v33  }
0x575: {  	v51 =	vbroadcast v51, $0x0  }
0x576: {  	[tilespmem:v56+s19+$0x0] =	vst.idx.msk $0xffff, v49  }
0x577: {  	v58 =	vadd.s32 v39, v51;
	v49 =	vld [tilespmem:s0+$0xFFFFFF60];
	_ =	sdelay $0x4  }
0x578: {  	[tilespmem:v58+s19+$0x0] =	vst.idx.msk $0xffff, v49  }
0x579: {  	s14 =	sadd.s32 $0xFFFFFFF5, s31;
	v59 =	vadd.s32 v40, v51;
	v49 =	vld [tilespmem:s0+$0xFFFFFF70]  }
0x57a: {  	v60 =	vmov s14  }
0x57b: {  	v51 =	vshrl.u32 v60, $0x3  }
0x57c: {  	v51 =	vshll.u32 v51, v33  }
0x57d: {  	v51 =	vbroadcast v51, $0x0  }
0x57e: {  	[tilespmem:v59+s19+$0x0] =	vst.idx.msk $0xffff, v49  }
0x57f: {  	v61 =	vadd.s32 v41, v51;
	v49 =	vld [tilespmem:s0+$0xFFFFFF80];
	_ =	sdelay $0x4  }
0x580: {  	[tilespmem:v61+s19+$0x0] =	vst.idx.msk $0xffff, v49  }
0x581: {  	s14 =	sadd.s32 $0xFFFFFFF6, s31;
	v62 =	vadd.s32 v42, v51;
	v49 =	vld [tilespmem:s0+$0xFFFFFF90]  }
0x582: {  	v63 =	vmov s14  }
0x583: {  	v51 =	vshrl.u32 v63, $0x3  }
0x584: {  	v51 =	vshll.u32 v51, v33  }
0x585: {  	v51 =	vbroadcast v51, $0x0  }
0x586: {  	[tilespmem:v62+s19+$0x0] =	vst.idx.msk $0xffff, v49  }
0x587: {  	v53 =	vadd.s32 v43, v51;
	v49 =	vld [tilespmem:s0+$0xFFFFFFA0];
	_ =	sdelay $0x4  }
0x588: {  	[tilespmem:v53+s19+$0x0] =	vst.idx.msk $0xffff, v49  }
0x589: {  	s14 =	sadd.s32 $0xFFFFFFF7, s31;
	v54 =	vadd.s32 v44, v51;
	v49 =	vld [tilespmem:s0+$0xFFFFFFB0]  }
0x58a: {  	v55 =	vmov s14  }
0x58b: {  	v51 =	vshrl.u32 v55, $0x3  }
0x58c: {  	v51 =	vshll.u32 v51, v33  }
0x58d: {  	v51 =	vbroadcast v51, $0x0  }
0x58e: {  	[tilespmem:v54+s19+$0x0] =	vst.idx.msk $0xffff, v49  }
0x58f: {  	v56 =	vadd.s32 v45, v51;
	v49 =	vld [tilespmem:s0+$0xFFFFFFC0];
	_ =	sdelay $0x4  }
0x590: {  	[tilespmem:v56+s19+$0x0] =	vst.idx.msk $0xffff, v49  }
0x591: {  	s14 =	sadd.s32 $0xFFFFFFF8, s31;
	v57 =	vadd.s32 v46, v51;
	v49 =	vld [tilespmem:s0+$0xFFFFFFD0]  }
0x592: {  	v58 =	vmov s14  }
0x593: {  	v51 =	vshrl.u32 v58, $0x3  }
0x594: {  	v51 =	vshll.u32 v51, v33  }
0x595: {  	v51 =	vbroadcast v51, $0x0  }
0x596: {  	[tilespmem:v57+s19+$0x0] =	vst.idx.msk $0xffff, v49  }
0x597: {  	v59 =	vadd.s32 v47, v51;
	v49 =	vld [tilespmem:s0+$0xFFFFFFE0];
	_ =	sdelay $0x4  }
0x598: {  	[tilespmem:v59+s19+$0x0] =	vst.idx.msk $0xffff, v49  }
0x599: {  	s14 =	sadd.s32 $0xFFFFFFF9, s31;
	v60 =	vadd.s32 v48, v51;
	v49 =	vld [tilespmem:s0+$0xFFFFFFF0]  }
0x59a: {  	v61 =	vmov s14  }
0x59b: {  	v51 =	vshrl.u32 v61, $0x3  }
0x59c: {  	v51 =	vshll.u32 v51, v33  }
0x59d: {  	v51 =	vbroadcast v51, $0x0  }
0x59e: {  	[tilespmem:v60+s19+$0x0] =	vst.idx.msk $0xffff, v49  }
0x59f: {  	v62 =	vadd.s32 v30, v51;
	v49 =	vld [tilespmem:s0+$0x0];
	_ =	sdelay $0x4  }
0x5a0: {  	[tilespmem:v62+s19+$0x0] =	vst.idx.msk $0xffff, v49  }
0x5a1: {  	s14 =	sadd.s32 $0xFFFFFFFA, s31;
	v63 =	vadd.s32 v34, v51;
	v49 =	vld [tilespmem:s0+$0x10]  }
0x5a2: {  	v54 =	vmov s14  }
0x5a3: {  	v51 =	vshrl.u32 v54, $0x3  }
0x5a4: {  	v51 =	vshll.u32 v51, v33  }
0x5a5: {  	v51 =	vbroadcast v51, $0x0  }
0x5a6: {  	[tilespmem:v63+s19+$0x0] =	vst.idx.msk $0xffff, v49  }
0x5a7: {  	v55 =	vadd.s32 v35, v51;
	v49 =	vld [tilespmem:s0+$0x20];
	_ =	sdelay $0x4  }
0x5a8: {  	[tilespmem:v55+s19+$0x0] =	vst.idx.msk $0xffff, v49  }
0x5a9: {  	s14 =	sadd.s32 $0xFFFFFFFB, s31;
	v56 =	vadd.s32 v36, v51;
	v49 =	vld [tilespmem:s0+$0x30]  }
0x5aa: {  	v57 =	vmov s14  }
0x5ab: {  	v51 =	vshrl.u32 v57, $0x3  }
0x5ac: {  	v51 =	vshll.u32 v51, v33  }
0x5ad: {  	v51 =	vbroadcast v51, $0x0  }
0x5ae: {  	[tilespmem:v56+s19+$0x0] =	vst.idx.msk $0xffff, v49  }
0x5af: {  	v58 =	vadd.s32 v37, v51;
	v49 =	vld [tilespmem:s0+$0x40];
	_ =	sdelay $0x4  }
0x5b0: {  	[tilespmem:v58+s19+$0x0] =	vst.idx.msk $0xffff, v49  }
0x5b1: {  	s14 =	sadd.s32 $0xFFFFFFFC, s31;
	v59 =	vadd.s32 v38, v51;
	v49 =	vld [tilespmem:s0+$0x50]  }
0x5b2: {  	v60 =	vmov s14  }
0x5b3: {  	v51 =	vshrl.u32 v60, $0x3  }
0x5b4: {  	v51 =	vshll.u32 v51, v33  }
0x5b5: {  	v51 =	vbroadcast v51, $0x0  }
0x5b6: {  	[tilespmem:v59+s19+$0x0] =	vst.idx.msk $0xffff, v49  }
0x5b7: {  	v61 =	vadd.s32 v39, v51;
	v49 =	vld [tilespmem:s0+$0x60];
	_ =	sdelay $0x4  }
0x5b8: {  	[tilespmem:v61+s19+$0x0] =	vst.idx.msk $0xffff, v49  }
0x5b9: {  	s14 =	sadd.s32 $0xFFFFFFFD, s31;
	v62 =	vadd.s32 v40, v51;
	v49 =	vld [tilespmem:s0+$0x70]  }
0x5ba: {  	v63 =	vmov s14  }
0x5bb: {  	v51 =	vshrl.u32 v63, $0x3  }
0x5bc: {  	v51 =	vshll.u32 v51, v33  }
0x5bd: {  	v51 =	vbroadcast v51, $0x0  }
0x5be: {  	[tilespmem:v62+s19+$0x0] =	vst.idx.msk $0xffff, v49  }
0x5bf: {  	v53 =	vadd.s32 v41, v51;
	v49 =	vld [tilespmem:s0+$0x80];
	_ =	sdelay $0x4  }
0x5c0: {  	[tilespmem:v53+s19+$0x0] =	vst.idx.msk $0xffff, v49  }
0x5c1: {  	s14 =	sadd.s32 $0xFFFFFFFE, s31;
	v54 =	vadd.s32 v42, v51;
	v49 =	vld [tilespmem:s0+$0x90]  }
0x5c2: {  	v55 =	vmov s14  }
0x5c3: {  	v51 =	vshrl.u32 v55, $0x3  }
0x5c4: {  	v51 =	vshll.u32 v51, v33  }
0x5c5: {  	v51 =	vbroadcast v51, $0x0  }
0x5c6: {  	[tilespmem:v54+s19+$0x0] =	vst.idx.msk $0xffff, v49  }
0x5c7: {  	v56 =	vadd.s32 v43, v51;
	v49 =	vld [tilespmem:s0+$0xA0];
	_ =	sdelay $0x4  }
0x5c8: {  	[tilespmem:v56+s19+$0x0] =	vst.idx.msk $0xffff, v49  }
0x5c9: {  	s14 =	sadd.s32 $0xFFFFFFFF, s31;
	v57 =	vadd.s32 v44, v51;
	v49 =	vld [tilespmem:s0+$0xB0]  }
0x5ca: {  	v58 =	vmov s14  }
0x5cb: {  	v51 =	vshrl.u32 v58, $0x3  }
0x5cc: {  	v51 =	vshll.u32 v51, v33  }
0x5cd: {  	v51 =	vbroadcast v51, $0x0  }
0x5ce: {  	[tilespmem:v57+s19+$0x0] =	vst.idx.msk $0xffff, v49  }
0x5cf: {  	v59 =	vadd.s32 v45, v51;
	v49 =	vld [tilespmem:s0+$0xC0];
	_ =	sdelay $0x4  }
0x5d0: {  	[tilespmem:v59+s19+$0x0] =	vst.idx.msk $0xffff, v49  }
0x5d1: {  	v60 =	vadd.s32 v46, v51;
	v49 =	vld [tilespmem:s0+$0xD0]  }
0x5d2: {  	v61 =	vmov s31  }
0x5d3: {  	v51 =	vshrl.u32 v61, $0x3  }
0x5d4: {  	v51 =	vshll.u32 v51, v33  }
0x5d5: {  	v51 =	vbroadcast v51, $0x0  }
0x5d6: {  	[tilespmem:v60+s19+$0x0] =	vst.idx.msk $0xffff, v49  }
0x5d7: {  	v62 =	vadd.s32 v47, v51;
	v49 =	vld [tilespmem:s0+$0xE0];
	_ =	sdelay $0x4  }
0x5d8: {  	[tilespmem:v62+s19+$0x0] =	vst.idx.msk $0xffff, v49  }
0x5d9: {  	v63 =	vadd.s32 v48, v51;
	v49 =	vld [tilespmem:s0+$0xF0]  }
0x5da: {  	s14 =	sshll.u32 s28, $0x14  }
0x5db: {  	s0 =	sor.u32 s4, s14  }
0x5dc: {  	s0 =	sshrl.u32 s0, $0x3  }
0x5dd: {  	s30 =	simm.s32 $0x15400;
	s0 =	sadd.s32 s3, s0  }
0x5de: {  	s1 =	simm.s32 $0x15608;
	s31 =	simm.s32 $0x800;
	s14 =	sadd.s32 $0x0, s0;
	[tilespmem:v63+s19+$0x0] =	vst.idx.msk $0xffff, v49  }
.LBB2_15:
0x5df: {  	[hbm4b:s14+s2] =	stream.linear.scatter [tilespmem:s30], [sflag:$0x3], $0x200, $0x38;
	[tilespmem:$0x1D600] =	vst v63  }
0x5e0: {  	s14 =	smov.u32 s31;
	s30 =	smov.u32 s1;
	p0 =	sne.s32 s31, $0xF800  }
.Ltmp6:
0x5e1: {  	s31 =	sadd.s32 $0x800, s31;
	(pc) =	sbr.rel @p0 .LBB2_15-.Ltmp6, $2  }
0x5e2: {  	_ =	sdelay $0x2  }
0x5e3: {  	s1 =	sadd.s32 $0x208, s1;
	s14 =	sadd.s32 s14, s0  }
0x5e4: {  	[hbm4b:s14+s2] =	stream.linear.scatter [tilespmem:s30], [sflag:$0x3], $0x200, $0x38;
	[tilespmem:$0x1D600] =	vst v63  }
0x5e5: {  	s0 =	sshll.u32 s28, $0xA;
	_ =	swait.ge [sflag:s20], $0x4000  }
0x5e6: {  	s1 =	simm.s32 $0x0;
	s0 =	sand.u32 $0x3FFFFC00, s0;
	[sflag:s20] =	ssyncset.done $0x0  }
0x5e7: {  	v49 =	vmov s1;
	s0 =	sadd.s32 $0x7400, s0;
	[sflag:s20] =	ssyncadd.s32 $0xFFFFC000  }
0x5e8: {  	v49 =	vshrl.u32 v49, $0x3;
	[tilespmem:s15], [sflag:$0x1] =	stream.indirect.gather [hbm4b:s5+s13], $0x20, s0, s13, $0xb8;
	[tilespmem:$0x1D600] =	vst v63  }
0x5e9: {  	v49 =	vshll.u32 v49, v33;
	_ =	swait.ge [sflag:s24], $0x4000  }
0x5ea: {  	v49 =	vbroadcast v49, $0x0;
	[sflag:s24] =	ssyncset.done $0x0  }
0x5eb: {  	s30 =	simm.s32 $0x11500;
	[sflag:s24] =	ssyncadd.s32 $0xFFFFC000  }
0x5ec: {  	v51 =	vadd.s32 v30, v49;
	v50 =	vld [tilespmem:s30+$0xFFFFFF00];
	_ =	sdelay $0x4  }
0x5ed: {  	[tilespmem:v51+s22+$0x0] =	vst.idx.msk $0xffff, v50  }
0x5ee: {  	s14 =	simm.s32 $0x1;
	v49 =	vadd.s32 v34, v49;
	v50 =	vld [tilespmem:s30+$0xFFFFFF10]  }
0x5ef: {  	v61 =	vmov s14  }
0x5f0: {  	v51 =	vshrl.u32 v61, $0x3  }
0x5f1: {  	v51 =	vshll.u32 v51, v33  }
0x5f2: {  	v51 =	vbroadcast v51, $0x0  }
0x5f3: {  	[tilespmem:v49+s22+$0x0] =	vst.idx.msk $0xffff, v50  }
0x5f4: {  	v62 =	vadd.s32 v35, v51;
	v49 =	vld [tilespmem:s30+$0xFFFFFF20];
	_ =	sdelay $0x4  }
0x5f5: {  	[tilespmem:v62+s22+$0x0] =	vst.idx.msk $0xffff, v49  }
0x5f6: {  	s1 =	simm.s32 $0x2;
	v63 =	vadd.s32 v36, v51;
	v49 =	vld [tilespmem:s30+$0xFFFFFF30]  }
0x5f7: {  	v54 =	vmov s1  }
0x5f8: {  	v51 =	vshrl.u32 v54, $0x3  }
0x5f9: {  	v51 =	vshll.u32 v51, v33  }
0x5fa: {  	v51 =	vbroadcast v51, $0x0  }
0x5fb: {  	[tilespmem:v63+s22+$0x0] =	vst.idx.msk $0xffff, v49  }
0x5fc: {  	v55 =	vadd.s32 v37, v51;
	v49 =	vld [tilespmem:s30+$0xFFFFFF40];
	_ =	sdelay $0x4  }
0x5fd: {  	[tilespmem:v55+s22+$0x0] =	vst.idx.msk $0xffff, v49  }
0x5fe: {  	s14 =	simm.s32 $0x3;
	v56 =	vadd.s32 v38, v51;
	v49 =	vld [tilespmem:s30+$0xFFFFFF50]  }
0x5ff: {  	v57 =	vmov s14  }
0x600: {  	v51 =	vshrl.u32 v57, $0x3  }
0x601: {  	v51 =	vshll.u32 v51, v33  }
0x602: {  	v51 =	vbroadcast v51, $0x0  }
0x603: {  	[tilespmem:v56+s22+$0x0] =	vst.idx.msk $0xffff, v49  }
0x604: {  	v58 =	vadd.s32 v39, v51;
	v49 =	vld [tilespmem:s30+$0xFFFFFF60];
	_ =	sdelay $0x4  }
0x605: {  	[tilespmem:v58+s22+$0x0] =	vst.idx.msk $0xffff, v49  }
0x606: {  	s1 =	simm.s32 $0x4;
	v59 =	vadd.s32 v40, v51;
	v49 =	vld [tilespmem:s30+$0xFFFFFF70]  }
0x607: {  	v60 =	vmov s1  }
0x608: {  	v51 =	vshrl.u32 v60, $0x3  }
0x609: {  	v51 =	vshll.u32 v51, v33  }
0x60a: {  	v51 =	vbroadcast v51, $0x0  }
0x60b: {  	[tilespmem:v59+s22+$0x0] =	vst.idx.msk $0xffff, v49  }
0x60c: {  	v61 =	vadd.s32 v41, v51;
	v49 =	vld [tilespmem:s30+$0xFFFFFF80];
	_ =	sdelay $0x4  }
0x60d: {  	[tilespmem:v61+s22+$0x0] =	vst.idx.msk $0xffff, v49  }
0x60e: {  	s14 =	simm.s32 $0x5;
	v62 =	vadd.s32 v42, v51;
	v49 =	vld [tilespmem:s30+$0xFFFFFF90]  }
0x60f: {  	v63 =	vmov s14  }
0x610: {  	v51 =	vshrl.u32 v63, $0x3  }
0x611: {  	v51 =	vshll.u32 v51, v33  }
0x612: {  	v51 =	vbroadcast v51, $0x0  }
0x613: {  	[tilespmem:v62+s22+$0x0] =	vst.idx.msk $0xffff, v49  }
0x614: {  	v53 =	vadd.s32 v43, v51;
	v49 =	vld [tilespmem:s30+$0xFFFFFFA0];
	_ =	sdelay $0x4  }
0x615: {  	[tilespmem:v53+s22+$0x0] =	vst.idx.msk $0xffff, v49  }
0x616: {  	s1 =	simm.s32 $0x6;
	v54 =	vadd.s32 v44, v51;
	v49 =	vld [tilespmem:s30+$0xFFFFFFB0]  }
0x617: {  	v55 =	vmov s1  }
0x618: {  	v51 =	vshrl.u32 v55, $0x3  }
0x619: {  	v51 =	vshll.u32 v51, v33  }
0x61a: {  	v51 =	vbroadcast v51, $0x0  }
0x61b: {  	[tilespmem:v54+s22+$0x0] =	vst.idx.msk $0xffff, v49  }
0x61c: {  	v56 =	vadd.s32 v45, v51;
	v49 =	vld [tilespmem:s30+$0xFFFFFFC0];
	_ =	sdelay $0x4  }
0x61d: {  	[tilespmem:v56+s22+$0x0] =	vst.idx.msk $0xffff, v49  }
0x61e: {  	s14 =	simm.s32 $0x7;
	v57 =	vadd.s32 v46, v51;
	v49 =	vld [tilespmem:s30+$0xFFFFFFD0]  }
0x61f: {  	v58 =	vmov s14  }
0x620: {  	v51 =	vshrl.u32 v58, $0x3  }
0x621: {  	v51 =	vshll.u32 v51, v33  }
0x622: {  	v51 =	vbroadcast v51, $0x0  }
0x623: {  	[tilespmem:v57+s22+$0x0] =	vst.idx.msk $0xffff, v49  }
0x624: {  	v59 =	vadd.s32 v47, v51;
	v49 =	vld [tilespmem:s30+$0xFFFFFFE0];
	_ =	sdelay $0x4  }
0x625: {  	[tilespmem:v59+s22+$0x0] =	vst.idx.msk $0xffff, v49  }
0x626: {  	s1 =	simm.s32 $0x8;
	v60 =	vadd.s32 v48, v51;
	v49 =	vld [tilespmem:s30+$0xFFFFFFF0]  }
0x627: {  	v61 =	vmov s1  }
0x628: {  	v51 =	vshrl.u32 v61, $0x3  }
0x629: {  	v51 =	vshll.u32 v51, v33  }
0x62a: {  	v51 =	vbroadcast v51, $0x0  }
0x62b: {  	[tilespmem:v60+s22+$0x0] =	vst.idx.msk $0xffff, v49  }
0x62c: {  	v62 =	vadd.s32 v30, v51;
	v49 =	vld [tilespmem:s30+$0x0];
	_ =	sdelay $0x4  }
0x62d: {  	[tilespmem:v62+s22+$0x0] =	vst.idx.msk $0xffff, v49  }
0x62e: {  	s14 =	simm.s32 $0x9;
	v63 =	vadd.s32 v34, v51;
	v49 =	vld [tilespmem:s30+$0x10]  }
0x62f: {  	v54 =	vmov s14  }
0x630: {  	v51 =	vshrl.u32 v54, $0x3  }
0x631: {  	v51 =	vshll.u32 v51, v33  }
0x632: {  	v51 =	vbroadcast v51, $0x0  }
0x633: {  	[tilespmem:v63+s22+$0x0] =	vst.idx.msk $0xffff, v49  }
0x634: {  	v55 =	vadd.s32 v35, v51;
	v49 =	vld [tilespmem:s30+$0x20];
	_ =	sdelay $0x4  }
0x635: {  	[tilespmem:v55+s22+$0x0] =	vst.idx.msk $0xffff, v49  }
0x636: {  	s1 =	simm.s32 $0xA;
	v56 =	vadd.s32 v36, v51;
	v49 =	vld [tilespmem:s30+$0x30]  }
0x637: {  	v57 =	vmov s1  }
0x638: {  	v51 =	vshrl.u32 v57, $0x3  }
0x639: {  	v51 =	vshll.u32 v51, v33  }
0x63a: {  	v51 =	vbroadcast v51, $0x0  }
0x63b: {  	[tilespmem:v56+s22+$0x0] =	vst.idx.msk $0xffff, v49  }
0x63c: {  	v58 =	vadd.s32 v37, v51;
	v49 =	vld [tilespmem:s30+$0x40];
	_ =	sdelay $0x4  }
0x63d: {  	[tilespmem:v58+s22+$0x0] =	vst.idx.msk $0xffff, v49  }
0x63e: {  	s14 =	simm.s32 $0xB;
	v59 =	vadd.s32 v38, v51;
	v49 =	vld [tilespmem:s30+$0x50]  }
0x63f: {  	v60 =	vmov s14  }
0x640: {  	v51 =	vshrl.u32 v60, $0x3  }
0x641: {  	v51 =	vshll.u32 v51, v33  }
0x642: {  	v51 =	vbroadcast v51, $0x0  }
0x643: {  	[tilespmem:v59+s22+$0x0] =	vst.idx.msk $0xffff, v49  }
0x644: {  	v61 =	vadd.s32 v39, v51;
	v49 =	vld [tilespmem:s30+$0x60];
	_ =	sdelay $0x4  }
0x645: {  	[tilespmem:v61+s22+$0x0] =	vst.idx.msk $0xffff, v49  }
0x646: {  	s1 =	simm.s32 $0xC;
	v62 =	vadd.s32 v40, v51;
	v49 =	vld [tilespmem:s30+$0x70]  }
0x647: {  	v63 =	vmov s1  }
0x648: {  	v51 =	vshrl.u32 v63, $0x3  }
0x649: {  	v51 =	vshll.u32 v51, v33  }
0x64a: {  	v51 =	vbroadcast v51, $0x0  }
0x64b: {  	[tilespmem:v62+s22+$0x0] =	vst.idx.msk $0xffff, v49  }
0x64c: {  	v54 =	vadd.s32 v41, v51;
	v49 =	vld [tilespmem:s30+$0x80];
	_ =	sdelay $0x4  }
0x64d: {  	[tilespmem:v54+s22+$0x0] =	vst.idx.msk $0xffff, v49  }
0x64e: {  	s14 =	simm.s32 $0xD;
	v55 =	vadd.s32 v42, v51;
	v49 =	vld [tilespmem:s30+$0x90]  }
0x64f: {  	v56 =	vmov s14  }
0x650: {  	v51 =	vshrl.u32 v56, $0x3  }
0x651: {  	v51 =	vshll.u32 v51, v33  }
0x652: {  	v51 =	vbroadcast v51, $0x0  }
0x653: {  	[tilespmem:v55+s22+$0x0] =	vst.idx.msk $0xffff, v49  }
0x654: {  	v57 =	vadd.s32 v43, v51;
	v49 =	vld [tilespmem:s30+$0xA0];
	_ =	sdelay $0x4  }
0x655: {  	[tilespmem:v57+s22+$0x0] =	vst.idx.msk $0xffff, v49  }
0x656: {  	s1 =	simm.s32 $0xE;
	v58 =	vadd.s32 v44, v51;
	v49 =	vld [tilespmem:s30+$0xB0]  }
0x657: {  	v59 =	vmov s1  }
0x658: {  	v51 =	vshrl.u32 v59, $0x3  }
0x659: {  	v51 =	vshll.u32 v51, v33  }
0x65a: {  	v51 =	vbroadcast v51, $0x0  }
0x65b: {  	[tilespmem:v58+s22+$0x0] =	vst.idx.msk $0xffff, v49  }
0x65c: {  	v60 =	vadd.s32 v45, v51;
	v49 =	vld [tilespmem:s30+$0xC0];
	_ =	sdelay $0x4  }
0x65d: {  	[tilespmem:v60+s22+$0x0] =	vst.idx.msk $0xffff, v49  }
0x65e: {  	s14 =	simm.s32 $0xF;
	v61 =	vadd.s32 v46, v51;
	v49 =	vld [tilespmem:s30+$0xD0]  }
0x65f: {  	v62 =	vmov s14  }
0x660: {  	v51 =	vshrl.u32 v62, $0x3  }
0x661: {  	v51 =	vshll.u32 v51, v33  }
0x662: {  	v51 =	vbroadcast v51, $0x0  }
0x663: {  	[tilespmem:v61+s22+$0x0] =	vst.idx.msk $0xffff, v49  }
0x664: {  	v63 =	vadd.s32 v47, v51;
	v49 =	vld [tilespmem:s30+$0xE0];
	_ =	sdelay $0x4  }
0x665: {  	[tilespmem:v63+s22+$0x0] =	vst.idx.msk $0xffff, v49  }
0x666: {  	s31 =	simm.s32 $0x1F;
	s0 =	simm.s32 $0x2F;
	s1 =	simm.s32 $0x10;
	v50 =	vadd.s32 v48, v51;
	v49 =	vld [tilespmem:s30+$0xF0]  }
.LBB2_17:
0x667: {  	p0 =	sne.s32 s0, $0x1FF;
	v51 =	vmov s1  }
0x668: {  	v51 =	vshrl.u32 v51, $0x3  }
0x669: {  	v51 =	vshll.u32 v51, v33  }
0x66a: {  	v51 =	vbroadcast v51, $0x0  }
0x66b: {  	s30 =	sadd.s32 $0x200, s30;
	[tilespmem:v50+s22+$0x0] =	vst.idx.msk $0xffff, v49  }
0x66c: {  	v49 =	vld [tilespmem:s30+$0xFFFFFF00];
	v50 =	vadd.s32 v30, v51;
	_ =	sdelay $0x4  }
0x66d: {  	[tilespmem:v50+s22+$0x0] =	vst.idx.msk $0xffff, v49  }
0x66e: {  	s1 =	sadd.s32 $0xFFFFFFF2, s31;
	v50 =	vadd.s32 v34, v51;
	v49 =	vld [tilespmem:s30+$0xFFFFFF10]  }
0x66f: {  	v51 =	vmov s1  }
0x670: {  	v51 =	vshrl.u32 v51, $0x3  }
0x671: {  	v51 =	vshll.u32 v51, v33  }
0x672: {  	v51 =	vbroadcast v51, $0x0  }
0x673: {  	[tilespmem:v50+s22+$0x0] =	vst.idx.msk $0xffff, v49  }
0x674: {  	v50 =	vadd.s32 v35, v51;
	v49 =	vld [tilespmem:s30+$0xFFFFFF20];
	_ =	sdelay $0x4  }
0x675: {  	[tilespmem:v50+s22+$0x0] =	vst.idx.msk $0xffff, v49  }
0x676: {  	s1 =	sadd.s32 $0xFFFFFFF3, s31;
	v50 =	vadd.s32 v36, v51;
	v49 =	vld [tilespmem:s30+$0xFFFFFF30]  }
0x677: {  	v51 =	vmov s1  }
0x678: {  	v51 =	vshrl.u32 v51, $0x3  }
0x679: {  	v51 =	vshll.u32 v51, v33  }
0x67a: {  	v51 =	vbroadcast v51, $0x0  }
0x67b: {  	[tilespmem:v50+s22+$0x0] =	vst.idx.msk $0xffff, v49  }
0x67c: {  	v50 =	vadd.s32 v37, v51;
	v49 =	vld [tilespmem:s30+$0xFFFFFF40];
	_ =	sdelay $0x4  }
0x67d: {  	[tilespmem:v50+s22+$0x0] =	vst.idx.msk $0xffff, v49  }
0x67e: {  	s1 =	sadd.s32 $0xFFFFFFF4, s31;
	v50 =	vadd.s32 v38, v51;
	v49 =	vld [tilespmem:s30+$0xFFFFFF50]  }
0x67f: {  	v51 =	vmov s1  }
0x680: {  	v51 =	vshrl.u32 v51, $0x3  }
0x681: {  	v51 =	vshll.u32 v51, v33  }
0x682: {  	v51 =	vbroadcast v51, $0x0  }
0x683: {  	[tilespmem:v50+s22+$0x0] =	vst.idx.msk $0xffff, v49  }
0x684: {  	v50 =	vadd.s32 v39, v51;
	v49 =	vld [tilespmem:s30+$0xFFFFFF60];
	_ =	sdelay $0x4  }
0x685: {  	[tilespmem:v50+s22+$0x0] =	vst.idx.msk $0xffff, v49  }
0x686: {  	s1 =	sadd.s32 $0xFFFFFFF5, s31;
	v50 =	vadd.s32 v40, v51;
	v49 =	vld [tilespmem:s30+$0xFFFFFF70]  }
0x687: {  	v51 =	vmov s1  }
0x688: {  	v51 =	vshrl.u32 v51, $0x3  }
0x689: {  	v51 =	vshll.u32 v51, v33  }
0x68a: {  	v51 =	vbroadcast v51, $0x0  }
0x68b: {  	[tilespmem:v50+s22+$0x0] =	vst.idx.msk $0xffff, v49  }
0x68c: {  	v50 =	vadd.s32 v41, v51;
	v49 =	vld [tilespmem:s30+$0xFFFFFF80];
	_ =	sdelay $0x4  }
0x68d: {  	[tilespmem:v50+s22+$0x0] =	vst.idx.msk $0xffff, v49  }
0x68e: {  	s1 =	sadd.s32 $0xFFFFFFF6, s31;
	v50 =	vadd.s32 v42, v51;
	v49 =	vld [tilespmem:s30+$0xFFFFFF90]  }
0x68f: {  	v51 =	vmov s1  }
0x690: {  	v51 =	vshrl.u32 v51, $0x3  }
0x691: {  	v51 =	vshll.u32 v51, v33  }
0x692: {  	v51 =	vbroadcast v51, $0x0  }
0x693: {  	[tilespmem:v50+s22+$0x0] =	vst.idx.msk $0xffff, v49  }
0x694: {  	v50 =	vadd.s32 v43, v51;
	v49 =	vld [tilespmem:s30+$0xFFFFFFA0];
	_ =	sdelay $0x4  }
0x695: {  	[tilespmem:v50+s22+$0x0] =	vst.idx.msk $0xffff, v49  }
0x696: {  	s1 =	sadd.s32 $0xFFFFFFF7, s31;
	v50 =	vadd.s32 v44, v51;
	v49 =	vld [tilespmem:s30+$0xFFFFFFB0]  }
0x697: {  	v51 =	vmov s1  }
0x698: {  	v51 =	vshrl.u32 v51, $0x3  }
0x699: {  	v51 =	vshll.u32 v51, v33  }
0x69a: {  	v51 =	vbroadcast v51, $0x0  }
0x69b: {  	[tilespmem:v50+s22+$0x0] =	vst.idx.msk $0xffff, v49  }
0x69c: {  	v50 =	vadd.s32 v45, v51;
	v49 =	vld [tilespmem:s30+$0xFFFFFFC0];
	_ =	sdelay $0x4  }
0x69d: {  	[tilespmem:v50+s22+$0x0] =	vst.idx.msk $0xffff, v49  }
0x69e: {  	s1 =	sadd.s32 $0xFFFFFFF8, s31;
	v50 =	vadd.s32 v46, v51;
	v49 =	vld [tilespmem:s30+$0xFFFFFFD0]  }
0x69f: {  	v51 =	vmov s1  }
0x6a0: {  	v51 =	vshrl.u32 v51, $0x3  }
0x6a1: {  	v51 =	vshll.u32 v51, v33  }
0x6a2: {  	v51 =	vbroadcast v51, $0x0  }
0x6a3: {  	[tilespmem:v50+s22+$0x0] =	vst.idx.msk $0xffff, v49  }
0x6a4: {  	v50 =	vadd.s32 v47, v51;
	v49 =	vld [tilespmem:s30+$0xFFFFFFE0];
	_ =	sdelay $0x4  }
0x6a5: {  	[tilespmem:v50+s22+$0x0] =	vst.idx.msk $0xffff, v49  }
0x6a6: {  	s1 =	sadd.s32 $0xFFFFFFF9, s31;
	v50 =	vadd.s32 v48, v51;
	v49 =	vld [tilespmem:s30+$0xFFFFFFF0]  }
0x6a7: {  	v51 =	vmov s1  }
0x6a8: {  	v51 =	vshrl.u32 v51, $0x3  }
0x6a9: {  	v51 =	vshll.u32 v51, v33  }
0x6aa: {  	v51 =	vbroadcast v51, $0x0  }
0x6ab: {  	[tilespmem:v50+s22+$0x0] =	vst.idx.msk $0xffff, v49  }
0x6ac: {  	v50 =	vadd.s32 v30, v51;
	v49 =	vld [tilespmem:s30+$0x0];
	_ =	sdelay $0x4  }
0x6ad: {  	[tilespmem:v50+s22+$0x0] =	vst.idx.msk $0xffff, v49  }
0x6ae: {  	s1 =	sadd.s32 $0xFFFFFFFA, s31;
	v50 =	vadd.s32 v34, v51;
	v49 =	vld [tilespmem:s30+$0x10]  }
0x6af: {  	v51 =	vmov s1  }
0x6b0: {  	v51 =	vshrl.u32 v51, $0x3  }
0x6b1: {  	v51 =	vshll.u32 v51, v33  }
0x6b2: {  	v51 =	vbroadcast v51, $0x0  }
0x6b3: {  	[tilespmem:v50+s22+$0x0] =	vst.idx.msk $0xffff, v49  }
0x6b4: {  	v50 =	vadd.s32 v35, v51;
	v49 =	vld [tilespmem:s30+$0x20];
	_ =	sdelay $0x4  }
0x6b5: {  	[tilespmem:v50+s22+$0x0] =	vst.idx.msk $0xffff, v49  }
0x6b6: {  	s1 =	sadd.s32 $0xFFFFFFFB, s31;
	v50 =	vadd.s32 v36, v51;
	v49 =	vld [tilespmem:s30+$0x30]  }
0x6b7: {  	v51 =	vmov s1  }
0x6b8: {  	v51 =	vshrl.u32 v51, $0x3  }
0x6b9: {  	v51 =	vshll.u32 v51, v33  }
0x6ba: {  	v51 =	vbroadcast v51, $0x0  }
0x6bb: {  	[tilespmem:v50+s22+$0x0] =	vst.idx.msk $0xffff, v49  }
0x6bc: {  	v50 =	vadd.s32 v37, v51;
	v49 =	vld [tilespmem:s30+$0x40];
	_ =	sdelay $0x4  }
0x6bd: {  	[tilespmem:v50+s22+$0x0] =	vst.idx.msk $0xffff, v49  }
0x6be: {  	s1 =	sadd.s32 $0xFFFFFFFC, s31;
	v50 =	vadd.s32 v38, v51;
	v49 =	vld [tilespmem:s30+$0x50]  }
0x6bf: {  	v51 =	vmov s1  }
0x6c0: {  	v51 =	vshrl.u32 v51, $0x3  }
0x6c1: {  	v51 =	vshll.u32 v51, v33  }
0x6c2: {  	v51 =	vbroadcast v51, $0x0  }
0x6c3: {  	[tilespmem:v50+s22+$0x0] =	vst.idx.msk $0xffff, v49  }
0x6c4: {  	v50 =	vadd.s32 v39, v51;
	v49 =	vld [tilespmem:s30+$0x60];
	_ =	sdelay $0x4  }
0x6c5: {  	[tilespmem:v50+s22+$0x0] =	vst.idx.msk $0xffff, v49  }
0x6c6: {  	s1 =	sadd.s32 $0xFFFFFFFD, s31;
	v50 =	vadd.s32 v40, v51;
	v49 =	vld [tilespmem:s30+$0x70]  }
0x6c7: {  	v51 =	vmov s1  }
0x6c8: {  	v51 =	vshrl.u32 v51, $0x3  }
0x6c9: {  	v51 =	vshll.u32 v51, v33  }
0x6ca: {  	v51 =	vbroadcast v51, $0x0  }
0x6cb: {  	[tilespmem:v50+s22+$0x0] =	vst.idx.msk $0xffff, v49  }
0x6cc: {  	v50 =	vadd.s32 v41, v51;
	v49 =	vld [tilespmem:s30+$0x80];
	_ =	sdelay $0x4  }
0x6cd: {  	[tilespmem:v50+s22+$0x0] =	vst.idx.msk $0xffff, v49  }
0x6ce: {  	s1 =	sadd.s32 $0xFFFFFFFE, s31;
	v50 =	vadd.s32 v42, v51;
	v49 =	vld [tilespmem:s30+$0x90]  }
0x6cf: {  	v51 =	vmov s1  }
0x6d0: {  	v51 =	vshrl.u32 v51, $0x3  }
0x6d1: {  	v51 =	vshll.u32 v51, v33  }
0x6d2: {  	v51 =	vbroadcast v51, $0x0  }
0x6d3: {  	[tilespmem:v50+s22+$0x0] =	vst.idx.msk $0xffff, v49  }
0x6d4: {  	v50 =	vadd.s32 v43, v51;
	v49 =	vld [tilespmem:s30+$0xA0];
	_ =	sdelay $0x4  }
0x6d5: {  	[tilespmem:v50+s22+$0x0] =	vst.idx.msk $0xffff, v49  }
0x6d6: {  	s1 =	sadd.s32 $0xFFFFFFFF, s31;
	v50 =	vadd.s32 v44, v51;
	v49 =	vld [tilespmem:s30+$0xB0]  }
0x6d7: {  	v51 =	vmov s1  }
0x6d8: {  	v51 =	vshrl.u32 v51, $0x3  }
0x6d9: {  	v51 =	vshll.u32 v51, v33  }
0x6da: {  	v51 =	vbroadcast v51, $0x0  }
0x6db: {  	[tilespmem:v50+s22+$0x0] =	vst.idx.msk $0xffff, v49  }
0x6dc: {  	v50 =	vadd.s32 v45, v51;
	v49 =	vld [tilespmem:s30+$0xC0];
	_ =	sdelay $0x4  }
0x6dd: {  	[tilespmem:v50+s22+$0x0] =	vst.idx.msk $0xffff, v49  }
0x6de: {  	v50 =	vadd.s32 v46, v51;
	v49 =	vld [tilespmem:s30+$0xD0]  }
0x6df: {  	v51 =	vmov s31;
	s31 =	smov.u32 s0  }
0x6e0: {  	v51 =	vshrl.u32 v51, $0x3  }
0x6e1: {  	v51 =	vshll.u32 v51, v33  }
0x6e2: {  	v51 =	vbroadcast v51, $0x0  }
0x6e3: {  	[tilespmem:v50+s22+$0x0] =	vst.idx.msk $0xffff, v49  }
0x6e4: {  	v50 =	vadd.s32 v47, v51;
	v49 =	vld [tilespmem:s30+$0xE0];
	_ =	sdelay $0x1  }
.Ltmp7:
0x6e5: {  	(pc) =	sbr.rel @p0 .LBB2_17-.Ltmp7, $3  }
0x6e6: {  	_ =	sdelay $0x1  }
0x6e7: {  	[tilespmem:v50+s22+$0x0] =	vst.idx.msk $0xffff, v49  }
0x6e8: {  	s0 =	sadd.s32 $0x10, s0;
	s1 =	sadd.s32 $0xFFFFFFF1, s31;
	v50 =	vadd.s32 v48, v51;
	v49 =	vld [tilespmem:s30+$0xF0]  }
0x6e9: {  	v51 =	vmov s1  }
0x6ea: {  	v51 =	vshrl.u32 v51, $0x3  }
0x6eb: {  	v51 =	vshll.u32 v51, v33  }
0x6ec: {  	v51 =	vbroadcast v51, $0x0  }
0x6ed: {  	s0 =	sadd.s32 $0x200, s30;
	[tilespmem:v50+s22+$0x0] =	vst.idx.msk $0xffff, v49  }
0x6ee: {  	v49 =	vld [tilespmem:s0+$0xFFFFFF00];
	v59 =	vadd.s32 v30, v51;
	_ =	sdelay $0x4  }
0x6ef: {  	[tilespmem:v59+s22+$0x0] =	vst.idx.msk $0xffff, v49  }
0x6f0: {  	s14 =	sadd.s32 $0xFFFFFFF2, s31;
	v60 =	vadd.s32 v34, v51;
	v49 =	vld [tilespmem:s0+$0xFFFFFF10]  }
0x6f1: {  	v61 =	vmov s14  }
0x6f2: {  	v51 =	vshrl.u32 v61, $0x3  }
0x6f3: {  	v51 =	vshll.u32 v51, v33  }
0x6f4: {  	v51 =	vbroadcast v51, $0x0  }
0x6f5: {  	[tilespmem:v60+s22+$0x0] =	vst.idx.msk $0xffff, v49  }
0x6f6: {  	v62 =	vadd.s32 v35, v51;
	v49 =	vld [tilespmem:s0+$0xFFFFFF20];
	_ =	sdelay $0x4  }
0x6f7: {  	[tilespmem:v62+s22+$0x0] =	vst.idx.msk $0xffff, v49  }
0x6f8: {  	s14 =	sadd.s32 $0xFFFFFFF3, s31;
	v63 =	vadd.s32 v36, v51;
	v49 =	vld [tilespmem:s0+$0xFFFFFF30]  }
0x6f9: {  	v54 =	vmov s14  }
0x6fa: {  	v51 =	vshrl.u32 v54, $0x3  }
0x6fb: {  	v51 =	vshll.u32 v51, v33  }
0x6fc: {  	v51 =	vbroadcast v51, $0x0  }
0x6fd: {  	[tilespmem:v63+s22+$0x0] =	vst.idx.msk $0xffff, v49  }
0x6fe: {  	v55 =	vadd.s32 v37, v51;
	v49 =	vld [tilespmem:s0+$0xFFFFFF40];
	_ =	sdelay $0x4  }
0x6ff: {  	[tilespmem:v55+s22+$0x0] =	vst.idx.msk $0xffff, v49  }
0x700: {  	s14 =	sadd.s32 $0xFFFFFFF4, s31;
	v56 =	vadd.s32 v38, v51;
	v49 =	vld [tilespmem:s0+$0xFFFFFF50]  }
0x701: {  	v57 =	vmov s14  }
0x702: {  	v51 =	vshrl.u32 v57, $0x3  }
0x703: {  	v51 =	vshll.u32 v51, v33  }
0x704: {  	v51 =	vbroadcast v51, $0x0  }
0x705: {  	[tilespmem:v56+s22+$0x0] =	vst.idx.msk $0xffff, v49  }
0x706: {  	v58 =	vadd.s32 v39, v51;
	v49 =	vld [tilespmem:s0+$0xFFFFFF60];
	_ =	sdelay $0x4  }
0x707: {  	[tilespmem:v58+s22+$0x0] =	vst.idx.msk $0xffff, v49  }
0x708: {  	s14 =	sadd.s32 $0xFFFFFFF5, s31;
	v59 =	vadd.s32 v40, v51;
	v49 =	vld [tilespmem:s0+$0xFFFFFF70]  }
0x709: {  	v60 =	vmov s14  }
0x70a: {  	v51 =	vshrl.u32 v60, $0x3  }
0x70b: {  	v51 =	vshll.u32 v51, v33  }
0x70c: {  	v51 =	vbroadcast v51, $0x0  }
0x70d: {  	[tilespmem:v59+s22+$0x0] =	vst.idx.msk $0xffff, v49  }
0x70e: {  	v61 =	vadd.s32 v41, v51;
	v49 =	vld [tilespmem:s0+$0xFFFFFF80];
	_ =	sdelay $0x4  }
0x70f: {  	[tilespmem:v61+s22+$0x0] =	vst.idx.msk $0xffff, v49  }
0x710: {  	s14 =	sadd.s32 $0xFFFFFFF6, s31;
	v62 =	vadd.s32 v42, v51;
	v49 =	vld [tilespmem:s0+$0xFFFFFF90]  }
0x711: {  	v63 =	vmov s14  }
0x712: {  	v51 =	vshrl.u32 v63, $0x3  }
0x713: {  	v51 =	vshll.u32 v51, v33  }
0x714: {  	v51 =	vbroadcast v51, $0x0  }
0x715: {  	[tilespmem:v62+s22+$0x0] =	vst.idx.msk $0xffff, v49  }
0x716: {  	v53 =	vadd.s32 v43, v51;
	v49 =	vld [tilespmem:s0+$0xFFFFFFA0];
	_ =	sdelay $0x4  }
0x717: {  	[tilespmem:v53+s22+$0x0] =	vst.idx.msk $0xffff, v49  }
0x718: {  	s14 =	sadd.s32 $0xFFFFFFF7, s31;
	v54 =	vadd.s32 v44, v51;
	v49 =	vld [tilespmem:s0+$0xFFFFFFB0]  }
0x719: {  	v55 =	vmov s14  }
0x71a: {  	v51 =	vshrl.u32 v55, $0x3  }
0x71b: {  	v51 =	vshll.u32 v51, v33  }
0x71c: {  	v51 =	vbroadcast v51, $0x0  }
0x71d: {  	[tilespmem:v54+s22+$0x0] =	vst.idx.msk $0xffff, v49  }
0x71e: {  	v56 =	vadd.s32 v45, v51;
	v49 =	vld [tilespmem:s0+$0xFFFFFFC0];
	_ =	sdelay $0x4  }
0x71f: {  	[tilespmem:v56+s22+$0x0] =	vst.idx.msk $0xffff, v49  }
0x720: {  	s14 =	sadd.s32 $0xFFFFFFF8, s31;
	v57 =	vadd.s32 v46, v51;
	v49 =	vld [tilespmem:s0+$0xFFFFFFD0]  }
0x721: {  	v58 =	vmov s14  }
0x722: {  	v51 =	vshrl.u32 v58, $0x3  }
0x723: {  	v51 =	vshll.u32 v51, v33  }
0x724: {  	v51 =	vbroadcast v51, $0x0  }
0x725: {  	[tilespmem:v57+s22+$0x0] =	vst.idx.msk $0xffff, v49  }
0x726: {  	v59 =	vadd.s32 v47, v51;
	v49 =	vld [tilespmem:s0+$0xFFFFFFE0];
	_ =	sdelay $0x4  }
0x727: {  	[tilespmem:v59+s22+$0x0] =	vst.idx.msk $0xffff, v49  }
0x728: {  	s14 =	sadd.s32 $0xFFFFFFF9, s31;
	v60 =	vadd.s32 v48, v51;
	v49 =	vld [tilespmem:s0+$0xFFFFFFF0]  }
0x729: {  	v61 =	vmov s14  }
0x72a: {  	v51 =	vshrl.u32 v61, $0x3  }
0x72b: {  	v51 =	vshll.u32 v51, v33  }
0x72c: {  	v51 =	vbroadcast v51, $0x0  }
0x72d: {  	[tilespmem:v60+s22+$0x0] =	vst.idx.msk $0xffff, v49  }
0x72e: {  	v62 =	vadd.s32 v30, v51;
	v49 =	vld [tilespmem:s0+$0x0];
	_ =	sdelay $0x4  }
0x72f: {  	[tilespmem:v62+s22+$0x0] =	vst.idx.msk $0xffff, v49  }
0x730: {  	s14 =	sadd.s32 $0xFFFFFFFA, s31;
	v63 =	vadd.s32 v34, v51;
	v49 =	vld [tilespmem:s0+$0x10]  }
0x731: {  	v54 =	vmov s14  }
0x732: {  	v51 =	vshrl.u32 v54, $0x3  }
0x733: {  	v51 =	vshll.u32 v51, v33  }
0x734: {  	v51 =	vbroadcast v51, $0x0  }
0x735: {  	[tilespmem:v63+s22+$0x0] =	vst.idx.msk $0xffff, v49  }
0x736: {  	v55 =	vadd.s32 v35, v51;
	v49 =	vld [tilespmem:s0+$0x20];
	_ =	sdelay $0x4  }
0x737: {  	[tilespmem:v55+s22+$0x0] =	vst.idx.msk $0xffff, v49  }
0x738: {  	s14 =	sadd.s32 $0xFFFFFFFB, s31;
	v56 =	vadd.s32 v36, v51;
	v49 =	vld [tilespmem:s0+$0x30]  }
0x739: {  	v57 =	vmov s14  }
0x73a: {  	v51 =	vshrl.u32 v57, $0x3  }
0x73b: {  	v51 =	vshll.u32 v51, v33  }
0x73c: {  	v51 =	vbroadcast v51, $0x0  }
0x73d: {  	[tilespmem:v56+s22+$0x0] =	vst.idx.msk $0xffff, v49  }
0x73e: {  	v58 =	vadd.s32 v37, v51;
	v49 =	vld [tilespmem:s0+$0x40];
	_ =	sdelay $0x4  }
0x73f: {  	[tilespmem:v58+s22+$0x0] =	vst.idx.msk $0xffff, v49  }
0x740: {  	s14 =	sadd.s32 $0xFFFFFFFC, s31;
	v59 =	vadd.s32 v38, v51;
	v49 =	vld [tilespmem:s0+$0x50]  }
0x741: {  	v60 =	vmov s14  }
0x742: {  	v51 =	vshrl.u32 v60, $0x3  }
0x743: {  	v51 =	vshll.u32 v51, v33  }
0x744: {  	v51 =	vbroadcast v51, $0x0  }
0x745: {  	[tilespmem:v59+s22+$0x0] =	vst.idx.msk $0xffff, v49  }
0x746: {  	v61 =	vadd.s32 v39, v51;
	v49 =	vld [tilespmem:s0+$0x60];
	_ =	sdelay $0x4  }
0x747: {  	[tilespmem:v61+s22+$0x0] =	vst.idx.msk $0xffff, v49  }
0x748: {  	s14 =	sadd.s32 $0xFFFFFFFD, s31;
	v62 =	vadd.s32 v40, v51;
	v49 =	vld [tilespmem:s0+$0x70]  }
0x749: {  	v63 =	vmov s14  }
0x74a: {  	v51 =	vshrl.u32 v63, $0x3  }
0x74b: {  	v51 =	vshll.u32 v51, v33  }
0x74c: {  	v51 =	vbroadcast v51, $0x0  }
0x74d: {  	[tilespmem:v62+s22+$0x0] =	vst.idx.msk $0xffff, v49  }
0x74e: {  	v53 =	vadd.s32 v41, v51;
	v49 =	vld [tilespmem:s0+$0x80];
	_ =	sdelay $0x4  }
0x74f: {  	[tilespmem:v53+s22+$0x0] =	vst.idx.msk $0xffff, v49  }
0x750: {  	s14 =	sadd.s32 $0xFFFFFFFE, s31;
	v54 =	vadd.s32 v42, v51;
	v49 =	vld [tilespmem:s0+$0x90]  }
0x751: {  	v55 =	vmov s14  }
0x752: {  	v51 =	vshrl.u32 v55, $0x3  }
0x753: {  	v51 =	vshll.u32 v51, v33  }
0x754: {  	v51 =	vbroadcast v51, $0x0  }
0x755: {  	[tilespmem:v54+s22+$0x0] =	vst.idx.msk $0xffff, v49  }
0x756: {  	v56 =	vadd.s32 v43, v51;
	v49 =	vld [tilespmem:s0+$0xA0];
	_ =	sdelay $0x4  }
0x757: {  	[tilespmem:v56+s22+$0x0] =	vst.idx.msk $0xffff, v49  }
0x758: {  	s14 =	sadd.s32 $0xFFFFFFFF, s31;
	v57 =	vadd.s32 v44, v51;
	v49 =	vld [tilespmem:s0+$0xB0]  }
0x759: {  	v58 =	vmov s14  }
0x75a: {  	v51 =	vshrl.u32 v58, $0x3  }
0x75b: {  	v51 =	vshll.u32 v51, v33  }
0x75c: {  	v51 =	vbroadcast v51, $0x0  }
0x75d: {  	[tilespmem:v57+s22+$0x0] =	vst.idx.msk $0xffff, v49  }
0x75e: {  	v59 =	vadd.s32 v45, v51;
	v49 =	vld [tilespmem:s0+$0xC0];
	_ =	sdelay $0x4  }
0x75f: {  	[tilespmem:v59+s22+$0x0] =	vst.idx.msk $0xffff, v49  }
0x760: {  	v60 =	vadd.s32 v46, v51;
	v49 =	vld [tilespmem:s0+$0xD0]  }
0x761: {  	v61 =	vmov s31  }
0x762: {  	v51 =	vshrl.u32 v61, $0x3  }
0x763: {  	v51 =	vshll.u32 v51, v33  }
0x764: {  	v51 =	vbroadcast v51, $0x0  }
0x765: {  	[tilespmem:v60+s22+$0x0] =	vst.idx.msk $0xffff, v49  }
0x766: {  	v62 =	vadd.s32 v47, v51;
	v49 =	vld [tilespmem:s0+$0xE0];
	_ =	sdelay $0x4  }
0x767: {  	[tilespmem:v62+s22+$0x0] =	vst.idx.msk $0xffff, v49  }
0x768: {  	v63 =	vadd.s32 v48, v51;
	v49 =	vld [tilespmem:s0+$0xF0]  }
0x769: {  	s31 =	sshll.u32 s29, $0x13  }
0x76a: {  	s0 =	sor.u32 s4, s31  }
0x76b: {  	s0 =	sshrl.u32 s0, $0x3  }
0x76c: {  	s30 =	simm.s32 $0x800;
	s0 =	sadd.s32 s3, s0  }
0x76d: {  	s1 =	simm.s32 $0x19708;
	s29 =	simm.s32 $0x19500;
	s14 =	sadd.s32 $0x0, s0;
	[tilespmem:v63+s22+$0x0] =	vst.idx.msk $0xffff, v49  }
.LBB2_19:
0x76e: {  	[hbm4b:s14+s2] =	stream.linear.scatter [tilespmem:s29], [sflag:$0x4], $0x200, $0x38;
	[tilespmem:$0x1D600] =	vst v63  }
0x76f: {  	s14 =	smov.u32 s30;
	s29 =	smov.u32 s1;
	p0 =	sne.s32 s30, $0xF800  }
.Ltmp8:
0x770: {  	s30 =	sadd.s32 $0x800, s30;
	(pc) =	sbr.rel @p0 .LBB2_19-.Ltmp8, $2  }
0x771: {  	_ =	sdelay $0x2  }
0x772: {  	s1 =	sadd.s32 $0x208, s1;
	s14 =	sadd.s32 s14, s0  }
0x773: {  	s28 =	sadd.s32 $0x1, s28  }
0x774: {  	p0 =	sne.s32 s28, $0x18  }
.Ltmp9:
0x775: {  	_ = 	snop;
	(pc) =	sbr.rel @p0 .LBB2_12-.Ltmp9, $2  }
0x776: {  	_ =	sdelay $0x2  }
0x777: {  	[hbm4b:s14+s2] =	stream.linear.scatter [tilespmem:s29], [sflag:$0x4], $0x200, $0x38;
	[tilespmem:$0x1D600] =	vst v63  }
0x778: {  	_ =	swait.ge [sflag:s16], $0x4000  }
0x779: {  	s0 =	simm.s32 $0x0;
	[sflag:s16] =	ssyncset.done $0x0  }
0x77a: {  	v49 =	vmov s0;
	[sflag:s16] =	ssyncadd.s32 $0xFFFFC000  }
0x77b: {  	v49 =	vshrl.u32 v49, $0x3;
	[tilespmem:s18], [sflag:$0x2] =	stream.indirect.gather [hbm4b:s5+s13], $0x20, s25, s13, $0xb8;
	[tilespmem:$0x1D600] =	vst v63  }
0x77c: {  	v49 =	vshll.u32 v49, v33;
	_ =	swait.ge [sflag:s23], $0x4000  }
0x77d: {  	v49 =	vbroadcast v49, $0x0;
	[sflag:s23] =	ssyncset.done $0x0  }
0x77e: {  	s28 =	simm.s32 $0xD500;
	[sflag:s23] =	ssyncadd.s32 $0xFFFFC000  }
0x77f: {  	v51 =	vadd.s32 v30, v49;
	v50 =	vld [tilespmem:s28+$0xFFFFFF00];
	_ =	sdelay $0x4  }
0x780: {  	[tilespmem:v51+s19+$0x0] =	vst.idx.msk $0xffff, v50  }
0x781: {  	s14 =	simm.s32 $0x1;
	v49 =	vadd.s32 v34, v49;
	v50 =	vld [tilespmem:s28+$0xFFFFFF10]  }
0x782: {  	v61 =	vmov s14  }
0x783: {  	v51 =	vshrl.u32 v61, $0x3  }
0x784: {  	v51 =	vshll.u32 v51, v33  }
0x785: {  	v51 =	vbroadcast v51, $0x0  }
0x786: {  	[tilespmem:v49+s19+$0x0] =	vst.idx.msk $0xffff, v50  }
0x787: {  	v62 =	vadd.s32 v35, v51;
	v49 =	vld [tilespmem:s28+$0xFFFFFF20];
	_ =	sdelay $0x4  }
0x788: {  	[tilespmem:v62+s19+$0x0] =	vst.idx.msk $0xffff, v49  }
0x789: {  	s30 =	simm.s32 $0x2;
	v63 =	vadd.s32 v36, v51;
	v49 =	vld [tilespmem:s28+$0xFFFFFF30]  }
0x78a: {  	v54 =	vmov s30  }
0x78b: {  	v51 =	vshrl.u32 v54, $0x3  }
0x78c: {  	v51 =	vshll.u32 v51, v33  }
0x78d: {  	v51 =	vbroadcast v51, $0x0  }
0x78e: {  	[tilespmem:v63+s19+$0x0] =	vst.idx.msk $0xffff, v49  }
0x78f: {  	v55 =	vadd.s32 v37, v51;
	v49 =	vld [tilespmem:s28+$0xFFFFFF40];
	_ =	sdelay $0x4  }
0x790: {  	[tilespmem:v55+s19+$0x0] =	vst.idx.msk $0xffff, v49  }
0x791: {  	s31 =	simm.s32 $0x3;
	v56 =	vadd.s32 v38, v51;
	v49 =	vld [tilespmem:s28+$0xFFFFFF50]  }
0x792: {  	v57 =	vmov s31  }
0x793: {  	v51 =	vshrl.u32 v57, $0x3  }
0x794: {  	v51 =	vshll.u32 v51, v33  }
0x795: {  	v51 =	vbroadcast v51, $0x0  }
0x796: {  	[tilespmem:v56+s19+$0x0] =	vst.idx.msk $0xffff, v49  }
0x797: {  	v58 =	vadd.s32 v39, v51;
	v49 =	vld [tilespmem:s28+$0xFFFFFF60];
	_ =	sdelay $0x4  }
0x798: {  	[tilespmem:v58+s19+$0x0] =	vst.idx.msk $0xffff, v49  }
0x799: {  	s1 =	simm.s32 $0x4;
	v59 =	vadd.s32 v40, v51;
	v49 =	vld [tilespmem:s28+$0xFFFFFF70]  }
0x79a: {  	v60 =	vmov s1  }
0x79b: {  	v51 =	vshrl.u32 v60, $0x3  }
0x79c: {  	v51 =	vshll.u32 v51, v33  }
0x79d: {  	v51 =	vbroadcast v51, $0x0  }
0x79e: {  	[tilespmem:v59+s19+$0x0] =	vst.idx.msk $0xffff, v49  }
0x79f: {  	v61 =	vadd.s32 v41, v51;
	v49 =	vld [tilespmem:s28+$0xFFFFFF80];
	_ =	sdelay $0x4  }
0x7a0: {  	[tilespmem:v61+s19+$0x0] =	vst.idx.msk $0xffff, v49  }
0x7a1: {  	s14 =	simm.s32 $0x5;
	v62 =	vadd.s32 v42, v51;
	v49 =	vld [tilespmem:s28+$0xFFFFFF90]  }
0x7a2: {  	v63 =	vmov s14  }
0x7a3: {  	v51 =	vshrl.u32 v63, $0x3  }
0x7a4: {  	v51 =	vshll.u32 v51, v33  }
0x7a5: {  	v51 =	vbroadcast v51, $0x0  }
0x7a6: {  	[tilespmem:v62+s19+$0x0] =	vst.idx.msk $0xffff, v49  }
0x7a7: {  	v53 =	vadd.s32 v43, v51;
	v49 =	vld [tilespmem:s28+$0xFFFFFFA0];
	_ =	sdelay $0x4  }
0x7a8: {  	[tilespmem:v53+s19+$0x0] =	vst.idx.msk $0xffff, v49  }
0x7a9: {  	s30 =	simm.s32 $0x6;
	v54 =	vadd.s32 v44, v51;
	v49 =	vld [tilespmem:s28+$0xFFFFFFB0]  }
0x7aa: {  	v55 =	vmov s30  }
0x7ab: {  	v51 =	vshrl.u32 v55, $0x3  }
0x7ac: {  	v51 =	vshll.u32 v51, v33  }
0x7ad: {  	v51 =	vbroadcast v51, $0x0  }
0x7ae: {  	[tilespmem:v54+s19+$0x0] =	vst.idx.msk $0xffff, v49  }
0x7af: {  	v56 =	vadd.s32 v45, v51;
	v49 =	vld [tilespmem:s28+$0xFFFFFFC0];
	_ =	sdelay $0x4  }
0x7b0: {  	[tilespmem:v56+s19+$0x0] =	vst.idx.msk $0xffff, v49  }
0x7b1: {  	s31 =	simm.s32 $0x7;
	v57 =	vadd.s32 v46, v51;
	v49 =	vld [tilespmem:s28+$0xFFFFFFD0]  }
0x7b2: {  	v58 =	vmov s31  }
0x7b3: {  	v51 =	vshrl.u32 v58, $0x3  }
0x7b4: {  	v51 =	vshll.u32 v51, v33  }
0x7b5: {  	v51 =	vbroadcast v51, $0x0  }
0x7b6: {  	[tilespmem:v57+s19+$0x0] =	vst.idx.msk $0xffff, v49  }
0x7b7: {  	v59 =	vadd.s32 v47, v51;
	v49 =	vld [tilespmem:s28+$0xFFFFFFE0];
	_ =	sdelay $0x4  }
0x7b8: {  	[tilespmem:v59+s19+$0x0] =	vst.idx.msk $0xffff, v49  }
0x7b9: {  	s1 =	simm.s32 $0x8;
	v60 =	vadd.s32 v48, v51;
	v49 =	vld [tilespmem:s28+$0xFFFFFFF0]  }
0x7ba: {  	v61 =	vmov s1  }
0x7bb: {  	v51 =	vshrl.u32 v61, $0x3  }
0x7bc: {  	v51 =	vshll.u32 v51, v33  }
0x7bd: {  	v51 =	vbroadcast v51, $0x0  }
0x7be: {  	[tilespmem:v60+s19+$0x0] =	vst.idx.msk $0xffff, v49  }
0x7bf: {  	v62 =	vadd.s32 v30, v51;
	v49 =	vld [tilespmem:s28+$0x0];
	_ =	sdelay $0x4  }
0x7c0: {  	[tilespmem:v62+s19+$0x0] =	vst.idx.msk $0xffff, v49  }
0x7c1: {  	s14 =	simm.s32 $0x9;
	v63 =	vadd.s32 v34, v51;
	v49 =	vld [tilespmem:s28+$0x10]  }
0x7c2: {  	v54 =	vmov s14  }
0x7c3: {  	v51 =	vshrl.u32 v54, $0x3  }
0x7c4: {  	v51 =	vshll.u32 v51, v33  }
0x7c5: {  	v51 =	vbroadcast v51, $0x0  }
0x7c6: {  	[tilespmem:v63+s19+$0x0] =	vst.idx.msk $0xffff, v49  }
0x7c7: {  	v55 =	vadd.s32 v35, v51;
	v49 =	vld [tilespmem:s28+$0x20];
	_ =	sdelay $0x4  }
0x7c8: {  	[tilespmem:v55+s19+$0x0] =	vst.idx.msk $0xffff, v49  }
0x7c9: {  	s30 =	simm.s32 $0xA;
	v56 =	vadd.s32 v36, v51;
	v49 =	vld [tilespmem:s28+$0x30]  }
0x7ca: {  	v57 =	vmov s30  }
0x7cb: {  	v51 =	vshrl.u32 v57, $0x3  }
0x7cc: {  	v51 =	vshll.u32 v51, v33  }
0x7cd: {  	v51 =	vbroadcast v51, $0x0  }
0x7ce: {  	[tilespmem:v56+s19+$0x0] =	vst.idx.msk $0xffff, v49  }
0x7cf: {  	v58 =	vadd.s32 v37, v51;
	v49 =	vld [tilespmem:s28+$0x40];
	_ =	sdelay $0x4  }
0x7d0: {  	[tilespmem:v58+s19+$0x0] =	vst.idx.msk $0xffff, v49  }
0x7d1: {  	s31 =	simm.s32 $0xB;
	v59 =	vadd.s32 v38, v51;
	v49 =	vld [tilespmem:s28+$0x50]  }
0x7d2: {  	v60 =	vmov s31  }
0x7d3: {  	v51 =	vshrl.u32 v60, $0x3  }
0x7d4: {  	v51 =	vshll.u32 v51, v33  }
0x7d5: {  	v51 =	vbroadcast v51, $0x0  }
0x7d6: {  	[tilespmem:v59+s19+$0x0] =	vst.idx.msk $0xffff, v49  }
0x7d7: {  	v61 =	vadd.s32 v39, v51;
	v49 =	vld [tilespmem:s28+$0x60];
	_ =	sdelay $0x4  }
0x7d8: {  	[tilespmem:v61+s19+$0x0] =	vst.idx.msk $0xffff, v49  }
0x7d9: {  	s1 =	simm.s32 $0xC;
	v62 =	vadd.s32 v40, v51;
	v49 =	vld [tilespmem:s28+$0x70]  }
0x7da: {  	v63 =	vmov s1  }
0x7db: {  	v51 =	vshrl.u32 v63, $0x3  }
0x7dc: {  	v51 =	vshll.u32 v51, v33  }
0x7dd: {  	v51 =	vbroadcast v51, $0x0  }
0x7de: {  	[tilespmem:v62+s19+$0x0] =	vst.idx.msk $0xffff, v49  }
0x7df: {  	v54 =	vadd.s32 v41, v51;
	v49 =	vld [tilespmem:s28+$0x80];
	_ =	sdelay $0x4  }
0x7e0: {  	[tilespmem:v54+s19+$0x0] =	vst.idx.msk $0xffff, v49  }
0x7e1: {  	s14 =	simm.s32 $0xD;
	v55 =	vadd.s32 v42, v51;
	v49 =	vld [tilespmem:s28+$0x90]  }
0x7e2: {  	v56 =	vmov s14  }
0x7e3: {  	v51 =	vshrl.u32 v56, $0x3  }
0x7e4: {  	v51 =	vshll.u32 v51, v33  }
0x7e5: {  	v51 =	vbroadcast v51, $0x0  }
0x7e6: {  	[tilespmem:v55+s19+$0x0] =	vst.idx.msk $0xffff, v49  }
0x7e7: {  	v57 =	vadd.s32 v43, v51;
	v49 =	vld [tilespmem:s28+$0xA0];
	_ =	sdelay $0x4  }
0x7e8: {  	[tilespmem:v57+s19+$0x0] =	vst.idx.msk $0xffff, v49  }
0x7e9: {  	s30 =	simm.s32 $0xE;
	v58 =	vadd.s32 v44, v51;
	v49 =	vld [tilespmem:s28+$0xB0]  }
0x7ea: {  	v59 =	vmov s30  }
0x7eb: {  	v51 =	vshrl.u32 v59, $0x3  }
0x7ec: {  	v51 =	vshll.u32 v51, v33  }
0x7ed: {  	v51 =	vbroadcast v51, $0x0  }
0x7ee: {  	[tilespmem:v58+s19+$0x0] =	vst.idx.msk $0xffff, v49  }
0x7ef: {  	v60 =	vadd.s32 v45, v51;
	v49 =	vld [tilespmem:s28+$0xC0];
	_ =	sdelay $0x4  }
0x7f0: {  	[tilespmem:v60+s19+$0x0] =	vst.idx.msk $0xffff, v49  }
0x7f1: {  	s31 =	simm.s32 $0xF;
	v61 =	vadd.s32 v46, v51;
	v49 =	vld [tilespmem:s28+$0xD0]  }
0x7f2: {  	v62 =	vmov s31  }
0x7f3: {  	v51 =	vshrl.u32 v62, $0x3  }
0x7f4: {  	v51 =	vshll.u32 v51, v33  }
0x7f5: {  	v51 =	vbroadcast v51, $0x0  }
0x7f6: {  	[tilespmem:v61+s19+$0x0] =	vst.idx.msk $0xffff, v49  }
0x7f7: {  	v63 =	vadd.s32 v47, v51;
	v49 =	vld [tilespmem:s28+$0xE0];
	_ =	sdelay $0x4  }
0x7f8: {  	[tilespmem:v63+s19+$0x0] =	vst.idx.msk $0xffff, v49  }
0x7f9: {  	s29 =	simm.s32 $0x1F;
	s0 =	simm.s32 $0x2F;
	s1 =	simm.s32 $0x10;
	v50 =	vadd.s32 v48, v51;
	v49 =	vld [tilespmem:s28+$0xF0]  }
.LBB2_22:
0x7fa: {  	p0 =	sne.s32 s0, $0x1FF;
	v51 =	vmov s1  }
0x7fb: {  	v51 =	vshrl.u32 v51, $0x3  }
0x7fc: {  	v51 =	vshll.u32 v51, v33  }
0x7fd: {  	v51 =	vbroadcast v51, $0x0  }
0x7fe: {  	s28 =	sadd.s32 $0x200, s28;
	[tilespmem:v50+s19+$0x0] =	vst.idx.msk $0xffff, v49  }
0x7ff: {  	v49 =	vld [tilespmem:s28+$0xFFFFFF00];
	v50 =	vadd.s32 v30, v51;
	_ =	sdelay $0x4  }
0x800: {  	[tilespmem:v50+s19+$0x0] =	vst.idx.msk $0xffff, v49  }
0x801: {  	s1 =	sadd.s32 $0xFFFFFFF2, s29;
	v50 =	vadd.s32 v34, v51;
	v49 =	vld [tilespmem:s28+$0xFFFFFF10]  }
0x802: {  	v51 =	vmov s1  }
0x803: {  	v51 =	vshrl.u32 v51, $0x3  }
0x804: {  	v51 =	vshll.u32 v51, v33  }
0x805: {  	v51 =	vbroadcast v51, $0x0  }
0x806: {  	[tilespmem:v50+s19+$0x0] =	vst.idx.msk $0xffff, v49  }
0x807: {  	v50 =	vadd.s32 v35, v51;
	v49 =	vld [tilespmem:s28+$0xFFFFFF20];
	_ =	sdelay $0x4  }
0x808: {  	[tilespmem:v50+s19+$0x0] =	vst.idx.msk $0xffff, v49  }
0x809: {  	s1 =	sadd.s32 $0xFFFFFFF3, s29;
	v50 =	vadd.s32 v36, v51;
	v49 =	vld [tilespmem:s28+$0xFFFFFF30]  }
0x80a: {  	v51 =	vmov s1  }
0x80b: {  	v51 =	vshrl.u32 v51, $0x3  }
0x80c: {  	v51 =	vshll.u32 v51, v33  }
0x80d: {  	v51 =	vbroadcast v51, $0x0  }
0x80e: {  	[tilespmem:v50+s19+$0x0] =	vst.idx.msk $0xffff, v49  }
0x80f: {  	v50 =	vadd.s32 v37, v51;
	v49 =	vld [tilespmem:s28+$0xFFFFFF40];
	_ =	sdelay $0x4  }
0x810: {  	[tilespmem:v50+s19+$0x0] =	vst.idx.msk $0xffff, v49  }
0x811: {  	s1 =	sadd.s32 $0xFFFFFFF4, s29;
	v50 =	vadd.s32 v38, v51;
	v49 =	vld [tilespmem:s28+$0xFFFFFF50]  }
0x812: {  	v51 =	vmov s1  }
0x813: {  	v51 =	vshrl.u32 v51, $0x3  }
0x814: {  	v51 =	vshll.u32 v51, v33  }
0x815: {  	v51 =	vbroadcast v51, $0x0  }
0x816: {  	[tilespmem:v50+s19+$0x0] =	vst.idx.msk $0xffff, v49  }
0x817: {  	v50 =	vadd.s32 v39, v51;
	v49 =	vld [tilespmem:s28+$0xFFFFFF60];
	_ =	sdelay $0x4  }
0x818: {  	[tilespmem:v50+s19+$0x0] =	vst.idx.msk $0xffff, v49  }
0x819: {  	s1 =	sadd.s32 $0xFFFFFFF5, s29;
	v50 =	vadd.s32 v40, v51;
	v49 =	vld [tilespmem:s28+$0xFFFFFF70]  }
0x81a: {  	v51 =	vmov s1  }
0x81b: {  	v51 =	vshrl.u32 v51, $0x3  }
0x81c: {  	v51 =	vshll.u32 v51, v33  }
0x81d: {  	v51 =	vbroadcast v51, $0x0  }
0x81e: {  	[tilespmem:v50+s19+$0x0] =	vst.idx.msk $0xffff, v49  }
0x81f: {  	v50 =	vadd.s32 v41, v51;
	v49 =	vld [tilespmem:s28+$0xFFFFFF80];
	_ =	sdelay $0x4  }
0x820: {  	[tilespmem:v50+s19+$0x0] =	vst.idx.msk $0xffff, v49  }
0x821: {  	s1 =	sadd.s32 $0xFFFFFFF6, s29;
	v50 =	vadd.s32 v42, v51;
	v49 =	vld [tilespmem:s28+$0xFFFFFF90]  }
0x822: {  	v51 =	vmov s1  }
0x823: {  	v51 =	vshrl.u32 v51, $0x3  }
0x824: {  	v51 =	vshll.u32 v51, v33  }
0x825: {  	v51 =	vbroadcast v51, $0x0  }
0x826: {  	[tilespmem:v50+s19+$0x0] =	vst.idx.msk $0xffff, v49  }
0x827: {  	v50 =	vadd.s32 v43, v51;
	v49 =	vld [tilespmem:s28+$0xFFFFFFA0];
	_ =	sdelay $0x4  }
0x828: {  	[tilespmem:v50+s19+$0x0] =	vst.idx.msk $0xffff, v49  }
0x829: {  	s1 =	sadd.s32 $0xFFFFFFF7, s29;
	v50 =	vadd.s32 v44, v51;
	v49 =	vld [tilespmem:s28+$0xFFFFFFB0]  }
0x82a: {  	v51 =	vmov s1  }
0x82b: {  	v51 =	vshrl.u32 v51, $0x3  }
0x82c: {  	v51 =	vshll.u32 v51, v33  }
0x82d: {  	v51 =	vbroadcast v51, $0x0  }
0x82e: {  	[tilespmem:v50+s19+$0x0] =	vst.idx.msk $0xffff, v49  }
0x82f: {  	v50 =	vadd.s32 v45, v51;
	v49 =	vld [tilespmem:s28+$0xFFFFFFC0];
	_ =	sdelay $0x4  }
0x830: {  	[tilespmem:v50+s19+$0x0] =	vst.idx.msk $0xffff, v49  }
0x831: {  	s1 =	sadd.s32 $0xFFFFFFF8, s29;
	v50 =	vadd.s32 v46, v51;
	v49 =	vld [tilespmem:s28+$0xFFFFFFD0]  }
0x832: {  	v51 =	vmov s1  }
0x833: {  	v51 =	vshrl.u32 v51, $0x3  }
0x834: {  	v51 =	vshll.u32 v51, v33  }
0x835: {  	v51 =	vbroadcast v51, $0x0  }
0x836: {  	[tilespmem:v50+s19+$0x0] =	vst.idx.msk $0xffff, v49  }
0x837: {  	v50 =	vadd.s32 v47, v51;
	v49 =	vld [tilespmem:s28+$0xFFFFFFE0];
	_ =	sdelay $0x4  }
0x838: {  	[tilespmem:v50+s19+$0x0] =	vst.idx.msk $0xffff, v49  }
0x839: {  	s1 =	sadd.s32 $0xFFFFFFF9, s29;
	v50 =	vadd.s32 v48, v51;
	v49 =	vld [tilespmem:s28+$0xFFFFFFF0]  }
0x83a: {  	v51 =	vmov s1  }
0x83b: {  	v51 =	vshrl.u32 v51, $0x3  }
0x83c: {  	v51 =	vshll.u32 v51, v33  }
0x83d: {  	v51 =	vbroadcast v51, $0x0  }
0x83e: {  	[tilespmem:v50+s19+$0x0] =	vst.idx.msk $0xffff, v49  }
0x83f: {  	v50 =	vadd.s32 v30, v51;
	v49 =	vld [tilespmem:s28+$0x0];
	_ =	sdelay $0x4  }
0x840: {  	[tilespmem:v50+s19+$0x0] =	vst.idx.msk $0xffff, v49  }
0x841: {  	s1 =	sadd.s32 $0xFFFFFFFA, s29;
	v50 =	vadd.s32 v34, v51;
	v49 =	vld [tilespmem:s28+$0x10]  }
0x842: {  	v51 =	vmov s1  }
0x843: {  	v51 =	vshrl.u32 v51, $0x3  }
0x844: {  	v51 =	vshll.u32 v51, v33  }
0x845: {  	v51 =	vbroadcast v51, $0x0  }
0x846: {  	[tilespmem:v50+s19+$0x0] =	vst.idx.msk $0xffff, v49  }
0x847: {  	v50 =	vadd.s32 v35, v51;
	v49 =	vld [tilespmem:s28+$0x20];
	_ =	sdelay $0x4  }
0x848: {  	[tilespmem:v50+s19+$0x0] =	vst.idx.msk $0xffff, v49  }
0x849: {  	s1 =	sadd.s32 $0xFFFFFFFB, s29;
	v50 =	vadd.s32 v36, v51;
	v49 =	vld [tilespmem:s28+$0x30]  }
0x84a: {  	v51 =	vmov s1  }
0x84b: {  	v51 =	vshrl.u32 v51, $0x3  }
0x84c: {  	v51 =	vshll.u32 v51, v33  }
0x84d: {  	v51 =	vbroadcast v51, $0x0  }
0x84e: {  	[tilespmem:v50+s19+$0x0] =	vst.idx.msk $0xffff, v49  }
0x84f: {  	v50 =	vadd.s32 v37, v51;
	v49 =	vld [tilespmem:s28+$0x40];
	_ =	sdelay $0x4  }
0x850: {  	[tilespmem:v50+s19+$0x0] =	vst.idx.msk $0xffff, v49  }
0x851: {  	s1 =	sadd.s32 $0xFFFFFFFC, s29;
	v50 =	vadd.s32 v38, v51;
	v49 =	vld [tilespmem:s28+$0x50]  }
0x852: {  	v51 =	vmov s1  }
0x853: {  	v51 =	vshrl.u32 v51, $0x3  }
0x854: {  	v51 =	vshll.u32 v51, v33  }
0x855: {  	v51 =	vbroadcast v51, $0x0  }
0x856: {  	[tilespmem:v50+s19+$0x0] =	vst.idx.msk $0xffff, v49  }
0x857: {  	v50 =	vadd.s32 v39, v51;
	v49 =	vld [tilespmem:s28+$0x60];
	_ =	sdelay $0x4  }
0x858: {  	[tilespmem:v50+s19+$0x0] =	vst.idx.msk $0xffff, v49  }
0x859: {  	s1 =	sadd.s32 $0xFFFFFFFD, s29;
	v50 =	vadd.s32 v40, v51;
	v49 =	vld [tilespmem:s28+$0x70]  }
0x85a: {  	v51 =	vmov s1  }
0x85b: {  	v51 =	vshrl.u32 v51, $0x3  }
0x85c: {  	v51 =	vshll.u32 v51, v33  }
0x85d: {  	v51 =	vbroadcast v51, $0x0  }
0x85e: {  	[tilespmem:v50+s19+$0x0] =	vst.idx.msk $0xffff, v49  }
0x85f: {  	v50 =	vadd.s32 v41, v51;
	v49 =	vld [tilespmem:s28+$0x80];
	_ =	sdelay $0x4  }
0x860: {  	[tilespmem:v50+s19+$0x0] =	vst.idx.msk $0xffff, v49  }
0x861: {  	s1 =	sadd.s32 $0xFFFFFFFE, s29;
	v50 =	vadd.s32 v42, v51;
	v49 =	vld [tilespmem:s28+$0x90]  }
0x862: {  	v51 =	vmov s1  }
0x863: {  	v51 =	vshrl.u32 v51, $0x3  }
0x864: {  	v51 =	vshll.u32 v51, v33  }
0x865: {  	v51 =	vbroadcast v51, $0x0  }
0x866: {  	[tilespmem:v50+s19+$0x0] =	vst.idx.msk $0xffff, v49  }
0x867: {  	v50 =	vadd.s32 v43, v51;
	v49 =	vld [tilespmem:s28+$0xA0];
	_ =	sdelay $0x4  }
0x868: {  	[tilespmem:v50+s19+$0x0] =	vst.idx.msk $0xffff, v49  }
0x869: {  	s1 =	sadd.s32 $0xFFFFFFFF, s29;
	v50 =	vadd.s32 v44, v51;
	v49 =	vld [tilespmem:s28+$0xB0]  }
0x86a: {  	v51 =	vmov s1  }
0x86b: {  	v51 =	vshrl.u32 v51, $0x3  }
0x86c: {  	v51 =	vshll.u32 v51, v33  }
0x86d: {  	v51 =	vbroadcast v51, $0x0  }
0x86e: {  	[tilespmem:v50+s19+$0x0] =	vst.idx.msk $0xffff, v49  }
0x86f: {  	v50 =	vadd.s32 v45, v51;
	v49 =	vld [tilespmem:s28+$0xC0];
	_ =	sdelay $0x4  }
0x870: {  	[tilespmem:v50+s19+$0x0] =	vst.idx.msk $0xffff, v49  }
0x871: {  	v50 =	vadd.s32 v46, v51;
	v49 =	vld [tilespmem:s28+$0xD0]  }
0x872: {  	v51 =	vmov s29;
	s29 =	smov.u32 s0  }
0x873: {  	v51 =	vshrl.u32 v51, $0x3  }
0x874: {  	v51 =	vshll.u32 v51, v33  }
0x875: {  	v51 =	vbroadcast v51, $0x0  }
0x876: {  	[tilespmem:v50+s19+$0x0] =	vst.idx.msk $0xffff, v49  }
0x877: {  	v50 =	vadd.s32 v47, v51;
	v49 =	vld [tilespmem:s28+$0xE0];
	_ =	sdelay $0x1  }
.Ltmp10:
0x878: {  	(pc) =	sbr.rel @p0 .LBB2_22-.Ltmp10, $3  }
0x879: {  	_ =	sdelay $0x1  }
0x87a: {  	[tilespmem:v50+s19+$0x0] =	vst.idx.msk $0xffff, v49  }
0x87b: {  	s0 =	sadd.s32 $0x10, s0;
	s1 =	sadd.s32 $0xFFFFFFF1, s29;
	v50 =	vadd.s32 v48, v51;
	v49 =	vld [tilespmem:s28+$0xF0]  }
0x87c: {  	v51 =	vmov s1  }
0x87d: {  	v51 =	vshrl.u32 v51, $0x3  }
0x87e: {  	v51 =	vshll.u32 v51, v33  }
0x87f: {  	v51 =	vbroadcast v51, $0x0  }
0x880: {  	s0 =	sadd.s32 $0x200, s28;
	[tilespmem:v50+s19+$0x0] =	vst.idx.msk $0xffff, v49  }
0x881: {  	v49 =	vld [tilespmem:s0+$0xFFFFFF00];
	v59 =	vadd.s32 v30, v51;
	_ =	sdelay $0x4  }
0x882: {  	[tilespmem:v59+s19+$0x0] =	vst.idx.msk $0xffff, v49  }
0x883: {  	s30 =	sadd.s32 $0xFFFFFFF2, s29;
	v60 =	vadd.s32 v34, v51;
	v49 =	vld [tilespmem:s0+$0xFFFFFF10]  }
0x884: {  	v61 =	vmov s30  }
0x885: {  	v51 =	vshrl.u32 v61, $0x3  }
0x886: {  	v51 =	vshll.u32 v51, v33  }
0x887: {  	v51 =	vbroadcast v51, $0x0  }
0x888: {  	[tilespmem:v60+s19+$0x0] =	vst.idx.msk $0xffff, v49  }
0x889: {  	v62 =	vadd.s32 v35, v51;
	v49 =	vld [tilespmem:s0+$0xFFFFFF20];
	_ =	sdelay $0x4  }
0x88a: {  	[tilespmem:v62+s19+$0x0] =	vst.idx.msk $0xffff, v49  }
0x88b: {  	s31 =	sadd.s32 $0xFFFFFFF3, s29;
	v63 =	vadd.s32 v36, v51;
	v49 =	vld [tilespmem:s0+$0xFFFFFF30]  }
0x88c: {  	v54 =	vmov s31  }
0x88d: {  	v51 =	vshrl.u32 v54, $0x3  }
0x88e: {  	v51 =	vshll.u32 v51, v33  }
0x88f: {  	v51 =	vbroadcast v51, $0x0  }
0x890: {  	[tilespmem:v63+s19+$0x0] =	vst.idx.msk $0xffff, v49  }
0x891: {  	v55 =	vadd.s32 v37, v51;
	v49 =	vld [tilespmem:s0+$0xFFFFFF40];
	_ =	sdelay $0x4  }
0x892: {  	[tilespmem:v55+s19+$0x0] =	vst.idx.msk $0xffff, v49  }
0x893: {  	s14 =	sadd.s32 $0xFFFFFFF4, s29;
	v56 =	vadd.s32 v38, v51;
	v49 =	vld [tilespmem:s0+$0xFFFFFF50]  }
0x894: {  	v57 =	vmov s14  }
0x895: {  	v51 =	vshrl.u32 v57, $0x3  }
0x896: {  	v51 =	vshll.u32 v51, v33  }
0x897: {  	v51 =	vbroadcast v51, $0x0  }
0x898: {  	[tilespmem:v56+s19+$0x0] =	vst.idx.msk $0xffff, v49  }
0x899: {  	v58 =	vadd.s32 v39, v51;
	v49 =	vld [tilespmem:s0+$0xFFFFFF60];
	_ =	sdelay $0x4  }
0x89a: {  	[tilespmem:v58+s19+$0x0] =	vst.idx.msk $0xffff, v49  }
0x89b: {  	s30 =	sadd.s32 $0xFFFFFFF5, s29;
	v59 =	vadd.s32 v40, v51;
	v49 =	vld [tilespmem:s0+$0xFFFFFF70]  }
0x89c: {  	v60 =	vmov s30  }
0x89d: {  	v51 =	vshrl.u32 v60, $0x3  }
0x89e: {  	v51 =	vshll.u32 v51, v33  }
0x89f: {  	v51 =	vbroadcast v51, $0x0  }
0x8a0: {  	[tilespmem:v59+s19+$0x0] =	vst.idx.msk $0xffff, v49  }
0x8a1: {  	v61 =	vadd.s32 v41, v51;
	v49 =	vld [tilespmem:s0+$0xFFFFFF80];
	_ =	sdelay $0x4  }
0x8a2: {  	[tilespmem:v61+s19+$0x0] =	vst.idx.msk $0xffff, v49  }
0x8a3: {  	s31 =	sadd.s32 $0xFFFFFFF6, s29;
	v62 =	vadd.s32 v42, v51;
	v49 =	vld [tilespmem:s0+$0xFFFFFF90]  }
0x8a4: {  	v63 =	vmov s31  }
0x8a5: {  	v51 =	vshrl.u32 v63, $0x3  }
0x8a6: {  	v51 =	vshll.u32 v51, v33  }
0x8a7: {  	v51 =	vbroadcast v51, $0x0  }
0x8a8: {  	[tilespmem:v62+s19+$0x0] =	vst.idx.msk $0xffff, v49  }
0x8a9: {  	v53 =	vadd.s32 v43, v51;
	v49 =	vld [tilespmem:s0+$0xFFFFFFA0];
	_ =	sdelay $0x4  }
0x8aa: {  	[tilespmem:v53+s19+$0x0] =	vst.idx.msk $0xffff, v49  }
0x8ab: {  	s14 =	sadd.s32 $0xFFFFFFF7, s29;
	v54 =	vadd.s32 v44, v51;
	v49 =	vld [tilespmem:s0+$0xFFFFFFB0]  }
0x8ac: {  	v55 =	vmov s14  }
0x8ad: {  	v51 =	vshrl.u32 v55, $0x3  }
0x8ae: {  	v51 =	vshll.u32 v51, v33  }
0x8af: {  	v51 =	vbroadcast v51, $0x0  }
0x8b0: {  	[tilespmem:v54+s19+$0x0] =	vst.idx.msk $0xffff, v49  }
0x8b1: {  	v56 =	vadd.s32 v45, v51;
	v49 =	vld [tilespmem:s0+$0xFFFFFFC0];
	_ =	sdelay $0x4  }
0x8b2: {  	[tilespmem:v56+s19+$0x0] =	vst.idx.msk $0xffff, v49  }
0x8b3: {  	s30 =	sadd.s32 $0xFFFFFFF8, s29;
	v57 =	vadd.s32 v46, v51;
	v49 =	vld [tilespmem:s0+$0xFFFFFFD0]  }
0x8b4: {  	v58 =	vmov s30  }
0x8b5: {  	v51 =	vshrl.u32 v58, $0x3  }
0x8b6: {  	v51 =	vshll.u32 v51, v33  }
0x8b7: {  	v51 =	vbroadcast v51, $0x0  }
0x8b8: {  	[tilespmem:v57+s19+$0x0] =	vst.idx.msk $0xffff, v49  }
0x8b9: {  	v59 =	vadd.s32 v47, v51;
	v49 =	vld [tilespmem:s0+$0xFFFFFFE0];
	_ =	sdelay $0x4  }
0x8ba: {  	[tilespmem:v59+s19+$0x0] =	vst.idx.msk $0xffff, v49  }
0x8bb: {  	s31 =	sadd.s32 $0xFFFFFFF9, s29;
	v60 =	vadd.s32 v48, v51;
	v49 =	vld [tilespmem:s0+$0xFFFFFFF0]  }
0x8bc: {  	v61 =	vmov s31  }
0x8bd: {  	v51 =	vshrl.u32 v61, $0x3  }
0x8be: {  	v51 =	vshll.u32 v51, v33  }
0x8bf: {  	v51 =	vbroadcast v51, $0x0  }
0x8c0: {  	[tilespmem:v60+s19+$0x0] =	vst.idx.msk $0xffff, v49  }
0x8c1: {  	v62 =	vadd.s32 v30, v51;
	v49 =	vld [tilespmem:s0+$0x0];
	_ =	sdelay $0x4  }
0x8c2: {  	[tilespmem:v62+s19+$0x0] =	vst.idx.msk $0xffff, v49  }
0x8c3: {  	s14 =	sadd.s32 $0xFFFFFFFA, s29;
	v63 =	vadd.s32 v34, v51;
	v49 =	vld [tilespmem:s0+$0x10]  }
0x8c4: {  	v54 =	vmov s14  }
0x8c5: {  	v51 =	vshrl.u32 v54, $0x3  }
0x8c6: {  	v51 =	vshll.u32 v51, v33  }
0x8c7: {  	v51 =	vbroadcast v51, $0x0  }
0x8c8: {  	[tilespmem:v63+s19+$0x0] =	vst.idx.msk $0xffff, v49  }
0x8c9: {  	v55 =	vadd.s32 v35, v51;
	v49 =	vld [tilespmem:s0+$0x20];
	_ =	sdelay $0x4  }
0x8ca: {  	[tilespmem:v55+s19+$0x0] =	vst.idx.msk $0xffff, v49  }
0x8cb: {  	s30 =	sadd.s32 $0xFFFFFFFB, s29;
	v56 =	vadd.s32 v36, v51;
	v49 =	vld [tilespmem:s0+$0x30]  }
0x8cc: {  	v57 =	vmov s30  }
0x8cd: {  	v51 =	vshrl.u32 v57, $0x3  }
0x8ce: {  	v51 =	vshll.u32 v51, v33  }
0x8cf: {  	v51 =	vbroadcast v51, $0x0  }
0x8d0: {  	[tilespmem:v56+s19+$0x0] =	vst.idx.msk $0xffff, v49  }
0x8d1: {  	v58 =	vadd.s32 v37, v51;
	v49 =	vld [tilespmem:s0+$0x40];
	_ =	sdelay $0x4  }
0x8d2: {  	[tilespmem:v58+s19+$0x0] =	vst.idx.msk $0xffff, v49  }
0x8d3: {  	s31 =	sadd.s32 $0xFFFFFFFC, s29;
	v59 =	vadd.s32 v38, v51;
	v49 =	vld [tilespmem:s0+$0x50]  }
0x8d4: {  	v60 =	vmov s31  }
0x8d5: {  	v51 =	vshrl.u32 v60, $0x3  }
0x8d6: {  	v51 =	vshll.u32 v51, v33  }
0x8d7: {  	v51 =	vbroadcast v51, $0x0  }
0x8d8: {  	[tilespmem:v59+s19+$0x0] =	vst.idx.msk $0xffff, v49  }
0x8d9: {  	v61 =	vadd.s32 v39, v51;
	v49 =	vld [tilespmem:s0+$0x60];
	_ =	sdelay $0x4  }
0x8da: {  	[tilespmem:v61+s19+$0x0] =	vst.idx.msk $0xffff, v49  }
0x8db: {  	s14 =	sadd.s32 $0xFFFFFFFD, s29;
	v62 =	vadd.s32 v40, v51;
	v49 =	vld [tilespmem:s0+$0x70]  }
0x8dc: {  	v63 =	vmov s14  }
0x8dd: {  	v51 =	vshrl.u32 v63, $0x3  }
0x8de: {  	v51 =	vshll.u32 v51, v33  }
0x8df: {  	v51 =	vbroadcast v51, $0x0  }
0x8e0: {  	[tilespmem:v62+s19+$0x0] =	vst.idx.msk $0xffff, v49  }
0x8e1: {  	v53 =	vadd.s32 v41, v51;
	v49 =	vld [tilespmem:s0+$0x80];
	_ =	sdelay $0x4  }
0x8e2: {  	[tilespmem:v53+s19+$0x0] =	vst.idx.msk $0xffff, v49  }
0x8e3: {  	s30 =	sadd.s32 $0xFFFFFFFE, s29;
	v54 =	vadd.s32 v42, v51;
	v49 =	vld [tilespmem:s0+$0x90]  }
0x8e4: {  	v55 =	vmov s30  }
0x8e5: {  	v51 =	vshrl.u32 v55, $0x3  }
0x8e6: {  	v51 =	vshll.u32 v51, v33  }
0x8e7: {  	v51 =	vbroadcast v51, $0x0  }
0x8e8: {  	[tilespmem:v54+s19+$0x0] =	vst.idx.msk $0xffff, v49  }
0x8e9: {  	v56 =	vadd.s32 v43, v51;
	v49 =	vld [tilespmem:s0+$0xA0];
	_ =	sdelay $0x4  }
0x8ea: {  	[tilespmem:v56+s19+$0x0] =	vst.idx.msk $0xffff, v49  }
0x8eb: {  	s31 =	sadd.s32 $0xFFFFFFFF, s29;
	v57 =	vadd.s32 v44, v51;
	v49 =	vld [tilespmem:s0+$0xB0]  }
0x8ec: {  	v58 =	vmov s31  }
0x8ed: {  	v51 =	vshrl.u32 v58, $0x3  }
0x8ee: {  	v51 =	vshll.u32 v51, v33  }
0x8ef: {  	v51 =	vbroadcast v51, $0x0  }
0x8f0: {  	[tilespmem:v57+s19+$0x0] =	vst.idx.msk $0xffff, v49  }
0x8f1: {  	v59 =	vadd.s32 v45, v51;
	v49 =	vld [tilespmem:s0+$0xC0];
	_ =	sdelay $0x4  }
0x8f2: {  	[tilespmem:v59+s19+$0x0] =	vst.idx.msk $0xffff, v49  }
0x8f3: {  	v60 =	vadd.s32 v46, v51;
	v49 =	vld [tilespmem:s0+$0xD0]  }
0x8f4: {  	v61 =	vmov s29  }
0x8f5: {  	v51 =	vshrl.u32 v61, $0x3  }
0x8f6: {  	v51 =	vshll.u32 v51, v33  }
0x8f7: {  	v51 =	vbroadcast v51, $0x0  }
0x8f8: {  	[tilespmem:v60+s19+$0x0] =	vst.idx.msk $0xffff, v49  }
0x8f9: {  	v62 =	vadd.s32 v47, v51;
	v49 =	vld [tilespmem:s0+$0xE0];
	_ =	sdelay $0x4  }
0x8fa: {  	[tilespmem:v62+s19+$0x0] =	vst.idx.msk $0xffff, v49  }
0x8fb: {  	v63 =	vadd.s32 v48, v51;
	v49 =	vld [tilespmem:s0+$0xF0];
	_ =	sdelay $0x3  }
0x8fc: {  	s28 =	simm.s32 $0x800  }
0x8fd: {  	s1 =	simm.s32 $0x15608;
	s14 =	sadd.s32 $0x0, s9;
	s0 =	simm.s32 $0x15400;
	[tilespmem:v63+s19+$0x0] =	vst.idx.msk $0xffff, v49  }
.LBB2_24:
0x8fe: {  	[hbm4b:s14+s2] =	stream.linear.scatter [tilespmem:s0], [sflag:$0x3], $0x200, $0x38;
	[tilespmem:$0x1D600] =	vst v63  }
0x8ff: {  	s14 =	smov.u32 s28;
	s0 =	smov.u32 s1;
	p0 =	sne.s32 s28, $0xF800  }
.Ltmp11:
0x900: {  	s28 =	sadd.s32 $0x800, s28;
	(pc) =	sbr.rel @p0 .LBB2_24-.Ltmp11, $2  }
0x901: {  	_ =	sdelay $0x2  }
0x902: {  	s1 =	sadd.s32 $0x208, s1;
	s14 =	sadd.s32 s14, s9  }
0x903: {  	[hbm4b:s14+s2] =	stream.linear.scatter [tilespmem:s0], [sflag:$0x3], $0x200, $0x38;
	[tilespmem:$0x1D600] =	vst v63  }
0x904: {  	s1 =	simm.s32 $0x0;
	_ =	swait.ge [sflag:s20], $0x4000  }
0x905: {  	v49 =	vmov s1;
	[sflag:s20] =	ssyncset.done $0x0  }
0x906: {  	v49 =	vshrl.u32 v49, $0x3;
	[sflag:s20] =	ssyncadd.s32 $0xFFFFC000  }
0x907: {  	v49 =	vshll.u32 v49, v33;
	_ =	swait.ge [sflag:s24], $0x4000  }
0x908: {  	v49 =	vbroadcast v49, $0x0;
	[sflag:s24] =	ssyncset.done $0x0  }
0x909: {  	s28 =	simm.s32 $0x11500;
	[sflag:s24] =	ssyncadd.s32 $0xFFFFC000  }
0x90a: {  	v51 =	vadd.s32 v30, v49;
	v50 =	vld [tilespmem:s28+$0xFFFFFF00];
	_ =	sdelay $0x4  }
0x90b: {  	[tilespmem:v51+s22+$0x0] =	vst.idx.msk $0xffff, v50  }
0x90c: {  	s14 =	simm.s32 $0x1;
	v49 =	vadd.s32 v34, v49;
	v50 =	vld [tilespmem:s28+$0xFFFFFF10]  }
0x90d: {  	v61 =	vmov s14  }
0x90e: {  	v51 =	vshrl.u32 v61, $0x3  }
0x90f: {  	v51 =	vshll.u32 v51, v33  }
0x910: {  	v51 =	vbroadcast v51, $0x0  }
0x911: {  	[tilespmem:v49+s22+$0x0] =	vst.idx.msk $0xffff, v50  }
0x912: {  	v62 =	vadd.s32 v35, v51;
	v49 =	vld [tilespmem:s28+$0xFFFFFF20];
	_ =	sdelay $0x4  }
0x913: {  	[tilespmem:v62+s22+$0x0] =	vst.idx.msk $0xffff, v49  }
0x914: {  	s30 =	simm.s32 $0x2;
	v63 =	vadd.s32 v36, v51;
	v49 =	vld [tilespmem:s28+$0xFFFFFF30]  }
0x915: {  	v54 =	vmov s30  }
0x916: {  	v51 =	vshrl.u32 v54, $0x3  }
0x917: {  	v51 =	vshll.u32 v51, v33  }
0x918: {  	v51 =	vbroadcast v51, $0x0  }
0x919: {  	[tilespmem:v63+s22+$0x0] =	vst.idx.msk $0xffff, v49  }
0x91a: {  	v55 =	vadd.s32 v37, v51;
	v49 =	vld [tilespmem:s28+$0xFFFFFF40];
	_ =	sdelay $0x4  }
0x91b: {  	[tilespmem:v55+s22+$0x0] =	vst.idx.msk $0xffff, v49  }
0x91c: {  	s31 =	simm.s32 $0x3;
	v56 =	vadd.s32 v38, v51;
	v49 =	vld [tilespmem:s28+$0xFFFFFF50]  }
0x91d: {  	v57 =	vmov s31  }
0x91e: {  	v51 =	vshrl.u32 v57, $0x3  }
0x91f: {  	v51 =	vshll.u32 v51, v33  }
0x920: {  	v51 =	vbroadcast v51, $0x0  }
0x921: {  	[tilespmem:v56+s22+$0x0] =	vst.idx.msk $0xffff, v49  }
0x922: {  	v58 =	vadd.s32 v39, v51;
	v49 =	vld [tilespmem:s28+$0xFFFFFF60];
	_ =	sdelay $0x4  }
0x923: {  	[tilespmem:v58+s22+$0x0] =	vst.idx.msk $0xffff, v49  }
0x924: {  	s1 =	simm.s32 $0x4;
	v59 =	vadd.s32 v40, v51;
	v49 =	vld [tilespmem:s28+$0xFFFFFF70]  }
0x925: {  	v60 =	vmov s1  }
0x926: {  	v51 =	vshrl.u32 v60, $0x3  }
0x927: {  	v51 =	vshll.u32 v51, v33  }
0x928: {  	v51 =	vbroadcast v51, $0x0  }
0x929: {  	[tilespmem:v59+s22+$0x0] =	vst.idx.msk $0xffff, v49  }
0x92a: {  	v61 =	vadd.s32 v41, v51;
	v49 =	vld [tilespmem:s28+$0xFFFFFF80];
	_ =	sdelay $0x4  }
0x92b: {  	[tilespmem:v61+s22+$0x0] =	vst.idx.msk $0xffff, v49  }
0x92c: {  	s14 =	simm.s32 $0x5;
	v62 =	vadd.s32 v42, v51;
	v49 =	vld [tilespmem:s28+$0xFFFFFF90]  }
0x92d: {  	v63 =	vmov s14  }
0x92e: {  	v51 =	vshrl.u32 v63, $0x3  }
0x92f: {  	v51 =	vshll.u32 v51, v33  }
0x930: {  	v51 =	vbroadcast v51, $0x0  }
0x931: {  	[tilespmem:v62+s22+$0x0] =	vst.idx.msk $0xffff, v49  }
0x932: {  	v53 =	vadd.s32 v43, v51;
	v49 =	vld [tilespmem:s28+$0xFFFFFFA0];
	_ =	sdelay $0x4  }
0x933: {  	[tilespmem:v53+s22+$0x0] =	vst.idx.msk $0xffff, v49  }
0x934: {  	s30 =	simm.s32 $0x6;
	v54 =	vadd.s32 v44, v51;
	v49 =	vld [tilespmem:s28+$0xFFFFFFB0]  }
0x935: {  	v55 =	vmov s30  }
0x936: {  	v51 =	vshrl.u32 v55, $0x3  }
0x937: {  	v51 =	vshll.u32 v51, v33  }
0x938: {  	v51 =	vbroadcast v51, $0x0  }
0x939: {  	[tilespmem:v54+s22+$0x0] =	vst.idx.msk $0xffff, v49  }
0x93a: {  	v56 =	vadd.s32 v45, v51;
	v49 =	vld [tilespmem:s28+$0xFFFFFFC0];
	_ =	sdelay $0x4  }
0x93b: {  	[tilespmem:v56+s22+$0x0] =	vst.idx.msk $0xffff, v49  }
0x93c: {  	s31 =	simm.s32 $0x7;
	v57 =	vadd.s32 v46, v51;
	v49 =	vld [tilespmem:s28+$0xFFFFFFD0]  }
0x93d: {  	v58 =	vmov s31  }
0x93e: {  	v51 =	vshrl.u32 v58, $0x3  }
0x93f: {  	v51 =	vshll.u32 v51, v33  }
0x940: {  	v51 =	vbroadcast v51, $0x0  }
0x941: {  	[tilespmem:v57+s22+$0x0] =	vst.idx.msk $0xffff, v49  }
0x942: {  	v59 =	vadd.s32 v47, v51;
	v49 =	vld [tilespmem:s28+$0xFFFFFFE0];
	_ =	sdelay $0x4  }
0x943: {  	[tilespmem:v59+s22+$0x0] =	vst.idx.msk $0xffff, v49  }
0x944: {  	s1 =	simm.s32 $0x8;
	v60 =	vadd.s32 v48, v51;
	v49 =	vld [tilespmem:s28+$0xFFFFFFF0]  }
0x945: {  	v61 =	vmov s1  }
0x946: {  	v51 =	vshrl.u32 v61, $0x3  }
0x947: {  	v51 =	vshll.u32 v51, v33  }
0x948: {  	v51 =	vbroadcast v51, $0x0  }
0x949: {  	[tilespmem:v60+s22+$0x0] =	vst.idx.msk $0xffff, v49  }
0x94a: {  	v62 =	vadd.s32 v30, v51;
	v49 =	vld [tilespmem:s28+$0x0];
	_ =	sdelay $0x4  }
0x94b: {  	[tilespmem:v62+s22+$0x0] =	vst.idx.msk $0xffff, v49  }
0x94c: {  	s14 =	simm.s32 $0x9;
	v63 =	vadd.s32 v34, v51;
	v49 =	vld [tilespmem:s28+$0x10]  }
0x94d: {  	v54 =	vmov s14  }
0x94e: {  	v51 =	vshrl.u32 v54, $0x3  }
0x94f: {  	v51 =	vshll.u32 v51, v33  }
0x950: {  	v51 =	vbroadcast v51, $0x0  }
0x951: {  	[tilespmem:v63+s22+$0x0] =	vst.idx.msk $0xffff, v49  }
0x952: {  	v55 =	vadd.s32 v35, v51;
	v49 =	vld [tilespmem:s28+$0x20];
	_ =	sdelay $0x4  }
0x953: {  	[tilespmem:v55+s22+$0x0] =	vst.idx.msk $0xffff, v49  }
0x954: {  	s30 =	simm.s32 $0xA;
	v56 =	vadd.s32 v36, v51;
	v49 =	vld [tilespmem:s28+$0x30]  }
0x955: {  	v57 =	vmov s30  }
0x956: {  	v51 =	vshrl.u32 v57, $0x3  }
0x957: {  	v51 =	vshll.u32 v51, v33  }
0x958: {  	v51 =	vbroadcast v51, $0x0  }
0x959: {  	[tilespmem:v56+s22+$0x0] =	vst.idx.msk $0xffff, v49  }
0x95a: {  	v58 =	vadd.s32 v37, v51;
	v49 =	vld [tilespmem:s28+$0x40];
	_ =	sdelay $0x4  }
0x95b: {  	[tilespmem:v58+s22+$0x0] =	vst.idx.msk $0xffff, v49  }
0x95c: {  	s31 =	simm.s32 $0xB;
	v59 =	vadd.s32 v38, v51;
	v49 =	vld [tilespmem:s28+$0x50]  }
0x95d: {  	v60 =	vmov s31  }
0x95e: {  	v51 =	vshrl.u32 v60, $0x3  }
0x95f: {  	v51 =	vshll.u32 v51, v33  }
0x960: {  	v51 =	vbroadcast v51, $0x0  }
0x961: {  	[tilespmem:v59+s22+$0x0] =	vst.idx.msk $0xffff, v49  }
0x962: {  	v61 =	vadd.s32 v39, v51;
	v49 =	vld [tilespmem:s28+$0x60];
	_ =	sdelay $0x4  }
0x963: {  	[tilespmem:v61+s22+$0x0] =	vst.idx.msk $0xffff, v49  }
0x964: {  	s1 =	simm.s32 $0xC;
	v62 =	vadd.s32 v40, v51;
	v49 =	vld [tilespmem:s28+$0x70]  }
0x965: {  	v63 =	vmov s1  }
0x966: {  	v51 =	vshrl.u32 v63, $0x3  }
0x967: {  	v51 =	vshll.u32 v51, v33  }
0x968: {  	v51 =	vbroadcast v51, $0x0  }
0x969: {  	[tilespmem:v62+s22+$0x0] =	vst.idx.msk $0xffff, v49  }
0x96a: {  	v54 =	vadd.s32 v41, v51;
	v49 =	vld [tilespmem:s28+$0x80];
	_ =	sdelay $0x4  }
0x96b: {  	[tilespmem:v54+s22+$0x0] =	vst.idx.msk $0xffff, v49  }
0x96c: {  	s14 =	simm.s32 $0xD;
	v55 =	vadd.s32 v42, v51;
	v49 =	vld [tilespmem:s28+$0x90]  }
0x96d: {  	v56 =	vmov s14  }
0x96e: {  	v51 =	vshrl.u32 v56, $0x3  }
0x96f: {  	v51 =	vshll.u32 v51, v33  }
0x970: {  	v51 =	vbroadcast v51, $0x0  }
0x971: {  	[tilespmem:v55+s22+$0x0] =	vst.idx.msk $0xffff, v49  }
0x972: {  	v57 =	vadd.s32 v43, v51;
	v49 =	vld [tilespmem:s28+$0xA0];
	_ =	sdelay $0x4  }
0x973: {  	[tilespmem:v57+s22+$0x0] =	vst.idx.msk $0xffff, v49  }
0x974: {  	s30 =	simm.s32 $0xE;
	v58 =	vadd.s32 v44, v51;
	v49 =	vld [tilespmem:s28+$0xB0]  }
0x975: {  	v59 =	vmov s30  }
0x976: {  	v51 =	vshrl.u32 v59, $0x3  }
0x977: {  	v51 =	vshll.u32 v51, v33  }
0x978: {  	v51 =	vbroadcast v51, $0x0  }
0x979: {  	[tilespmem:v58+s22+$0x0] =	vst.idx.msk $0xffff, v49  }
0x97a: {  	v60 =	vadd.s32 v45, v51;
	v49 =	vld [tilespmem:s28+$0xC0];
	_ =	sdelay $0x4  }
0x97b: {  	[tilespmem:v60+s22+$0x0] =	vst.idx.msk $0xffff, v49  }
0x97c: {  	s31 =	simm.s32 $0xF;
	v61 =	vadd.s32 v46, v51;
	v49 =	vld [tilespmem:s28+$0xD0]  }
0x97d: {  	v62 =	vmov s31  }
0x97e: {  	v51 =	vshrl.u32 v62, $0x3  }
0x97f: {  	v51 =	vshll.u32 v51, v33  }
0x980: {  	v51 =	vbroadcast v51, $0x0  }
0x981: {  	[tilespmem:v61+s22+$0x0] =	vst.idx.msk $0xffff, v49  }
0x982: {  	v63 =	vadd.s32 v47, v51;
	v49 =	vld [tilespmem:s28+$0xE0];
	_ =	sdelay $0x4  }
0x983: {  	[tilespmem:v63+s22+$0x0] =	vst.idx.msk $0xffff, v49  }
0x984: {  	s29 =	simm.s32 $0x1F;
	s0 =	simm.s32 $0x2F;
	s1 =	simm.s32 $0x10;
	v50 =	vadd.s32 v48, v51;
	v49 =	vld [tilespmem:s28+$0xF0]  }
.LBB2_26:
0x985: {  	p0 =	sne.s32 s0, $0x1FF;
	v51 =	vmov s1  }
0x986: {  	v51 =	vshrl.u32 v51, $0x3  }
0x987: {  	v51 =	vshll.u32 v51, v33  }
0x988: {  	v51 =	vbroadcast v51, $0x0  }
0x989: {  	s28 =	sadd.s32 $0x200, s28;
	[tilespmem:v50+s22+$0x0] =	vst.idx.msk $0xffff, v49  }
0x98a: {  	v49 =	vld [tilespmem:s28+$0xFFFFFF00];
	v50 =	vadd.s32 v30, v51;
	_ =	sdelay $0x4  }
0x98b: {  	[tilespmem:v50+s22+$0x0] =	vst.idx.msk $0xffff, v49  }
0x98c: {  	s1 =	sadd.s32 $0xFFFFFFF2, s29;
	v50 =	vadd.s32 v34, v51;
	v49 =	vld [tilespmem:s28+$0xFFFFFF10]  }
0x98d: {  	v51 =	vmov s1  }
0x98e: {  	v51 =	vshrl.u32 v51, $0x3  }
0x98f: {  	v51 =	vshll.u32 v51, v33  }
0x990: {  	v51 =	vbroadcast v51, $0x0  }
0x991: {  	[tilespmem:v50+s22+$0x0] =	vst.idx.msk $0xffff, v49  }
0x992: {  	v50 =	vadd.s32 v35, v51;
	v49 =	vld [tilespmem:s28+$0xFFFFFF20];
	_ =	sdelay $0x4  }
0x993: {  	[tilespmem:v50+s22+$0x0] =	vst.idx.msk $0xffff, v49  }
0x994: {  	s1 =	sadd.s32 $0xFFFFFFF3, s29;
	v50 =	vadd.s32 v36, v51;
	v49 =	vld [tilespmem:s28+$0xFFFFFF30]  }
0x995: {  	v51 =	vmov s1  }
0x996: {  	v51 =	vshrl.u32 v51, $0x3  }
0x997: {  	v51 =	vshll.u32 v51, v33  }
0x998: {  	v51 =	vbroadcast v51, $0x0  }
0x999: {  	[tilespmem:v50+s22+$0x0] =	vst.idx.msk $0xffff, v49  }
0x99a: {  	v50 =	vadd.s32 v37, v51;
	v49 =	vld [tilespmem:s28+$0xFFFFFF40];
	_ =	sdelay $0x4  }
0x99b: {  	[tilespmem:v50+s22+$0x0] =	vst.idx.msk $0xffff, v49  }
0x99c: {  	s1 =	sadd.s32 $0xFFFFFFF4, s29;
	v50 =	vadd.s32 v38, v51;
	v49 =	vld [tilespmem:s28+$0xFFFFFF50]  }
0x99d: {  	v51 =	vmov s1  }
0x99e: {  	v51 =	vshrl.u32 v51, $0x3  }
0x99f: {  	v51 =	vshll.u32 v51, v33  }
0x9a0: {  	v51 =	vbroadcast v51, $0x0  }
0x9a1: {  	[tilespmem:v50+s22+$0x0] =	vst.idx.msk $0xffff, v49  }
0x9a2: {  	v50 =	vadd.s32 v39, v51;
	v49 =	vld [tilespmem:s28+$0xFFFFFF60];
	_ =	sdelay $0x4  }
0x9a3: {  	[tilespmem:v50+s22+$0x0] =	vst.idx.msk $0xffff, v49  }
0x9a4: {  	s1 =	sadd.s32 $0xFFFFFFF5, s29;
	v50 =	vadd.s32 v40, v51;
	v49 =	vld [tilespmem:s28+$0xFFFFFF70]  }
0x9a5: {  	v51 =	vmov s1  }
0x9a6: {  	v51 =	vshrl.u32 v51, $0x3  }
0x9a7: {  	v51 =	vshll.u32 v51, v33  }
0x9a8: {  	v51 =	vbroadcast v51, $0x0  }
0x9a9: {  	[tilespmem:v50+s22+$0x0] =	vst.idx.msk $0xffff, v49  }
0x9aa: {  	v50 =	vadd.s32 v41, v51;
	v49 =	vld [tilespmem:s28+$0xFFFFFF80];
	_ =	sdelay $0x4  }
0x9ab: {  	[tilespmem:v50+s22+$0x0] =	vst.idx.msk $0xffff, v49  }
0x9ac: {  	s1 =	sadd.s32 $0xFFFFFFF6, s29;
	v50 =	vadd.s32 v42, v51;
	v49 =	vld [tilespmem:s28+$0xFFFFFF90]  }
0x9ad: {  	v51 =	vmov s1  }
0x9ae: {  	v51 =	vshrl.u32 v51, $0x3  }
0x9af: {  	v51 =	vshll.u32 v51, v33  }
0x9b0: {  	v51 =	vbroadcast v51, $0x0  }
0x9b1: {  	[tilespmem:v50+s22+$0x0] =	vst.idx.msk $0xffff, v49  }
0x9b2: {  	v50 =	vadd.s32 v43, v51;
	v49 =	vld [tilespmem:s28+$0xFFFFFFA0];
	_ =	sdelay $0x4  }
0x9b3: {  	[tilespmem:v50+s22+$0x0] =	vst.idx.msk $0xffff, v49  }
0x9b4: {  	s1 =	sadd.s32 $0xFFFFFFF7, s29;
	v50 =	vadd.s32 v44, v51;
	v49 =	vld [tilespmem:s28+$0xFFFFFFB0]  }
0x9b5: {  	v51 =	vmov s1  }
0x9b6: {  	v51 =	vshrl.u32 v51, $0x3  }
0x9b7: {  	v51 =	vshll.u32 v51, v33  }
0x9b8: {  	v51 =	vbroadcast v51, $0x0  }
0x9b9: {  	[tilespmem:v50+s22+$0x0] =	vst.idx.msk $0xffff, v49  }
0x9ba: {  	v50 =	vadd.s32 v45, v51;
	v49 =	vld [tilespmem:s28+$0xFFFFFFC0];
	_ =	sdelay $0x4  }
0x9bb: {  	[tilespmem:v50+s22+$0x0] =	vst.idx.msk $0xffff, v49  }
0x9bc: {  	s1 =	sadd.s32 $0xFFFFFFF8, s29;
	v50 =	vadd.s32 v46, v51;
	v49 =	vld [tilespmem:s28+$0xFFFFFFD0]  }
0x9bd: {  	v51 =	vmov s1  }
0x9be: {  	v51 =	vshrl.u32 v51, $0x3  }
0x9bf: {  	v51 =	vshll.u32 v51, v33  }
0x9c0: {  	v51 =	vbroadcast v51, $0x0  }
0x9c1: {  	[tilespmem:v50+s22+$0x0] =	vst.idx.msk $0xffff, v49  }
0x9c2: {  	v50 =	vadd.s32 v47, v51;
	v49 =	vld [tilespmem:s28+$0xFFFFFFE0];
	_ =	sdelay $0x4  }
0x9c3: {  	[tilespmem:v50+s22+$0x0] =	vst.idx.msk $0xffff, v49  }
0x9c4: {  	s1 =	sadd.s32 $0xFFFFFFF9, s29;
	v50 =	vadd.s32 v48, v51;
	v49 =	vld [tilespmem:s28+$0xFFFFFFF0]  }
0x9c5: {  	v51 =	vmov s1  }
0x9c6: {  	v51 =	vshrl.u32 v51, $0x3  }
0x9c7: {  	v51 =	vshll.u32 v51, v33  }
0x9c8: {  	v51 =	vbroadcast v51, $0x0  }
0x9c9: {  	[tilespmem:v50+s22+$0x0] =	vst.idx.msk $0xffff, v49  }
0x9ca: {  	v50 =	vadd.s32 v30, v51;
	v49 =	vld [tilespmem:s28+$0x0];
	_ =	sdelay $0x4  }
0x9cb: {  	[tilespmem:v50+s22+$0x0] =	vst.idx.msk $0xffff, v49  }
0x9cc: {  	s1 =	sadd.s32 $0xFFFFFFFA, s29;
	v50 =	vadd.s32 v34, v51;
	v49 =	vld [tilespmem:s28+$0x10]  }
0x9cd: {  	v51 =	vmov s1  }
0x9ce: {  	v51 =	vshrl.u32 v51, $0x3  }
0x9cf: {  	v51 =	vshll.u32 v51, v33  }
0x9d0: {  	v51 =	vbroadcast v51, $0x0  }
0x9d1: {  	[tilespmem:v50+s22+$0x0] =	vst.idx.msk $0xffff, v49  }
0x9d2: {  	v50 =	vadd.s32 v35, v51;
	v49 =	vld [tilespmem:s28+$0x20];
	_ =	sdelay $0x4  }
0x9d3: {  	[tilespmem:v50+s22+$0x0] =	vst.idx.msk $0xffff, v49  }
0x9d4: {  	s1 =	sadd.s32 $0xFFFFFFFB, s29;
	v50 =	vadd.s32 v36, v51;
	v49 =	vld [tilespmem:s28+$0x30]  }
0x9d5: {  	v51 =	vmov s1  }
0x9d6: {  	v51 =	vshrl.u32 v51, $0x3  }
0x9d7: {  	v51 =	vshll.u32 v51, v33  }
0x9d8: {  	v51 =	vbroadcast v51, $0x0  }
0x9d9: {  	[tilespmem:v50+s22+$0x0] =	vst.idx.msk $0xffff, v49  }
0x9da: {  	v50 =	vadd.s32 v37, v51;
	v49 =	vld [tilespmem:s28+$0x40];
	_ =	sdelay $0x4  }
0x9db: {  	[tilespmem:v50+s22+$0x0] =	vst.idx.msk $0xffff, v49  }
0x9dc: {  	s1 =	sadd.s32 $0xFFFFFFFC, s29;
	v50 =	vadd.s32 v38, v51;
	v49 =	vld [tilespmem:s28+$0x50]  }
0x9dd: {  	v51 =	vmov s1  }
0x9de: {  	v51 =	vshrl.u32 v51, $0x3  }
0x9df: {  	v51 =	vshll.u32 v51, v33  }
0x9e0: {  	v51 =	vbroadcast v51, $0x0  }
0x9e1: {  	[tilespmem:v50+s22+$0x0] =	vst.idx.msk $0xffff, v49  }
0x9e2: {  	v50 =	vadd.s32 v39, v51;
	v49 =	vld [tilespmem:s28+$0x60];
	_ =	sdelay $0x4  }
0x9e3: {  	[tilespmem:v50+s22+$0x0] =	vst.idx.msk $0xffff, v49  }
0x9e4: {  	s1 =	sadd.s32 $0xFFFFFFFD, s29;
	v50 =	vadd.s32 v40, v51;
	v49 =	vld [tilespmem:s28+$0x70]  }
0x9e5: {  	v51 =	vmov s1  }
0x9e6: {  	v51 =	vshrl.u32 v51, $0x3  }
0x9e7: {  	v51 =	vshll.u32 v51, v33  }
0x9e8: {  	v51 =	vbroadcast v51, $0x0  }
0x9e9: {  	[tilespmem:v50+s22+$0x0] =	vst.idx.msk $0xffff, v49  }
0x9ea: {  	v50 =	vadd.s32 v41, v51;
	v49 =	vld [tilespmem:s28+$0x80];
	_ =	sdelay $0x4  }
0x9eb: {  	[tilespmem:v50+s22+$0x0] =	vst.idx.msk $0xffff, v49  }
0x9ec: {  	s1 =	sadd.s32 $0xFFFFFFFE, s29;
	v50 =	vadd.s32 v42, v51;
	v49 =	vld [tilespmem:s28+$0x90]  }
0x9ed: {  	v51 =	vmov s1  }
0x9ee: {  	v51 =	vshrl.u32 v51, $0x3  }
0x9ef: {  	v51 =	vshll.u32 v51, v33  }
0x9f0: {  	v51 =	vbroadcast v51, $0x0  }
0x9f1: {  	[tilespmem:v50+s22+$0x0] =	vst.idx.msk $0xffff, v49  }
0x9f2: {  	v50 =	vadd.s32 v43, v51;
	v49 =	vld [tilespmem:s28+$0xA0];
	_ =	sdelay $0x4  }
0x9f3: {  	[tilespmem:v50+s22+$0x0] =	vst.idx.msk $0xffff, v49  }
0x9f4: {  	s1 =	sadd.s32 $0xFFFFFFFF, s29;
	v50 =	vadd.s32 v44, v51;
	v49 =	vld [tilespmem:s28+$0xB0]  }
0x9f5: {  	v51 =	vmov s1  }
0x9f6: {  	v51 =	vshrl.u32 v51, $0x3  }
0x9f7: {  	v51 =	vshll.u32 v51, v33  }
0x9f8: {  	v51 =	vbroadcast v51, $0x0  }
0x9f9: {  	[tilespmem:v50+s22+$0x0] =	vst.idx.msk $0xffff, v49  }
0x9fa: {  	v50 =	vadd.s32 v45, v51;
	v49 =	vld [tilespmem:s28+$0xC0];
	_ =	sdelay $0x4  }
0x9fb: {  	[tilespmem:v50+s22+$0x0] =	vst.idx.msk $0xffff, v49  }
0x9fc: {  	v50 =	vadd.s32 v46, v51;
	v49 =	vld [tilespmem:s28+$0xD0]  }
0x9fd: {  	v51 =	vmov s29;
	s29 =	smov.u32 s0  }
0x9fe: {  	v51 =	vshrl.u32 v51, $0x3  }
0x9ff: {  	v51 =	vshll.u32 v51, v33  }
0xa00: {  	v51 =	vbroadcast v51, $0x0  }
0xa01: {  	[tilespmem:v50+s22+$0x0] =	vst.idx.msk $0xffff, v49  }
0xa02: {  	v50 =	vadd.s32 v47, v51;
	v49 =	vld [tilespmem:s28+$0xE0];
	_ =	sdelay $0x1  }
.Ltmp12:
0xa03: {  	(pc) =	sbr.rel @p0 .LBB2_26-.Ltmp12, $3  }
0xa04: {  	_ =	sdelay $0x1  }
0xa05: {  	[tilespmem:v50+s22+$0x0] =	vst.idx.msk $0xffff, v49  }
0xa06: {  	s0 =	sadd.s32 $0x10, s0;
	s1 =	sadd.s32 $0xFFFFFFF1, s29;
	v50 =	vadd.s32 v48, v51;
	v49 =	vld [tilespmem:s28+$0xF0]  }
0xa07: {  	v51 =	vmov s1  }
0xa08: {  	v51 =	vshrl.u32 v51, $0x3  }
0xa09: {  	v51 =	vshll.u32 v51, v33  }
0xa0a: {  	v51 =	vbroadcast v51, $0x0  }
0xa0b: {  	s0 =	sadd.s32 $0x200, s28;
	[tilespmem:v50+s22+$0x0] =	vst.idx.msk $0xffff, v49  }
0xa0c: {  	v49 =	vld [tilespmem:s0+$0xFFFFFF00];
	v59 =	vadd.s32 v30, v51;
	_ =	sdelay $0x4  }
0xa0d: {  	[tilespmem:v59+s22+$0x0] =	vst.idx.msk $0xffff, v49  }
0xa0e: {  	s30 =	sadd.s32 $0xFFFFFFF2, s29;
	v60 =	vadd.s32 v34, v51;
	v49 =	vld [tilespmem:s0+$0xFFFFFF10]  }
0xa0f: {  	v61 =	vmov s30  }
0xa10: {  	v51 =	vshrl.u32 v61, $0x3  }
0xa11: {  	v51 =	vshll.u32 v51, v33  }
0xa12: {  	v51 =	vbroadcast v51, $0x0  }
0xa13: {  	[tilespmem:v60+s22+$0x0] =	vst.idx.msk $0xffff, v49  }
0xa14: {  	v62 =	vadd.s32 v35, v51;
	v49 =	vld [tilespmem:s0+$0xFFFFFF20];
	_ =	sdelay $0x4  }
0xa15: {  	[tilespmem:v62+s22+$0x0] =	vst.idx.msk $0xffff, v49  }
0xa16: {  	s31 =	sadd.s32 $0xFFFFFFF3, s29;
	v63 =	vadd.s32 v36, v51;
	v49 =	vld [tilespmem:s0+$0xFFFFFF30]  }
0xa17: {  	v54 =	vmov s31  }
0xa18: {  	v51 =	vshrl.u32 v54, $0x3  }
0xa19: {  	v51 =	vshll.u32 v51, v33  }
0xa1a: {  	v51 =	vbroadcast v51, $0x0  }
0xa1b: {  	[tilespmem:v63+s22+$0x0] =	vst.idx.msk $0xffff, v49  }
0xa1c: {  	v55 =	vadd.s32 v37, v51;
	v49 =	vld [tilespmem:s0+$0xFFFFFF40];
	_ =	sdelay $0x4  }
0xa1d: {  	[tilespmem:v55+s22+$0x0] =	vst.idx.msk $0xffff, v49  }
0xa1e: {  	s14 =	sadd.s32 $0xFFFFFFF4, s29;
	v56 =	vadd.s32 v38, v51;
	v49 =	vld [tilespmem:s0+$0xFFFFFF50]  }
0xa1f: {  	v57 =	vmov s14  }
0xa20: {  	v51 =	vshrl.u32 v57, $0x3  }
0xa21: {  	v51 =	vshll.u32 v51, v33  }
0xa22: {  	v51 =	vbroadcast v51, $0x0  }
0xa23: {  	[tilespmem:v56+s22+$0x0] =	vst.idx.msk $0xffff, v49  }
0xa24: {  	v58 =	vadd.s32 v39, v51;
	v49 =	vld [tilespmem:s0+$0xFFFFFF60];
	_ =	sdelay $0x4  }
0xa25: {  	[tilespmem:v58+s22+$0x0] =	vst.idx.msk $0xffff, v49  }
0xa26: {  	s30 =	sadd.s32 $0xFFFFFFF5, s29;
	v59 =	vadd.s32 v40, v51;
	v49 =	vld [tilespmem:s0+$0xFFFFFF70]  }
0xa27: {  	v60 =	vmov s30  }
0xa28: {  	v51 =	vshrl.u32 v60, $0x3  }
0xa29: {  	v51 =	vshll.u32 v51, v33  }
0xa2a: {  	v51 =	vbroadcast v51, $0x0  }
0xa2b: {  	[tilespmem:v59+s22+$0x0] =	vst.idx.msk $0xffff, v49  }
0xa2c: {  	v61 =	vadd.s32 v41, v51;
	v49 =	vld [tilespmem:s0+$0xFFFFFF80];
	_ =	sdelay $0x4  }
0xa2d: {  	[tilespmem:v61+s22+$0x0] =	vst.idx.msk $0xffff, v49  }
0xa2e: {  	s31 =	sadd.s32 $0xFFFFFFF6, s29;
	v62 =	vadd.s32 v42, v51;
	v49 =	vld [tilespmem:s0+$0xFFFFFF90]  }
0xa2f: {  	v63 =	vmov s31  }
0xa30: {  	v51 =	vshrl.u32 v63, $0x3  }
0xa31: {  	v51 =	vshll.u32 v51, v33  }
0xa32: {  	v51 =	vbroadcast v51, $0x0  }
0xa33: {  	[tilespmem:v62+s22+$0x0] =	vst.idx.msk $0xffff, v49  }
0xa34: {  	v53 =	vadd.s32 v43, v51;
	v49 =	vld [tilespmem:s0+$0xFFFFFFA0];
	_ =	sdelay $0x4  }
0xa35: {  	[tilespmem:v53+s22+$0x0] =	vst.idx.msk $0xffff, v49  }
0xa36: {  	s14 =	sadd.s32 $0xFFFFFFF7, s29;
	v54 =	vadd.s32 v44, v51;
	v49 =	vld [tilespmem:s0+$0xFFFFFFB0]  }
0xa37: {  	v55 =	vmov s14  }
0xa38: {  	v51 =	vshrl.u32 v55, $0x3  }
0xa39: {  	v51 =	vshll.u32 v51, v33  }
0xa3a: {  	v51 =	vbroadcast v51, $0x0  }
0xa3b: {  	[tilespmem:v54+s22+$0x0] =	vst.idx.msk $0xffff, v49  }
0xa3c: {  	v56 =	vadd.s32 v45, v51;
	v49 =	vld [tilespmem:s0+$0xFFFFFFC0];
	_ =	sdelay $0x4  }
0xa3d: {  	[tilespmem:v56+s22+$0x0] =	vst.idx.msk $0xffff, v49  }
0xa3e: {  	s30 =	sadd.s32 $0xFFFFFFF8, s29;
	v57 =	vadd.s32 v46, v51;
	v49 =	vld [tilespmem:s0+$0xFFFFFFD0]  }
0xa3f: {  	v58 =	vmov s30  }
0xa40: {  	v51 =	vshrl.u32 v58, $0x3  }
0xa41: {  	v51 =	vshll.u32 v51, v33  }
0xa42: {  	v51 =	vbroadcast v51, $0x0  }
0xa43: {  	[tilespmem:v57+s22+$0x0] =	vst.idx.msk $0xffff, v49  }
0xa44: {  	v59 =	vadd.s32 v47, v51;
	v49 =	vld [tilespmem:s0+$0xFFFFFFE0];
	_ =	sdelay $0x4  }
0xa45: {  	[tilespmem:v59+s22+$0x0] =	vst.idx.msk $0xffff, v49  }
0xa46: {  	s31 =	sadd.s32 $0xFFFFFFF9, s29;
	v60 =	vadd.s32 v48, v51;
	v49 =	vld [tilespmem:s0+$0xFFFFFFF0]  }
0xa47: {  	v61 =	vmov s31  }
0xa48: {  	v51 =	vshrl.u32 v61, $0x3  }
0xa49: {  	v51 =	vshll.u32 v51, v33  }
0xa4a: {  	v51 =	vbroadcast v51, $0x0  }
0xa4b: {  	[tilespmem:v60+s22+$0x0] =	vst.idx.msk $0xffff, v49  }
0xa4c: {  	v62 =	vadd.s32 v30, v51;
	v49 =	vld [tilespmem:s0+$0x0];
	_ =	sdelay $0x4  }
0xa4d: {  	[tilespmem:v62+s22+$0x0] =	vst.idx.msk $0xffff, v49  }
0xa4e: {  	s14 =	sadd.s32 $0xFFFFFFFA, s29;
	v63 =	vadd.s32 v34, v51;
	v49 =	vld [tilespmem:s0+$0x10]  }
0xa4f: {  	v54 =	vmov s14  }
0xa50: {  	v51 =	vshrl.u32 v54, $0x3  }
0xa51: {  	v51 =	vshll.u32 v51, v33  }
0xa52: {  	v51 =	vbroadcast v51, $0x0  }
0xa53: {  	[tilespmem:v63+s22+$0x0] =	vst.idx.msk $0xffff, v49  }
0xa54: {  	v55 =	vadd.s32 v35, v51;
	v49 =	vld [tilespmem:s0+$0x20];
	_ =	sdelay $0x4  }
0xa55: {  	[tilespmem:v55+s22+$0x0] =	vst.idx.msk $0xffff, v49  }
0xa56: {  	s30 =	sadd.s32 $0xFFFFFFFB, s29;
	v56 =	vadd.s32 v36, v51;
	v49 =	vld [tilespmem:s0+$0x30]  }
0xa57: {  	v57 =	vmov s30  }
0xa58: {  	v51 =	vshrl.u32 v57, $0x3  }
0xa59: {  	v51 =	vshll.u32 v51, v33  }
0xa5a: {  	v51 =	vbroadcast v51, $0x0  }
0xa5b: {  	[tilespmem:v56+s22+$0x0] =	vst.idx.msk $0xffff, v49  }
0xa5c: {  	v58 =	vadd.s32 v37, v51;
	v49 =	vld [tilespmem:s0+$0x40];
	_ =	sdelay $0x4  }
0xa5d: {  	[tilespmem:v58+s22+$0x0] =	vst.idx.msk $0xffff, v49  }
0xa5e: {  	s31 =	sadd.s32 $0xFFFFFFFC, s29;
	v59 =	vadd.s32 v38, v51;
	v49 =	vld [tilespmem:s0+$0x50]  }
0xa5f: {  	v60 =	vmov s31  }
0xa60: {  	v51 =	vshrl.u32 v60, $0x3  }
0xa61: {  	v51 =	vshll.u32 v51, v33  }
0xa62: {  	v51 =	vbroadcast v51, $0x0  }
0xa63: {  	[tilespmem:v59+s22+$0x0] =	vst.idx.msk $0xffff, v49  }
0xa64: {  	v61 =	vadd.s32 v39, v51;
	v49 =	vld [tilespmem:s0+$0x60];
	_ =	sdelay $0x4  }
0xa65: {  	[tilespmem:v61+s22+$0x0] =	vst.idx.msk $0xffff, v49  }
0xa66: {  	s14 =	sadd.s32 $0xFFFFFFFD, s29;
	v62 =	vadd.s32 v40, v51;
	v49 =	vld [tilespmem:s0+$0x70]  }
0xa67: {  	v63 =	vmov s14  }
0xa68: {  	v51 =	vshrl.u32 v63, $0x3  }
0xa69: {  	v51 =	vshll.u32 v51, v33  }
0xa6a: {  	v51 =	vbroadcast v51, $0x0  }
0xa6b: {  	[tilespmem:v62+s22+$0x0] =	vst.idx.msk $0xffff, v49  }
0xa6c: {  	v53 =	vadd.s32 v41, v51;
	v49 =	vld [tilespmem:s0+$0x80];
	_ =	sdelay $0x4  }
0xa6d: {  	[tilespmem:v53+s22+$0x0] =	vst.idx.msk $0xffff, v49  }
0xa6e: {  	s30 =	sadd.s32 $0xFFFFFFFE, s29;
	v54 =	vadd.s32 v42, v51;
	v49 =	vld [tilespmem:s0+$0x90]  }
0xa6f: {  	v55 =	vmov s30  }
0xa70: {  	v51 =	vshrl.u32 v55, $0x3  }
0xa71: {  	v51 =	vshll.u32 v51, v33  }
0xa72: {  	v51 =	vbroadcast v51, $0x0  }
0xa73: {  	[tilespmem:v54+s22+$0x0] =	vst.idx.msk $0xffff, v49  }
0xa74: {  	v56 =	vadd.s32 v43, v51;
	v49 =	vld [tilespmem:s0+$0xA0];
	_ =	sdelay $0x4  }
0xa75: {  	[tilespmem:v56+s22+$0x0] =	vst.idx.msk $0xffff, v49  }
0xa76: {  	s31 =	sadd.s32 $0xFFFFFFFF, s29;
	v57 =	vadd.s32 v44, v51;
	v49 =	vld [tilespmem:s0+$0xB0]  }
0xa77: {  	v58 =	vmov s31  }
0xa78: {  	v51 =	vshrl.u32 v58, $0x3  }
0xa79: {  	v51 =	vshll.u32 v51, v33  }
0xa7a: {  	v51 =	vbroadcast v51, $0x0  }
0xa7b: {  	[tilespmem:v57+s22+$0x0] =	vst.idx.msk $0xffff, v49  }
0xa7c: {  	v59 =	vadd.s32 v45, v51;
	v49 =	vld [tilespmem:s0+$0xC0];
	_ =	sdelay $0x4  }
0xa7d: {  	[tilespmem:v59+s22+$0x0] =	vst.idx.msk $0xffff, v49  }
0xa7e: {  	v60 =	vadd.s32 v46, v51;
	v49 =	vld [tilespmem:s0+$0xD0]  }
0xa7f: {  	v61 =	vmov s29  }
0xa80: {  	v51 =	vshrl.u32 v61, $0x3  }
0xa81: {  	v51 =	vshll.u32 v51, v33  }
0xa82: {  	v51 =	vbroadcast v51, $0x0  }
0xa83: {  	[tilespmem:v60+s22+$0x0] =	vst.idx.msk $0xffff, v49  }
0xa84: {  	v62 =	vadd.s32 v47, v51;
	v49 =	vld [tilespmem:s0+$0xE0];
	_ =	sdelay $0x4  }
0xa85: {  	[tilespmem:v62+s22+$0x0] =	vst.idx.msk $0xffff, v49  }
0xa86: {  	v63 =	vadd.s32 v48, v51;
	v49 =	vld [tilespmem:s0+$0xF0];
	_ =	sdelay $0x3  }
0xa87: {  	s28 =	simm.s32 $0x800  }
0xa88: {  	s1 =	simm.s32 $0x19708;
	s14 =	sadd.s32 $0x0, s10;
	s0 =	simm.s32 $0x19500;
	[tilespmem:v63+s22+$0x0] =	vst.idx.msk $0xffff, v49  }
.LBB2_28:
0xa89: {  	[hbm4b:s14+s2] =	stream.linear.scatter [tilespmem:s0], [sflag:$0x4], $0x200, $0x38;
	[tilespmem:$0x1D600] =	vst v63  }
0xa8a: {  	s14 =	smov.u32 s28;
	s0 =	smov.u32 s1;
	p0 =	sne.s32 s28, $0xF800  }
.Ltmp13:
0xa8b: {  	s28 =	sadd.s32 $0x800, s28;
	(pc) =	sbr.rel @p0 .LBB2_28-.Ltmp13, $2  }
0xa8c: {  	_ =	sdelay $0x2  }
0xa8d: {  	s1 =	sadd.s32 $0x208, s1;
	s14 =	sadd.s32 s14, s10  }
0xa8e: {  	[hbm4b:s14+s2] =	stream.linear.scatter [tilespmem:s0], [sflag:$0x4], $0x200, $0x38;
	[tilespmem:$0x1D600] =	vst v63  }
0xa8f: {  	s26 =	sadd.s32 $0x1, s26  }
0xa90: {  	_ =	swait.ge [sflag:s23], $0x4000;
	p0 =	sne.s32 s26, s11  }
.Ltmp14:
0xa91: {  	[sflag:s23] =	ssyncset.done $0x0;
	(pc) =	sbr.rel @p0 .LBB2_1-.Ltmp14, $4  }
0xa92: {  	[sflag:s23] =	ssyncadd.s32 $0xFFFFC000  }
0xa93: {  	_ =	swait.ge [sflag:s24], $0x4000  }
0xa94: {  	[sflag:s24] =	ssyncset.done $0x0  }
0xa95: {  	[sflag:s24] =	ssyncadd.s32 $0xFFFFC000  }
0xa96: {  	_ =	sfence.sel $0x180000  }
0xa97: {  	[bflag:$0x0] =	sbarrier.arrive $0xFFFF  }
0xa98: {  	_ =	strace $0x90000047  }
0xa99: {  	s0 =	stileid.u32;
	[bflag:$0x2] =	sbarrier.arrive $0xFFFF  }
0xa9a: {  	p0 =	sne.s32 s0, $0x0;
	s0 =	rddreg [dreg:$0x2]  }
0xa9b: {  	s0 =	sadd.s32 @!p0 $0x100000, s0  }
0xa9c: {  	[sflag:s0] =	ssyncadd.tile.s32 @!p0 $0x1;
	_ =	shalt  }
.Lfunc_end2:
_tile_overlayer_lowered:
.L_overlay_start_2:
0xa9d: {  	(tag) =	ssettag $0x2  }
0xa9e: {  	s0 =	rddreg [dreg:$0x0];
	s2 =	stileid.u32  }
0xa9f: {  	s1 =	rddreg [dreg:$0x1];
	p0 =	sne.s32 s2, $0x0  }
0xaa0: {  	s3 =	rddreg [dreg:$0x2];
	[bflag:$0x3] =	sbarrier.arrive $0xFFFF;
	s2 =	simm.s32 @!p0 $0x1C05  }
0xaa1: {  	[timem:s3], [sflag:s2] =	dma.local @!p0 [hbm:s0], s1  }
0xaa2: {  	s0 =	simm.s32 @!p0 $0x5  }
0xaa3: {  	_ =	swait.ge @!p0 [sflag:s0], s1  }
0xaa4: {  	s1 =	ssub.s32 @!p0 $0x0, s1;
	[sflag:s0] =	ssyncset.done @!p0 $0x0  }
0xaa5: {  	[sflag:s0] =	ssyncadd.s32 @!p0 s1  }
0xaa6: {  	[bflag:$0x3] =	sbarrier.arrive $0xFFFF  }
0xaa7: {  	_ =	shalt  }

</sc_bundles>
